<compile_context>
chip_gen: v7x
topology: tpu7x:2x2x1
jax: 0.10.2.dev20260603
libtpu: 0.0.44.dev20260713+nightly
codegen_flags: <defaults>
</compile_context>

<pallas_src>
import functools

import jax
import jax.numpy as jnp
from jax import lax
from jax.experimental import pallas as pl
from jax.experimental.pallas import tpu as pltpu
from jax.experimental.pallas import tpu_sc as plsc

E_DIM = 128
G_DIM = 128
N_GRAPHS = 64
N_NODES = 10000
N_EDGES = 320000
LANES = 16
NFV = E_DIM // LANES

NC = 2
NS = 16
NW = NC * NS
EPW = N_EDGES // NW
CHUNK = 400
NCHUNK = EPW // CHUNK

EB_BLK = 2000
NB = N_EDGES // EB_BLK



def _eb_body(eidx_hbm, batch_hbm, out_hbm, batch_v, idx_v, eb_v):
    c = lax.axis_index("c")
    s = lax.axis_index("s")
    wid = s * NC + c
    base = wid * EPW
    pltpu.sync_copy(batch_hbm, batch_v)
    pltpu.sync_copy(eidx_hbm.at[pl.ds(base, EPW)], idx_v)

    def gather_body(j, carry):
        idx = idx_v[pl.ds(j * LANES, LANES)]
        ids = plsc.load_gather(batch_v, [idx])
        eb_v[pl.ds(j * LANES, LANES)] = ids
        return carry

    lax.fori_loop(0, EPW // LANES, gather_body, None)
    pltpu.sync_copy(eb_v, out_hbm.at[pl.ds(base, EPW)])


_eb_gather = functools.partial(
    pl.kernel,
    out_type=jax.ShapeDtypeStruct((N_EDGES,), jnp.int32),
    mesh=plsc.VectorSubcoreMesh(core_axis_name="c", subcore_axis_name="s"),
    compiler_params=pltpu.CompilerParams(needs_layout_passes=False),
    scratch_types=[
        pltpu.VMEM((N_NODES,), jnp.int32),
        pltpu.VMEM((EPW,), jnp.int32),
        pltpu.VMEM((EPW,), jnp.int32),
    ],
)(_eb_body)



def _lin_body(eb_ref, e_ref, sq_ref, cnt_ref):
    @pl.when(pl.program_id(0) == 0)
    def _():
        sq_ref[...] = jnp.zeros_like(sq_ref)
        cnt_ref[...] = jnp.zeros_like(cnt_ref)

    eb = eb_ref[...].reshape(1, EB_BLK)
    gids = lax.broadcasted_iota(jnp.int32, (N_GRAPHS, 1), 0)
    oht = (eb == gids).astype(jnp.float32)
    e = e_ref[...]
    esq = jnp.concatenate([e, e * e], axis=1)
    acc = lax.dot_general(oht, esq, (((1,), (0,)), ((), ())),
                          preferred_element_type=jnp.float32)
    sq_ref[...] += acc
    cnt_ref[...] += jnp.sum(oht, axis=1)[:, None]


def _lin_reduce(ebr, e):
    return pl.pallas_call(
        _lin_body,
        grid=(NB,),
        in_specs=[
            pl.BlockSpec((1, 1, EB_BLK), lambda i: (i, 0, 0)),
            pl.BlockSpec((EB_BLK, E_DIM), lambda i: (i, 0)),
        ],
        out_specs=[
            pl.BlockSpec((N_GRAPHS, 2 * E_DIM), lambda i: (0, 0)),
            pl.BlockSpec((N_GRAPHS, 1), lambda i: (0, 0)),
        ],
        out_shape=[
            jax.ShapeDtypeStruct((N_GRAPHS, 2 * E_DIM), jnp.float32),
            jax.ShapeDtypeStruct((N_GRAPHS, 1), jnp.float32),
        ],
    )(ebr, e)



def _mm_body(eidx_hbm, e_hbm, batch_hbm, stats_out,
             batch_v, idx_v, ech_v, min_v, max_v):
    c = lax.axis_index("c")
    s = lax.axis_index("s")
    wid = s * NC + c
    base = wid * EPW

    pinf = jnp.full((LANES,), jnp.inf, jnp.float32)
    ninf = jnp.full((LANES,), -jnp.inf, jnp.float32)

    def init_row(g, carry):
        for f in range(NFV):
            sl = pl.ds(f * LANES, LANES)
            min_v[g, sl] = pinf
            max_v[g, sl] = ninf
        return carry

    lax.fori_loop(0, N_GRAPHS, init_row, None)

    pltpu.sync_copy(batch_hbm, batch_v)

    def chunk_body(ci, carry):
        cb = base + ci * CHUNK
        pltpu.sync_copy(eidx_hbm.at[pl.ds(cb, CHUNK)], idx_v)
        pltpu.sync_copy(e_hbm.at[pl.ds(cb, CHUNK)], ech_v)

        def blk_body(j, carry2):
            idx = idx_v[pl.ds(j * LANES, LANES)]
            ids = plsc.load_gather(batch_v, [idx])
            for k in range(LANES):
                b = ids[k]
                i = j * LANES + k
                sls = [pl.ds(f * LANES, LANES) for f in range(NFV)]
                vs = [ech_v[i, sl] for sl in sls]
                mns = [min_v[b, sl] for sl in sls]
                mxs = [max_v[b, sl] for sl in sls]
                for f in range(NFV):
                    sl = sls[f]
                    v = vs[f]
                    min_v[b, sl] = jnp.minimum(mns[f], v)
                    max_v[b, sl] = jnp.maximum(mxs[f], v)
            return carry2

        lax.fori_loop(0, CHUNK // LANES, blk_body, None)
        return carry

    lax.fori_loop(0, NCHUNK, chunk_body, None)

    pltpu.sync_copy(min_v, stats_out.at[wid, 0])
    pltpu.sync_copy(max_v, stats_out.at[wid, 1])


_mm_reduce = functools.partial(
    pl.kernel,
    out_type=jax.ShapeDtypeStruct((NW, 2, N_GRAPHS, E_DIM), jnp.float32),
    mesh=plsc.VectorSubcoreMesh(core_axis_name="c", subcore_axis_name="s"),
    compiler_params=pltpu.CompilerParams(needs_layout_passes=False),
    scratch_types=[
        pltpu.VMEM((N_NODES,), jnp.int32),
        pltpu.VMEM((CHUNK,), jnp.int32),
        pltpu.VMEM((CHUNK, E_DIM), jnp.float32),
        pltpu.VMEM((N_GRAPHS, E_DIM), jnp.float32),
        pltpu.VMEM((N_GRAPHS, E_DIM), jnp.float32),
    ],
)(_mm_body)



def _fin_body(mm_ref, sq_ref, cnt_ref, w_ref, b_ref, out_ref):
    mm = mm_ref[...]
    counts = cnt_ref[...]
    sums = sq_ref[...][:, :E_DIM]
    sq = sq_ref[...][:, E_DIM:]
    mins = jnp.min(mm[:, 0], axis=0)
    maxs = jnp.max(mm[:, 1], axis=0)

    e1 = sums / jnp.maximum(counts, 1.0)
    nonempty = counts > 0
    e2 = jnp.where(nonempty, mins, 0.0)
    e3 = jnp.where(nonempty, maxs, 0.0)
    var = jnp.maximum(sq - counts * e1 * e1, 0.0) / jnp.maximum(counts - 1.0, 1.0)
    e4 = jnp.sqrt(var)
    g = jnp.concatenate([e1, e2, e3, e4], axis=1)
    out = lax.dot_general(g, w_ref[...], (((1,), (1,)), ((), ())),
                          preferred_element_type=jnp.float32)
    out_ref[...] = out + b_ref[...][None, :]


def _tc_finalize(mm, sq, cnt, W, b):
    return pl.pallas_call(
        _fin_body,
        out_shape=jax.ShapeDtypeStruct((N_GRAPHS, G_DIM), jnp.float32),
    )(mm, sq, cnt, W, b)


def kernel(e_index, e, batch, W, b):
    ei1 = e_index[1]
    mm = _mm_reduce(ei1, e, batch)
    eb = _eb_gather(ei1, batch)
    ebr = eb.reshape(NB, 1, EB_BLK)
    sq, cnt = _lin_reduce(ebr, e)
    return _tc_finalize(mm, sq, cnt, W, b)

# --- scband reference (transcript-rebuilt; emitter-appended) ---
"""Pipeline reference for scband-edge-to-global-14620068675882 (READ-ONLY COPY).

The authoritative reference and input builder live on the scoring server;
editing this copy changes nothing except your own understanding.
"""

import jax, jax.numpy as jnp
import numpy as np

E_DIM = 128
G_DIM = 128
N_NODES = 10000
N_EDGES = 320000
N_GRAPHS = 64


def setup_inputs(seed: int = 0) -> dict:
    key = jax.random.key(seed)
    k1, k2, k3, k4, k5 = jax.random.split(key, 5)
    e = jax.random.normal(k1, (N_EDGES, E_DIM), dtype=jnp.float32)
    e_index = jax.random.randint(k2, (2, N_EDGES), 0, N_NODES)
    batch = jnp.sort(jax.random.randint(k3, (N_NODES,), 0, N_GRAPHS))
    # guarantee batch.max() == N_GRAPHS - 1 so dim_size is deterministic
    batch = batch.at[-1].set(N_GRAPHS - 1)
    fan_in = E_DIM * 4
    bound = 1.0 / np.sqrt(fan_in)
    W = jax.random.uniform(k4, (G_DIM, fan_in), dtype=jnp.float32, minval=-bound, maxval=bound)
    b = jax.random.uniform(k5, (G_DIM,), dtype=jnp.float32, minval=-bound, maxval=bound)
    return {"e_index": e_index, "e": e, "batch": batch, "W": W, "b": b}


def reference(e_index, e, batch, W, b):
    ns = N_GRAPHS  # == int(batch.max()) + 1, fixed by setup_inputs
    e_batch = batch[e_index[1]]
    ones = jnp.ones((e.shape[0], 1), dtype=e.dtype)
    counts = jax.ops.segment_sum(ones, e_batch, num_segments=ns)
    sums = jax.ops.segment_sum(e, e_batch, num_segments=ns)
    e1 = sums / jnp.maximum(counts, 1.0)  # scatter mean
    e2 = jax.ops.segment_min(e, e_batch, num_segments=ns)
    e3 = jax.ops.segment_max(e, e_batch, num_segments=ns)
    e2 = jnp.where(counts > 0, e2, 0.0)
    e3 = jnp.where(counts > 0, e3, 0.0)
    sq = jax.ops.segment_sum(e * e, e_batch, num_segments=ns)
    var = jnp.maximum(sq - counts * e1 * e1, 0.0) / jnp.maximum(counts - 1.0, 1.0)
    e4 = jnp.sqrt(var)  # scatter_std (unbiased)
    g = jnp.concatenate([e1, e2, e3, e4], axis=1)
    return g @ W.T + b

if __name__ == "__main__":
    import jax
    _d = setup_inputs()
    print(jax.jit(kernel)(*tuple(_d.values())))

</pallas_src>

<mosaic_0001>
#map = affine_map<(d0, d1) -> (0)>
#map1 = affine_map<(d0, d1) -> (0, 0)>
#map2 = affine_map<(d0, d1) -> (0, 0, 0, 0)>
module attributes {stable_mosaic.version = 14 : i64} {
  func.func @_mm_body(%arg0: i32, %arg1: i32, %arg2: memref<320000xi32, #tpu.memory_space<hbm>>, %arg3: memref<320000x128xf32, #tpu.memory_space<hbm>>, %arg4: memref<10000xi32, #tpu.memory_space<hbm>>, %arg5: memref<32x2x64x128xf32, #tpu.memory_space<hbm>>, %arg6: memref<10000xi32, #tpu.memory_space<vmem>>, %arg7: memref<400xi32, #tpu.memory_space<vmem>>, %arg8: memref<400x128xf32, #tpu.memory_space<vmem>>, %arg9: memref<64x128xf32, #tpu.memory_space<vmem>>, %arg10: memref<64x128xf32, #tpu.memory_space<vmem>>) attributes {dimension_semantics = [#tpu.dimension_semantics<core_parallel>, #tpu.dimension_semantics<subcore_parallel>], iteration_bounds = array<i64: 2, 16>, scalar_prefetch = 0 : i64, scratch_operands = 5 : i64, tpu.core_type = #tpu.core_type<sc_vector_subcore>, window_params = [{transform_indices = #map}, {transform_indices = #map1}, {transform_indices = #map}, {transform_indices = #map2}]} {
    %mul3A = arith.constant 2 : i32
    %mul3A_0 = arith.muli %arg1, %mul3A : i32
    %add3A = arith.addi %mul3A_0, %arg0 : i32
    %mul3A_1 = arith.constant 10000 : i32
    %mul3A_2 = arith.muli %add3A, %mul3A_1 : i32
    %broadcast_in_dim3A = arith.constant 0x7F800000 : f32
    %broadcast_in_dim3A_3 = vector.broadcast %broadcast_in_dim3A : f32 to vector<16xf32>
    %broadcast_in_dim3A_4 = arith.constant 0xFF800000 : f32
    %broadcast_in_dim3A_5 = vector.broadcast %broadcast_in_dim3A_4 : f32 to vector<16xf32>
    %scan3A = arith.constant 0 : i32
    %scan3A_6 = arith.constant 64 : i32
    %scan3A_7 = arith.addi %scan3A, %scan3A_6 : i32
    %scan3A_8 = arith.constant 1 : i32
    scf.for %scan3A_16 = %scan3A to %scan3A_7 step %scan3A_8  : i32 {
      %swap3A = arith.index_cast %scan3A_16 : i32 to index
      %swap3A_17 = arith.constant 0 : index
      %swap3A_18 = tpu.vector_load %arg9[%swap3A, %swap3A_17] {strides = array<i32>} : memref<64x128xf32, #tpu.memory_space<vmem>>, vector<16xf32>,
      tpu.vector_store %arg9[%swap3A, %swap3A_17], %broadcast_in_dim3A_3 {strides = array<i32>} : memref<64x128xf32, #tpu.memory_space<vmem>>, vector<16xf32>,
      %swap3A_19 = arith.index_cast %scan3A_16 : i32 to index
      %swap3A_20 = arith.constant 0 : index
      %swap3A_21 = tpu.vector_load %arg10[%swap3A_19, %swap3A_20] {strides = array<i32>} : memref<64x128xf32, #tpu.memory_space<vmem>>, vector<16xf32>,
      tpu.vector_store %arg10[%swap3A_19, %swap3A_20], %broadcast_in_dim3A_5 {strides = array<i32>} : memref<64x128xf32, #tpu.memory_space<vmem>>, vector<16xf32>,
      %swap3A_22 = arith.index_cast %scan3A_16 : i32 to index
      %swap3A_23 = arith.constant 16 : index
      %swap3A_24 = tpu.vector_load %arg9[%swap3A_22, %swap3A_23] {strides = array<i32>} : memref<64x128xf32, #tpu.memory_space<vmem>>, vector<16xf32>,
      tpu.vector_store %arg9[%swap3A_22, %swap3A_23], %broadcast_in_dim3A_3 {strides = array<i32>} : memref<64x128xf32, #tpu.memory_space<vmem>>, vector<16xf32>,
      %swap3A_25 = arith.index_cast %scan3A_16 : i32 to index
      %swap3A_26 = arith.constant 16 : index
      %swap3A_27 = tpu.vector_load %arg10[%swap3A_25, %swap3A_26] {strides = array<i32>} : memref<64x128xf32, #tpu.memory_space<vmem>>, vector<16xf32>,
      tpu.vector_store %arg10[%swap3A_25, %swap3A_26], %broadcast_in_dim3A_5 {strides = array<i32>} : memref<64x128xf32, #tpu.memory_space<vmem>>, vector<16xf32>,
      %swap3A_28 = arith.index_cast %scan3A_16 : i32 to index
      %swap3A_29 = arith.constant 32 : index
      %swap3A_30 = tpu.vector_load %arg9[%swap3A_28, %swap3A_29] {strides = array<i32>} : memref<64x128xf32, #tpu.memory_space<vmem>>, vector<16xf32>,
      tpu.vector_store %arg9[%swap3A_28, %swap3A_29], %broadcast_in_dim3A_3 {strides = array<i32>} : memref<64x128xf32, #tpu.memory_space<vmem>>, vector<16xf32>,
      %swap3A_31 = arith.index_cast %scan3A_16 : i32 to index
      %swap3A_32 = arith.constant 32 : index
      %swap3A_33 = tpu.vector_load %arg10[%swap3A_31, %swap3A_32] {strides = array<i32>} : memref<64x128xf32, #tpu.memory_space<vmem>>, vector<16xf32>,
      tpu.vector_store %arg10[%swap3A_31, %swap3A_32], %broadcast_in_dim3A_5 {strides = array<i32>} : memref<64x128xf32, #tpu.memory_space<vmem>>, vector<16xf32>,
      %swap3A_34 = arith.index_cast %scan3A_16 : i32 to index
      %swap3A_35 = arith.constant 48 : index
      %swap3A_36 = tpu.vector_load %arg9[%swap3A_34, %swap3A_35] {strides = array<i32>} : memref<64x128xf32, #tpu.memory_space<vmem>>, vector<16xf32>,
      tpu.vector_store %arg9[%swap3A_34, %swap3A_35], %broadcast_in_dim3A_3 {strides = array<i32>} : memref<64x128xf32, #tpu.memory_space<vmem>>, vector<16xf32>,
      %swap3A_37 = arith.index_cast %scan3A_16 : i32 to index
      %swap3A_38 = arith.constant 48 : index
      %swap3A_39 = tpu.vector_load %arg10[%swap3A_37, %swap3A_38] {strides = array<i32>} : memref<64x128xf32, #tpu.memory_space<vmem>>, vector<16xf32>,
      tpu.vector_store %arg10[%swap3A_37, %swap3A_38], %broadcast_in_dim3A_5 {strides = array<i32>} : memref<64x128xf32, #tpu.memory_space<vmem>>, vector<16xf32>,
      %swap3A_40 = arith.index_cast %scan3A_16 : i32 to index
      %swap3A_41 = arith.constant 64 : index
      %swap3A_42 = tpu.vector_load %arg9[%swap3A_40, %swap3A_41] {strides = array<i32>} : memref<64x128xf32, #tpu.memory_space<vmem>>, vector<16xf32>,
      tpu.vector_store %arg9[%swap3A_40, %swap3A_41], %broadcast_in_dim3A_3 {strides = array<i32>} : memref<64x128xf32, #tpu.memory_space<vmem>>, vector<16xf32>,
      %swap3A_43 = arith.index_cast %scan3A_16 : i32 to index
      %swap3A_44 = arith.constant 64 : index
      %swap3A_45 = tpu.vector_load %arg10[%swap3A_43, %swap3A_44] {strides = array<i32>} : memref<64x128xf32, #tpu.memory_space<vmem>>, vector<16xf32>,
      tpu.vector_store %arg10[%swap3A_43, %swap3A_44], %broadcast_in_dim3A_5 {strides = array<i32>} : memref<64x128xf32, #tpu.memory_space<vmem>>, vector<16xf32>,
      %swap3A_46 = arith.index_cast %scan3A_16 : i32 to index
      %swap3A_47 = arith.constant 80 : index
      %swap3A_48 = tpu.vector_load %arg9[%swap3A_46, %swap3A_47] {strides = array<i32>} : memref<64x128xf32, #tpu.memory_space<vmem>>, vector<16xf32>,
      tpu.vector_store %arg9[%swap3A_46, %swap3A_47], %broadcast_in_dim3A_3 {strides = array<i32>} : memref<64x128xf32, #tpu.memory_space<vmem>>, vector<16xf32>,
      %swap3A_49 = arith.index_cast %scan3A_16 : i32 to index
      %swap3A_50 = arith.constant 80 : index
      %swap3A_51 = tpu.vector_load %arg10[%swap3A_49, %swap3A_50] {strides = array<i32>} : memref<64x128xf32, #tpu.memory_space<vmem>>, vector<16xf32>,
      tpu.vector_store %arg10[%swap3A_49, %swap3A_50], %broadcast_in_dim3A_5 {strides = array<i32>} : memref<64x128xf32, #tpu.memory_space<vmem>>, vector<16xf32>,
      %swap3A_52 = arith.index_cast %scan3A_16 : i32 to index
      %swap3A_53 = arith.constant 96 : index
      %swap3A_54 = tpu.vector_load %arg9[%swap3A_52, %swap3A_53] {strides = array<i32>} : memref<64x128xf32, #tpu.memory_space<vmem>>, vector<16xf32>,
      tpu.vector_store %arg9[%swap3A_52, %swap3A_53], %broadcast_in_dim3A_3 {strides = array<i32>} : memref<64x128xf32, #tpu.memory_space<vmem>>, vector<16xf32>,
      %swap3A_55 = arith.index_cast %scan3A_16 : i32 to index
      %swap3A_56 = arith.constant 96 : index
      %swap3A_57 = tpu.vector_load %arg10[%swap3A_55, %swap3A_56] {strides = array<i32>} : memref<64x128xf32, #tpu.memory_space<vmem>>, vector<16xf32>,
      tpu.vector_store %arg10[%swap3A_55, %swap3A_56], %broadcast_in_dim3A_5 {strides = array<i32>} : memref<64x128xf32, #tpu.memory_space<vmem>>, vector<16xf32>,
      %swap3A_58 = arith.index_cast %scan3A_16 : i32 to index
      %swap3A_59 = arith.constant 112 : index
      %swap3A_60 = tpu.vector_load %arg9[%swap3A_58, %swap3A_59] {strides = array<i32>} : memref<64x128xf32, #tpu.memory_space<vmem>>, vector<16xf32>,
      tpu.vector_store %arg9[%swap3A_58, %swap3A_59], %broadcast_in_dim3A_3 {strides = array<i32>} : memref<64x128xf32, #tpu.memory_space<vmem>>, vector<16xf32>,
      %swap3A_61 = arith.index_cast %scan3A_16 : i32 to index
      %swap3A_62 = arith.constant 112 : index
      %swap3A_63 = tpu.vector_load %arg10[%swap3A_61, %swap3A_62] {strides = array<i32>} : memref<64x128xf32, #tpu.memory_space<vmem>>, vector<16xf32>,
      tpu.vector_store %arg10[%swap3A_61, %swap3A_62], %broadcast_in_dim3A_5 {strides = array<i32>} : memref<64x128xf32, #tpu.memory_space<vmem>>, vector<16xf32>,
    }
    %scan3A_9 = arith.constant 64 : i32
    "tpu.region"() ({
      %run_scoped3A_16 = tpu.sem_alloc : memref<!tpu.dma_semaphore, #tpu.memory_space<semaphore_mem>>
      tpu.enqueue_dma source(%arg4 : memref<10000xi32, #tpu.memory_space<hbm>>) target(%arg6 : memref<10000xi32, #tpu.memory_space<vmem>>) target_semaphore(%run_scoped3A_16 : memref<!tpu.dma_semaphore, #tpu.memory_space<semaphore_mem>>)
      tpu.wait_dma2 semaphore(%run_scoped3A_16 : memref<!tpu.dma_semaphore, #tpu.memory_space<semaphore_mem>>) src(%arg4 : memref<10000xi32, #tpu.memory_space<hbm>>) dst(%arg6 : memref<10000xi32, #tpu.memory_space<vmem>>)
      tpu.yield
    }) : () -> ()
    %scan3A_10 = arith.constant 0 : i32
    %scan3A_11 = arith.constant 25 : i32
    %scan3A_12 = arith.addi %scan3A_10, %scan3A_11 : i32
    %scan3A_13 = arith.constant 1 : i32
    scf.for %scan3A_16 = %scan3A_10 to %scan3A_12 step %scan3A_13  : i32 {
      %mul3A_17 = arith.constant 400 : i32
      %mul3A_18 = arith.muli %scan3A_16, %mul3A_17 : i32
      %add3A_19 = arith.addi %mul3A_2, %mul3A_18 : i32
      "tpu.region"() ({
        %run_scoped3A_25 = tpu.sem_alloc : memref<!tpu.dma_semaphore, #tpu.memory_space<semaphore_mem>>
        %dma_start3A = tpu.memref_slice %arg2[%add3A_19] : memref<320000xi32, #tpu.memory_space<hbm>> -> memref<400xi32, #tpu.memory_space<hbm>>
        %dma_start3A_26 = tpu.memref_slice %arg2[%add3A_19] : memref<320000xi32, #tpu.memory_space<hbm>> -> memref<400xi32, #tpu.memory_space<hbm>>
        tpu.enqueue_dma source(%dma_start3A_26 : memref<400xi32, #tpu.memory_space<hbm>>) target(%arg7 : memref<400xi32, #tpu.memory_space<vmem>>) target_semaphore(%run_scoped3A_25 : memref<!tpu.dma_semaphore, #tpu.memory_space<semaphore_mem>>)
        %dma_wait3A = tpu.memref_slice %arg2[%add3A_19] : memref<320000xi32, #tpu.memory_space<hbm>> -> memref<400xi32, #tpu.memory_space<hbm>>
        %dma_wait3A_27 = tpu.memref_slice %arg2[%add3A_19] : memref<320000xi32, #tpu.memory_space<hbm>> -> memref<400xi32, #tpu.memory_space<hbm>>
        tpu.wait_dma2 semaphore(%run_scoped3A_25 : memref<!tpu.dma_semaphore, #tpu.memory_space<semaphore_mem>>) src(%dma_wait3A_27 : memref<400xi32, #tpu.memory_space<hbm>>) dst(%arg7 : memref<400xi32, #tpu.memory_space<vmem>>)
        tpu.yield
      }) : () -> ()
      "tpu.region"() ({
        %run_scoped3A_25 = tpu.sem_alloc : memref<!tpu.dma_semaphore, #tpu.memory_space<semaphore_mem>>
        %dma_start3A = arith.constant 0 : i32
        %dma_start3A_26 = tpu.memref_slice %arg3[%add3A_19, %dma_start3A] : memref<320000x128xf32, #tpu.memory_space<hbm>> -> memref<400x128xf32, #tpu.memory_space<hbm>>
        %dma_start3A_27 = arith.constant 0 : i32
        %dma_start3A_28 = tpu.memref_slice %arg3[%add3A_19, %dma_start3A_27] : memref<320000x128xf32, #tpu.memory_space<hbm>> -> memref<400x128xf32, #tpu.memory_space<hbm>>
        tpu.enqueue_dma source(%dma_start3A_28 : memref<400x128xf32, #tpu.memory_space<hbm>>) target(%arg8 : memref<400x128xf32, #tpu.memory_space<vmem>>) target_semaphore(%run_scoped3A_25 : memref<!tpu.dma_semaphore, #tpu.memory_space<semaphore_mem>>)
        %dma_wait3A = arith.constant 0 : i32
        %dma_wait3A_29 = tpu.memref_slice %arg3[%add3A_19, %dma_wait3A] : memref<320000x128xf32, #tpu.memory_space<hbm>> -> memref<400x128xf32, #tpu.memory_space<hbm>>
        %dma_wait3A_30 = arith.constant 0 : i32
        %dma_wait3A_31 = tpu.memref_slice %arg3[%add3A_19, %dma_wait3A_30] : memref<320000x128xf32, #tpu.memory_space<hbm>> -> memref<400x128xf32, #tpu.memory_space<hbm>>
        tpu.wait_dma2 semaphore(%run_scoped3A_25 : memref<!tpu.dma_semaphore, #tpu.memory_space<semaphore_mem>>) src(%dma_wait3A_31 : memref<400x128xf32, #tpu.memory_space<hbm>>) dst(%arg8 : memref<400x128xf32, #tpu.memory_space<vmem>>)
        tpu.yield
      }) : () -> ()
      %scan3A_20 = arith.constant 0 : i32
      %scan3A_21 = arith.constant 25 : i32
      %scan3A_22 = arith.addi %scan3A_20, %scan3A_21 : i32
      %scan3A_23 = arith.constant 1 : i32
      scf.for %scan3A_25 = %scan3A_20 to %scan3A_22 step %scan3A_23  : i32 {
        %mul3A_26 = arith.constant 16 : i32
        %mul3A_27 = arith.muli %scan3A_25, %mul3A_26 : i32
        %get3A = arith.index_cast %mul3A_27 : i32 to index
        %get3A_28 = tpu.vector_load %arg7[%get3A] {strides = array<i32>} : memref<400xi32, #tpu.memory_space<vmem>>, vector<16xi32>,
        %gather3A = tpu.vector_load_idx %arg6[%get3A_28] : memref<10000xi32, #tpu.memory_space<vmem>>[vector<16xi32>], vector<16xi32>,
        %slice3A = vector.extract_strided_slice %gather3A {offsets = [0], sizes = [1], strides = [1]} : vector<16xi32> to vector<1xi32>
        %squeeze3A = vector.extract %slice3A[0] : i32 from vector<1xi32>
        %mul3A_29 = arith.constant 16 : i32
        %mul3A_30 = arith.muli %scan3A_25, %mul3A_29 : i32
        %add3A_31 = arith.constant 0 : i32
        %add3A_32 = arith.addi %mul3A_30, %add3A_31 : i32
        %get3A_33 = arith.index_cast %add3A_32 : i32 to index
        %get3A_34 = arith.constant 0 : index
        %get3A_35 = tpu.vector_load %arg8[%get3A_33, %get3A_34] {strides = array<i32>} : memref<400x128xf32, #tpu.memory_space<vmem>>, vector<16xf32>,
        %get3A_36 = arith.index_cast %add3A_32 : i32 to index
        %get3A_37 = arith.constant 16 : index
        %get3A_38 = tpu.vector_load %arg8[%get3A_36, %get3A_37] {strides = array<i32>} : memref<400x128xf32, #tpu.memory_space<vmem>>, vector<16xf32>,
        %get3A_39 = arith.index_cast %add3A_32 : i32 to index
        %get3A_40 = arith.constant 32 : index
        %get3A_41 = tpu.vector_load %arg8[%get3A_39, %get3A_40] {strides = array<i32>} : memref<400x128xf32, #tpu.memory_space<vmem>>, vector<16xf32>,
        %get3A_42 = arith.index_cast %add3A_32 : i32 to index
        %get3A_43 = arith.constant 48 : index
        %get3A_44 = tpu.vector_load %arg8[%get3A_42, %get3A_43] {strides = array<i32>} : memref<400x128xf32, #tpu.memory_space<vmem>>, vector<16xf32>,
        %get3A_45 = arith.index_cast %add3A_32 : i32 to index
        %get3A_46 = arith.constant 64 : index
        %get3A_47 = tpu.vector_load %arg8[%get3A_45, %get3A_46] {strides = array<i32>} : memref<400x128xf32, #tpu.memory_space<vmem>>, vector<16xf32>,
        %get3A_48 = arith.index_cast %add3A_32 : i32 to index
        %get3A_49 = arith.constant 80 : index
        %get3A_50 = tpu.vector_load %arg8[%get3A_48, %get3A_49] {strides = array<i32>} : memref<400x128xf32, #tpu.memory_space<vmem>>, vector<16xf32>,
        %get3A_51 = arith.index_cast %add3A_32 : i32 to index
        %get3A_52 = arith.constant 96 : index
        %get3A_53 = tpu.vector_load %arg8[%get3A_51, %get3A_52] {strides = array<i32>} : memref<400x128xf32, #tpu.memory_space<vmem>>, vector<16xf32>,
        %get3A_54 = arith.index_cast %add3A_32 : i32 to index
        %get3A_55 = arith.constant 112 : index
        %get3A_56 = tpu.vector_load %arg8[%get3A_54, %get3A_55] {strides = array<i32>} : memref<400x128xf32, #tpu.memory_space<vmem>>, vector<16xf32>,
        %get3A_57 = arith.index_cast %squeeze3A : i32 to index
        %get3A_58 = arith.constant 0 : index
        %get3A_59 = tpu.vector_load %arg9[%get3A_57, %get3A_58] {strides = array<i32>} : memref<64x128xf32, #tpu.memory_space<vmem>>, vector<16xf32>,
        %get3A_60 = arith.index_cast %squeeze3A : i32 to index
        %get3A_61 = arith.constant 16 : index
        %get3A_62 = tpu.vector_load %arg9[%get3A_60, %get3A_61] {strides = array<i32>} : memref<64x128xf32, #tpu.memory_space<vmem>>, vector<16xf32>,
        %get3A_63 = arith.index_cast %squeeze3A : i32 to index
        %get3A_64 = arith.constant 32 : index
        %get3A_65 = tpu.vector_load %arg9[%get3A_63, %get3A_64] {strides = array<i32>} : memref<64x128xf32, #tpu.memory_space<vmem>>, vector<16xf32>,
        %get3A_66 = arith.index_cast %squeeze3A : i32 to index
        %get3A_67 = arith.constant 48 : index
        %get3A_68 = tpu.vector_load %arg9[%get3A_66, %get3A_67] {strides = array<i32>} : memref<64x128xf32, #tpu.memory_space<vmem>>, vector<16xf32>,
        %get3A_69 = arith.index_cast %squeeze3A : i32 to index
        %get3A_70 = arith.constant 64 : index
        %get3A_71 = tpu.vector_load %arg9[%get3A_69, %get3A_70] {strides = array<i32>} : memref<64x128xf32, #tpu.memory_space<vmem>>, vector<16xf32>,
        %get3A_72 = arith.index_cast %squeeze3A : i32 to index
        %get3A_73 = arith.constant 80 : index
        %get3A_74 = tpu.vector_load %arg9[%get3A_72, %get3A_73] {strides = array<i32>} : memref<64x128xf32, #tpu.memory_space<vmem>>, vector<16xf32>,
        %get3A_75 = arith.index_cast %squeeze3A : i32 to index
        %get3A_76 = arith.constant 96 : index
        %get3A_77 = tpu.vector_load %arg9[%get3A_75, %get3A_76] {strides = array<i32>} : memref<64x128xf32, #tpu.memory_space<vmem>>, vector<16xf32>,
        %get3A_78 = arith.index_cast %squeeze3A : i32 to index
        %get3A_79 = arith.constant 112 : index
        %get3A_80 = tpu.vector_load %arg9[%get3A_78, %get3A_79] {strides = array<i32>} : memref<64x128xf32, #tpu.memory_space<vmem>>, vector<16xf32>,
        %get3A_81 = arith.index_cast %squeeze3A : i32 to index
        %get3A_82 = arith.constant 0 : index
        %get3A_83 = tpu.vector_load %arg10[%get3A_81, %get3A_82] {strides = array<i32>} : memref<64x128xf32, #tpu.memory_space<vmem>>, vector<16xf32>,
        %get3A_84 = arith.index_cast %squeeze3A : i32 to index
        %get3A_85 = arith.constant 16 : index
        %get3A_86 = tpu.vector_load %arg10[%get3A_84, %get3A_85] {strides = array<i32>} : memref<64x128xf32, #tpu.memory_space<vmem>>, vector<16xf32>,
        %get3A_87 = arith.index_cast %squeeze3A : i32 to index
        %get3A_88 = arith.constant 32 : index
        %get3A_89 = tpu.vector_load %arg10[%get3A_87, %get3A_88] {strides = array<i32>} : memref<64x128xf32, #tpu.memory_space<vmem>>, vector<16xf32>,
        %get3A_90 = arith.index_cast %squeeze3A : i32 to index
        %get3A_91 = arith.constant 48 : index
        %get3A_92 = tpu.vector_load %arg10[%get3A_90, %get3A_91] {strides = array<i32>} : memref<64x128xf32, #tpu.memory_space<vmem>>, vector<16xf32>,
        %get3A_93 = arith.index_cast %squeeze3A : i32 to index
        %get3A_94 = arith.constant 64 : index
        %get3A_95 = tpu.vector_load %arg10[%get3A_93, %get3A_94] {strides = array<i32>} : memref<64x128xf32, #tpu.memory_space<vmem>>, vector<16xf32>,
        %get3A_96 = arith.index_cast %squeeze3A : i32 to index
        %get3A_97 = arith.constant 80 : index
        %get3A_98 = tpu.vector_load %arg10[%get3A_96, %get3A_97] {strides = array<i32>} : memref<64x128xf32, #tpu.memory_space<vmem>>, vector<16xf32>,
        %get3A_99 = arith.index_cast %squeeze3A : i32 to index
        %get3A_100 = arith.constant 96 : index
        %get3A_101 = tpu.vector_load %arg10[%get3A_99, %get3A_100] {strides = array<i32>} : memref<64x128xf32, #tpu.memory_space<vmem>>, vector<16xf32>,
        %get3A_102 = arith.index_cast %squeeze3A : i32 to index
        %get3A_103 = arith.constant 112 : index
        %get3A_104 = tpu.vector_load %arg10[%get3A_102, %get3A_103] {strides = array<i32>} : memref<64x128xf32, #tpu.memory_space<vmem>>, vector<16xf32>,
        %min3A = arith.minimumf %get3A_59, %get3A_35 : vector<16xf32>
        %swap3A = arith.index_cast %squeeze3A : i32 to index
        %swap3A_105 = arith.constant 0 : index
        %swap3A_106 = tpu.vector_load %arg9[%swap3A, %swap3A_105] {strides = array<i32>} : memref<64x128xf32, #tpu.memory_space<vmem>>, vector<16xf32>,
        tpu.vector_store %arg9[%swap3A, %swap3A_105], %min3A {strides = array<i32>} : memref<64x128xf32, #tpu.memory_space<vmem>>, vector<16xf32>,
        %max3A = arith.maximumf %get3A_83, %get3A_35 : vector<16xf32>
        %swap3A_107 = arith.index_cast %squeeze3A : i32 to index
        %swap3A_108 = arith.constant 0 : index
        %swap3A_109 = tpu.vector_load %arg10[%swap3A_107, %swap3A_108] {strides = array<i32>} : memref<64x128xf32, #tpu.memory_space<vmem>>, vector<16xf32>,
        tpu.vector_store %arg10[%swap3A_107, %swap3A_108], %max3A {strides = array<i32>} : memref<64x128xf32, #tpu.memory_space<vmem>>, vector<16xf32>,
        %min3A_110 = arith.minimumf %get3A_62, %get3A_38 : vector<16xf32>
        %swap3A_111 = arith.index_cast %squeeze3A : i32 to index
        %swap3A_112 = arith.constant 16 : index
        %swap3A_113 = tpu.vector_load %arg9[%swap3A_111, %swap3A_112] {strides = array<i32>} : memref<64x128xf32, #tpu.memory_space<vmem>>, vector<16xf32>,
        tpu.vector_store %arg9[%swap3A_111, %swap3A_112], %min3A_110 {strides = array<i32>} : memref<64x128xf32, #tpu.memory_space<vmem>>, vector<16xf32>,
        %max3A_114 = arith.maximumf %get3A_86, %get3A_38 : vector<16xf32>
        %swap3A_115 = arith.index_cast %squeeze3A : i32 to index
        %swap3A_116 = arith.constant 16 : index
        %swap3A_117 = tpu.vector_load %arg10[%swap3A_115, %swap3A_116] {strides = array<i32>} : memref<64x128xf32, #tpu.memory_space<vmem>>, vector<16xf32>,
        tpu.vector_store %arg10[%swap3A_115, %swap3A_116], %max3A_114 {strides = array<i32>} : memref<64x128xf32, #tpu.memory_space<vmem>>, vector<16xf32>,
        %min3A_118 = arith.minimumf %get3A_65, %get3A_41 : vector<16xf32>
        %swap3A_119 = arith.index_cast %squeeze3A : i32 to index
        %swap3A_120 = arith.constant 32 : index
        %swap3A_121 = tpu.vector_load %arg9[%swap3A_119, %swap3A_120] {strides = array<i32>} : memref<64x128xf32, #tpu.memory_space<vmem>>, vector<16xf32>,
        tpu.vector_store %arg9[%swap3A_119, %swap3A_120], %min3A_118 {strides = array<i32>} : memref<64x128xf32, #tpu.memory_space<vmem>>, vector<16xf32>,
        %max3A_122 = arith.maximumf %get3A_89, %get3A_41 : vector<16xf32>
        %swap3A_123 = arith.index_cast %squeeze3A : i32 to index
        %swap3A_124 = arith.constant 32 : index
        %swap3A_125 = tpu.vector_load %arg10[%swap3A_123, %swap3A_124] {strides = array<i32>} : memref<64x128xf32, #tpu.memory_space<vmem>>, vector<16xf32>,
        tpu.vector_store %arg10[%swap3A_123, %swap3A_124], %max3A_122 {strides = array<i32>} : memref<64x128xf32, #tpu.memory_space<vmem>>, vector<16xf32>,
        %min3A_126 = arith.minimumf %get3A_68, %get3A_44 : vector<16xf32>
        %swap3A_127 = arith.index_cast %squeeze3A : i32 to index
        %swap3A_128 = arith.constant 48 : index
        %swap3A_129 = tpu.vector_load %arg9[%swap3A_127, %swap3A_128] {strides = array<i32>} : memref<64x128xf32, #tpu.memory_space<vmem>>, vector<16xf32>,
        tpu.vector_store %arg9[%swap3A_127, %swap3A_128], %min3A_126 {strides = array<i32>} : memref<64x128xf32, #tpu.memory_space<vmem>>, vector<16xf32>,
        %max3A_130 = arith.maximumf %get3A_92, %get3A_44 : vector<16xf32>
        %swap3A_131 = arith.index_cast %squeeze3A : i32 to index
        %swap3A_132 = arith.constant 48 : index
        %swap3A_133 = tpu.vector_load %arg10[%swap3A_131, %swap3A_132] {strides = array<i32>} : memref<64x128xf32, #tpu.memory_space<vmem>>, vector<16xf32>,
        tpu.vector_store %arg10[%swap3A_131, %swap3A_132], %max3A_130 {strides = array<i32>} : memref<64x128xf32, #tpu.memory_space<vmem>>, vector<16xf32>,
        %min3A_134 = arith.minimumf %get3A_71, %get3A_47 : vector<16xf32>
        %swap3A_135 = arith.index_cast %squeeze3A : i32 to index
        %swap3A_136 = arith.constant 64 : index
        %swap3A_137 = tpu.vector_load %arg9[%swap3A_135, %swap3A_136] {strides = array<i32>} : memref<64x128xf32, #tpu.memory_space<vmem>>, vector<16xf32>,
        tpu.vector_store %arg9[%swap3A_135, %swap3A_136], %min3A_134 {strides = array<i32>} : memref<64x128xf32, #tpu.memory_space<vmem>>, vector<16xf32>,
        %max3A_138 = arith.maximumf %get3A_95, %get3A_47 : vector<16xf32>
        %swap3A_139 = arith.index_cast %squeeze3A : i32 to index
        %swap3A_140 = arith.constant 64 : index
        %swap3A_141 = tpu.vector_load %arg10[%swap3A_139, %swap3A_140] {strides = array<i32>} : memref<64x128xf32, #tpu.memory_space<vmem>>, vector<16xf32>,
        tpu.vector_store %arg10[%swap3A_139, %swap3A_140], %max3A_138 {strides = array<i32>} : memref<64x128xf32, #tpu.memory_space<vmem>>, vector<16xf32>,
        %min3A_142 = arith.minimumf %get3A_74, %get3A_50 : vector<16xf32>
        %swap3A_143 = arith.index_cast %squeeze3A : i32 to index
        %swap3A_144 = arith.constant 80 : index
        %swap3A_145 = tpu.vector_load %arg9[%swap3A_143, %swap3A_144] {strides = array<i32>} : memref<64x128xf32, #tpu.memory_space<vmem>>, vector<16xf32>,
        tpu.vector_store %arg9[%swap3A_143, %swap3A_144], %min3A_142 {strides = array<i32>} : memref<64x128xf32, #tpu.memory_space<vmem>>, vector<16xf32>,
        %max3A_146 = arith.maximumf %get3A_98, %get3A_50 : vector<16xf32>
        %swap3A_147 = arith.index_cast %squeeze3A : i32 to index
        %swap3A_148 = arith.constant 80 : index
        %swap3A_149 = tpu.vector_load %arg10[%swap3A_147, %swap3A_148] {strides = array<i32>} : memref<64x128xf32, #tpu.memory_space<vmem>>, vector<16xf32>,
        tpu.vector_store %arg10[%swap3A_147, %swap3A_148], %max3A_146 {strides = array<i32>} : memref<64x128xf32, #tpu.memory_space<vmem>>, vector<16xf32>,
        %min3A_150 = arith.minimumf %get3A_77, %get3A_53 : vector<16xf32>
        %swap3A_151 = arith.index_cast %squeeze3A : i32 to index
        %swap3A_152 = arith.constant 96 : index
        %swap3A_153 = tpu.vector_load %arg9[%swap3A_151, %swap3A_152] {strides = array<i32>} : memref<64x128xf32, #tpu.memory_space<vmem>>, vector<16xf32>,
        tpu.vector_store %arg9[%swap3A_151, %swap3A_152], %min3A_150 {strides = array<i32>} : memref<64x128xf32, #tpu.memory_space<vmem>>, vector<16xf32>,
        %max3A_154 = arith.maximumf %get3A_101, %get3A_53 : vector<16xf32>
        %swap3A_155 = arith.index_cast %squeeze3A : i32 to index
        %swap3A_156 = arith.constant 96 : index
        %swap3A_157 = tpu.vector_load %arg10[%swap3A_155, %swap3A_156] {strides = array<i32>} : memref<64x128xf32, #tpu.memory_space<vmem>>, vector<16xf32>,
        tpu.vector_store %arg10[%swap3A_155, %swap3A_156], %max3A_154 {strides = array<i32>} : memref<64x128xf32, #tpu.memory_space<vmem>>, vector<16xf32>,
        %min3A_158 = arith.minimumf %get3A_80, %get3A_56 : vector<16xf32>
        %swap3A_159 = arith.index_cast %squeeze3A : i32 to index
        %swap3A_160 = arith.constant 112 : index
        %swap3A_161 = tpu.vector_load %arg9[%swap3A_159, %swap3A_160] {strides = array<i32>} : memref<64x128xf32, #tpu.memory_space<vmem>>, vector<16xf32>,
        tpu.vector_store %arg9[%swap3A_159, %swap3A_160], %min3A_158 {strides = array<i32>} : memref<64x128xf32, #tpu.memory_space<vmem>>, vector<16xf32>,
        %max3A_162 = arith.maximumf %get3A_104, %get3A_56 : vector<16xf32>
        %swap3A_163 = arith.index_cast %squeeze3A : i32 to index
        %swap3A_164 = arith.constant 112 : index
        %swap3A_165 = tpu.vector_load %arg10[%swap3A_163, %swap3A_164] {strides = array<i32>} : memref<64x128xf32, #tpu.memory_space<vmem>>, vector<16xf32>,
        tpu.vector_store %arg10[%swap3A_163, %swap3A_164], %max3A_162 {strides = array<i32>} : memref<64x128xf32, #tpu.memory_space<vmem>>, vector<16xf32>,
        %slice3A_166 = vector.extract_strided_slice %gather3A {offsets = [1], sizes = [1], strides = [1]} : vector<16xi32> to vector<1xi32>
        %squeeze3A_167 = vector.extract %slice3A_166[0] : i32 from vector<1xi32>
        %mul3A_168 = arith.constant 16 : i32
        %mul3A_169 = arith.muli %scan3A_25, %mul3A_168 : i32
        %add3A_170 = arith.constant 1 : i32
        %add3A_171 = arith.addi %mul3A_169, %add3A_170 : i32
        %get3A_172 = arith.index_cast %add3A_171 : i32 to index
        %get3A_173 = arith.constant 0 : index
        %get3A_174 = tpu.vector_load %arg8[%get3A_172, %get3A_173] {strides = array<i32>} : memref<400x128xf32, #tpu.memory_space<vmem>>, vector<16xf32>,
        %get3A_175 = arith.index_cast %add3A_171 : i32 to index
        %get3A_176 = arith.constant 16 : index
        %get3A_177 = tpu.vector_load %arg8[%get3A_175, %get3A_176] {strides = array<i32>} : memref<400x128xf32, #tpu.memory_space<vmem>>, vector<16xf32>,
        %get3A_178 = arith.index_cast %add3A_171 : i32 to index
        %get3A_179 = arith.constant 32 : index
        %get3A_180 = tpu.vector_load %arg8[%get3A_178, %get3A_179] {strides = array<i32>} : memref<400x128xf32, #tpu.memory_space<vmem>>, vector<16xf32>,
        %get3A_181 = arith.index_cast %add3A_171 : i32 to index
        %get3A_182 = arith.constant 48 : index
        %get3A_183 = tpu.vector_load %arg8[%get3A_181, %get3A_182] {strides = array<i32>} : memref<400x128xf32, #tpu.memory_space<vmem>>, vector<16xf32>,
        %get3A_184 = arith.index_cast %add3A_171 : i32 to index
        %get3A_185 = arith.constant 64 : index
        %get3A_186 = tpu.vector_load %arg8[%get3A_184, %get3A_185] {strides = array<i32>} : memref<400x128xf32, #tpu.memory_space<vmem>>, vector<16xf32>,
        %get3A_187 = arith.index_cast %add3A_171 : i32 to index
        %get3A_188 = arith.constant 80 : index
        %get3A_189 = tpu.vector_load %arg8[%get3A_187, %get3A_188] {strides = array<i32>} : memref<400x128xf32, #tpu.memory_space<vmem>>, vector<16xf32>,
        %get3A_190 = arith.index_cast %add3A_171 : i32 to index
        %get3A_191 = arith.constant 96 : index
        %get3A_192 = tpu.vector_load %arg8[%get3A_190, %get3A_191] {strides = array<i32>} : memref<400x128xf32, #tpu.memory_space<vmem>>, vector<16xf32>,
        %get3A_193 = arith.index_cast %add3A_171 : i32 to index
        %get3A_194 = arith.constant 112 : index
        %get3A_195 = tpu.vector_load %arg8[%get3A_193, %get3A_194] {strides = array<i32>} : memref<400x128xf32, #tpu.memory_space<vmem>>, vector<16xf32>,
        %get3A_196 = arith.index_cast %squeeze3A_167 : i32 to index
        %get3A_197 = arith.constant 0 : index
        %get3A_198 = tpu.vector_load %arg9[%get3A_196, %get3A_197] {strides = array<i32>} : memref<64x128xf32, #tpu.memory_space<vmem>>, vector<16xf32>,
        %get3A_199 = arith.index_cast %squeeze3A_167 : i32 to index
        %get3A_200 = arith.constant 16 : index
        %get3A_201 = tpu.vector_load %arg9[%get3A_199, %get3A_200] {strides = array<i32>} : memref<64x128xf32, #tpu.memory_space<vmem>>, vector<16xf32>,
        %get3A_202 = arith.index_cast %squeeze3A_167 : i32 to index
        %get3A_203 = arith.constant 32 : index
        %get3A_204 = tpu.vector_load %arg9[%get3A_202, %get3A_203] {strides = array<i32>} : memref<64x128xf32, #tpu.memory_space<vmem>>, vector<16xf32>,
        %get3A_205 = arith.index_cast %squeeze3A_167 : i32 to index
        %get3A_206 = arith.constant 48 : index
        %get3A_207 = tpu.vector_load %arg9[%get3A_205, %get3A_206] {strides = array<i32>} : memref<64x128xf32, #tpu.memory_space<vmem>>, vector<16xf32>,
        %get3A_208 = arith.index_cast %squeeze3A_167 : i32 to index
        %get3A_209 = arith.constant 64 : index
        %get3A_210 = tpu.vector_load %arg9[%get3A_208, %get3A_209] {strides = array<i32>} : memref<64x128xf32, #tpu.memory_space<vmem>>, vector<16xf32>,
        %get3A_211 = arith.index_cast %squeeze3A_167 : i32 to index
        %get3A_212 = arith.constant 80 : index
        %get3A_213 = tpu.vector_load %arg9[%get3A_211, %get3A_212] {strides = array<i32>} : memref<64x128xf32, #tpu.memory_space<vmem>>, vector<16xf32>,
        %get3A_214 = arith.index_cast %squeeze3A_167 : i32 to index
        %get3A_215 = arith.constant 96 : index
        %get3A_216 = tpu.vector_load %arg9[%get3A_214, %get3A_215] {strides = array<i32>} : memref<64x128xf32, #tpu.memory_space<vmem>>, vector<16xf32>,
        %get3A_217 = arith.index_cast %squeeze3A_167 : i32 to index
        %get3A_218 = arith.constant 112 : index
        %get3A_219 = tpu.vector_load %arg9[%get3A_217, %get3A_218] {strides = array<i32>} : memref<64x128xf32, #tpu.memory_space<vmem>>, vector<16xf32>,
        %get3A_220 = arith.index_cast %squeeze3A_167 : i32 to index
        %get3A_221 = arith.constant 0 : index
        %get3A_222 = tpu.vector_load %arg10[%get3A_220, %get3A_221] {strides = array<i32>} : memref<64x128xf32, #tpu.memory_space<vmem>>, vector<16xf32>,
        %get3A_223 = arith.index_cast %squeeze3A_167 : i32 to index
        %get3A_224 = arith.constant 16 : index
        %get3A_225 = tpu.vector_load %arg10[%get3A_223, %get3A_224] {strides = array<i32>} : memref<64x128xf32, #tpu.memory_space<vmem>>, vector<16xf32>,
        %get3A_226 = arith.index_cast %squeeze3A_167 : i32 to index
        %get3A_227 = arith.constant 32 : index
        %get3A_228 = tpu.vector_load %arg10[%get3A_226, %get3A_227] {strides = array<i32>} : memref<64x128xf32, #tpu.memory_space<vmem>>, vector<16xf32>,
        %get3A_229 = arith.index_cast %squeeze3A_167 : i32 to index
        %get3A_230 = arith.constant 48 : index
        %get3A_231 = tpu.vector_load %arg10[%get3A_229, %get3A_230] {strides = array<i32>} : memref<64x128xf32, #tpu.memory_space<vmem>>, vector<16xf32>,
        %get3A_232 = arith.index_cast %squeeze3A_167 : i32 to index
        %get3A_233 = arith.constant 64 : index
        %get3A_234 = tpu.vector_load %arg10[%get3A_232, %get3A_233] {strides = array<i32>} : memref<64x128xf32, #tpu.memory_space<vmem>>, vector<16xf32>,
        %get3A_235 = arith.index_cast %squeeze3A_167 : i32 to index
        %get3A_236 = arith.constant 80 : index
        %get3A_237 = tpu.vector_load %arg10[%get3A_235, %get3A_236] {strides = array<i32>} : memref<64x128xf32, #tpu.memory_space<vmem>>, vector<16xf32>,
        %get3A_238 = arith.index_cast %squeeze3A_167 : i32 to index
        %get3A_239 = arith.constant 96 : index
        %get3A_240 = tpu.vector_load %arg10[%get3A_238, %get3A_239] {strides = array<i32>} : memref<64x128xf32, #tpu.memory_space<vmem>>, vector<16xf32>,
        %get3A_241 = arith.index_cast %squeeze3A_167 : i32 to index
        %get3A_242 = arith.constant 112 : index
        %get3A_243 = tpu.vector_load %arg10[%get3A_241, %get3A_242] {strides = array<i32>} : memref<64x128xf32, #tpu.memory_space<vmem>>, vector<16xf32>,
        %min3A_244 = arith.minimumf %get3A_198, %get3A_174 : vector<16xf32>
        %swap3A_245 = arith.index_cast %squeeze3A_167 : i32 to index
        %swap3A_246 = arith.constant 0 : index
        %swap3A_247 = tpu.vector_load %arg9[%swap3A_245, %swap3A_246] {strides = array<i32>} : memref<64x128xf32, #tpu.memory_space<vmem>>, vector<16xf32>,
        tpu.vector_store %arg9[%swap3A_245, %swap3A_246], %min3A_244 {strides = array<i32>} : memref<64x128xf32, #tpu.memory_space<vmem>>, vector<16xf32>,
        %max3A_248 = arith.maximumf %get3A_222, %get3A_174 : vector<16xf32>
        %swap3A_249 = arith.index_cast %squeeze3A_167 : i32 to index
        %swap3A_250 = arith.constant 0 : index
        %swap3A_251 = tpu.vector_load %arg10[%swap3A_249, %swap3A_250] {strides = array<i32>} : memref<64x128xf32, #tpu.memory_space<vmem>>, vector<16xf32>,
        tpu.vector_store %arg10[%swap3A_249, %swap3A_250], %max3A_248 {strides = array<i32>} : memref<64x128xf32, #tpu.memory_space<vmem>>, vector<16xf32>,
        %min3A_252 = arith.minimumf %get3A_201, %get3A_177 : vector<16xf32>
        %swap3A_253 = arith.index_cast %squeeze3A_167 : i32 to index
        %swap3A_254 = arith.constant 16 : index
        %swap3A_255 = tpu.vector_load %arg9[%swap3A_253, %swap3A_254] {strides = array<i32>} : memref<64x128xf32, #tpu.memory_space<vmem>>, vector<16xf32>,
        tpu.vector_store %arg9[%swap3A_253, %swap3A_254], %min3A_252 {strides = array<i32>} : memref<64x128xf32, #tpu.memory_space<vmem>>, vector<16xf32>,
        %max3A_256 = arith.maximumf %get3A_225, %get3A_177 : vector<16xf32>
        %swap3A_257 = arith.index_cast %squeeze3A_167 : i32 to index
        %swap3A_258 = arith.constant 16 : index
        %swap3A_259 = tpu.vector_load %arg10[%swap3A_257, %swap3A_258] {strides = array<i32>} : memref<64x128xf32, #tpu.memory_space<vmem>>, vector<16xf32>,
        tpu.vector_store %arg10[%swap3A_257, %swap3A_258], %max3A_256 {strides = array<i32>} : memref<64x128xf32, #tpu.memory_space<vmem>>, vector<16xf32>,
        %min3A_260 = arith.minimumf %get3A_204, %get3A_180 : vector<16xf32>
        %swap3A_261 = arith.index_cast %squeeze3A_167 : i32 to index
        %swap3A_262 = arith.constant 32 : index
        %swap3A_263 = tpu.vector_load %arg9[%swap3A_261, %swap3A_262] {strides = array<i32>} : memref<64x128xf32, #tpu.memory_space<vmem>>, vector<16xf32>,
        tpu.vector_store %arg9[%swap3A_261, %swap3A_262], %min3A_260 {strides = array<i32>} : memref<64x128xf32, #tpu.memory_space<vmem>>, vector<16xf32>,
        %max3A_264 = arith.maximumf %get3A_228, %get3A_180 : vector<16xf32>
        %swap3A_265 = arith.index_cast %squeeze3A_167 : i32 to index
        %swap3A_266 = arith.constant 32 : index
        %swap3A_267 = tpu.vector_load %arg10[%swap3A_265, %swap3A_266] {strides = array<i32>} : memref<64x128xf32, #tpu.memory_space<vmem>>, vector<16xf32>,
        tpu.vector_store %arg10[%swap3A_265, %swap3A_266], %max3A_264 {strides = array<i32>} : memref<64x128xf32, #tpu.memory_space<vmem>>, vector<16xf32>,
        %min3A_268 = arith.minimumf %get3A_207, %get3A_183 : vector<16xf32>
        %swap3A_269 = arith.index_cast %squeeze3A_167 : i32 to index
        %swap3A_270 = arith.constant 48 : index
        %swap3A_271 = tpu.vector_load %arg9[%swap3A_269, %swap3A_270] {strides = array<i32>} : memref<64x128xf32, #tpu.memory_space<vmem>>, vector<16xf32>,
        tpu.vector_store %arg9[%swap3A_269, %swap3A_270], %min3A_268 {strides = array<i32>} : memref<64x128xf32, #tpu.memory_space<vmem>>, vector<16xf32>,
        %max3A_272 = arith.maximumf %get3A_231, %get3A_183 : vector<16xf32>
        %swap3A_273 = arith.index_cast %squeeze3A_167 : i32 to index
        %swap3A_274 = arith.constant 48 : index
        %swap3A_275 = tpu.vector_load %arg10[%swap3A_273, %swap3A_274] {strides = array<i32>} : memref<64x128xf32, #tpu.memory_space<vmem>>, vector<16xf32>,
        tpu.vector_store %arg10[%swap3A_273, %swap3A_274], %max3A_272 {strides = array<i32>} : memref<64x128xf32, #tpu.memory_space<vmem>>, vector<16xf32>,
        %min3A_276 = arith.minimumf %get3A_210, %get3A_186 : vector<16xf32>
        %swap3A_277 = arith.index_cast %squeeze3A_167 : i32 to index
        %swap3A_278 = arith.constant 64 : index
        %swap3A_279 = tpu.vector_load %arg9[%swap3A_277, %swap3A_278] {strides = array<i32>} : memref<64x128xf32, #tpu.memory_space<vmem>>, vector<16xf32>,
        tpu.vector_store %arg9[%swap3A_277, %swap3A_278], %min3A_276 {strides = array<i32>} : memref<64x128xf32, #tpu.memory_space<vmem>>, vector<16xf32>,
        %max3A_280 = arith.maximumf %get3A_234, %get3A_186 : vector<16xf32>
        %swap3A_281 = arith.index_cast %squeeze3A_167 : i32 to index
        %swap3A_282 = arith.constant 64 : index
        %swap3A_283 = tpu.vector_load %arg10[%swap3A_281, %swap3A_282] {strides = array<i32>} : memref<64x128xf32, #tpu.memory_space<vmem>>, vector<16xf32>,
        tpu.vector_store %arg10[%swap3A_281, %swap3A_282], %max3A_280 {strides = array<i32>} : memref<64x128xf32, #tpu.memory_space<vmem>>, vector<16xf32>,
        %min3A_284 = arith.minimumf %get3A_213, %get3A_189 : vector<16xf32>
        %swap3A_285 = arith.index_cast %squeeze3A_167 : i32 to index
        %swap3A_286 = arith.constant 80 : index
        %swap3A_287 = tpu.vector_load %arg9[%swap3A_285, %swap3A_286] {strides = array<i32>} : memref<64x128xf32, #tpu.memory_space<vmem>>, vector<16xf32>,
        tpu.vector_store %arg9[%swap3A_285, %swap3A_286], %min3A_284 {strides = array<i32>} : memref<64x128xf32, #tpu.memory_space<vmem>>, vector<16xf32>,
        %max3A_288 = arith.maximumf %get3A_237, %get3A_189 : vector<16xf32>
        %swap3A_289 = arith.index_cast %squeeze3A_167 : i32 to index
        %swap3A_290 = arith.constant 80 : index
        %swap3A_291 = tpu.vector_load %arg10[%swap3A_289, %swap3A_290] {strides = array<i32>} : memref<64x128xf32, #tpu.memory_space<vmem>>, vector<16xf32>,
        tpu.vector_store %arg10[%swap3A_289, %swap3A_290], %max3A_288 {strides = array<i32>} : memref<64x128xf32, #tpu.memory_space<vmem>>, vector<16xf32>,
        %min3A_292 = arith.minimumf %get3A_216, %get3A_192 : vector<16xf32>
        %swap3A_293 = arith.index_cast %squeeze3A_167 : i32 to index
        %swap3A_294 = arith.constant 96 : index
        %swap3A_295 = tpu.vector_load %arg9[%swap3A_293, %swap3A_294] {strides = array<i32>} : memref<64x128xf32, #tpu.memory_space<vmem>>, vector<16xf32>,
        tpu.vector_store %arg9[%swap3A_293, %swap3A_294], %min3A_292 {strides = array<i32>} : memref<64x128xf32, #tpu.memory_space<vmem>>, vector<16xf32>,
        %max3A_296 = arith.maximumf %get3A_240, %get3A_192 : vector<16xf32>
        %swap3A_297 = arith.index_cast %squeeze3A_167 : i32 to index
        %swap3A_298 = arith.constant 96 : index
        %swap3A_299 = tpu.vector_load %arg10[%swap3A_297, %swap3A_298] {strides = array<i32>} : memref<64x128xf32, #tpu.memory_space<vmem>>, vector<16xf32>,
        tpu.vector_store %arg10[%swap3A_297, %swap3A_298], %max3A_296 {strides = array<i32>} : memref<64x128xf32, #tpu.memory_space<vmem>>, vector<16xf32>,
        %min3A_300 = arith.minimumf %get3A_219, %get3A_195 : vector<16xf32>
        %swap3A_301 = arith.index_cast %squeeze3A_167 : i32 to index
        %swap3A_302 = arith.constant 112 : index
        %swap3A_303 = tpu.vector_load %arg9[%swap3A_301, %swap3A_302] {strides = array<i32>} : memref<64x128xf32, #tpu.memory_space<vmem>>, vector<16xf32>,
        tpu.vector_store %arg9[%swap3A_301, %swap3A_302], %min3A_300 {strides = array<i32>} : memref<64x128xf32, #tpu.memory_space<vmem>>, vector<16xf32>,
        %max3A_304 = arith.maximumf %get3A_243, %get3A_195 : vector<16xf32>
        %swap3A_305 = arith.index_cast %squeeze3A_167 : i32 to index
        %swap3A_306 = arith.constant 112 : index
        %swap3A_307 = tpu.vector_load %arg10[%swap3A_305, %swap3A_306] {strides = array<i32>} : memref<64x128xf32, #tpu.memory_space<vmem>>, vector<16xf32>,
        tpu.vector_store %arg10[%swap3A_305, %swap3A_306], %max3A_304 {strides = array<i32>} : memref<64x128xf32, #tpu.memory_space<vmem>>, vector<16xf32>,
        %slice3A_308 = vector.extract_strided_slice %gather3A {offsets = [2], sizes = [1], strides = [1]} : vector<16xi32> to vector<1xi32>
        %squeeze3A_309 = vector.extract %slice3A_308[0] : i32 from vector<1xi32>
        %mul3A_310 = arith.constant 16 : i32
        %mul3A_311 = arith.muli %scan3A_25, %mul3A_310 : i32
        %add3A_312 = arith.constant 2 : i32
        %add3A_313 = arith.addi %mul3A_311, %add3A_312 : i32
        %get3A_314 = arith.index_cast %add3A_313 : i32 to index
        %get3A_315 = arith.constant 0 : index
        %get3A_316 = tpu.vector_load %arg8[%get3A_314, %get3A_315] {strides = array<i32>} : memref<400x128xf32, #tpu.memory_space<vmem>>, vector<16xf32>,
        %get3A_317 = arith.index_cast %add3A_313 : i32 to index
        %get3A_318 = arith.constant 16 : index
        %get3A_319 = tpu.vector_load %arg8[%get3A_317, %get3A_318] {strides = array<i32>} : memref<400x128xf32, #tpu.memory_space<vmem>>, vector<16xf32>,
        %get3A_320 = arith.index_cast %add3A_313 : i32 to index
        %get3A_321 = arith.constant 32 : index
        %get3A_322 = tpu.vector_load %arg8[%get3A_320, %get3A_321] {strides = array<i32>} : memref<400x128xf32, #tpu.memory_space<vmem>>, vector<16xf32>,
        %get3A_323 = arith.index_cast %add3A_313 : i32 to index
        %get3A_324 = arith.constant 48 : index
        %get3A_325 = tpu.vector_load %arg8[%get3A_323, %get3A_324] {strides = array<i32>} : memref<400x128xf32, #tpu.memory_space<vmem>>, vector<16xf32>,
        %get3A_326 = arith.index_cast %add3A_313 : i32 to index
        %get3A_327 = arith.constant 64 : index
        %get3A_328 = tpu.vector_load %arg8[%get3A_326, %get3A_327] {strides = array<i32>} : memref<400x128xf32, #tpu.memory_space<vmem>>, vector<16xf32>,
        %get3A_329 = arith.index_cast %add3A_313 : i32 to index
        %get3A_330 = arith.constant 80 : index
        %get3A_331 = tpu.vector_load %arg8[%get3A_329, %get3A_330] {strides = array<i32>} : memref<400x128xf32, #tpu.memory_space<vmem>>, vector<16xf32>,
        %get3A_332 = arith.index_cast %add3A_313 : i32 to index
        %get3A_333 = arith.constant 96 : index
        %get3A_334 = tpu.vector_load %arg8[%get3A_332, %get3A_333] {strides = array<i32>} : memref<400x128xf32, #tpu.memory_space<vmem>>, vector<16xf32>,
        %get3A_335 = arith.index_cast %add3A_313 : i32 to index
        %get3A_336 = arith.constant 112 : index
        %get3A_337 = tpu.vector_load %arg8[%get3A_335, %get3A_336] {strides = array<i32>} : memref<400x128xf32, #tpu.memory_space<vmem>>, vector<16xf32>,
        %get3A_338 = arith.index_cast %squeeze3A_309 : i32 to index
        %get3A_339 = arith.constant 0 : index
        %get3A_340 = tpu.vector_load %arg9[%get3A_338, %get3A_339] {strides = array<i32>} : memref<64x128xf32, #tpu.memory_space<vmem>>, vector<16xf32>,
        %get3A_341 = arith.index_cast %squeeze3A_309 : i32 to index
        %get3A_342 = arith.constant 16 : index
        %get3A_343 = tpu.vector_load %arg9[%get3A_341, %get3A_342] {strides = array<i32>} : memref<64x128xf32, #tpu.memory_space<vmem>>, vector<16xf32>,
        %get3A_344 = arith.index_cast %squeeze3A_309 : i32 to index
        %get3A_345 = arith.constant 32 : index
        %get3A_346 = tpu.vector_load %arg9[%get3A_344, %get3A_345] {strides = array<i32>} : memref<64x128xf32, #tpu.memory_space<vmem>>, vector<16xf32>,
        %get3A_347 = arith.index_cast %squeeze3A_309 : i32 to index
        %get3A_348 = arith.constant 48 : index
        %get3A_349 = tpu.vector_load %arg9[%get3A_347, %get3A_348] {strides = array<i32>} : memref<64x128xf32, #tpu.memory_space<vmem>>, vector<16xf32>,
        %get3A_350 = arith.index_cast %squeeze3A_309 : i32 to index
        %get3A_351 = arith.constant 64 : index
        %get3A_352 = tpu.vector_load %arg9[%get3A_350, %get3A_351] {strides = array<i32>} : memref<64x128xf32, #tpu.memory_space<vmem>>, vector<16xf32>,
        %get3A_353 = arith.index_cast %squeeze3A_309 : i32 to index
        %get3A_354 = arith.constant 80 : index
        %get3A_355 = tpu.vector_load %arg9[%get3A_353, %get3A_354] {strides = array<i32>} : memref<64x128xf32, #tpu.memory_space<vmem>>, vector<16xf32>,
        %get3A_356 = arith.index_cast %squeeze3A_309 : i32 to index
        %get3A_357 = arith.constant 96 : index
        %get3A_358 = tpu.vector_load %arg9[%get3A_356, %get3A_357] {strides = array<i32>} : memref<64x128xf32, #tpu.memory_space<vmem>>, vector<16xf32>,
        %get3A_359 = arith.index_cast %squeeze3A_309 : i32 to index
        %get3A_360 = arith.constant 112 : index
        %get3A_361 = tpu.vector_load %arg9[%get3A_359, %get3A_360] {strides = array<i32>} : memref<64x128xf32, #tpu.memory_space<vmem>>, vector<16xf32>,
        %get3A_362 = arith.index_cast %squeeze3A_309 : i32 to index
        %get3A_363 = arith.constant 0 : index
        %get3A_364 = tpu.vector_load %arg10[%get3A_362, %get3A_363] {strides = array<i32>} : memref<64x128xf32, #tpu.memory_space<vmem>>, vector<16xf32>,
        %get3A_365 = arith.index_cast %squeeze3A_309 : i32 to index
        %get3A_366 = arith.constant 16 : index
        %get3A_367 = tpu.vector_load %arg10[%get3A_365, %get3A_366] {strides = array<i32>} : memref<64x128xf32, #tpu.memory_space<vmem>>, vector<16xf32>,
        %get3A_368 = arith.index_cast %squeeze3A_309 : i32 to index
        %get3A_369 = arith.constant 32 : index
        %get3A_370 = tpu.vector_load %arg10[%get3A_368, %get3A_369] {strides = array<i32>} : memref<64x128xf32, #tpu.memory_space<vmem>>, vector<16xf32>,
        %get3A_371 = arith.index_cast %squeeze3A_309 : i32 to index
        %get3A_372 = arith.constant 48 : index
        %get3A_373 = tpu.vector_load %arg10[%get3A_371, %get3A_372] {strides = array<i32>} : memref<64x128xf32, #tpu.memory_space<vmem>>, vector<16xf32>,
        %get3A_374 = arith.index_cast %squeeze3A_309 : i32 to index
        %get3A_375 = arith.constant 64 : index
        %get3A_376 = tpu.vector_load %arg10[%get3A_374, %get3A_375] {strides = array<i32>} : memref<64x128xf32, #tpu.memory_space<vmem>>, vector<16xf32>,
        %get3A_377 = arith.index_cast %squeeze3A_309 : i32 to index
        %get3A_378 = arith.constant 80 : index
        %get3A_379 = tpu.vector_load %arg10[%get3A_377, %get3A_378] {strides = array<i32>} : memref<64x128xf32, #tpu.memory_space<vmem>>, vector<16xf32>,
        %get3A_380 = arith.index_cast %squeeze3A_309 : i32 to index
        %get3A_381 = arith.constant 96 : index
        %get3A_382 = tpu.vector_load %arg10[%get3A_380, %get3A_381] {strides = array<i32>} : memref<64x128xf32, #tpu.memory_space<vmem>>, vector<16xf32>,
        %get3A_383 = arith.index_cast %squeeze3A_309 : i32 to index
        %get3A_384 = arith.constant 112 : index
        %get3A_385 = tpu.vector_load %arg10[%get3A_383, %get3A_384] {strides = array<i32>} : memref<64x128xf32, #tpu.memory_space<vmem>>, vector<16xf32>,
        %min3A_386 = arith.minimumf %get3A_340, %get3A_316 : vector<16xf32>
        %swap3A_387 = arith.index_cast %squeeze3A_309 : i32 to index
        %swap3A_388 = arith.constant 0 : index
        %swap3A_389 = tpu.vector_load %arg9[%swap3A_387, %swap3A_388] {strides = array<i32>} : memref<64x128xf32, #tpu.memory_space<vmem>>, vector<16xf32>,
        tpu.vector_store %arg9[%swap3A_387, %swap3A_388], %min3A_386 {strides = array<i32>} : memref<64x128xf32, #tpu.memory_space<vmem>>, vector<16xf32>,
        %max3A_390 = arith.maximumf %get3A_364, %get3A_316 : vector<16xf32>
        %swap3A_391 = arith.index_cast %squeeze3A_309 : i32 to index
        %swap3A_392 = arith.constant 0 : index
        %swap3A_393 = tpu.vector_load %arg10[%swap3A_391, %swap3A_392] {strides = array<i32>} : memref<64x128xf32, #tpu.memory_space<vmem>>, vector<16xf32>,
        tpu.vector_store %arg10[%swap3A_391, %swap3A_392], %max3A_390 {strides = array<i32>} : memref<64x128xf32, #tpu.memory_space<vmem>>, vector<16xf32>,
        %min3A_394 = arith.minimumf %get3A_343, %get3A_319 : vector<16xf32>
        %swap3A_395 = arith.index_cast %squeeze3A_309 : i32 to index
        %swap3A_396 = arith.constant 16 : index
        %swap3A_397 = tpu.vector_load %arg9[%swap3A_395, %swap3A_396] {strides = array<i32>} : memref<64x128xf32, #tpu.memory_space<vmem>>, vector<16xf32>,
        tpu.vector_store %arg9[%swap3A_395, %swap3A_396], %min3A_394 {strides = array<i32>} : memref<64x128xf32, #tpu.memory_space<vmem>>, vector<16xf32>,
        %max3A_398 = arith.maximumf %get3A_367, %get3A_319 : vector<16xf32>
        %swap3A_399 = arith.index_cast %squeeze3A_309 : i32 to index
        %swap3A_400 = arith.constant 16 : index
        %swap3A_401 = tpu.vector_load %arg10[%swap3A_399, %swap3A_400] {strides = array<i32>} : memref<64x128xf32, #tpu.memory_space<vmem>>, vector<16xf32>,
        tpu.vector_store %arg10[%swap3A_399, %swap3A_400], %max3A_398 {strides = array<i32>} : memref<64x128xf32, #tpu.memory_space<vmem>>, vector<16xf32>,
        %min3A_402 = arith.minimumf %get3A_346, %get3A_322 : vector<16xf32>
        %swap3A_403 = arith.index_cast %squeeze3A_309 : i32 to index
        %swap3A_404 = arith.constant 32 : index
        %swap3A_405 = tpu.vector_load %arg9[%swap3A_403, %swap3A_404] {strides = array<i32>} : memref<64x128xf32, #tpu.memory_space<vmem>>, vector<16xf32>,
        tpu.vector_store %arg9[%swap3A_403, %swap3A_404], %min3A_402 {strides = array<i32>} : memref<64x128xf32, #tpu.memory_space<vmem>>, vector<16xf32>,
        %max3A_406 = arith.maximumf %get3A_370, %get3A_322 : vector<16xf32>
        %swap3A_407 = arith.index_cast %squeeze3A_309 : i32 to index
        %swap3A_408 = arith.constant 32 : index
        %swap3A_409 = tpu.vector_load %arg10[%swap3A_407, %swap3A_408] {strides = array<i32>} : memref<64x128xf32, #tpu.memory_space<vmem>>, vector<16xf32>,
        tpu.vector_store %arg10[%swap3A_407, %swap3A_408], %max3A_406 {strides = array<i32>} : memref<64x128xf32, #tpu.memory_space<vmem>>, vector<16xf32>,
        %min3A_410 = arith.minimumf %get3A_349, %get3A_325 : vector<16xf32>
        %swap3A_411 = arith.index_cast %squeeze3A_309 : i32 to index
        %swap3A_412 = arith.constant 48 : index
        %swap3A_413 = tpu.vector_load %arg9[%swap3A_411, %swap3A_412] {strides = array<i32>} : memref<64x128xf32, #tpu.memory_space<vmem>>, vector<16xf32>,
        tpu.vector_store %arg9[%swap3A_411, %swap3A_412], %min3A_410 {strides = array<i32>} : memref<64x128xf32, #tpu.memory_space<vmem>>, vector<16xf32>,
        %max3A_414 = arith.maximumf %get3A_373, %get3A_325 : vector<16xf32>
        %swap3A_415 = arith.index_cast %squeeze3A_309 : i32 to index
        %swap3A_416 = arith.constant 48 : index
        %swap3A_417 = tpu.vector_load %arg10[%swap3A_415, %swap3A_416] {strides = array<i32>} : memref<64x128xf32, #tpu.memory_space<vmem>>, vector<16xf32>,
        tpu.vector_store %arg10[%swap3A_415, %swap3A_416], %max3A_414 {strides = array<i32>} : memref<64x128xf32, #tpu.memory_space<vmem>>, vector<16xf32>,
        %min3A_418 = arith.minimumf %get3A_352, %get3A_328 : vector<16xf32>
        %swap3A_419 = arith.index_cast %squeeze3A_309 : i32 to index
        %swap3A_420 = arith.constant 64 : index
        %swap3A_421 = tpu.vector_load %arg9[%swap3A_419, %swap3A_420] {strides = array<i32>} : memref<64x128xf32, #tpu.memory_space<vmem>>, vector<16xf32>,
        tpu.vector_store %arg9[%swap3A_419, %swap3A_420], %min3A_418 {strides = array<i32>} : memref<64x128xf32, #tpu.memory_space<vmem>>, vector<16xf32>,
        %max3A_422 = arith.maximumf %get3A_376, %get3A_328 : vector<16xf32>
        %swap3A_423 = arith.index_cast %squeeze3A_309 : i32 to index
        %swap3A_424 = arith.constant 64 : index
        %swap3A_425 = tpu.vector_load %arg10[%swap3A_423, %swap3A_424] {strides = array<i32>} : memref<64x128xf32, #tpu.memory_space<vmem>>, vector<16xf32>,
        tpu.vector_store %arg10[%swap3A_423, %swap3A_424], %max3A_422 {strides = array<i32>} : memref<64x128xf32, #tpu.memory_space<vmem>>, vector<16xf32>,
        %min3A_426 = arith.minimumf %get3A_355, %get3A_331 : vector<16xf32>
        %swap3A_427 = arith.index_cast %squeeze3A_309 : i32 to index
        %swap3A_428 = arith.constant 80 : index
        %swap3A_429 = tpu.vector_load %arg9[%swap3A_427, %swap3A_428] {strides = array<i32>} : memref<64x128xf32, #tpu.memory_space<vmem>>, vector<16xf32>,
        tpu.vector_store %arg9[%swap3A_427, %swap3A_428], %min3A_426 {strides = array<i32>} : memref<64x128xf32, #tpu.memory_space<vmem>>, vector<16xf32>,
        %max3A_430 = arith.maximumf %get3A_379, %get3A_331 : vector<16xf32>
        %swap3A_431 = arith.index_cast %squeeze3A_309 : i32 to index
        %swap3A_432 = arith.constant 80 : index
        %swap3A_433 = tpu.vector_load %arg10[%swap3A_431, %swap3A_432] {strides = array<i32>} : memref<64x128xf32, #tpu.memory_space<vmem>>, vector<16xf32>,
        tpu.vector_store %arg10[%swap3A_431, %swap3A_432], %max3A_430 {strides = array<i32>} : memref<64x128xf32, #tpu.memory_space<vmem>>, vector<16xf32>,
        %min3A_434 = arith.minimumf %get3A_358, %get3A_334 : vector<16xf32>
        %swap3A_435 = arith.index_cast %squeeze3A_309 : i32 to index
        %swap3A_436 = arith.constant 96 : index
        %swap3A_437 = tpu.vector_load %arg9[%swap3A_435, %swap3A_436] {strides = array<i32>} : memref<64x128xf32, #tpu.memory_space<vmem>>, vector<16xf32>,
        tpu.vector_store %arg9[%swap3A_435, %swap3A_436], %min3A_434 {strides = array<i32>} : memref<64x128xf32, #tpu.memory_space<vmem>>, vector<16xf32>,
        %max3A_438 = arith.maximumf %get3A_382, %get3A_334 : vector<16xf32>
        %swap3A_439 = arith.index_cast %squeeze3A_309 : i32 to index
        %swap3A_440 = arith.constant 96 : index
        %swap3A_441 = tpu.vector_load %arg10[%swap3A_439, %swap3A_440] {strides = array<i32>} : memref<64x128xf32, #tpu.memory_space<vmem>>, vector<16xf32>,
        tpu.vector_store %arg10[%swap3A_439, %swap3A_440], %max3A_438 {strides = array<i32>} : memref<64x128xf32, #tpu.memory_space<vmem>>, vector<16xf32>,
        %min3A_442 = arith.minimumf %get3A_361, %get3A_337 : vector<16xf32>
        %swap3A_443 = arith.index_cast %squeeze3A_309 : i32 to index
        %swap3A_444 = arith.constant 112 : index
        %swap3A_445 = tpu.vector_load %arg9[%swap3A_443, %swap3A_444] {strides = array<i32>} : memref<64x128xf32, #tpu.memory_space<vmem>>, vector<16xf32>,
        tpu.vector_store %arg9[%swap3A_443, %swap3A_444], %min3A_442 {strides = array<i32>} : memref<64x128xf32, #tpu.memory_space<vmem>>, vector<16xf32>,
        %max3A_446 = arith.maximumf %get3A_385, %get3A_337 : vector<16xf32>
        %swap3A_447 = arith.index_cast %squeeze3A_309 : i32 to index
        %swap3A_448 = arith.constant 112 : index
        %swap3A_449 = tpu.vector_load %arg10[%swap3A_447, %swap3A_448] {strides = array<i32>} : memref<64x128xf32, #tpu.memory_space<vmem>>, vector<16xf32>,
        tpu.vector_store %arg10[%swap3A_447, %swap3A_448], %max3A_446 {strides = array<i32>} : memref<64x128xf32, #tpu.memory_space<vmem>>, vector<16xf32>,
        %slice3A_450 = vector.extract_strided_slice %gather3A {offsets = [3], sizes = [1], strides = [1]} : vector<16xi32> to vector<1xi32>
        %squeeze3A_451 = vector.extract %slice3A_450[0] : i32 from vector<1xi32>
        %mul3A_452 = arith.constant 16 : i32
        %mul3A_453 = arith.muli %scan3A_25, %mul3A_452 : i32
        %add3A_454 = arith.constant 3 : i32
        %add3A_455 = arith.addi %mul3A_453, %add3A_454 : i32
        %get3A_456 = arith.index_cast %add3A_455 : i32 to index
        %get3A_457 = arith.constant 0 : index
        %get3A_458 = tpu.vector_load %arg8[%get3A_456, %get3A_457] {strides = array<i32>} : memref<400x128xf32, #tpu.memory_space<vmem>>, vector<16xf32>,
        %get3A_459 = arith.index_cast %add3A_455 : i32 to index
        %get3A_460 = arith.constant 16 : index
        %get3A_461 = tpu.vector_load %arg8[%get3A_459, %get3A_460] {strides = array<i32>} : memref<400x128xf32, #tpu.memory_space<vmem>>, vector<16xf32>,
        %get3A_462 = arith.index_cast %add3A_455 : i32 to index
        %get3A_463 = arith.constant 32 : index
        %get3A_464 = tpu.vector_load %arg8[%get3A_462, %get3A_463] {strides = array<i32>} : memref<400x128xf32, #tpu.memory_space<vmem>>, vector<16xf32>,
        %get3A_465 = arith.index_cast %add3A_455 : i32 to index
        %get3A_466 = arith.constant 48 : index
        %get3A_467 = tpu.vector_load %arg8[%get3A_465, %get3A_466] {strides = array<i32>} : memref<400x128xf32, #tpu.memory_space<vmem>>, vector<16xf32>,
        %get3A_468 = arith.index_cast %add3A_455 : i32 to index
        %get3A_469 = arith.constant 64 : index
        %get3A_470 = tpu.vector_load %arg8[%get3A_468, %get3A_469] {strides = array<i32>} : memref<400x128xf32, #tpu.memory_space<vmem>>, vector<16xf32>,
        %get3A_471 = arith.index_cast %add3A_455 : i32 to index
        %get3A_472 = arith.constant 80 : index
        %get3A_473 = tpu.vector_load %arg8[%get3A_471, %get3A_472] {strides = array<i32>} : memref<400x128xf32, #tpu.memory_space<vmem>>, vector<16xf32>,
        %get3A_474 = arith.index_cast %add3A_455 : i32 to index
        %get3A_475 = arith.constant 96 : index
        %get3A_476 = tpu.vector_load %arg8[%get3A_474, %get3A_475] {strides = array<i32>} : memref<400x128xf32, #tpu.memory_space<vmem>>, vector<16xf32>,
        %get3A_477 = arith.index_cast %add3A_455 : i32 to index
        %get3A_478 = arith.constant 112 : index
        %get3A_479 = tpu.vector_load %arg8[%get3A_477, %get3A_478] {strides = array<i32>} : memref<400x128xf32, #tpu.memory_space<vmem>>, vector<16xf32>,
        %get3A_480 = arith.index_cast %squeeze3A_451 : i32 to index
        %get3A_481 = arith.constant 0 : index
        %get3A_482 = tpu.vector_load %arg9[%get3A_480, %get3A_481] {strides = array<i32>} : memref<64x128xf32, #tpu.memory_space<vmem>>, vector<16xf32>,
        %get3A_483 = arith.index_cast %squeeze3A_451 : i32 to index
        %get3A_484 = arith.constant 16 : index
        %get3A_485 = tpu.vector_load %arg9[%get3A_483, %get3A_484] {strides = array<i32>} : memref<64x128xf32, #tpu.memory_space<vmem>>, vector<16xf32>,
        %get3A_486 = arith.index_cast %squeeze3A_451 : i32 to index
        %get3A_487 = arith.constant 32 : index
        %get3A_488 = tpu.vector_load %arg9[%get3A_486, %get3A_487] {strides = array<i32>} : memref<64x128xf32, #tpu.memory_space<vmem>>, vector<16xf32>,
        %get3A_489 = arith.index_cast %squeeze3A_451 : i32 to index
        %get3A_490 = arith.constant 48 : index
        %get3A_491 = tpu.vector_load %arg9[%get3A_489, %get3A_490] {strides = array<i32>} : memref<64x128xf32, #tpu.memory_space<vmem>>, vector<16xf32>,
        %get3A_492 = arith.index_cast %squeeze3A_451 : i32 to index
        %get3A_493 = arith.constant 64 : index
        %get3A_494 = tpu.vector_load %arg9[%get3A_492, %get3A_493] {strides = array<i32>} : memref<64x128xf32, #tpu.memory_space<vmem>>, vector<16xf32>,
        %get3A_495 = arith.index_cast %squeeze3A_451 : i32 to index
        %get3A_496 = arith.constant 80 : index
        %get3A_497 = tpu.vector_load %arg9[%get3A_495, %get3A_496] {strides = array<i32>} : memref<64x128xf32, #tpu.memory_space<vmem>>, vector<16xf32>,
        %get3A_498 = arith.index_cast %squeeze3A_451 : i32 to index
        %get3A_499 = arith.constant 96 : index
        %get3A_500 = tpu.vector_load %arg9[%get3A_498, %get3A_499] {strides = array<i32>} : memref<64x128xf32, #tpu.memory_space<vmem>>, vector<16xf32>,
        %get3A_501 = arith.index_cast %squeeze3A_451 : i32 to index
        %get3A_502 = arith.constant 112 : index
        %get3A_503 = tpu.vector_load %arg9[%get3A_501, %get3A_502] {strides = array<i32>} : memref<64x128xf32, #tpu.memory_space<vmem>>, vector<16xf32>,
        %get3A_504 = arith.index_cast %squeeze3A_451 : i32 to index
        %get3A_505 = arith.constant 0 : index
        %get3A_506 = tpu.vector_load %arg10[%get3A_504, %get3A_505] {strides = array<i32>} : memref<64x128xf32, #tpu.memory_space<vmem>>, vector<16xf32>,
        %get3A_507 = arith.index_cast %squeeze3A_451 : i32 to index
        %get3A_508 = arith.constant 16 : index
        %get3A_509 = tpu.vector_load %arg10[%get3A_507, %get3A_508] {strides = array<i32>} : memref<64x128xf32, #tpu.memory_space<vmem>>, vector<16xf32>,
        %get3A_510 = arith.index_cast %squeeze3A_451 : i32 to index
        %get3A_511 = arith.constant 32 : index
        %get3A_512 = tpu.vector_load %arg10[%get3A_510, %get3A_511] {strides = array<i32>} : memref<64x128xf32, #tpu.memory_space<vmem>>, vector<16xf32>,
        %get3A_513 = arith.index_cast %squeeze3A_451 : i32 to index
        %get3A_514 = arith.constant 48 : index
        %get3A_515 = tpu.vector_load %arg10[%get3A_513, %get3A_514] {strides = array<i32>} : memref<64x128xf32, #tpu.memory_space<vmem>>, vector<16xf32>,
        %get3A_516 = arith.index_cast %squeeze3A_451 : i32 to index
        %get3A_517 = arith.constant 64 : index
        %get3A_518 = tpu.vector_load %arg10[%get3A_516, %get3A_517] {strides = array<i32>} : memref<64x128xf32, #tpu.memory_space<vmem>>, vector<16xf32>,
        %get3A_519 = arith.index_cast %squeeze3A_451 : i32 to index
        %get3A_520 = arith.constant 80 : index
        %get3A_521 = tpu.vector_load %arg10[%get3A_519, %get3A_520] {strides = array<i32>} : memref<64x128xf32, #tpu.memory_space<vmem>>, vector<16xf32>,
        %get3A_522 = arith.index_cast %squeeze3A_451 : i32 to index
        %get3A_523 = arith.constant 96 : index
        %get3A_524 = tpu.vector_load %arg10[%get3A_522, %get3A_523] {strides = array<i32>} : memref<64x128xf32, #tpu.memory_space<vmem>>, vector<16xf32>,
        %get3A_525 = arith.index_cast %squeeze3A_451 : i32 to index
        %get3A_526 = arith.constant 112 : index
        %get3A_527 = tpu.vector_load %arg10[%get3A_525, %get3A_526] {strides = array<i32>} : memref<64x128xf32, #tpu.memory_space<vmem>>, vector<16xf32>,
        %min3A_528 = arith.minimumf %get3A_482, %get3A_458 : vector<16xf32>
        %swap3A_529 = arith.index_cast %squeeze3A_451 : i32 to index
        %swap3A_530 = arith.constant 0 : index
        %swap3A_531 = tpu.vector_load %arg9[%swap3A_529, %swap3A_530] {strides = array<i32>} : memref<64x128xf32, #tpu.memory_space<vmem>>, vector<16xf32>,
        tpu.vector_store %arg9[%swap3A_529, %swap3A_530], %min3A_528 {strides = array<i32>} : memref<64x128xf32, #tpu.memory_space<vmem>>, vector<16xf32>,
        %max3A_532 = arith.maximumf %get3A_506, %get3A_458 : vector<16xf32>
        %swap3A_533 = arith.index_cast %squeeze3A_451 : i32 to index
        %swap3A_534 = arith.constant 0 : index
        %swap3A_535 = tpu.vector_load %arg10[%swap3A_533, %swap3A_534] {strides = array<i32>} : memref<64x128xf32, #tpu.memory_space<vmem>>, vector<16xf32>,
        tpu.vector_store %arg10[%swap3A_533, %swap3A_534], %max3A_532 {strides = array<i32>} : memref<64x128xf32, #tpu.memory_space<vmem>>, vector<16xf32>,
        %min3A_536 = arith.minimumf %get3A_485, %get3A_461 : vector<16xf32>
        %swap3A_537 = arith.index_cast %squeeze3A_451 : i32 to index
        %swap3A_538 = arith.constant 16 : index
        %swap3A_539 = tpu.vector_load %arg9[%swap3A_537, %swap3A_538] {strides = array<i32>} : memref<64x128xf32, #tpu.memory_space<vmem>>, vector<16xf32>,
        tpu.vector_store %arg9[%swap3A_537, %swap3A_538], %min3A_536 {strides = array<i32>} : memref<64x128xf32, #tpu.memory_space<vmem>>, vector<16xf32>,
        %max3A_540 = arith.maximumf %get3A_509, %get3A_461 : vector<16xf32>
        %swap3A_541 = arith.index_cast %squeeze3A_451 : i32 to index
        %swap3A_542 = arith.constant 16 : index
        %swap3A_543 = tpu.vector_load %arg10[%swap3A_541, %swap3A_542] {strides = array<i32>} : memref<64x128xf32, #tpu.memory_space<vmem>>, vector<16xf32>,
        tpu.vector_store %arg10[%swap3A_541, %swap3A_542], %max3A_540 {strides = array<i32>} : memref<64x128xf32, #tpu.memory_space<vmem>>, vector<16xf32>,
        %min3A_544 = arith.minimumf %get3A_488, %get3A_464 : vector<16xf32>
        %swap3A_545 = arith.index_cast %squeeze3A_451 : i32 to index
        %swap3A_546 = arith.constant 32 : index
        %swap3A_547 = tpu.vector_load %arg9[%swap3A_545, %swap3A_546] {strides = array<i32>} : memref<64x128xf32, #tpu.memory_space<vmem>>, vector<16xf32>,
        tpu.vector_store %arg9[%swap3A_545, %swap3A_546], %min3A_544 {strides = array<i32>} : memref<64x128xf32, #tpu.memory_space<vmem>>, vector<16xf32>,
        %max3A_548 = arith.maximumf %get3A_512, %get3A_464 : vector<16xf32>
        %swap3A_549 = arith.index_cast %squeeze3A_451 : i32 to index
        %swap3A_550 = arith.constant 32 : index
        %swap3A_551 = tpu.vector_load %arg10[%swap3A_549, %swap3A_550] {strides = array<i32>} : memref<64x128xf32, #tpu.memory_space<vmem>>, vector<16xf32>,
        tpu.vector_store %arg10[%swap3A_549, %swap3A_550], %max3A_548 {strides = array<i32>} : memref<64x128xf32, #tpu.memory_space<vmem>>, vector<16xf32>,
        %min3A_552 = arith.minimumf %get3A_491, %get3A_467 : vector<16xf32>
        %swap3A_553 = arith.index_cast %squeeze3A_451 : i32 to index
        %swap3A_554 = arith.constant 48 : index
        %swap3A_555 = tpu.vector_load %arg9[%swap3A_553, %swap3A_554] {strides = array<i32>} : memref<64x128xf32, #tpu.memory_space<vmem>>, vector<16xf32>,
        tpu.vector_store %arg9[%swap3A_553, %swap3A_554], %min3A_552 {strides = array<i32>} : memref<64x128xf32, #tpu.memory_space<vmem>>, vector<16xf32>,
        %max3A_556 = arith.maximumf %get3A_515, %get3A_467 : vector<16xf32>
        %swap3A_557 = arith.index_cast %squeeze3A_451 : i32 to index
        %swap3A_558 = arith.constant 48 : index
        %swap3A_559 = tpu.vector_load %arg10[%swap3A_557, %swap3A_558] {strides = array<i32>} : memref<64x128xf32, #tpu.memory_space<vmem>>, vector<16xf32>,
        tpu.vector_store %arg10[%swap3A_557, %swap3A_558], %max3A_556 {strides = array<i32>} : memref<64x128xf32, #tpu.memory_space<vmem>>, vector<16xf32>,
        %min3A_560 = arith.minimumf %get3A_494, %get3A_470 : vector<16xf32>
        %swap3A_561 = arith.index_cast %squeeze3A_451 : i32 to index
        %swap3A_562 = arith.constant 64 : index
        %swap3A_563 = tpu.vector_load %arg9[%swap3A_561, %swap3A_562] {strides = array<i32>} : memref<64x128xf32, #tpu.memory_space<vmem>>, vector<16xf32>,
        tpu.vector_store %arg9[%swap3A_561, %swap3A_562], %min3A_560 {strides = array<i32>} : memref<64x128xf32, #tpu.memory_space<vmem>>, vector<16xf32>,
        %max3A_564 = arith.maximumf %get3A_518, %get3A_470 : vector<16xf32>
        %swap3A_565 = arith.index_cast %squeeze3A_451 : i32 to index
        %swap3A_566 = arith.constant 64 : index
        %swap3A_567 = tpu.vector_load %arg10[%swap3A_565, %swap3A_566] {strides = array<i32>} : memref<64x128xf32, #tpu.memory_space<vmem>>, vector<16xf32>,
        tpu.vector_store %arg10[%swap3A_565, %swap3A_566], %max3A_564 {strides = array<i32>} : memref<64x128xf32, #tpu.memory_space<vmem>>, vector<16xf32>,
        %min3A_568 = arith.minimumf %get3A_497, %get3A_473 : vector<16xf32>
        %swap3A_569 = arith.index_cast %squeeze3A_451 : i32 to index
        %swap3A_570 = arith.constant 80 : index
        %swap3A_571 = tpu.vector_load %arg9[%swap3A_569, %swap3A_570] {strides = array<i32>} : memref<64x128xf32, #tpu.memory_space<vmem>>, vector<16xf32>,
        tpu.vector_store %arg9[%swap3A_569, %swap3A_570], %min3A_568 {strides = array<i32>} : memref<64x128xf32, #tpu.memory_space<vmem>>, vector<16xf32>,
        %max3A_572 = arith.maximumf %get3A_521, %get3A_473 : vector<16xf32>
        %swap3A_573 = arith.index_cast %squeeze3A_451 : i32 to index
        %swap3A_574 = arith.constant 80 : index
        %swap3A_575 = tpu.vector_load %arg10[%swap3A_573, %swap3A_574] {strides = array<i32>} : memref<64x128xf32, #tpu.memory_space<vmem>>, vector<16xf32>,
        tpu.vector_store %arg10[%swap3A_573, %swap3A_574], %max3A_572 {strides = array<i32>} : memref<64x128xf32, #tpu.memory_space<vmem>>, vector<16xf32>,
        %min3A_576 = arith.minimumf %get3A_500, %get3A_476 : vector<16xf32>
        %swap3A_577 = arith.index_cast %squeeze3A_451 : i32 to index
        %swap3A_578 = arith.constant 96 : index
        %swap3A_579 = tpu.vector_load %arg9[%swap3A_577, %swap3A_578] {strides = array<i32>} : memref<64x128xf32, #tpu.memory_space<vmem>>, vector<16xf32>,
        tpu.vector_store %arg9[%swap3A_577, %swap3A_578], %min3A_576 {strides = array<i32>} : memref<64x128xf32, #tpu.memory_space<vmem>>, vector<16xf32>,
        %max3A_580 = arith.maximumf %get3A_524, %get3A_476 : vector<16xf32>
        %swap3A_581 = arith.index_cast %squeeze3A_451 : i32 to index
        %swap3A_582 = arith.constant 96 : index
        %swap3A_583 = tpu.vector_load %arg10[%swap3A_581, %swap3A_582] {strides = array<i32>} : memref<64x128xf32, #tpu.memory_space<vmem>>, vector<16xf32>,
        tpu.vector_store %arg10[%swap3A_581, %swap3A_582], %max3A_580 {strides = array<i32>} : memref<64x128xf32, #tpu.memory_space<vmem>>, vector<16xf32>,
        %min3A_584 = arith.minimumf %get3A_503, %get3A_479 : vector<16xf32>
        %swap3A_585 = arith.index_cast %squeeze3A_451 : i32 to index
        %swap3A_586 = arith.constant 112 : index
        %swap3A_587 = tpu.vector_load %arg9[%swap3A_585, %swap3A_586] {strides = array<i32>} : memref<64x128xf32, #tpu.memory_space<vmem>>, vector<16xf32>,
        tpu.vector_store %arg9[%swap3A_585, %swap3A_586], %min3A_584 {strides = array<i32>} : memref<64x128xf32, #tpu.memory_space<vmem>>, vector<16xf32>,
        %max3A_588 = arith.maximumf %get3A_527, %get3A_479 : vector<16xf32>
        %swap3A_589 = arith.index_cast %squeeze3A_451 : i32 to index
        %swap3A_590 = arith.constant 112 : index
        %swap3A_591 = tpu.vector_load %arg10[%swap3A_589, %swap3A_590] {strides = array<i32>} : memref<64x128xf32, #tpu.memory_space<vmem>>, vector<16xf32>,
        tpu.vector_store %arg10[%swap3A_589, %swap3A_590], %max3A_588 {strides = array<i32>} : memref<64x128xf32, #tpu.memory_space<vmem>>, vector<16xf32>,
        %slice3A_592 = vector.extract_strided_slice %gather3A {offsets = [4], sizes = [1], strides = [1]} : vector<16xi32> to vector<1xi32>
        %squeeze3A_593 = vector.extract %slice3A_592[0] : i32 from vector<1xi32>
        %mul3A_594 = arith.constant 16 : i32
        %mul3A_595 = arith.muli %scan3A_25, %mul3A_594 : i32
        %add3A_596 = arith.constant 4 : i32
        %add3A_597 = arith.addi %mul3A_595, %add3A_596 : i32
        %get3A_598 = arith.index_cast %add3A_597 : i32 to index
        %get3A_599 = arith.constant 0 : index
        %get3A_600 = tpu.vector_load %arg8[%get3A_598, %get3A_599] {strides = array<i32>} : memref<400x128xf32, #tpu.memory_space<vmem>>, vector<16xf32>,
        %get3A_601 = arith.index_cast %add3A_597 : i32 to index
        %get3A_602 = arith.constant 16 : index
        %get3A_603 = tpu.vector_load %arg8[%get3A_601, %get3A_602] {strides = array<i32>} : memref<400x128xf32, #tpu.memory_space<vmem>>, vector<16xf32>,
        %get3A_604 = arith.index_cast %add3A_597 : i32 to index
        %get3A_605 = arith.constant 32 : index
        %get3A_606 = tpu.vector_load %arg8[%get3A_604, %get3A_605] {strides = array<i32>} : memref<400x128xf32, #tpu.memory_space<vmem>>, vector<16xf32>,
        %get3A_607 = arith.index_cast %add3A_597 : i32 to index
        %get3A_608 = arith.constant 48 : index
        %get3A_609 = tpu.vector_load %arg8[%get3A_607, %get3A_608] {strides = array<i32>} : memref<400x128xf32, #tpu.memory_space<vmem>>, vector<16xf32>,
        %get3A_610 = arith.index_cast %add3A_597 : i32 to index
        %get3A_611 = arith.constant 64 : index
        %get3A_612 = tpu.vector_load %arg8[%get3A_610, %get3A_611] {strides = array<i32>} : memref<400x128xf32, #tpu.memory_space<vmem>>, vector<16xf32>,
        %get3A_613 = arith.index_cast %add3A_597 : i32 to index
        %get3A_614 = arith.constant 80 : index
        %get3A_615 = tpu.vector_load %arg8[%get3A_613, %get3A_614] {strides = array<i32>} : memref<400x128xf32, #tpu.memory_space<vmem>>, vector<16xf32>,
        %get3A_616 = arith.index_cast %add3A_597 : i32 to index
        %get3A_617 = arith.constant 96 : index
        %get3A_618 = tpu.vector_load %arg8[%get3A_616, %get3A_617] {strides = array<i32>} : memref<400x128xf32, #tpu.memory_space<vmem>>, vector<16xf32>,
        %get3A_619 = arith.index_cast %add3A_597 : i32 to index
        %get3A_620 = arith.constant 112 : index
        %get3A_621 = tpu.vector_load %arg8[%get3A_619, %get3A_620] {strides = array<i32>} : memref<400x128xf32, #tpu.memory_space<vmem>>, vector<16xf32>,
        %get3A_622 = arith.index_cast %squeeze3A_593 : i32 to index
        %get3A_623 = arith.constant 0 : index
        %get3A_624 = tpu.vector_load %arg9[%get3A_622, %get3A_623] {strides = array<i32>} : memref<64x128xf32, #tpu.memory_space<vmem>>, vector<16xf32>,
        %get3A_625 = arith.index_cast %squeeze3A_593 : i32 to index
        %get3A_626 = arith.constant 16 : index
        %get3A_627 = tpu.vector_load %arg9[%get3A_625, %get3A_626] {strides = array<i32>} : memref<64x128xf32, #tpu.memory_space<vmem>>, vector<16xf32>,
        %get3A_628 = arith.index_cast %squeeze3A_593 : i32 to index
        %get3A_629 = arith.constant 32 : index
        %get3A_630 = tpu.vector_load %arg9[%get3A_628, %get3A_629] {strides = array<i32>} : memref<64x128xf32, #tpu.memory_space<vmem>>, vector<16xf32>,
        %get3A_631 = arith.index_cast %squeeze3A_593 : i32 to index
        %get3A_632 = arith.constant 48 : index
        %get3A_633 = tpu.vector_load %arg9[%get3A_631, %get3A_632] {strides = array<i32>} : memref<64x128xf32, #tpu.memory_space<vmem>>, vector<16xf32>,
        %get3A_634 = arith.index_cast %squeeze3A_593 : i32 to index
        %get3A_635 = arith.constant 64 : index
        %get3A_636 = tpu.vector_load %arg9[%get3A_634, %get3A_635] {strides = array<i32>} : memref<64x128xf32, #tpu.memory_space<vmem>>, vector<16xf32>,
        %get3A_637 = arith.index_cast %squeeze3A_593 : i32 to index
        %get3A_638 = arith.constant 80 : index
        %get3A_639 = tpu.vector_load %arg9[%get3A_637, %get3A_638] {strides = array<i32>} : memref<64x128xf32, #tpu.memory_space<vmem>>, vector<16xf32>,
        %get3A_640 = arith.index_cast %squeeze3A_593 : i32 to index
        %get3A_641 = arith.constant 96 : index
        %get3A_642 = tpu.vector_load %arg9[%get3A_640, %get3A_641] {strides = array<i32>} : memref<64x128xf32, #tpu.memory_space<vmem>>, vector<16xf32>,
        %get3A_643 = arith.index_cast %squeeze3A_593 : i32 to index
        %get3A_644 = arith.constant 112 : index
        %get3A_645 = tpu.vector_load %arg9[%get3A_643, %get3A_644] {strides = array<i32>} : memref<64x128xf32, #tpu.memory_space<vmem>>, vector<16xf32>,
        %get3A_646 = arith.index_cast %squeeze3A_593 : i32 to index
        %get3A_647 = arith.constant 0 : index
        %get3A_648 = tpu.vector_load %arg10[%get3A_646, %get3A_647] {strides = array<i32>} : memref<64x128xf32, #tpu.memory_space<vmem>>, vector<16xf32>,
        %get3A_649 = arith.index_cast %squeeze3A_593 : i32 to index
        %get3A_650 = arith.constant 16 : index
        %get3A_651 = tpu.vector_load %arg10[%get3A_649, %get3A_650] {strides = array<i32>} : memref<64x128xf32, #tpu.memory_space<vmem>>, vector<16xf32>,
        %get3A_652 = arith.index_cast %squeeze3A_593 : i32 to index
        %get3A_653 = arith.constant 32 : index
        %get3A_654 = tpu.vector_load %arg10[%get3A_652, %get3A_653] {strides = array<i32>} : memref<64x128xf32, #tpu.memory_space<vmem>>, vector<16xf32>,
        %get3A_655 = arith.index_cast %squeeze3A_593 : i32 to index
        %get3A_656 = arith.constant 48 : index
        %get3A_657 = tpu.vector_load %arg10[%get3A_655, %get3A_656] {strides = array<i32>} : memref<64x128xf32, #tpu.memory_space<vmem>>, vector<16xf32>,
        %get3A_658 = arith.index_cast %squeeze3A_593 : i32 to index
        %get3A_659 = arith.constant 64 : index
        %get3A_660 = tpu.vector_load %arg10[%get3A_658, %get3A_659] {strides = array<i32>} : memref<64x128xf32, #tpu.memory_space<vmem>>, vector<16xf32>,
        %get3A_661 = arith.index_cast %squeeze3A_593 : i32 to index
        %get3A_662 = arith.constant 80 : index
        %get3A_663 = tpu.vector_load %arg10[%get3A_661, %get3A_662] {strides = array<i32>} : memref<64x128xf32, #tpu.memory_space<vmem>>, vector<16xf32>,
        %get3A_664 = arith.index_cast %squeeze3A_593 : i32 to index
        %get3A_665 = arith.constant 96 : index
        %get3A_666 = tpu.vector_load %arg10[%get3A_664, %get3A_665] {strides = array<i32>} : memref<64x128xf32, #tpu.memory_space<vmem>>, vector<16xf32>,
        %get3A_667 = arith.index_cast %squeeze3A_593 : i32 to index
        %get3A_668 = arith.constant 112 : index
        %get3A_669 = tpu.vector_load %arg10[%get3A_667, %get3A_668] {strides = array<i32>} : memref<64x128xf32, #tpu.memory_space<vmem>>, vector<16xf32>,
        %min3A_670 = arith.minimumf %get3A_624, %get3A_600 : vector<16xf32>
        %swap3A_671 = arith.index_cast %squeeze3A_593 : i32 to index
        %swap3A_672 = arith.constant 0 : index
        %swap3A_673 = tpu.vector_load %arg9[%swap3A_671, %swap3A_672] {strides = array<i32>} : memref<64x128xf32, #tpu.memory_space<vmem>>, vector<16xf32>,
        tpu.vector_store %arg9[%swap3A_671, %swap3A_672], %min3A_670 {strides = array<i32>} : memref<64x128xf32, #tpu.memory_space<vmem>>, vector<16xf32>,
        %max3A_674 = arith.maximumf %get3A_648, %get3A_600 : vector<16xf32>
        %swap3A_675 = arith.index_cast %squeeze3A_593 : i32 to index
        %swap3A_676 = arith.constant 0 : index
        %swap3A_677 = tpu.vector_load %arg10[%swap3A_675, %swap3A_676] {strides = array<i32>} : memref<64x128xf32, #tpu.memory_space<vmem>>, vector<16xf32>,
        tpu.vector_store %arg10[%swap3A_675, %swap3A_676], %max3A_674 {strides = array<i32>} : memref<64x128xf32, #tpu.memory_space<vmem>>, vector<16xf32>,
        %min3A_678 = arith.minimumf %get3A_627, %get3A_603 : vector<16xf32>
        %swap3A_679 = arith.index_cast %squeeze3A_593 : i32 to index
        %swap3A_680 = arith.constant 16 : index
        %swap3A_681 = tpu.vector_load %arg9[%swap3A_679, %swap3A_680] {strides = array<i32>} : memref<64x128xf32, #tpu.memory_space<vmem>>, vector<16xf32>,
        tpu.vector_store %arg9[%swap3A_679, %swap3A_680], %min3A_678 {strides = array<i32>} : memref<64x128xf32, #tpu.memory_space<vmem>>, vector<16xf32>,
        %max3A_682 = arith.maximumf %get3A_651, %get3A_603 : vector<16xf32>
        %swap3A_683 = arith.index_cast %squeeze3A_593 : i32 to index
        %swap3A_684 = arith.constant 16 : index
        %swap3A_685 = tpu.vector_load %arg10[%swap3A_683, %swap3A_684] {strides = array<i32>} : memref<64x128xf32, #tpu.memory_space<vmem>>, vector<16xf32>,
        tpu.vector_store %arg10[%swap3A_683, %swap3A_684], %max3A_682 {strides = array<i32>} : memref<64x128xf32, #tpu.memory_space<vmem>>, vector<16xf32>,
        %min3A_686 = arith.minimumf %get3A_630, %get3A_606 : vector<16xf32>
        %swap3A_687 = arith.index_cast %squeeze3A_593 : i32 to index
        %swap3A_688 = arith.constant 32 : index
        %swap3A_689 = tpu.vector_load %arg9[%swap3A_687, %swap3A_688] {strides = array<i32>} : memref<64x128xf32, #tpu.memory_space<vmem>>, vector<16xf32>,
        tpu.vector_store %arg9[%swap3A_687, %swap3A_688], %min3A_686 {strides = array<i32>} : memref<64x128xf32, #tpu.memory_space<vmem>>, vector<16xf32>,
        %max3A_690 = arith.maximumf %get3A_654, %get3A_606 : vector<16xf32>
        %swap3A_691 = arith.index_cast %squeeze3A_593 : i32 to index
        %swap3A_692 = arith.constant 32 : index
        %swap3A_693 = tpu.vector_load %arg10[%swap3A_691, %swap3A_692] {strides = array<i32>} : memref<64x128xf32, #tpu.memory_space<vmem>>, vector<16xf32>,
        tpu.vector_store %arg10[%swap3A_691, %swap3A_692], %max3A_690 {strides = array<i32>} : memref<64x128xf32, #tpu.memory_space<vmem>>, vector<16xf32>,
        %min3A_694 = arith.minimumf %get3A_633, %get3A_609 : vector<16xf32>
        %swap3A_695 = arith.index_cast %squeeze3A_593 : i32 to index
        %swap3A_696 = arith.constant 48 : index
        %swap3A_697 = tpu.vector_load %arg9[%swap3A_695, %swap3A_696] {strides = array<i32>} : memref<64x128xf32, #tpu.memory_space<vmem>>, vector<16xf32>,
        tpu.vector_store %arg9[%swap3A_695, %swap3A_696], %min3A_694 {strides = array<i32>} : memref<64x128xf32, #tpu.memory_space<vmem>>, vector<16xf32>,
        %max3A_698 = arith.maximumf %get3A_657, %get3A_609 : vector<16xf32>
        %swap3A_699 = arith.index_cast %squeeze3A_593 : i32 to index
        %swap3A_700 = arith.constant 48 : index
        %swap3A_701 = tpu.vector_load %arg10[%swap3A_699, %swap3A_700] {strides = array<i32>} : memref<64x128xf32, #tpu.memory_space<vmem>>, vector<16xf32>,
        tpu.vector_store %arg10[%swap3A_699, %swap3A_700], %max3A_698 {strides = array<i32>} : memref<64x128xf32, #tpu.memory_space<vmem>>, vector<16xf32>,
        %min3A_702 = arith.minimumf %get3A_636, %get3A_612 : vector<16xf32>
        %swap3A_703 = arith.index_cast %squeeze3A_593 : i32 to index
        %swap3A_704 = arith.constant 64 : index
        %swap3A_705 = tpu.vector_load %arg9[%swap3A_703, %swap3A_704] {strides = array<i32>} : memref<64x128xf32, #tpu.memory_space<vmem>>, vector<16xf32>,
        tpu.vector_store %arg9[%swap3A_703, %swap3A_704], %min3A_702 {strides = array<i32>} : memref<64x128xf32, #tpu.memory_space<vmem>>, vector<16xf32>,
        %max3A_706 = arith.maximumf %get3A_660, %get3A_612 : vector<16xf32>
        %swap3A_707 = arith.index_cast %squeeze3A_593 : i32 to index
        %swap3A_708 = arith.constant 64 : index
        %swap3A_709 = tpu.vector_load %arg10[%swap3A_707, %swap3A_708] {strides = array<i32>} : memref<64x128xf32, #tpu.memory_space<vmem>>, vector<16xf32>,
        tpu.vector_store %arg10[%swap3A_707, %swap3A_708], %max3A_706 {strides = array<i32>} : memref<64x128xf32, #tpu.memory_space<vmem>>, vector<16xf32>,
        %min3A_710 = arith.minimumf %get3A_639, %get3A_615 : vector<16xf32>
        %swap3A_711 = arith.index_cast %squeeze3A_593 : i32 to index
        %swap3A_712 = arith.constant 80 : index
        %swap3A_713 = tpu.vector_load %arg9[%swap3A_711, %swap3A_712] {strides = array<i32>} : memref<64x128xf32, #tpu.memory_space<vmem>>, vector<16xf32>,
        tpu.vector_store %arg9[%swap3A_711, %swap3A_712], %min3A_710 {strides = array<i32>} : memref<64x128xf32, #tpu.memory_space<vmem>>, vector<16xf32>,
        %max3A_714 = arith.maximumf %get3A_663, %get3A_615 : vector<16xf32>
        %swap3A_715 = arith.index_cast %squeeze3A_593 : i32 to index
        %swap3A_716 = arith.constant 80 : index
        %swap3A_717 = tpu.vector_load %arg10[%swap3A_715, %swap3A_716] {strides = array<i32>} : memref<64x128xf32, #tpu.memory_space<vmem>>, vector<16xf32>,
        tpu.vector_store %arg10[%swap3A_715, %swap3A_716], %max3A_714 {strides = array<i32>} : memref<64x128xf32, #tpu.memory_space<vmem>>, vector<16xf32>,
        %min3A_718 = arith.minimumf %get3A_642, %get3A_618 : vector<16xf32>
        %swap3A_719 = arith.index_cast %squeeze3A_593 : i32 to index
        %swap3A_720 = arith.constant 96 : index
        %swap3A_721 = tpu.vector_load %arg9[%swap3A_719, %swap3A_720] {strides = array<i32>} : memref<64x128xf32, #tpu.memory_space<vmem>>, vector<16xf32>,
        tpu.vector_store %arg9[%swap3A_719, %swap3A_720], %min3A_718 {strides = array<i32>} : memref<64x128xf32, #tpu.memory_space<vmem>>, vector<16xf32>,
        %max3A_722 = arith.maximumf %get3A_666, %get3A_618 : vector<16xf32>
        %swap3A_723 = arith.index_cast %squeeze3A_593 : i32 to index
        %swap3A_724 = arith.constant 96 : index
        %swap3A_725 = tpu.vector_load %arg10[%swap3A_723, %swap3A_724] {strides = array<i32>} : memref<64x128xf32, #tpu.memory_space<vmem>>, vector<16xf32>,
        tpu.vector_store %arg10[%swap3A_723, %swap3A_724], %max3A_722 {strides = array<i32>} : memref<64x128xf32, #tpu.memory_space<vmem>>, vector<16xf32>,
        %min3A_726 = arith.minimumf %get3A_645, %get3A_621 : vector<16xf32>
        %swap3A_727 = arith.index_cast %squeeze3A_593 : i32 to index
        %swap3A_728 = arith.constant 112 : index
        %swap3A_729 = tpu.vector_load %arg9[%swap3A_727, %swap3A_728] {strides = array<i32>} : memref<64x128xf32, #tpu.memory_space<vmem>>, vector<16xf32>,
        tpu.vector_store %arg9[%swap3A_727, %swap3A_728], %min3A_726 {strides = array<i32>} : memref<64x128xf32, #tpu.memory_space<vmem>>, vector<16xf32>,
        %max3A_730 = arith.maximumf %get3A_669, %get3A_621 : vector<16xf32>
        %swap3A_731 = arith.index_cast %squeeze3A_593 : i32 to index
        %swap3A_732 = arith.constant 112 : index
        %swap3A_733 = tpu.vector_load %arg10[%swap3A_731, %swap3A_732] {strides = array<i32>} : memref<64x128xf32, #tpu.memory_space<vmem>>, vector<16xf32>,
        tpu.vector_store %arg10[%swap3A_731, %swap3A_732], %max3A_730 {strides = array<i32>} : memref<64x128xf32, #tpu.memory_space<vmem>>, vector<16xf32>,
        %slice3A_734 = vector.extract_strided_slice %gather3A {offsets = [5], sizes = [1], strides = [1]} : vector<16xi32> to vector<1xi32>
        %squeeze3A_735 = vector.extract %slice3A_734[0] : i32 from vector<1xi32>
        %mul3A_736 = arith.constant 16 : i32
        %mul3A_737 = arith.muli %scan3A_25, %mul3A_736 : i32
        %add3A_738 = arith.constant 5 : i32
        %add3A_739 = arith.addi %mul3A_737, %add3A_738 : i32
        %get3A_740 = arith.index_cast %add3A_739 : i32 to index
        %get3A_741 = arith.constant 0 : index
        %get3A_742 = tpu.vector_load %arg8[%get3A_740, %get3A_741] {strides = array<i32>} : memref<400x128xf32, #tpu.memory_space<vmem>>, vector<16xf32>,
        %get3A_743 = arith.index_cast %add3A_739 : i32 to index
        %get3A_744 = arith.constant 16 : index
        %get3A_745 = tpu.vector_load %arg8[%get3A_743, %get3A_744] {strides = array<i32>} : memref<400x128xf32, #tpu.memory_space<vmem>>, vector<16xf32>,
        %get3A_746 = arith.index_cast %add3A_739 : i32 to index
        %get3A_747 = arith.constant 32 : index
        %get3A_748 = tpu.vector_load %arg8[%get3A_746, %get3A_747] {strides = array<i32>} : memref<400x128xf32, #tpu.memory_space<vmem>>, vector<16xf32>,
        %get3A_749 = arith.index_cast %add3A_739 : i32 to index
        %get3A_750 = arith.constant 48 : index
        %get3A_751 = tpu.vector_load %arg8[%get3A_749, %get3A_750] {strides = array<i32>} : memref<400x128xf32, #tpu.memory_space<vmem>>, vector<16xf32>,
        %get3A_752 = arith.index_cast %add3A_739 : i32 to index
        %get3A_753 = arith.constant 64 : index
        %get3A_754 = tpu.vector_load %arg8[%get3A_752, %get3A_753] {strides = array<i32>} : memref<400x128xf32, #tpu.memory_space<vmem>>, vector<16xf32>,
        %get3A_755 = arith.index_cast %add3A_739 : i32 to index
        %get3A_756 = arith.constant 80 : index
        %get3A_757 = tpu.vector_load %arg8[%get3A_755, %get3A_756] {strides = array<i32>} : memref<400x128xf32, #tpu.memory_space<vmem>>, vector<16xf32>,
        %get3A_758 = arith.index_cast %add3A_739 : i32 to index
        %get3A_759 = arith.constant 96 : index
        %get3A_760 = tpu.vector_load %arg8[%get3A_758, %get3A_759] {strides = array<i32>} : memref<400x128xf32, #tpu.memory_space<vmem>>, vector<16xf32>,
        %get3A_761 = arith.index_cast %add3A_739 : i32 to index
        %get3A_762 = arith.constant 112 : index
        %get3A_763 = tpu.vector_load %arg8[%get3A_761, %get3A_762] {strides = array<i32>} : memref<400x128xf32, #tpu.memory_space<vmem>>, vector<16xf32>,
        %get3A_764 = arith.index_cast %squeeze3A_735 : i32 to index
        %get3A_765 = arith.constant 0 : index
        %get3A_766 = tpu.vector_load %arg9[%get3A_764, %get3A_765] {strides = array<i32>} : memref<64x128xf32, #tpu.memory_space<vmem>>, vector<16xf32>,
        %get3A_767 = arith.index_cast %squeeze3A_735 : i32 to index
        %get3A_768 = arith.constant 16 : index
        %get3A_769 = tpu.vector_load %arg9[%get3A_767, %get3A_768] {strides = array<i32>} : memref<64x128xf32, #tpu.memory_space<vmem>>, vector<16xf32>,
        %get3A_770 = arith.index_cast %squeeze3A_735 : i32 to index
        %get3A_771 = arith.constant 32 : index
        %get3A_772 = tpu.vector_load %arg9[%get3A_770, %get3A_771] {strides = array<i32>} : memref<64x128xf32, #tpu.memory_space<vmem>>, vector<16xf32>,
        %get3A_773 = arith.index_cast %squeeze3A_735 : i32 to index
        %get3A_774 = arith.constant 48 : index
        %get3A_775 = tpu.vector_load %arg9[%get3A_773, %get3A_774] {strides = array<i32>} : memref<64x128xf32, #tpu.memory_space<vmem>>, vector<16xf32>,
        %get3A_776 = arith.index_cast %squeeze3A_735 : i32 to index
        %get3A_777 = arith.constant 64 : index
        %get3A_778 = tpu.vector_load %arg9[%get3A_776, %get3A_777] {strides = array<i32>} : memref<64x128xf32, #tpu.memory_space<vmem>>, vector<16xf32>,
        %get3A_779 = arith.index_cast %squeeze3A_735 : i32 to index
        %get3A_780 = arith.constant 80 : index
        %get3A_781 = tpu.vector_load %arg9[%get3A_779, %get3A_780] {strides = array<i32>} : memref<64x128xf32, #tpu.memory_space<vmem>>, vector<16xf32>,
        %get3A_782 = arith.index_cast %squeeze3A_735 : i32 to index
        %get3A_783 = arith.constant 96 : index
        %get3A_784 = tpu.vector_load %arg9[%get3A_782, %get3A_783] {strides = array<i32>} : memref<64x128xf32, #tpu.memory_space<vmem>>, vector<16xf32>,
        %get3A_785 = arith.index_cast %squeeze3A_735 : i32 to index
        %get3A_786 = arith.constant 112 : index
        %get3A_787 = tpu.vector_load %arg9[%get3A_785, %get3A_786] {strides = array<i32>} : memref<64x128xf32, #tpu.memory_space<vmem>>, vector<16xf32>,
        %get3A_788 = arith.index_cast %squeeze3A_735 : i32 to index
        %get3A_789 = arith.constant 0 : index
        %get3A_790 = tpu.vector_load %arg10[%get3A_788, %get3A_789] {strides = array<i32>} : memref<64x128xf32, #tpu.memory_space<vmem>>, vector<16xf32>,
        %get3A_791 = arith.index_cast %squeeze3A_735 : i32 to index
        %get3A_792 = arith.constant 16 : index
        %get3A_793 = tpu.vector_load %arg10[%get3A_791, %get3A_792] {strides = array<i32>} : memref<64x128xf32, #tpu.memory_space<vmem>>, vector<16xf32>,
        %get3A_794 = arith.index_cast %squeeze3A_735 : i32 to index
        %get3A_795 = arith.constant 32 : index
        %get3A_796 = tpu.vector_load %arg10[%get3A_794, %get3A_795] {strides = array<i32>} : memref<64x128xf32, #tpu.memory_space<vmem>>, vector<16xf32>,
        %get3A_797 = arith.index_cast %squeeze3A_735 : i32 to index
        %get3A_798 = arith.constant 48 : index
        %get3A_799 = tpu.vector_load %arg10[%get3A_797, %get3A_798] {strides = array<i32>} : memref<64x128xf32, #tpu.memory_space<vmem>>, vector<16xf32>,
        %get3A_800 = arith.index_cast %squeeze3A_735 : i32 to index
        %get3A_801 = arith.constant 64 : index
        %get3A_802 = tpu.vector_load %arg10[%get3A_800, %get3A_801] {strides = array<i32>} : memref<64x128xf32, #tpu.memory_space<vmem>>, vector<16xf32>,
        %get3A_803 = arith.index_cast %squeeze3A_735 : i32 to index
        %get3A_804 = arith.constant 80 : index
        %get3A_805 = tpu.vector_load %arg10[%get3A_803, %get3A_804] {strides = array<i32>} : memref<64x128xf32, #tpu.memory_space<vmem>>, vector<16xf32>,
        %get3A_806 = arith.index_cast %squeeze3A_735 : i32 to index
        %get3A_807 = arith.constant 96 : index
        %get3A_808 = tpu.vector_load %arg10[%get3A_806, %get3A_807] {strides = array<i32>} : memref<64x128xf32, #tpu.memory_space<vmem>>, vector<16xf32>,
        %get3A_809 = arith.index_cast %squeeze3A_735 : i32 to index
        %get3A_810 = arith.constant 112 : index
        %get3A_811 = tpu.vector_load %arg10[%get3A_809, %get3A_810] {strides = array<i32>} : memref<64x128xf32, #tpu.memory_space<vmem>>, vector<16xf32>,
        %min3A_812 = arith.minimumf %get3A_766, %get3A_742 : vector<16xf32>
        %swap3A_813 = arith.index_cast %squeeze3A_735 : i32 to index
        %swap3A_814 = arith.constant 0 : index
        %swap3A_815 = tpu.vector_load %arg9[%swap3A_813, %swap3A_814] {strides = array<i32>} : memref<64x128xf32, #tpu.memory_space<vmem>>, vector<16xf32>,
        tpu.vector_store %arg9[%swap3A_813, %swap3A_814], %min3A_812 {strides = array<i32>} : memref<64x128xf32, #tpu.memory_space<vmem>>, vector<16xf32>,
        %max3A_816 = arith.maximumf %get3A_790, %get3A_742 : vector<16xf32>
        %swap3A_817 = arith.index_cast %squeeze3A_735 : i32 to index
        %swap3A_818 = arith.constant 0 : index
        %swap3A_819 = tpu.vector_load %arg10[%swap3A_817, %swap3A_818] {strides = array<i32>} : memref<64x128xf32, #tpu.memory_space<vmem>>, vector<16xf32>,
        tpu.vector_store %arg10[%swap3A_817, %swap3A_818], %max3A_816 {strides = array<i32>} : memref<64x128xf32, #tpu.memory_space<vmem>>, vector<16xf32>,
        %min3A_820 = arith.minimumf %get3A_769, %get3A_745 : vector<16xf32>
        %swap3A_821 = arith.index_cast %squeeze3A_735 : i32 to index
        %swap3A_822 = arith.constant 16 : index
        %swap3A_823 = tpu.vector_load %arg9[%swap3A_821, %swap3A_822] {strides = array<i32>} : memref<64x128xf32, #tpu.memory_space<vmem>>, vector<16xf32>,
        tpu.vector_store %arg9[%swap3A_821, %swap3A_822], %min3A_820 {strides = array<i32>} : memref<64x128xf32, #tpu.memory_space<vmem>>, vector<16xf32>,
        %max3A_824 = arith.maximumf %get3A_793, %get3A_745 : vector<16xf32>
        %swap3A_825 = arith.index_cast %squeeze3A_735 : i32 to index
        %swap3A_826 = arith.constant 16 : index
        %swap3A_827 = tpu.vector_load %arg10[%swap3A_825, %swap3A_826] {strides = array<i32>} : memref<64x128xf32, #tpu.memory_space<vmem>>, vector<16xf32>,
        tpu.vector_store %arg10[%swap3A_825, %swap3A_826], %max3A_824 {strides = array<i32>} : memref<64x128xf32, #tpu.memory_space<vmem>>, vector<16xf32>,
        %min3A_828 = arith.minimumf %get3A_772, %get3A_748 : vector<16xf32>
        %swap3A_829 = arith.index_cast %squeeze3A_735 : i32 to index
        %swap3A_830 = arith.constant 32 : index
        %swap3A_831 = tpu.vector_load %arg9[%swap3A_829, %swap3A_830] {strides = array<i32>} : memref<64x128xf32, #tpu.memory_space<vmem>>, vector<16xf32>,
        tpu.vector_store %arg9[%swap3A_829, %swap3A_830], %min3A_828 {strides = array<i32>} : memref<64x128xf32, #tpu.memory_space<vmem>>, vector<16xf32>,
        %max3A_832 = arith.maximumf %get3A_796, %get3A_748 : vector<16xf32>
        %swap3A_833 = arith.index_cast %squeeze3A_735 : i32 to index
        %swap3A_834 = arith.constant 32 : index
        %swap3A_835 = tpu.vector_load %arg10[%swap3A_833, %swap3A_834] {strides = array<i32>} : memref<64x128xf32, #tpu.memory_space<vmem>>, vector<16xf32>,
        tpu.vector_store %arg10[%swap3A_833, %swap3A_834], %max3A_832 {strides = array<i32>} : memref<64x128xf32, #tpu.memory_space<vmem>>, vector<16xf32>,
        %min3A_836 = arith.minimumf %get3A_775, %get3A_751 : vector<16xf32>
        %swap3A_837 = arith.index_cast %squeeze3A_735 : i32 to index
        %swap3A_838 = arith.constant 48 : index
        %swap3A_839 = tpu.vector_load %arg9[%swap3A_837, %swap3A_838] {strides = array<i32>} : memref<64x128xf32, #tpu.memory_space<vmem>>, vector<16xf32>,
        tpu.vector_store %arg9[%swap3A_837, %swap3A_838], %min3A_836 {strides = array<i32>} : memref<64x128xf32, #tpu.memory_space<vmem>>, vector<16xf32>,
        %max3A_840 = arith.maximumf %get3A_799, %get3A_751 : vector<16xf32>
        %swap3A_841 = arith.index_cast %squeeze3A_735 : i32 to index
        %swap3A_842 = arith.constant 48 : index
        %swap3A_843 = tpu.vector_load %arg10[%swap3A_841, %swap3A_842] {strides = array<i32>} : memref<64x128xf32, #tpu.memory_space<vmem>>, vector<16xf32>,
        tpu.vector_store %arg10[%swap3A_841, %swap3A_842], %max3A_840 {strides = array<i32>} : memref<64x128xf32, #tpu.memory_space<vmem>>, vector<16xf32>,
        %min3A_844 = arith.minimumf %get3A_778, %get3A_754 : vector<16xf32>
        %swap3A_845 = arith.index_cast %squeeze3A_735 : i32 to index
        %swap3A_846 = arith.constant 64 : index
        %swap3A_847 = tpu.vector_load %arg9[%swap3A_845, %swap3A_846] {strides = array<i32>} : memref<64x128xf32, #tpu.memory_space<vmem>>, vector<16xf32>,
        tpu.vector_store %arg9[%swap3A_845, %swap3A_846], %min3A_844 {strides = array<i32>} : memref<64x128xf32, #tpu.memory_space<vmem>>, vector<16xf32>,
        %max3A_848 = arith.maximumf %get3A_802, %get3A_754 : vector<16xf32>
        %swap3A_849 = arith.index_cast %squeeze3A_735 : i32 to index
        %swap3A_850 = arith.constant 64 : index
        %swap3A_851 = tpu.vector_load %arg10[%swap3A_849, %swap3A_850] {strides = array<i32>} : memref<64x128xf32, #tpu.memory_space<vmem>>, vector<16xf32>,
        tpu.vector_store %arg10[%swap3A_849, %swap3A_850], %max3A_848 {strides = array<i32>} : memref<64x128xf32, #tpu.memory_space<vmem>>, vector<16xf32>,
        %min3A_852 = arith.minimumf %get3A_781, %get3A_757 : vector<16xf32>
        %swap3A_853 = arith.index_cast %squeeze3A_735 : i32 to index
        %swap3A_854 = arith.constant 80 : index
        %swap3A_855 = tpu.vector_load %arg9[%swap3A_853, %swap3A_854] {strides = array<i32>} : memref<64x128xf32, #tpu.memory_space<vmem>>, vector<16xf32>,
        tpu.vector_store %arg9[%swap3A_853, %swap3A_854], %min3A_852 {strides = array<i32>} : memref<64x128xf32, #tpu.memory_space<vmem>>, vector<16xf32>,
        %max3A_856 = arith.maximumf %get3A_805, %get3A_757 : vector<16xf32>
        %swap3A_857 = arith.index_cast %squeeze3A_735 : i32 to index
        %swap3A_858 = arith.constant 80 : index
        %swap3A_859 = tpu.vector_load %arg10[%swap3A_857, %swap3A_858] {strides = array<i32>} : memref<64x128xf32, #tpu.memory_space<vmem>>, vector<16xf32>,
        tpu.vector_store %arg10[%swap3A_857, %swap3A_858], %max3A_856 {strides = array<i32>} : memref<64x128xf32, #tpu.memory_space<vmem>>, vector<16xf32>,
        %min3A_860 = arith.minimumf %get3A_784, %get3A_760 : vector<16xf32>
        %swap3A_861 = arith.index_cast %squeeze3A_735 : i32 to index
        %swap3A_862 = arith.constant 96 : index
        %swap3A_863 = tpu.vector_load %arg9[%swap3A_861, %swap3A_862] {strides = array<i32>} : memref<64x128xf32, #tpu.memory_space<vmem>>, vector<16xf32>,
        tpu.vector_store %arg9[%swap3A_861, %swap3A_862], %min3A_860 {strides = array<i32>} : memref<64x128xf32, #tpu.memory_space<vmem>>, vector<16xf32>,
        %max3A_864 = arith.maximumf %get3A_808, %get3A_760 : vector<16xf32>
        %swap3A_865 = arith.index_cast %squeeze3A_735 : i32 to index
        %swap3A_866 = arith.constant 96 : index
        %swap3A_867 = tpu.vector_load %arg10[%swap3A_865, %swap3A_866] {strides = array<i32>} : memref<64x128xf32, #tpu.memory_space<vmem>>, vector<16xf32>,
        tpu.vector_store %arg10[%swap3A_865, %swap3A_866], %max3A_864 {strides = array<i32>} : memref<64x128xf32, #tpu.memory_space<vmem>>, vector<16xf32>,
        %min3A_868 = arith.minimumf %get3A_787, %get3A_763 : vector<16xf32>
        %swap3A_869 = arith.index_cast %squeeze3A_735 : i32 to index
        %swap3A_870 = arith.constant 112 : index
        %swap3A_871 = tpu.vector_load %arg9[%swap3A_869, %swap3A_870] {strides = array<i32>} : memref<64x128xf32, #tpu.memory_space<vmem>>, vector<16xf32>,
        tpu.vector_store %arg9[%swap3A_869, %swap3A_870], %min3A_868 {strides = array<i32>} : memref<64x128xf32, #tpu.memory_space<vmem>>, vector<16xf32>,
        %max3A_872 = arith.maximumf %get3A_811, %get3A_763 : vector<16xf32>
        %swap3A_873 = arith.index_cast %squeeze3A_735 : i32 to index
        %swap3A_874 = arith.constant 112 : index
        %swap3A_875 = tpu.vector_load %arg10[%swap3A_873, %swap3A_874] {strides = array<i32>} : memref<64x128xf32, #tpu.memory_space<vmem>>, vector<16xf32>,
        tpu.vector_store %arg10[%swap3A_873, %swap3A_874], %max3A_872 {strides = array<i32>} : memref<64x128xf32, #tpu.memory_space<vmem>>, vector<16xf32>,
        %slice3A_876 = vector.extract_strided_slice %gather3A {offsets = [6], sizes = [1], strides = [1]} : vector<16xi32> to vector<1xi32>
        %squeeze3A_877 = vector.extract %slice3A_876[0] : i32 from vector<1xi32>
        %mul3A_878 = arith.constant 16 : i32
        %mul3A_879 = arith.muli %scan3A_25, %mul3A_878 : i32
        %add3A_880 = arith.constant 6 : i32
        %add3A_881 = arith.addi %mul3A_879, %add3A_880 : i32
        %get3A_882 = arith.index_cast %add3A_881 : i32 to index
        %get3A_883 = arith.constant 0 : index
        %get3A_884 = tpu.vector_load %arg8[%get3A_882, %get3A_883] {strides = array<i32>} : memref<400x128xf32, #tpu.memory_space<vmem>>, vector<16xf32>,
        %get3A_885 = arith.index_cast %add3A_881 : i32 to index
        %get3A_886 = arith.constant 16 : index
        %get3A_887 = tpu.vector_load %arg8[%get3A_885, %get3A_886] {strides = array<i32>} : memref<400x128xf32, #tpu.memory_space<vmem>>, vector<16xf32>,
        %get3A_888 = arith.index_cast %add3A_881 : i32 to index
        %get3A_889 = arith.constant 32 : index
        %get3A_890 = tpu.vector_load %arg8[%get3A_888, %get3A_889] {strides = array<i32>} : memref<400x128xf32, #tpu.memory_space<vmem>>, vector<16xf32>,
        %get3A_891 = arith.index_cast %add3A_881 : i32 to index
        %get3A_892 = arith.constant 48 : index
        %get3A_893 = tpu.vector_load %arg8[%get3A_891, %get3A_892] {strides = array<i32>} : memref<400x128xf32, #tpu.memory_space<vmem>>, vector<16xf32>,
        %get3A_894 = arith.index_cast %add3A_881 : i32 to index
        %get3A_895 = arith.constant 64 : index
        %get3A_896 = tpu.vector_load %arg8[%get3A_894, %get3A_895] {strides = array<i32>} : memref<400x128xf32, #tpu.memory_space<vmem>>, vector<16xf32>,
        %get3A_897 = arith.index_cast %add3A_881 : i32 to index
        %get3A_898 = arith.constant 80 : index
        %get3A_899 = tpu.vector_load %arg8[%get3A_897, %get3A_898] {strides = array<i32>} : memref<400x128xf32, #tpu.memory_space<vmem>>, vector<16xf32>,
        %get3A_900 = arith.index_cast %add3A_881 : i32 to index
        %get3A_901 = arith.constant 96 : index
        %get3A_902 = tpu.vector_load %arg8[%get3A_900, %get3A_901] {strides = array<i32>} : memref<400x128xf32, #tpu.memory_space<vmem>>, vector<16xf32>,
        %get3A_903 = arith.index_cast %add3A_881 : i32 to index
        %get3A_904 = arith.constant 112 : index
        %get3A_905 = tpu.vector_load %arg8[%get3A_903, %get3A_904] {strides = array<i32>} : memref<400x128xf32, #tpu.memory_space<vmem>>, vector<16xf32>,
        %get3A_906 = arith.index_cast %squeeze3A_877 : i32 to index
        %get3A_907 = arith.constant 0 : index
        %get3A_908 = tpu.vector_load %arg9[%get3A_906, %get3A_907] {strides = array<i32>} : memref<64x128xf32, #tpu.memory_space<vmem>>, vector<16xf32>,
        %get3A_909 = arith.index_cast %squeeze3A_877 : i32 to index
        %get3A_910 = arith.constant 16 : index
        %get3A_911 = tpu.vector_load %arg9[%get3A_909, %get3A_910] {strides = array<i32>} : memref<64x128xf32, #tpu.memory_space<vmem>>, vector<16xf32>,
        %get3A_912 = arith.index_cast %squeeze3A_877 : i32 to index
        %get3A_913 = arith.constant 32 : index
        %get3A_914 = tpu.vector_load %arg9[%get3A_912, %get3A_913] {strides = array<i32>} : memref<64x128xf32, #tpu.memory_space<vmem>>, vector<16xf32>,
        %get3A_915 = arith.index_cast %squeeze3A_877 : i32 to index
        %get3A_916 = arith.constant 48 : index
        %get3A_917 = tpu.vector_load %arg9[%get3A_915, %get3A_916] {strides = array<i32>} : memref<64x128xf32, #tpu.memory_space<vmem>>, vector<16xf32>,
        %get3A_918 = arith.index_cast %squeeze3A_877 : i32 to index
        %get3A_919 = arith.constant 64 : index
        %get3A_920 = tpu.vector_load %arg9[%get3A_918, %get3A_919] {strides = array<i32>} : memref<64x128xf32, #tpu.memory_space<vmem>>, vector<16xf32>,
        %get3A_921 = arith.index_cast %squeeze3A_877 : i32 to index
        %get3A_922 = arith.constant 80 : index
        %get3A_923 = tpu.vector_load %arg9[%get3A_921, %get3A_922] {strides = array<i32>} : memref<64x128xf32, #tpu.memory_space<vmem>>, vector<16xf32>,
        %get3A_924 = arith.index_cast %squeeze3A_877 : i32 to index
        %get3A_925 = arith.constant 96 : index
        %get3A_926 = tpu.vector_load %arg9[%get3A_924, %get3A_925] {strides = array<i32>} : memref<64x128xf32, #tpu.memory_space<vmem>>, vector<16xf32>,
        %get3A_927 = arith.index_cast %squeeze3A_877 : i32 to index
        %get3A_928 = arith.constant 112 : index
        %get3A_929 = tpu.vector_load %arg9[%get3A_927, %get3A_928] {strides = array<i32>} : memref<64x128xf32, #tpu.memory_space<vmem>>, vector<16xf32>,
        %get3A_930 = arith.index_cast %squeeze3A_877 : i32 to index
        %get3A_931 = arith.constant 0 : index
        %get3A_932 = tpu.vector_load %arg10[%get3A_930, %get3A_931] {strides = array<i32>} : memref<64x128xf32, #tpu.memory_space<vmem>>, vector<16xf32>,
        %get3A_933 = arith.index_cast %squeeze3A_877 : i32 to index
        %get3A_934 = arith.constant 16 : index
        %get3A_935 = tpu.vector_load %arg10[%get3A_933, %get3A_934] {strides = array<i32>} : memref<64x128xf32, #tpu.memory_space<vmem>>, vector<16xf32>,
        %get3A_936 = arith.index_cast %squeeze3A_877 : i32 to index
        %get3A_937 = arith.constant 32 : index
        %get3A_938 = tpu.vector_load %arg10[%get3A_936, %get3A_937] {strides = array<i32>} : memref<64x128xf32, #tpu.memory_space<vmem>>, vector<16xf32>,
        %get3A_939 = arith.index_cast %squeeze3A_877 : i32 to index
        %get3A_940 = arith.constant 48 : index
        %get3A_941 = tpu.vector_load %arg10[%get3A_939, %get3A_940] {strides = array<i32>} : memref<64x128xf32, #tpu.memory_space<vmem>>, vector<16xf32>,
        %get3A_942 = arith.index_cast %squeeze3A_877 : i32 to index
        %get3A_943 = arith.constant 64 : index
        %get3A_944 = tpu.vector_load %arg10[%get3A_942, %get3A_943] {strides = array<i32>} : memref<64x128xf32, #tpu.memory_space<vmem>>, vector<16xf32>,
        %get3A_945 = arith.index_cast %squeeze3A_877 : i32 to index
        %get3A_946 = arith.constant 80 : index
        %get3A_947 = tpu.vector_load %arg10[%get3A_945, %get3A_946] {strides = array<i32>} : memref<64x128xf32, #tpu.memory_space<vmem>>, vector<16xf32>,
        %get3A_948 = arith.index_cast %squeeze3A_877 : i32 to index
        %get3A_949 = arith.constant 96 : index
        %get3A_950 = tpu.vector_load %arg10[%get3A_948, %get3A_949] {strides = array<i32>} : memref<64x128xf32, #tpu.memory_space<vmem>>, vector<16xf32>,
        %get3A_951 = arith.index_cast %squeeze3A_877 : i32 to index
        %get3A_952 = arith.constant 112 : index
        %get3A_953 = tpu.vector_load %arg10[%get3A_951, %get3A_952] {strides = array<i32>} : memref<64x128xf32, #tpu.memory_space<vmem>>, vector<16xf32>,
        %min3A_954 = arith.minimumf %get3A_908, %get3A_884 : vector<16xf32>
        %swap3A_955 = arith.index_cast %squeeze3A_877 : i32 to index
        %swap3A_956 = arith.constant 0 : index
        %swap3A_957 = tpu.vector_load %arg9[%swap3A_955, %swap3A_956] {strides = array<i32>} : memref<64x128xf32, #tpu.memory_space<vmem>>, vector<16xf32>,
        tpu.vector_store %arg9[%swap3A_955, %swap3A_956], %min3A_954 {strides = array<i32>} : memref<64x128xf32, #tpu.memory_space<vmem>>, vector<16xf32>,
        %max3A_958 = arith.maximumf %get3A_932, %get3A_884 : vector<16xf32>
        %swap3A_959 = arith.index_cast %squeeze3A_877 : i32 to index
        %swap3A_960 = arith.constant 0 : index
        %swap3A_961 = tpu.vector_load %arg10[%swap3A_959, %swap3A_960] {strides = array<i32>} : memref<64x128xf32, #tpu.memory_space<vmem>>, vector<16xf32>,
        tpu.vector_store %arg10[%swap3A_959, %swap3A_960], %max3A_958 {strides = array<i32>} : memref<64x128xf32, #tpu.memory_space<vmem>>, vector<16xf32>,
        %min3A_962 = arith.minimumf %get3A_911, %get3A_887 : vector<16xf32>
        %swap3A_963 = arith.index_cast %squeeze3A_877 : i32 to index
        %swap3A_964 = arith.constant 16 : index
        %swap3A_965 = tpu.vector_load %arg9[%swap3A_963, %swap3A_964] {strides = array<i32>} : memref<64x128xf32, #tpu.memory_space<vmem>>, vector<16xf32>,
        tpu.vector_store %arg9[%swap3A_963, %swap3A_964], %min3A_962 {strides = array<i32>} : memref<64x128xf32, #tpu.memory_space<vmem>>, vector<16xf32>,
        %max3A_966 = arith.maximumf %get3A_935, %get3A_887 : vector<16xf32>
        %swap3A_967 = arith.index_cast %squeeze3A_877 : i32 to index
        %swap3A_968 = arith.constant 16 : index
        %swap3A_969 = tpu.vector_load %arg10[%swap3A_967, %swap3A_968] {strides = array<i32>} : memref<64x128xf32, #tpu.memory_space<vmem>>, vector<16xf32>,
        tpu.vector_store %arg10[%swap3A_967, %swap3A_968], %max3A_966 {strides = array<i32>} : memref<64x128xf32, #tpu.memory_space<vmem>>, vector<16xf32>,
        %min3A_970 = arith.minimumf %get3A_914, %get3A_890 : vector<16xf32>
        %swap3A_971 = arith.index_cast %squeeze3A_877 : i32 to index
        %swap3A_972 = arith.constant 32 : index
        %swap3A_973 = tpu.vector_load %arg9[%swap3A_971, %swap3A_972] {strides = array<i32>} : memref<64x128xf32, #tpu.memory_space<vmem>>, vector<16xf32>,
        tpu.vector_store %arg9[%swap3A_971, %swap3A_972], %min3A_970 {strides = array<i32>} : memref<64x128xf32, #tpu.memory_space<vmem>>, vector<16xf32>,
        %max3A_974 = arith.maximumf %get3A_938, %get3A_890 : vector<16xf32>
        %swap3A_975 = arith.index_cast %squeeze3A_877 : i32 to index
        %swap3A_976 = arith.constant 32 : index
        %swap3A_977 = tpu.vector_load %arg10[%swap3A_975, %swap3A_976] {strides = array<i32>} : memref<64x128xf32, #tpu.memory_space<vmem>>, vector<16xf32>,
        tpu.vector_store %arg10[%swap3A_975, %swap3A_976], %max3A_974 {strides = array<i32>} : memref<64x128xf32, #tpu.memory_space<vmem>>, vector<16xf32>,
        %min3A_978 = arith.minimumf %get3A_917, %get3A_893 : vector<16xf32>
        %swap3A_979 = arith.index_cast %squeeze3A_877 : i32 to index
        %swap3A_980 = arith.constant 48 : index
        %swap3A_981 = tpu.vector_load %arg9[%swap3A_979, %swap3A_980] {strides = array<i32>} : memref<64x128xf32, #tpu.memory_space<vmem>>, vector<16xf32>,
        tpu.vector_store %arg9[%swap3A_979, %swap3A_980], %min3A_978 {strides = array<i32>} : memref<64x128xf32, #tpu.memory_space<vmem>>, vector<16xf32>,
        %max3A_982 = arith.maximumf %get3A_941, %get3A_893 : vector<16xf32>
        %swap3A_983 = arith.index_cast %squeeze3A_877 : i32 to index
        %swap3A_984 = arith.constant 48 : index
        %swap3A_985 = tpu.vector_load %arg10[%swap3A_983, %swap3A_984] {strides = array<i32>} : memref<64x128xf32, #tpu.memory_space<vmem>>, vector<16xf32>,
        tpu.vector_store %arg10[%swap3A_983, %swap3A_984], %max3A_982 {strides = array<i32>} : memref<64x128xf32, #tpu.memory_space<vmem>>, vector<16xf32>,
        %min3A_986 = arith.minimumf %get3A_920, %get3A_896 : vector<16xf32>
        %swap3A_987 = arith.index_cast %squeeze3A_877 : i32 to index
        %swap3A_988 = arith.constant 64 : index
        %swap3A_989 = tpu.vector_load %arg9[%swap3A_987, %swap3A_988] {strides = array<i32>} : memref<64x128xf32, #tpu.memory_space<vmem>>, vector<16xf32>,
        tpu.vector_store %arg9[%swap3A_987, %swap3A_988], %min3A_986 {strides = array<i32>} : memref<64x128xf32, #tpu.memory_space<vmem>>, vector<16xf32>,
        %max3A_990 = arith.maximumf %get3A_944, %get3A_896 : vector<16xf32>
        %swap3A_991 = arith.index_cast %squeeze3A_877 : i32 to index
        %swap3A_992 = arith.constant 64 : index
        %swap3A_993 = tpu.vector_load %arg10[%swap3A_991, %swap3A_992] {strides = array<i32>} : memref<64x128xf32, #tpu.memory_space<vmem>>, vector<16xf32>,
        tpu.vector_store %arg10[%swap3A_991, %swap3A_992], %max3A_990 {strides = array<i32>} : memref<64x128xf32, #tpu.memory_space<vmem>>, vector<16xf32>,
        %min3A_994 = arith.minimumf %get3A_923, %get3A_899 : vector<16xf32>
        %swap3A_995 = arith.index_cast %squeeze3A_877 : i32 to index
        %swap3A_996 = arith.constant 80 : index
        %swap3A_997 = tpu.vector_load %arg9[%swap3A_995, %swap3A_996] {strides = array<i32>} : memref<64x128xf32, #tpu.memory_space<vmem>>, vector<16xf32>,
        tpu.vector_store %arg9[%swap3A_995, %swap3A_996], %min3A_994 {strides = array<i32>} : memref<64x128xf32, #tpu.memory_space<vmem>>, vector<16xf32>,
        %max3A_998 = arith.maximumf %get3A_947, %get3A_899 : vector<16xf32>
        %swap3A_999 = arith.index_cast %squeeze3A_877 : i32 to index
        %swap3A_1000 = arith.constant 80 : index
        %swap3A_1001 = tpu.vector_load %arg10[%swap3A_999, %swap3A_1000] {strides = array<i32>} : memref<64x128xf32, #tpu.memory_space<vmem>>, vector<16xf32>,
        tpu.vector_store %arg10[%swap3A_999, %swap3A_1000], %max3A_998 {strides = array<i32>} : memref<64x128xf32, #tpu.memory_space<vmem>>, vector<16xf32>,
        %min3A_1002 = arith.minimumf %get3A_926, %get3A_902 : vector<16xf32>
        %swap3A_1003 = arith.index_cast %squeeze3A_877 : i32 to index
        %swap3A_1004 = arith.constant 96 : index
        %swap3A_1005 = tpu.vector_load %arg9[%swap3A_1003, %swap3A_1004] {strides = array<i32>} : memref<64x128xf32, #tpu.memory_space<vmem>>, vector<16xf32>,
        tpu.vector_store %arg9[%swap3A_1003, %swap3A_1004], %min3A_1002 {strides = array<i32>} : memref<64x128xf32, #tpu.memory_space<vmem>>, vector<16xf32>,
        %max3A_1006 = arith.maximumf %get3A_950, %get3A_902 : vector<16xf32>
        %swap3A_1007 = arith.index_cast %squeeze3A_877 : i32 to index
        %swap3A_1008 = arith.constant 96 : index
        %swap3A_1009 = tpu.vector_load %arg10[%swap3A_1007, %swap3A_1008] {strides = array<i32>} : memref<64x128xf32, #tpu.memory_space<vmem>>, vector<16xf32>,
        tpu.vector_store %arg10[%swap3A_1007, %swap3A_1008], %max3A_1006 {strides = array<i32>} : memref<64x128xf32, #tpu.memory_space<vmem>>, vector<16xf32>,
        %min3A_1010 = arith.minimumf %get3A_929, %get3A_905 : vector<16xf32>
        %swap3A_1011 = arith.index_cast %squeeze3A_877 : i32 to index
        %swap3A_1012 = arith.constant 112 : index
        %swap3A_1013 = tpu.vector_load %arg9[%swap3A_1011, %swap3A_1012] {strides = array<i32>} : memref<64x128xf32, #tpu.memory_space<vmem>>, vector<16xf32>,
        tpu.vector_store %arg9[%swap3A_1011, %swap3A_1012], %min3A_1010 {strides = array<i32>} : memref<64x128xf32, #tpu.memory_space<vmem>>, vector<16xf32>,
        %max3A_1014 = arith.maximumf %get3A_953, %get3A_905 : vector<16xf32>
        %swap3A_1015 = arith.index_cast %squeeze3A_877 : i32 to index
        %swap3A_1016 = arith.constant 112 : index
        %swap3A_1017 = tpu.vector_load %arg10[%swap3A_1015, %swap3A_1016] {strides = array<i32>} : memref<64x128xf32, #tpu.memory_space<vmem>>, vector<16xf32>,
        tpu.vector_store %arg10[%swap3A_1015, %swap3A_1016], %max3A_1014 {strides = array<i32>} : memref<64x128xf32, #tpu.memory_space<vmem>>, vector<16xf32>,
        %slice3A_1018 = vector.extract_strided_slice %gather3A {offsets = [7], sizes = [1], strides = [1]} : vector<16xi32> to vector<1xi32>
        %squeeze3A_1019 = vector.extract %slice3A_1018[0] : i32 from vector<1xi32>
        %mul3A_1020 = arith.constant 16 : i32
        %mul3A_1021 = arith.muli %scan3A_25, %mul3A_1020 : i32
        %add3A_1022 = arith.constant 7 : i32
        %add3A_1023 = arith.addi %mul3A_1021, %add3A_1022 : i32
        %get3A_1024 = arith.index_cast %add3A_1023 : i32 to index
        %get3A_1025 = arith.constant 0 : index
        %get3A_1026 = tpu.vector_load %arg8[%get3A_1024, %get3A_1025] {strides = array<i32>} : memref<400x128xf32, #tpu.memory_space<vmem>>, vector<16xf32>,
        %get3A_1027 = arith.index_cast %add3A_1023 : i32 to index
        %get3A_1028 = arith.constant 16 : index
        %get3A_1029 = tpu.vector_load %arg8[%get3A_1027, %get3A_1028] {strides = array<i32>} : memref<400x128xf32, #tpu.memory_space<vmem>>, vector<16xf32>,
        %get3A_1030 = arith.index_cast %add3A_1023 : i32 to index
        %get3A_1031 = arith.constant 32 : index
        %get3A_1032 = tpu.vector_load %arg8[%get3A_1030, %get3A_1031] {strides = array<i32>} : memref<400x128xf32, #tpu.memory_space<vmem>>, vector<16xf32>,
        %get3A_1033 = arith.index_cast %add3A_1023 : i32 to index
        %get3A_1034 = arith.constant 48 : index
        %get3A_1035 = tpu.vector_load %arg8[%get3A_1033, %get3A_1034] {strides = array<i32>} : memref<400x128xf32, #tpu.memory_space<vmem>>, vector<16xf32>,
        %get3A_1036 = arith.index_cast %add3A_1023 : i32 to index
        %get3A_1037 = arith.constant 64 : index
        %get3A_1038 = tpu.vector_load %arg8[%get3A_1036, %get3A_1037] {strides = array<i32>} : memref<400x128xf32, #tpu.memory_space<vmem>>, vector<16xf32>,
        %get3A_1039 = arith.index_cast %add3A_1023 : i32 to index
        %get3A_1040 = arith.constant 80 : index
        %get3A_1041 = tpu.vector_load %arg8[%get3A_1039, %get3A_1040] {strides = array<i32>} : memref<400x128xf32, #tpu.memory_space<vmem>>, vector<16xf32>,
        %get3A_1042 = arith.index_cast %add3A_1023 : i32 to index
        %get3A_1043 = arith.constant 96 : index
        %get3A_1044 = tpu.vector_load %arg8[%get3A_1042, %get3A_1043] {strides = array<i32>} : memref<400x128xf32, #tpu.memory_space<vmem>>, vector<16xf32>,
        %get3A_1045 = arith.index_cast %add3A_1023 : i32 to index
        %get3A_1046 = arith.constant 112 : index
        %get3A_1047 = tpu.vector_load %arg8[%get3A_1045, %get3A_1046] {strides = array<i32>} : memref<400x128xf32, #tpu.memory_space<vmem>>, vector<16xf32>,
        %get3A_1048 = arith.index_cast %squeeze3A_1019 : i32 to index
        %get3A_1049 = arith.constant 0 : index
        %get3A_1050 = tpu.vector_load %arg9[%get3A_1048, %get3A_1049] {strides = array<i32>} : memref<64x128xf32, #tpu.memory_space<vmem>>, vector<16xf32>,
        %get3A_1051 = arith.index_cast %squeeze3A_1019 : i32 to index
        %get3A_1052 = arith.constant 16 : index
        %get3A_1053 = tpu.vector_load %arg9[%get3A_1051, %get3A_1052] {strides = array<i32>} : memref<64x128xf32, #tpu.memory_space<vmem>>, vector<16xf32>,
        %get3A_1054 = arith.index_cast %squeeze3A_1019 : i32 to index
        %get3A_1055 = arith.constant 32 : index
        %get3A_1056 = tpu.vector_load %arg9[%get3A_1054, %get3A_1055] {strides = array<i32>} : memref<64x128xf32, #tpu.memory_space<vmem>>, vector<16xf32>,
        %get3A_1057 = arith.index_cast %squeeze3A_1019 : i32 to index
        %get3A_1058 = arith.constant 48 : index
        %get3A_1059 = tpu.vector_load %arg9[%get3A_1057, %get3A_1058] {strides = array<i32>} : memref<64x128xf32, #tpu.memory_space<vmem>>, vector<16xf32>,
        %get3A_1060 = arith.index_cast %squeeze3A_1019 : i32 to index
        %get3A_1061 = arith.constant 64 : index
        %get3A_1062 = tpu.vector_load %arg9[%get3A_1060, %get3A_1061] {strides = array<i32>} : memref<64x128xf32, #tpu.memory_space<vmem>>, vector<16xf32>,
        %get3A_1063 = arith.index_cast %squeeze3A_1019 : i32 to index
        %get3A_1064 = arith.constant 80 : index
        %get3A_1065 = tpu.vector_load %arg9[%get3A_1063, %get3A_1064] {strides = array<i32>} : memref<64x128xf32, #tpu.memory_space<vmem>>, vector<16xf32>,
        %get3A_1066 = arith.index_cast %squeeze3A_1019 : i32 to index
        %get3A_1067 = arith.constant 96 : index
        %get3A_1068 = tpu.vector_load %arg9[%get3A_1066, %get3A_1067] {strides = array<i32>} : memref<64x128xf32, #tpu.memory_space<vmem>>, vector<16xf32>,
        %get3A_1069 = arith.index_cast %squeeze3A_1019 : i32 to index
        %get3A_1070 = arith.constant 112 : index
        %get3A_1071 = tpu.vector_load %arg9[%get3A_1069, %get3A_1070] {strides = array<i32>} : memref<64x128xf32, #tpu.memory_space<vmem>>, vector<16xf32>,
        %get3A_1072 = arith.index_cast %squeeze3A_1019 : i32 to index
        %get3A_1073 = arith.constant 0 : index
        %get3A_1074 = tpu.vector_load %arg10[%get3A_1072, %get3A_1073] {strides = array<i32>} : memref<64x128xf32, #tpu.memory_space<vmem>>, vector<16xf32>,
        %get3A_1075 = arith.index_cast %squeeze3A_1019 : i32 to index
        %get3A_1076 = arith.constant 16 : index
        %get3A_1077 = tpu.vector_load %arg10[%get3A_1075, %get3A_1076] {strides = array<i32>} : memref<64x128xf32, #tpu.memory_space<vmem>>, vector<16xf32>,
        %get3A_1078 = arith.index_cast %squeeze3A_1019 : i32 to index
        %get3A_1079 = arith.constant 32 : index
        %get3A_1080 = tpu.vector_load %arg10[%get3A_1078, %get3A_1079] {strides = array<i32>} : memref<64x128xf32, #tpu.memory_space<vmem>>, vector<16xf32>,
        %get3A_1081 = arith.index_cast %squeeze3A_1019 : i32 to index
        %get3A_1082 = arith.constant 48 : index
        %get3A_1083 = tpu.vector_load %arg10[%get3A_1081, %get3A_1082] {strides = array<i32>} : memref<64x128xf32, #tpu.memory_space<vmem>>, vector<16xf32>,
        %get3A_1084 = arith.index_cast %squeeze3A_1019 : i32 to index
        %get3A_1085 = arith.constant 64 : index
        %get3A_1086 = tpu.vector_load %arg10[%get3A_1084, %get3A_1085] {strides = array<i32>} : memref<64x128xf32, #tpu.memory_space<vmem>>, vector<16xf32>,
        %get3A_1087 = arith.index_cast %squeeze3A_1019 : i32 to index
        %get3A_1088 = arith.constant 80 : index
        %get3A_1089 = tpu.vector_load %arg10[%get3A_1087, %get3A_1088] {strides = array<i32>} : memref<64x128xf32, #tpu.memory_space<vmem>>, vector<16xf32>,
        %get3A_1090 = arith.index_cast %squeeze3A_1019 : i32 to index
        %get3A_1091 = arith.constant 96 : index
        %get3A_1092 = tpu.vector_load %arg10[%get3A_1090, %get3A_1091] {strides = array<i32>} : memref<64x128xf32, #tpu.memory_space<vmem>>, vector<16xf32>,
        %get3A_1093 = arith.index_cast %squeeze3A_1019 : i32 to index
        %get3A_1094 = arith.constant 112 : index
        %get3A_1095 = tpu.vector_load %arg10[%get3A_1093, %get3A_1094] {strides = array<i32>} : memref<64x128xf32, #tpu.memory_space<vmem>>, vector<16xf32>,
        %min3A_1096 = arith.minimumf %get3A_1050, %get3A_1026 : vector<16xf32>
        %swap3A_1097 = arith.index_cast %squeeze3A_1019 : i32 to index
        %swap3A_1098 = arith.constant 0 : index
        %swap3A_1099 = tpu.vector_load %arg9[%swap3A_1097, %swap3A_1098] {strides = array<i32>} : memref<64x128xf32, #tpu.memory_space<vmem>>, vector<16xf32>,
        tpu.vector_store %arg9[%swap3A_1097, %swap3A_1098], %min3A_1096 {strides = array<i32>} : memref<64x128xf32, #tpu.memory_space<vmem>>, vector<16xf32>,
        %max3A_1100 = arith.maximumf %get3A_1074, %get3A_1026 : vector<16xf32>
        %swap3A_1101 = arith.index_cast %squeeze3A_1019 : i32 to index
        %swap3A_1102 = arith.constant 0 : index
        %swap3A_1103 = tpu.vector_load %arg10[%swap3A_1101, %swap3A_1102] {strides = array<i32>} : memref<64x128xf32, #tpu.memory_space<vmem>>, vector<16xf32>,
        tpu.vector_store %arg10[%swap3A_1101, %swap3A_1102], %max3A_1100 {strides = array<i32>} : memref<64x128xf32, #tpu.memory_space<vmem>>, vector<16xf32>,
        %min3A_1104 = arith.minimumf %get3A_1053, %get3A_1029 : vector<16xf32>
        %swap3A_1105 = arith.index_cast %squeeze3A_1019 : i32 to index
        %swap3A_1106 = arith.constant 16 : index
        %swap3A_1107 = tpu.vector_load %arg9[%swap3A_1105, %swap3A_1106] {strides = array<i32>} : memref<64x128xf32, #tpu.memory_space<vmem>>, vector<16xf32>,
        tpu.vector_store %arg9[%swap3A_1105, %swap3A_1106], %min3A_1104 {strides = array<i32>} : memref<64x128xf32, #tpu.memory_space<vmem>>, vector<16xf32>,
        %max3A_1108 = arith.maximumf %get3A_1077, %get3A_1029 : vector<16xf32>
        %swap3A_1109 = arith.index_cast %squeeze3A_1019 : i32 to index
        %swap3A_1110 = arith.constant 16 : index
        %swap3A_1111 = tpu.vector_load %arg10[%swap3A_1109, %swap3A_1110] {strides = array<i32>} : memref<64x128xf32, #tpu.memory_space<vmem>>, vector<16xf32>,
        tpu.vector_store %arg10[%swap3A_1109, %swap3A_1110], %max3A_1108 {strides = array<i32>} : memref<64x128xf32, #tpu.memory_space<vmem>>, vector<16xf32>,
        %min3A_1112 = arith.minimumf %get3A_1056, %get3A_1032 : vector<16xf32>
        %swap3A_1113 = arith.index_cast %squeeze3A_1019 : i32 to index
        %swap3A_1114 = arith.constant 32 : index
        %swap3A_1115 = tpu.vector_load %arg9[%swap3A_1113, %swap3A_1114] {strides = array<i32>} : memref<64x128xf32, #tpu.memory_space<vmem>>, vector<16xf32>,
        tpu.vector_store %arg9[%swap3A_1113, %swap3A_1114], %min3A_1112 {strides = array<i32>} : memref<64x128xf32, #tpu.memory_space<vmem>>, vector<16xf32>,
        %max3A_1116 = arith.maximumf %get3A_1080, %get3A_1032 : vector<16xf32>
        %swap3A_1117 = arith.index_cast %squeeze3A_1019 : i32 to index
        %swap3A_1118 = arith.constant 32 : index
        %swap3A_1119 = tpu.vector_load %arg10[%swap3A_1117, %swap3A_1118] {strides = array<i32>} : memref<64x128xf32, #tpu.memory_space<vmem>>, vector<16xf32>,
        tpu.vector_store %arg10[%swap3A_1117, %swap3A_1118], %max3A_1116 {strides = array<i32>} : memref<64x128xf32, #tpu.memory_space<vmem>>, vector<16xf32>,
        %min3A_1120 = arith.minimumf %get3A_1059, %get3A_1035 : vector<16xf32>
        %swap3A_1121 = arith.index_cast %squeeze3A_1019 : i32 to index
        %swap3A_1122 = arith.constant 48 : index
        %swap3A_1123 = tpu.vector_load %arg9[%swap3A_1121, %swap3A_1122] {strides = array<i32>} : memref<64x128xf32, #tpu.memory_space<vmem>>, vector<16xf32>,
        tpu.vector_store %arg9[%swap3A_1121, %swap3A_1122], %min3A_1120 {strides = array<i32>} : memref<64x128xf32, #tpu.memory_space<vmem>>, vector<16xf32>,
        %max3A_1124 = arith.maximumf %get3A_1083, %get3A_1035 : vector<16xf32>
        %swap3A_1125 = arith.index_cast %squeeze3A_1019 : i32 to index
        %swap3A_1126 = arith.constant 48 : index
        %swap3A_1127 = tpu.vector_load %arg10[%swap3A_1125, %swap3A_1126] {strides = array<i32>} : memref<64x128xf32, #tpu.memory_space<vmem>>, vector<16xf32>,
        tpu.vector_store %arg10[%swap3A_1125, %swap3A_1126], %max3A_1124 {strides = array<i32>} : memref<64x128xf32, #tpu.memory_space<vmem>>, vector<16xf32>,
        %min3A_1128 = arith.minimumf %get3A_1062, %get3A_1038 : vector<16xf32>
        %swap3A_1129 = arith.index_cast %squeeze3A_1019 : i32 to index
        %swap3A_1130 = arith.constant 64 : index
        %swap3A_1131 = tpu.vector_load %arg9[%swap3A_1129, %swap3A_1130] {strides = array<i32>} : memref<64x128xf32, #tpu.memory_space<vmem>>, vector<16xf32>,
        tpu.vector_store %arg9[%swap3A_1129, %swap3A_1130], %min3A_1128 {strides = array<i32>} : memref<64x128xf32, #tpu.memory_space<vmem>>, vector<16xf32>,
        %max3A_1132 = arith.maximumf %get3A_1086, %get3A_1038 : vector<16xf32>
        %swap3A_1133 = arith.index_cast %squeeze3A_1019 : i32 to index
        %swap3A_1134 = arith.constant 64 : index
        %swap3A_1135 = tpu.vector_load %arg10[%swap3A_1133, %swap3A_1134] {strides = array<i32>} : memref<64x128xf32, #tpu.memory_space<vmem>>, vector<16xf32>,
        tpu.vector_store %arg10[%swap3A_1133, %swap3A_1134], %max3A_1132 {strides = array<i32>} : memref<64x128xf32, #tpu.memory_space<vmem>>, vector<16xf32>,
        %min3A_1136 = arith.minimumf %get3A_1065, %get3A_1041 : vector<16xf32>
        %swap3A_1137 = arith.index_cast %squeeze3A_1019 : i32 to index
        %swap3A_1138 = arith.constant 80 : index
        %swap3A_1139 = tpu.vector_load %arg9[%swap3A_1137, %swap3A_1138] {strides = array<i32>} : memref<64x128xf32, #tpu.memory_space<vmem>>, vector<16xf32>,
        tpu.vector_store %arg9[%swap3A_1137, %swap3A_1138], %min3A_1136 {strides = array<i32>} : memref<64x128xf32, #tpu.memory_space<vmem>>, vector<16xf32>,
        %max3A_1140 = arith.maximumf %get3A_1089, %get3A_1041 : vector<16xf32>
        %swap3A_1141 = arith.index_cast %squeeze3A_1019 : i32 to index
        %swap3A_1142 = arith.constant 80 : index
        %swap3A_1143 = tpu.vector_load %arg10[%swap3A_1141, %swap3A_1142] {strides = array<i32>} : memref<64x128xf32, #tpu.memory_space<vmem>>, vector<16xf32>,
        tpu.vector_store %arg10[%swap3A_1141, %swap3A_1142], %max3A_1140 {strides = array<i32>} : memref<64x128xf32, #tpu.memory_space<vmem>>, vector<16xf32>,
        %min3A_1144 = arith.minimumf %get3A_1068, %get3A_1044 : vector<16xf32>
        %swap3A_1145 = arith.index_cast %squeeze3A_1019 : i32 to index
        %swap3A_1146 = arith.constant 96 : index
        %swap3A_1147 = tpu.vector_load %arg9[%swap3A_1145, %swap3A_1146] {strides = array<i32>} : memref<64x128xf32, #tpu.memory_space<vmem>>, vector<16xf32>,
        tpu.vector_store %arg9[%swap3A_1145, %swap3A_1146], %min3A_1144 {strides = array<i32>} : memref<64x128xf32, #tpu.memory_space<vmem>>, vector<16xf32>,
        %max3A_1148 = arith.maximumf %get3A_1092, %get3A_1044 : vector<16xf32>
        %swap3A_1149 = arith.index_cast %squeeze3A_1019 : i32 to index
        %swap3A_1150 = arith.constant 96 : index
        %swap3A_1151 = tpu.vector_load %arg10[%swap3A_1149, %swap3A_1150] {strides = array<i32>} : memref<64x128xf32, #tpu.memory_space<vmem>>, vector<16xf32>,
        tpu.vector_store %arg10[%swap3A_1149, %swap3A_1150], %max3A_1148 {strides = array<i32>} : memref<64x128xf32, #tpu.memory_space<vmem>>, vector<16xf32>,
        %min3A_1152 = arith.minimumf %get3A_1071, %get3A_1047 : vector<16xf32>
        %swap3A_1153 = arith.index_cast %squeeze3A_1019 : i32 to index
        %swap3A_1154 = arith.constant 112 : index
        %swap3A_1155 = tpu.vector_load %arg9[%swap3A_1153, %swap3A_1154] {strides = array<i32>} : memref<64x128xf32, #tpu.memory_space<vmem>>, vector<16xf32>,
        tpu.vector_store %arg9[%swap3A_1153, %swap3A_1154], %min3A_1152 {strides = array<i32>} : memref<64x128xf32, #tpu.memory_space<vmem>>, vector<16xf32>,
        %max3A_1156 = arith.maximumf %get3A_1095, %get3A_1047 : vector<16xf32>
        %swap3A_1157 = arith.index_cast %squeeze3A_1019 : i32 to index
        %swap3A_1158 = arith.constant 112 : index
        %swap3A_1159 = tpu.vector_load %arg10[%swap3A_1157, %swap3A_1158] {strides = array<i32>} : memref<64x128xf32, #tpu.memory_space<vmem>>, vector<16xf32>,
        tpu.vector_store %arg10[%swap3A_1157, %swap3A_1158], %max3A_1156 {strides = array<i32>} : memref<64x128xf32, #tpu.memory_space<vmem>>, vector<16xf32>,
        %slice3A_1160 = vector.extract_strided_slice %gather3A {offsets = [8], sizes = [1], strides = [1]} : vector<16xi32> to vector<1xi32>
        %squeeze3A_1161 = vector.extract %slice3A_1160[0] : i32 from vector<1xi32>
        %mul3A_1162 = arith.constant 16 : i32
        %mul3A_1163 = arith.muli %scan3A_25, %mul3A_1162 : i32
        %add3A_1164 = arith.constant 8 : i32
        %add3A_1165 = arith.addi %mul3A_1163, %add3A_1164 : i32
        %get3A_1166 = arith.index_cast %add3A_1165 : i32 to index
        %get3A_1167 = arith.constant 0 : index
        %get3A_1168 = tpu.vector_load %arg8[%get3A_1166, %get3A_1167] {strides = array<i32>} : memref<400x128xf32, #tpu.memory_space<vmem>>, vector<16xf32>,
        %get3A_1169 = arith.index_cast %add3A_1165 : i32 to index
        %get3A_1170 = arith.constant 16 : index
        %get3A_1171 = tpu.vector_load %arg8[%get3A_1169, %get3A_1170] {strides = array<i32>} : memref<400x128xf32, #tpu.memory_space<vmem>>, vector<16xf32>,
        %get3A_1172 = arith.index_cast %add3A_1165 : i32 to index
        %get3A_1173 = arith.constant 32 : index
        %get3A_1174 = tpu.vector_load %arg8[%get3A_1172, %get3A_1173] {strides = array<i32>} : memref<400x128xf32, #tpu.memory_space<vmem>>, vector<16xf32>,
        %get3A_1175 = arith.index_cast %add3A_1165 : i32 to index
        %get3A_1176 = arith.constant 48 : index
        %get3A_1177 = tpu.vector_load %arg8[%get3A_1175, %get3A_1176] {strides = array<i32>} : memref<400x128xf32, #tpu.memory_space<vmem>>, vector<16xf32>,
        %get3A_1178 = arith.index_cast %add3A_1165 : i32 to index
        %get3A_1179 = arith.constant 64 : index
        %get3A_1180 = tpu.vector_load %arg8[%get3A_1178, %get3A_1179] {strides = array<i32>} : memref<400x128xf32, #tpu.memory_space<vmem>>, vector<16xf32>,
        %get3A_1181 = arith.index_cast %add3A_1165 : i32 to index
        %get3A_1182 = arith.constant 80 : index
        %get3A_1183 = tpu.vector_load %arg8[%get3A_1181, %get3A_1182] {strides = array<i32>} : memref<400x128xf32, #tpu.memory_space<vmem>>, vector<16xf32>,
        %get3A_1184 = arith.index_cast %add3A_1165 : i32 to index
        %get3A_1185 = arith.constant 96 : index
        %get3A_1186 = tpu.vector_load %arg8[%get3A_1184, %get3A_1185] {strides = array<i32>} : memref<400x128xf32, #tpu.memory_space<vmem>>, vector<16xf32>,
        %get3A_1187 = arith.index_cast %add3A_1165 : i32 to index
        %get3A_1188 = arith.constant 112 : index
        %get3A_1189 = tpu.vector_load %arg8[%get3A_1187, %get3A_1188] {strides = array<i32>} : memref<400x128xf32, #tpu.memory_space<vmem>>, vector<16xf32>,
        %get3A_1190 = arith.index_cast %squeeze3A_1161 : i32 to index
        %get3A_1191 = arith.constant 0 : index
        %get3A_1192 = tpu.vector_load %arg9[%get3A_1190, %get3A_1191] {strides = array<i32>} : memref<64x128xf32, #tpu.memory_space<vmem>>, vector<16xf32>,
        %get3A_1193 = arith.index_cast %squeeze3A_1161 : i32 to index
        %get3A_1194 = arith.constant 16 : index
        %get3A_1195 = tpu.vector_load %arg9[%get3A_1193, %get3A_1194] {strides = array<i32>} : memref<64x128xf32, #tpu.memory_space<vmem>>, vector<16xf32>,
        %get3A_1196 = arith.index_cast %squeeze3A_1161 : i32 to index
        %get3A_1197 = arith.constant 32 : index
        %get3A_1198 = tpu.vector_load %arg9[%get3A_1196, %get3A_1197] {strides = array<i32>} : memref<64x128xf32, #tpu.memory_space<vmem>>, vector<16xf32>,
        %get3A_1199 = arith.index_cast %squeeze3A_1161 : i32 to index
        %get3A_1200 = arith.constant 48 : index
        %get3A_1201 = tpu.vector_load %arg9[%get3A_1199, %get3A_1200] {strides = array<i32>} : memref<64x128xf32, #tpu.memory_space<vmem>>, vector<16xf32>,
        %get3A_1202 = arith.index_cast %squeeze3A_1161 : i32 to index
        %get3A_1203 = arith.constant 64 : index
        %get3A_1204 = tpu.vector_load %arg9[%get3A_1202, %get3A_1203] {strides = array<i32>} : memref<64x128xf32, #tpu.memory_space<vmem>>, vector<16xf32>,
        %get3A_1205 = arith.index_cast %squeeze3A_1161 : i32 to index
        %get3A_1206 = arith.constant 80 : index
        %get3A_1207 = tpu.vector_load %arg9[%get3A_1205, %get3A_1206] {strides = array<i32>} : memref<64x128xf32, #tpu.memory_space<vmem>>, vector<16xf32>,
        %get3A_1208 = arith.index_cast %squeeze3A_1161 : i32 to index
        %get3A_1209 = arith.constant 96 : index
        %get3A_1210 = tpu.vector_load %arg9[%get3A_1208, %get3A_1209] {strides = array<i32>} : memref<64x128xf32, #tpu.memory_space<vmem>>, vector<16xf32>,
        %get3A_1211 = arith.index_cast %squeeze3A_1161 : i32 to index
        %get3A_1212 = arith.constant 112 : index
        %get3A_1213 = tpu.vector_load %arg9[%get3A_1211, %get3A_1212] {strides = array<i32>} : memref<64x128xf32, #tpu.memory_space<vmem>>, vector<16xf32>,
        %get3A_1214 = arith.index_cast %squeeze3A_1161 : i32 to index
        %get3A_1215 = arith.constant 0 : index
        %get3A_1216 = tpu.vector_load %arg10[%get3A_1214, %get3A_1215] {strides = array<i32>} : memref<64x128xf32, #tpu.memory_space<vmem>>, vector<16xf32>,
        %get3A_1217 = arith.index_cast %squeeze3A_1161 : i32 to index
        %get3A_1218 = arith.constant 16 : index
        %get3A_1219 = tpu.vector_load %arg10[%get3A_1217, %get3A_1218] {strides = array<i32>} : memref<64x128xf32, #tpu.memory_space<vmem>>, vector<16xf32>,
        %get3A_1220 = arith.index_cast %squeeze3A_1161 : i32 to index
        %get3A_1221 = arith.constant 32 : index
        %get3A_1222 = tpu.vector_load %arg10[%get3A_1220, %get3A_1221] {strides = array<i32>} : memref<64x128xf32, #tpu.memory_space<vmem>>, vector<16xf32>,
        %get3A_1223 = arith.index_cast %squeeze3A_1161 : i32 to index
        %get3A_1224 = arith.constant 48 : index
        %get3A_1225 = tpu.vector_load %arg10[%get3A_1223, %get3A_1224] {strides = array<i32>} : memref<64x128xf32, #tpu.memory_space<vmem>>, vector<16xf32>,
        %get3A_1226 = arith.index_cast %squeeze3A_1161 : i32 to index
        %get3A_1227 = arith.constant 64 : index
        %get3A_1228 = tpu.vector_load %arg10[%get3A_1226, %get3A_1227] {strides = array<i32>} : memref<64x128xf32, #tpu.memory_space<vmem>>, vector<16xf32>,
        %get3A_1229 = arith.index_cast %squeeze3A_1161 : i32 to index
        %get3A_1230 = arith.constant 80 : index
        %get3A_1231 = tpu.vector_load %arg10[%get3A_1229, %get3A_1230] {strides = array<i32>} : memref<64x128xf32, #tpu.memory_space<vmem>>, vector<16xf32>,
        %get3A_1232 = arith.index_cast %squeeze3A_1161 : i32 to index
        %get3A_1233 = arith.constant 96 : index
        %get3A_1234 = tpu.vector_load %arg10[%get3A_1232, %get3A_1233] {strides = array<i32>} : memref<64x128xf32, #tpu.memory_space<vmem>>, vector<16xf32>,
        %get3A_1235 = arith.index_cast %squeeze3A_1161 : i32 to index
        %get3A_1236 = arith.constant 112 : index
        %get3A_1237 = tpu.vector_load %arg10[%get3A_1235, %get3A_1236] {strides = array<i32>} : memref<64x128xf32, #tpu.memory_space<vmem>>, vector<16xf32>,
        %min3A_1238 = arith.minimumf %get3A_1192, %get3A_1168 : vector<16xf32>
        %swap3A_1239 = arith.index_cast %squeeze3A_1161 : i32 to index
        %swap3A_1240 = arith.constant 0 : index
        %swap3A_1241 = tpu.vector_load %arg9[%swap3A_1239, %swap3A_1240] {strides = array<i32>} : memref<64x128xf32, #tpu.memory_space<vmem>>, vector<16xf32>,
        tpu.vector_store %arg9[%swap3A_1239, %swap3A_1240], %min3A_1238 {strides = array<i32>} : memref<64x128xf32, #tpu.memory_space<vmem>>, vector<16xf32>,
        %max3A_1242 = arith.maximumf %get3A_1216, %get3A_1168 : vector<16xf32>
        %swap3A_1243 = arith.index_cast %squeeze3A_1161 : i32 to index
        %swap3A_1244 = arith.constant 0 : index
        %swap3A_1245 = tpu.vector_load %arg10[%swap3A_1243, %swap3A_1244] {strides = array<i32>} : memref<64x128xf32, #tpu.memory_space<vmem>>, vector<16xf32>,
        tpu.vector_store %arg10[%swap3A_1243, %swap3A_1244], %max3A_1242 {strides = array<i32>} : memref<64x128xf32, #tpu.memory_space<vmem>>, vector<16xf32>,
        %min3A_1246 = arith.minimumf %get3A_1195, %get3A_1171 : vector<16xf32>
        %swap3A_1247 = arith.index_cast %squeeze3A_1161 : i32 to index
        %swap3A_1248 = arith.constant 16 : index
        %swap3A_1249 = tpu.vector_load %arg9[%swap3A_1247, %swap3A_1248] {strides = array<i32>} : memref<64x128xf32, #tpu.memory_space<vmem>>, vector<16xf32>,
        tpu.vector_store %arg9[%swap3A_1247, %swap3A_1248], %min3A_1246 {strides = array<i32>} : memref<64x128xf32, #tpu.memory_space<vmem>>, vector<16xf32>,
        %max3A_1250 = arith.maximumf %get3A_1219, %get3A_1171 : vector<16xf32>
        %swap3A_1251 = arith.index_cast %squeeze3A_1161 : i32 to index
        %swap3A_1252 = arith.constant 16 : index
        %swap3A_1253 = tpu.vector_load %arg10[%swap3A_1251, %swap3A_1252] {strides = array<i32>} : memref<64x128xf32, #tpu.memory_space<vmem>>, vector<16xf32>,
        tpu.vector_store %arg10[%swap3A_1251, %swap3A_1252], %max3A_1250 {strides = array<i32>} : memref<64x128xf32, #tpu.memory_space<vmem>>, vector<16xf32>,
        %min3A_1254 = arith.minimumf %get3A_1198, %get3A_1174 : vector<16xf32>
        %swap3A_1255 = arith.index_cast %squeeze3A_1161 : i32 to index
        %swap3A_1256 = arith.constant 32 : index
        %swap3A_1257 = tpu.vector_load %arg9[%swap3A_1255, %swap3A_1256] {strides = array<i32>} : memref<64x128xf32, #tpu.memory_space<vmem>>, vector<16xf32>,
        tpu.vector_store %arg9[%swap3A_1255, %swap3A_1256], %min3A_1254 {strides = array<i32>} : memref<64x128xf32, #tpu.memory_space<vmem>>, vector<16xf32>,
        %max3A_1258 = arith.maximumf %get3A_1222, %get3A_1174 : vector<16xf32>
        %swap3A_1259 = arith.index_cast %squeeze3A_1161 : i32 to index
        %swap3A_1260 = arith.constant 32 : index
        %swap3A_1261 = tpu.vector_load %arg10[%swap3A_1259, %swap3A_1260] {strides = array<i32>} : memref<64x128xf32, #tpu.memory_space<vmem>>, vector<16xf32>,
        tpu.vector_store %arg10[%swap3A_1259, %swap3A_1260], %max3A_1258 {strides = array<i32>} : memref<64x128xf32, #tpu.memory_space<vmem>>, vector<16xf32>,
        %min3A_1262 = arith.minimumf %get3A_1201, %get3A_1177 : vector<16xf32>
        %swap3A_1263 = arith.index_cast %squeeze3A_1161 : i32 to index
        %swap3A_1264 = arith.constant 48 : index
        %swap3A_1265 = tpu.vector_load %arg9[%swap3A_1263, %swap3A_1264] {strides = array<i32>} : memref<64x128xf32, #tpu.memory_space<vmem>>, vector<16xf32>,
        tpu.vector_store %arg9[%swap3A_1263, %swap3A_1264], %min3A_1262 {strides = array<i32>} : memref<64x128xf32, #tpu.memory_space<vmem>>, vector<16xf32>,
        %max3A_1266 = arith.maximumf %get3A_1225, %get3A_1177 : vector<16xf32>
        %swap3A_1267 = arith.index_cast %squeeze3A_1161 : i32 to index
        %swap3A_1268 = arith.constant 48 : index
        %swap3A_1269 = tpu.vector_load %arg10[%swap3A_1267, %swap3A_1268] {strides = array<i32>} : memref<64x128xf32, #tpu.memory_space<vmem>>, vector<16xf32>,
        tpu.vector_store %arg10[%swap3A_1267, %swap3A_1268], %max3A_1266 {strides = array<i32>} : memref<64x128xf32, #tpu.memory_space<vmem>>, vector<16xf32>,
        %min3A_1270 = arith.minimumf %get3A_1204, %get3A_1180 : vector<16xf32>
        %swap3A_1271 = arith.index_cast %squeeze3A_1161 : i32 to index
        %swap3A_1272 = arith.constant 64 : index
        %swap3A_1273 = tpu.vector_load %arg9[%swap3A_1271, %swap3A_1272] {strides = array<i32>} : memref<64x128xf32, #tpu.memory_space<vmem>>, vector<16xf32>,
        tpu.vector_store %arg9[%swap3A_1271, %swap3A_1272], %min3A_1270 {strides = array<i32>} : memref<64x128xf32, #tpu.memory_space<vmem>>, vector<16xf32>,
        %max3A_1274 = arith.maximumf %get3A_1228, %get3A_1180 : vector<16xf32>
        %swap3A_1275 = arith.index_cast %squeeze3A_1161 : i32 to index
        %swap3A_1276 = arith.constant 64 : index
        %swap3A_1277 = tpu.vector_load %arg10[%swap3A_1275, %swap3A_1276] {strides = array<i32>} : memref<64x128xf32, #tpu.memory_space<vmem>>, vector<16xf32>,
        tpu.vector_store %arg10[%swap3A_1275, %swap3A_1276], %max3A_1274 {strides = array<i32>} : memref<64x128xf32, #tpu.memory_space<vmem>>, vector<16xf32>,
        %min3A_1278 = arith.minimumf %get3A_1207, %get3A_1183 : vector<16xf32>
        %swap3A_1279 = arith.index_cast %squeeze3A_1161 : i32 to index
        %swap3A_1280 = arith.constant 80 : index
        %swap3A_1281 = tpu.vector_load %arg9[%swap3A_1279, %swap3A_1280] {strides = array<i32>} : memref<64x128xf32, #tpu.memory_space<vmem>>, vector<16xf32>,
        tpu.vector_store %arg9[%swap3A_1279, %swap3A_1280], %min3A_1278 {strides = array<i32>} : memref<64x128xf32, #tpu.memory_space<vmem>>, vector<16xf32>,
        %max3A_1282 = arith.maximumf %get3A_1231, %get3A_1183 : vector<16xf32>
        %swap3A_1283 = arith.index_cast %squeeze3A_1161 : i32 to index
        %swap3A_1284 = arith.constant 80 : index
        %swap3A_1285 = tpu.vector_load %arg10[%swap3A_1283, %swap3A_1284] {strides = array<i32>} : memref<64x128xf32, #tpu.memory_space<vmem>>, vector<16xf32>,
        tpu.vector_store %arg10[%swap3A_1283, %swap3A_1284], %max3A_1282 {strides = array<i32>} : memref<64x128xf32, #tpu.memory_space<vmem>>, vector<16xf32>,
        %min3A_1286 = arith.minimumf %get3A_1210, %get3A_1186 : vector<16xf32>
        %swap3A_1287 = arith.index_cast %squeeze3A_1161 : i32 to index
        %swap3A_1288 = arith.constant 96 : index
        %swap3A_1289 = tpu.vector_load %arg9[%swap3A_1287, %swap3A_1288] {strides = array<i32>} : memref<64x128xf32, #tpu.memory_space<vmem>>, vector<16xf32>,
        tpu.vector_store %arg9[%swap3A_1287, %swap3A_1288], %min3A_1286 {strides = array<i32>} : memref<64x128xf32, #tpu.memory_space<vmem>>, vector<16xf32>,
        %max3A_1290 = arith.maximumf %get3A_1234, %get3A_1186 : vector<16xf32>
        %swap3A_1291 = arith.index_cast %squeeze3A_1161 : i32 to index
        %swap3A_1292 = arith.constant 96 : index
        %swap3A_1293 = tpu.vector_load %arg10[%swap3A_1291, %swap3A_1292] {strides = array<i32>} : memref<64x128xf32, #tpu.memory_space<vmem>>, vector<16xf32>,
        tpu.vector_store %arg10[%swap3A_1291, %swap3A_1292], %max3A_1290 {strides = array<i32>} : memref<64x128xf32, #tpu.memory_space<vmem>>, vector<16xf32>,
        %min3A_1294 = arith.minimumf %get3A_1213, %get3A_1189 : vector<16xf32>
        %swap3A_1295 = arith.index_cast %squeeze3A_1161 : i32 to index
        %swap3A_1296 = arith.constant 112 : index
        %swap3A_1297 = tpu.vector_load %arg9[%swap3A_1295, %swap3A_1296] {strides = array<i32>} : memref<64x128xf32, #tpu.memory_space<vmem>>, vector<16xf32>,
        tpu.vector_store %arg9[%swap3A_1295, %swap3A_1296], %min3A_1294 {strides = array<i32>} : memref<64x128xf32, #tpu.memory_space<vmem>>, vector<16xf32>,
        %max3A_1298 = arith.maximumf %get3A_1237, %get3A_1189 : vector<16xf32>
        %swap3A_1299 = arith.index_cast %squeeze3A_1161 : i32 to index
        %swap3A_1300 = arith.constant 112 : index
        %swap3A_1301 = tpu.vector_load %arg10[%swap3A_1299, %swap3A_1300] {strides = array<i32>} : memref<64x128xf32, #tpu.memory_space<vmem>>, vector<16xf32>,
        tpu.vector_store %arg10[%swap3A_1299, %swap3A_1300], %max3A_1298 {strides = array<i32>} : memref<64x128xf32, #tpu.memory_space<vmem>>, vector<16xf32>,
        %slice3A_1302 = vector.extract_strided_slice %gather3A {offsets = [9], sizes = [1], strides = [1]} : vector<16xi32> to vector<1xi32>
        %squeeze3A_1303 = vector.extract %slice3A_1302[0] : i32 from vector<1xi32>
        %mul3A_1304 = arith.constant 16 : i32
        %mul3A_1305 = arith.muli %scan3A_25, %mul3A_1304 : i32
        %add3A_1306 = arith.constant 9 : i32
        %add3A_1307 = arith.addi %mul3A_1305, %add3A_1306 : i32
        %get3A_1308 = arith.index_cast %add3A_1307 : i32 to index
        %get3A_1309 = arith.constant 0 : index
        %get3A_1310 = tpu.vector_load %arg8[%get3A_1308, %get3A_1309] {strides = array<i32>} : memref<400x128xf32, #tpu.memory_space<vmem>>, vector<16xf32>,
        %get3A_1311 = arith.index_cast %add3A_1307 : i32 to index
        %get3A_1312 = arith.constant 16 : index
        %get3A_1313 = tpu.vector_load %arg8[%get3A_1311, %get3A_1312] {strides = array<i32>} : memref<400x128xf32, #tpu.memory_space<vmem>>, vector<16xf32>,
        %get3A_1314 = arith.index_cast %add3A_1307 : i32 to index
        %get3A_1315 = arith.constant 32 : index
        %get3A_1316 = tpu.vector_load %arg8[%get3A_1314, %get3A_1315] {strides = array<i32>} : memref<400x128xf32, #tpu.memory_space<vmem>>, vector<16xf32>,
        %get3A_1317 = arith.index_cast %add3A_1307 : i32 to index
        %get3A_1318 = arith.constant 48 : index
        %get3A_1319 = tpu.vector_load %arg8[%get3A_1317, %get3A_1318] {strides = array<i32>} : memref<400x128xf32, #tpu.memory_space<vmem>>, vector<16xf32>,
        %get3A_1320 = arith.index_cast %add3A_1307 : i32 to index
        %get3A_1321 = arith.constant 64 : index
        %get3A_1322 = tpu.vector_load %arg8[%get3A_1320, %get3A_1321] {strides = array<i32>} : memref<400x128xf32, #tpu.memory_space<vmem>>, vector<16xf32>,
        %get3A_1323 = arith.index_cast %add3A_1307 : i32 to index
        %get3A_1324 = arith.constant 80 : index
        %get3A_1325 = tpu.vector_load %arg8[%get3A_1323, %get3A_1324] {strides = array<i32>} : memref<400x128xf32, #tpu.memory_space<vmem>>, vector<16xf32>,
        %get3A_1326 = arith.index_cast %add3A_1307 : i32 to index
        %get3A_1327 = arith.constant 96 : index
        %get3A_1328 = tpu.vector_load %arg8[%get3A_1326, %get3A_1327] {strides = array<i32>} : memref<400x128xf32, #tpu.memory_space<vmem>>, vector<16xf32>,
        %get3A_1329 = arith.index_cast %add3A_1307 : i32 to index
        %get3A_1330 = arith.constant 112 : index
        %get3A_1331 = tpu.vector_load %arg8[%get3A_1329, %get3A_1330] {strides = array<i32>} : memref<400x128xf32, #tpu.memory_space<vmem>>, vector<16xf32>,
        %get3A_1332 = arith.index_cast %squeeze3A_1303 : i32 to index
        %get3A_1333 = arith.constant 0 : index
        %get3A_1334 = tpu.vector_load %arg9[%get3A_1332, %get3A_1333] {strides = array<i32>} : memref<64x128xf32, #tpu.memory_space<vmem>>, vector<16xf32>,
        %get3A_1335 = arith.index_cast %squeeze3A_1303 : i32 to index
        %get3A_1336 = arith.constant 16 : index
        %get3A_1337 = tpu.vector_load %arg9[%get3A_1335, %get3A_1336] {strides = array<i32>} : memref<64x128xf32, #tpu.memory_space<vmem>>, vector<16xf32>,
        %get3A_1338 = arith.index_cast %squeeze3A_1303 : i32 to index
        %get3A_1339 = arith.constant 32 : index
        %get3A_1340 = tpu.vector_load %arg9[%get3A_1338, %get3A_1339] {strides = array<i32>} : memref<64x128xf32, #tpu.memory_space<vmem>>, vector<16xf32>,
        %get3A_1341 = arith.index_cast %squeeze3A_1303 : i32 to index
        %get3A_1342 = arith.constant 48 : index
        %get3A_1343 = tpu.vector_load %arg9[%get3A_1341, %get3A_1342] {strides = array<i32>} : memref<64x128xf32, #tpu.memory_space<vmem>>, vector<16xf32>,
        %get3A_1344 = arith.index_cast %squeeze3A_1303 : i32 to index
        %get3A_1345 = arith.constant 64 : index
        %get3A_1346 = tpu.vector_load %arg9[%get3A_1344, %get3A_1345] {strides = array<i32>} : memref<64x128xf32, #tpu.memory_space<vmem>>, vector<16xf32>,
        %get3A_1347 = arith.index_cast %squeeze3A_1303 : i32 to index
        %get3A_1348 = arith.constant 80 : index
        %get3A_1349 = tpu.vector_load %arg9[%get3A_1347, %get3A_1348] {strides = array<i32>} : memref<64x128xf32, #tpu.memory_space<vmem>>, vector<16xf32>,
        %get3A_1350 = arith.index_cast %squeeze3A_1303 : i32 to index
        %get3A_1351 = arith.constant 96 : index
        %get3A_1352 = tpu.vector_load %arg9[%get3A_1350, %get3A_1351] {strides = array<i32>} : memref<64x128xf32, #tpu.memory_space<vmem>>, vector<16xf32>,
        %get3A_1353 = arith.index_cast %squeeze3A_1303 : i32 to index
        %get3A_1354 = arith.constant 112 : index
        %get3A_1355 = tpu.vector_load %arg9[%get3A_1353, %get3A_1354] {strides = array<i32>} : memref<64x128xf32, #tpu.memory_space<vmem>>, vector<16xf32>,
        %get3A_1356 = arith.index_cast %squeeze3A_1303 : i32 to index
        %get3A_1357 = arith.constant 0 : index
        %get3A_1358 = tpu.vector_load %arg10[%get3A_1356, %get3A_1357] {strides = array<i32>} : memref<64x128xf32, #tpu.memory_space<vmem>>, vector<16xf32>,
        %get3A_1359 = arith.index_cast %squeeze3A_1303 : i32 to index
        %get3A_1360 = arith.constant 16 : index
        %get3A_1361 = tpu.vector_load %arg10[%get3A_1359, %get3A_1360] {strides = array<i32>} : memref<64x128xf32, #tpu.memory_space<vmem>>, vector<16xf32>,
        %get3A_1362 = arith.index_cast %squeeze3A_1303 : i32 to index
        %get3A_1363 = arith.constant 32 : index
        %get3A_1364 = tpu.vector_load %arg10[%get3A_1362, %get3A_1363] {strides = array<i32>} : memref<64x128xf32, #tpu.memory_space<vmem>>, vector<16xf32>,
        %get3A_1365 = arith.index_cast %squeeze3A_1303 : i32 to index
        %get3A_1366 = arith.constant 48 : index
        %get3A_1367 = tpu.vector_load %arg10[%get3A_1365, %get3A_1366] {strides = array<i32>} : memref<64x128xf32, #tpu.memory_space<vmem>>, vector<16xf32>,
        %get3A_1368 = arith.index_cast %squeeze3A_1303 : i32 to index
        %get3A_1369 = arith.constant 64 : index
        %get3A_1370 = tpu.vector_load %arg10[%get3A_1368, %get3A_1369] {strides = array<i32>} : memref<64x128xf32, #tpu.memory_space<vmem>>, vector<16xf32>,
        %get3A_1371 = arith.index_cast %squeeze3A_1303 : i32 to index
        %get3A_1372 = arith.constant 80 : index
        %get3A_1373 = tpu.vector_load %arg10[%get3A_1371, %get3A_1372] {strides = array<i32>} : memref<64x128xf32, #tpu.memory_space<vmem>>, vector<16xf32>,
        %get3A_1374 = arith.index_cast %squeeze3A_1303 : i32 to index
        %get3A_1375 = arith.constant 96 : index
        %get3A_1376 = tpu.vector_load %arg10[%get3A_1374, %get3A_1375] {strides = array<i32>} : memref<64x128xf32, #tpu.memory_space<vmem>>, vector<16xf32>,
        %get3A_1377 = arith.index_cast %squeeze3A_1303 : i32 to index
        %get3A_1378 = arith.constant 112 : index
        %get3A_1379 = tpu.vector_load %arg10[%get3A_1377, %get3A_1378] {strides = array<i32>} : memref<64x128xf32, #tpu.memory_space<vmem>>, vector<16xf32>,
        %min3A_1380 = arith.minimumf %get3A_1334, %get3A_1310 : vector<16xf32>
        %swap3A_1381 = arith.index_cast %squeeze3A_1303 : i32 to index
        %swap3A_1382 = arith.constant 0 : index
        %swap3A_1383 = tpu.vector_load %arg9[%swap3A_1381, %swap3A_1382] {strides = array<i32>} : memref<64x128xf32, #tpu.memory_space<vmem>>, vector<16xf32>,
        tpu.vector_store %arg9[%swap3A_1381, %swap3A_1382], %min3A_1380 {strides = array<i32>} : memref<64x128xf32, #tpu.memory_space<vmem>>, vector<16xf32>,
        %max3A_1384 = arith.maximumf %get3A_1358, %get3A_1310 : vector<16xf32>
        %swap3A_1385 = arith.index_cast %squeeze3A_1303 : i32 to index
        %swap3A_1386 = arith.constant 0 : index
        %swap3A_1387 = tpu.vector_load %arg10[%swap3A_1385, %swap3A_1386] {strides = array<i32>} : memref<64x128xf32, #tpu.memory_space<vmem>>, vector<16xf32>,
        tpu.vector_store %arg10[%swap3A_1385, %swap3A_1386], %max3A_1384 {strides = array<i32>} : memref<64x128xf32, #tpu.memory_space<vmem>>, vector<16xf32>,
        %min3A_1388 = arith.minimumf %get3A_1337, %get3A_1313 : vector<16xf32>
        %swap3A_1389 = arith.index_cast %squeeze3A_1303 : i32 to index
        %swap3A_1390 = arith.constant 16 : index
        %swap3A_1391 = tpu.vector_load %arg9[%swap3A_1389, %swap3A_1390] {strides = array<i32>} : memref<64x128xf32, #tpu.memory_space<vmem>>, vector<16xf32>,
        tpu.vector_store %arg9[%swap3A_1389, %swap3A_1390], %min3A_1388 {strides = array<i32>} : memref<64x128xf32, #tpu.memory_space<vmem>>, vector<16xf32>,
        %max3A_1392 = arith.maximumf %get3A_1361, %get3A_1313 : vector<16xf32>
        %swap3A_1393 = arith.index_cast %squeeze3A_1303 : i32 to index
        %swap3A_1394 = arith.constant 16 : index
        %swap3A_1395 = tpu.vector_load %arg10[%swap3A_1393, %swap3A_1394] {strides = array<i32>} : memref<64x128xf32, #tpu.memory_space<vmem>>, vector<16xf32>,
        tpu.vector_store %arg10[%swap3A_1393, %swap3A_1394], %max3A_1392 {strides = array<i32>} : memref<64x128xf32, #tpu.memory_space<vmem>>, vector<16xf32>,
        %min3A_1396 = arith.minimumf %get3A_1340, %get3A_1316 : vector<16xf32>
        %swap3A_1397 = arith.index_cast %squeeze3A_1303 : i32 to index
        %swap3A_1398 = arith.constant 32 : index
        %swap3A_1399 = tpu.vector_load %arg9[%swap3A_1397, %swap3A_1398] {strides = array<i32>} : memref<64x128xf32, #tpu.memory_space<vmem>>, vector<16xf32>,
        tpu.vector_store %arg9[%swap3A_1397, %swap3A_1398], %min3A_1396 {strides = array<i32>} : memref<64x128xf32, #tpu.memory_space<vmem>>, vector<16xf32>,
        %max3A_1400 = arith.maximumf %get3A_1364, %get3A_1316 : vector<16xf32>
        %swap3A_1401 = arith.index_cast %squeeze3A_1303 : i32 to index
        %swap3A_1402 = arith.constant 32 : index
        %swap3A_1403 = tpu.vector_load %arg10[%swap3A_1401, %swap3A_1402] {strides = array<i32>} : memref<64x128xf32, #tpu.memory_space<vmem>>, vector<16xf32>,
        tpu.vector_store %arg10[%swap3A_1401, %swap3A_1402], %max3A_1400 {strides = array<i32>} : memref<64x128xf32, #tpu.memory_space<vmem>>, vector<16xf32>,
        %min3A_1404 = arith.minimumf %get3A_1343, %get3A_1319 : vector<16xf32>
        %swap3A_1405 = arith.index_cast %squeeze3A_1303 : i32 to index
        %swap3A_1406 = arith.constant 48 : index
        %swap3A_1407 = tpu.vector_load %arg9[%swap3A_1405, %swap3A_1406] {strides = array<i32>} : memref<64x128xf32, #tpu.memory_space<vmem>>, vector<16xf32>,
        tpu.vector_store %arg9[%swap3A_1405, %swap3A_1406], %min3A_1404 {strides = array<i32>} : memref<64x128xf32, #tpu.memory_space<vmem>>, vector<16xf32>,
        %max3A_1408 = arith.maximumf %get3A_1367, %get3A_1319 : vector<16xf32>
        %swap3A_1409 = arith.index_cast %squeeze3A_1303 : i32 to index
        %swap3A_1410 = arith.constant 48 : index
        %swap3A_1411 = tpu.vector_load %arg10[%swap3A_1409, %swap3A_1410] {strides = array<i32>} : memref<64x128xf32, #tpu.memory_space<vmem>>, vector<16xf32>,
        tpu.vector_store %arg10[%swap3A_1409, %swap3A_1410], %max3A_1408 {strides = array<i32>} : memref<64x128xf32, #tpu.memory_space<vmem>>, vector<16xf32>,
        %min3A_1412 = arith.minimumf %get3A_1346, %get3A_1322 : vector<16xf32>
        %swap3A_1413 = arith.index_cast %squeeze3A_1303 : i32 to index
        %swap3A_1414 = arith.constant 64 : index
        %swap3A_1415 = tpu.vector_load %arg9[%swap3A_1413, %swap3A_1414] {strides = array<i32>} : memref<64x128xf32, #tpu.memory_space<vmem>>, vector<16xf32>,
        tpu.vector_store %arg9[%swap3A_1413, %swap3A_1414], %min3A_1412 {strides = array<i32>} : memref<64x128xf32, #tpu.memory_space<vmem>>, vector<16xf32>,
        %max3A_1416 = arith.maximumf %get3A_1370, %get3A_1322 : vector<16xf32>
        %swap3A_1417 = arith.index_cast %squeeze3A_1303 : i32 to index
        %swap3A_1418 = arith.constant 64 : index
        %swap3A_1419 = tpu.vector_load %arg10[%swap3A_1417, %swap3A_1418] {strides = array<i32>} : memref<64x128xf32, #tpu.memory_space<vmem>>, vector<16xf32>,
        tpu.vector_store %arg10[%swap3A_1417, %swap3A_1418], %max3A_1416 {strides = array<i32>} : memref<64x128xf32, #tpu.memory_space<vmem>>, vector<16xf32>,
        %min3A_1420 = arith.minimumf %get3A_1349, %get3A_1325 : vector<16xf32>
        %swap3A_1421 = arith.index_cast %squeeze3A_1303 : i32 to index
        %swap3A_1422 = arith.constant 80 : index
        %swap3A_1423 = tpu.vector_load %arg9[%swap3A_1421, %swap3A_1422] {strides = array<i32>} : memref<64x128xf32, #tpu.memory_space<vmem>>, vector<16xf32>,
        tpu.vector_store %arg9[%swap3A_1421, %swap3A_1422], %min3A_1420 {strides = array<i32>} : memref<64x128xf32, #tpu.memory_space<vmem>>, vector<16xf32>,
        %max3A_1424 = arith.maximumf %get3A_1373, %get3A_1325 : vector<16xf32>
        %swap3A_1425 = arith.index_cast %squeeze3A_1303 : i32 to index
        %swap3A_1426 = arith.constant 80 : index
        %swap3A_1427 = tpu.vector_load %arg10[%swap3A_1425, %swap3A_1426] {strides = array<i32>} : memref<64x128xf32, #tpu.memory_space<vmem>>, vector<16xf32>,
        tpu.vector_store %arg10[%swap3A_1425, %swap3A_1426], %max3A_1424 {strides = array<i32>} : memref<64x128xf32, #tpu.memory_space<vmem>>, vector<16xf32>,
        %min3A_1428 = arith.minimumf %get3A_1352, %get3A_1328 : vector<16xf32>
        %swap3A_1429 = arith.index_cast %squeeze3A_1303 : i32 to index
        %swap3A_1430 = arith.constant 96 : index
        %swap3A_1431 = tpu.vector_load %arg9[%swap3A_1429, %swap3A_1430] {strides = array<i32>} : memref<64x128xf32, #tpu.memory_space<vmem>>, vector<16xf32>,
        tpu.vector_store %arg9[%swap3A_1429, %swap3A_1430], %min3A_1428 {strides = array<i32>} : memref<64x128xf32, #tpu.memory_space<vmem>>, vector<16xf32>,
        %max3A_1432 = arith.maximumf %get3A_1376, %get3A_1328 : vector<16xf32>
        %swap3A_1433 = arith.index_cast %squeeze3A_1303 : i32 to index
        %swap3A_1434 = arith.constant 96 : index
        %swap3A_1435 = tpu.vector_load %arg10[%swap3A_1433, %swap3A_1434] {strides = array<i32>} : memref<64x128xf32, #tpu.memory_space<vmem>>, vector<16xf32>,
        tpu.vector_store %arg10[%swap3A_1433, %swap3A_1434], %max3A_1432 {strides = array<i32>} : memref<64x128xf32, #tpu.memory_space<vmem>>, vector<16xf32>,
        %min3A_1436 = arith.minimumf %get3A_1355, %get3A_1331 : vector<16xf32>
        %swap3A_1437 = arith.index_cast %squeeze3A_1303 : i32 to index
        %swap3A_1438 = arith.constant 112 : index
        %swap3A_1439 = tpu.vector_load %arg9[%swap3A_1437, %swap3A_1438] {strides = array<i32>} : memref<64x128xf32, #tpu.memory_space<vmem>>, vector<16xf32>,
        tpu.vector_store %arg9[%swap3A_1437, %swap3A_1438], %min3A_1436 {strides = array<i32>} : memref<64x128xf32, #tpu.memory_space<vmem>>, vector<16xf32>,
        %max3A_1440 = arith.maximumf %get3A_1379, %get3A_1331 : vector<16xf32>
        %swap3A_1441 = arith.index_cast %squeeze3A_1303 : i32 to index
        %swap3A_1442 = arith.constant 112 : index
        %swap3A_1443 = tpu.vector_load %arg10[%swap3A_1441, %swap3A_1442] {strides = array<i32>} : memref<64x128xf32, #tpu.memory_space<vmem>>, vector<16xf32>,
        tpu.vector_store %arg10[%swap3A_1441, %swap3A_1442], %max3A_1440 {strides = array<i32>} : memref<64x128xf32, #tpu.memory_space<vmem>>, vector<16xf32>,
        %slice3A_1444 = vector.extract_strided_slice %gather3A {offsets = [10], sizes = [1], strides = [1]} : vector<16xi32> to vector<1xi32>
        %squeeze3A_1445 = vector.extract %slice3A_1444[0] : i32 from vector<1xi32>
        %mul3A_1446 = arith.constant 16 : i32
        %mul3A_1447 = arith.muli %scan3A_25, %mul3A_1446 : i32
        %add3A_1448 = arith.constant 10 : i32
        %add3A_1449 = arith.addi %mul3A_1447, %add3A_1448 : i32
        %get3A_1450 = arith.index_cast %add3A_1449 : i32 to index
        %get3A_1451 = arith.constant 0 : index
        %get3A_1452 = tpu.vector_load %arg8[%get3A_1450, %get3A_1451] {strides = array<i32>} : memref<400x128xf32, #tpu.memory_space<vmem>>, vector<16xf32>,
        %get3A_1453 = arith.index_cast %add3A_1449 : i32 to index
        %get3A_1454 = arith.constant 16 : index
        %get3A_1455 = tpu.vector_load %arg8[%get3A_1453, %get3A_1454] {strides = array<i32>} : memref<400x128xf32, #tpu.memory_space<vmem>>, vector<16xf32>,
        %get3A_1456 = arith.index_cast %add3A_1449 : i32 to index
        %get3A_1457 = arith.constant 32 : index
        %get3A_1458 = tpu.vector_load %arg8[%get3A_1456, %get3A_1457] {strides = array<i32>} : memref<400x128xf32, #tpu.memory_space<vmem>>, vector<16xf32>,
        %get3A_1459 = arith.index_cast %add3A_1449 : i32 to index
        %get3A_1460 = arith.constant 48 : index
        %get3A_1461 = tpu.vector_load %arg8[%get3A_1459, %get3A_1460] {strides = array<i32>} : memref<400x128xf32, #tpu.memory_space<vmem>>, vector<16xf32>,
        %get3A_1462 = arith.index_cast %add3A_1449 : i32 to index
        %get3A_1463 = arith.constant 64 : index
        %get3A_1464 = tpu.vector_load %arg8[%get3A_1462, %get3A_1463] {strides = array<i32>} : memref<400x128xf32, #tpu.memory_space<vmem>>, vector<16xf32>,
        %get3A_1465 = arith.index_cast %add3A_1449 : i32 to index
        %get3A_1466 = arith.constant 80 : index
        %get3A_1467 = tpu.vector_load %arg8[%get3A_1465, %get3A_1466] {strides = array<i32>} : memref<400x128xf32, #tpu.memory_space<vmem>>, vector<16xf32>,
        %get3A_1468 = arith.index_cast %add3A_1449 : i32 to index
        %get3A_1469 = arith.constant 96 : index
        %get3A_1470 = tpu.vector_load %arg8[%get3A_1468, %get3A_1469] {strides = array<i32>} : memref<400x128xf32, #tpu.memory_space<vmem>>, vector<16xf32>,
        %get3A_1471 = arith.index_cast %add3A_1449 : i32 to index
        %get3A_1472 = arith.constant 112 : index
        %get3A_1473 = tpu.vector_load %arg8[%get3A_1471, %get3A_1472] {strides = array<i32>} : memref<400x128xf32, #tpu.memory_space<vmem>>, vector<16xf32>,
        %get3A_1474 = arith.index_cast %squeeze3A_1445 : i32 to index
        %get3A_1475 = arith.constant 0 : index
        %get3A_1476 = tpu.vector_load %arg9[%get3A_1474, %get3A_1475] {strides = array<i32>} : memref<64x128xf32, #tpu.memory_space<vmem>>, vector<16xf32>,
        %get3A_1477 = arith.index_cast %squeeze3A_1445 : i32 to index
        %get3A_1478 = arith.constant 16 : index
        %get3A_1479 = tpu.vector_load %arg9[%get3A_1477, %get3A_1478] {strides = array<i32>} : memref<64x128xf32, #tpu.memory_space<vmem>>, vector<16xf32>,
        %get3A_1480 = arith.index_cast %squeeze3A_1445 : i32 to index
        %get3A_1481 = arith.constant 32 : index
        %get3A_1482 = tpu.vector_load %arg9[%get3A_1480, %get3A_1481] {strides = array<i32>} : memref<64x128xf32, #tpu.memory_space<vmem>>, vector<16xf32>,
        %get3A_1483 = arith.index_cast %squeeze3A_1445 : i32 to index
        %get3A_1484 = arith.constant 48 : index
        %get3A_1485 = tpu.vector_load %arg9[%get3A_1483, %get3A_1484] {strides = array<i32>} : memref<64x128xf32, #tpu.memory_space<vmem>>, vector<16xf32>,
        %get3A_1486 = arith.index_cast %squeeze3A_1445 : i32 to index
        %get3A_1487 = arith.constant 64 : index
        %get3A_1488 = tpu.vector_load %arg9[%get3A_1486, %get3A_1487] {strides = array<i32>} : memref<64x128xf32, #tpu.memory_space<vmem>>, vector<16xf32>,
        %get3A_1489 = arith.index_cast %squeeze3A_1445 : i32 to index
        %get3A_1490 = arith.constant 80 : index
        %get3A_1491 = tpu.vector_load %arg9[%get3A_1489, %get3A_1490] {strides = array<i32>} : memref<64x128xf32, #tpu.memory_space<vmem>>, vector<16xf32>,
        %get3A_1492 = arith.index_cast %squeeze3A_1445 : i32 to index
        %get3A_1493 = arith.constant 96 : index
        %get3A_1494 = tpu.vector_load %arg9[%get3A_1492, %get3A_1493] {strides = array<i32>} : memref<64x128xf32, #tpu.memory_space<vmem>>, vector<16xf32>,
        %get3A_1495 = arith.index_cast %squeeze3A_1445 : i32 to index
        %get3A_1496 = arith.constant 112 : index
        %get3A_1497 = tpu.vector_load %arg9[%get3A_1495, %get3A_1496] {strides = array<i32>} : memref<64x128xf32, #tpu.memory_space<vmem>>, vector<16xf32>,
        %get3A_1498 = arith.index_cast %squeeze3A_1445 : i32 to index
        %get3A_1499 = arith.constant 0 : index
        %get3A_1500 = tpu.vector_load %arg10[%get3A_1498, %get3A_1499] {strides = array<i32>} : memref<64x128xf32, #tpu.memory_space<vmem>>, vector<16xf32>,
        %get3A_1501 = arith.index_cast %squeeze3A_1445 : i32 to index
        %get3A_1502 = arith.constant 16 : index
        %get3A_1503 = tpu.vector_load %arg10[%get3A_1501, %get3A_1502] {strides = array<i32>} : memref<64x128xf32, #tpu.memory_space<vmem>>, vector<16xf32>,
        %get3A_1504 = arith.index_cast %squeeze3A_1445 : i32 to index
        %get3A_1505 = arith.constant 32 : index
        %get3A_1506 = tpu.vector_load %arg10[%get3A_1504, %get3A_1505] {strides = array<i32>} : memref<64x128xf32, #tpu.memory_space<vmem>>, vector<16xf32>,
        %get3A_1507 = arith.index_cast %squeeze3A_1445 : i32 to index
        %get3A_1508 = arith.constant 48 : index
        %get3A_1509 = tpu.vector_load %arg10[%get3A_1507, %get3A_1508] {strides = array<i32>} : memref<64x128xf32, #tpu.memory_space<vmem>>, vector<16xf32>,
        %get3A_1510 = arith.index_cast %squeeze3A_1445 : i32 to index
        %get3A_1511 = arith.constant 64 : index
        %get3A_1512 = tpu.vector_load %arg10[%get3A_1510, %get3A_1511] {strides = array<i32>} : memref<64x128xf32, #tpu.memory_space<vmem>>, vector<16xf32>,
        %get3A_1513 = arith.index_cast %squeeze3A_1445 : i32 to index
        %get3A_1514 = arith.constant 80 : index
        %get3A_1515 = tpu.vector_load %arg10[%get3A_1513, %get3A_1514] {strides = array<i32>} : memref<64x128xf32, #tpu.memory_space<vmem>>, vector<16xf32>,
        %get3A_1516 = arith.index_cast %squeeze3A_1445 : i32 to index
        %get3A_1517 = arith.constant 96 : index
        %get3A_1518 = tpu.vector_load %arg10[%get3A_1516, %get3A_1517] {strides = array<i32>} : memref<64x128xf32, #tpu.memory_space<vmem>>, vector<16xf32>,
        %get3A_1519 = arith.index_cast %squeeze3A_1445 : i32 to index
        %get3A_1520 = arith.constant 112 : index
        %get3A_1521 = tpu.vector_load %arg10[%get3A_1519, %get3A_1520] {strides = array<i32>} : memref<64x128xf32, #tpu.memory_space<vmem>>, vector<16xf32>,
        %min3A_1522 = arith.minimumf %get3A_1476, %get3A_1452 : vector<16xf32>
        %swap3A_1523 = arith.index_cast %squeeze3A_1445 : i32 to index
        %swap3A_1524 = arith.constant 0 : index
        %swap3A_1525 = tpu.vector_load %arg9[%swap3A_1523, %swap3A_1524] {strides = array<i32>} : memref<64x128xf32, #tpu.memory_space<vmem>>, vector<16xf32>,
        tpu.vector_store %arg9[%swap3A_1523, %swap3A_1524], %min3A_1522 {strides = array<i32>} : memref<64x128xf32, #tpu.memory_space<vmem>>, vector<16xf32>,
        %max3A_1526 = arith.maximumf %get3A_1500, %get3A_1452 : vector<16xf32>
        %swap3A_1527 = arith.index_cast %squeeze3A_1445 : i32 to index
        %swap3A_1528 = arith.constant 0 : index
        %swap3A_1529 = tpu.vector_load %arg10[%swap3A_1527, %swap3A_1528] {strides = array<i32>} : memref<64x128xf32, #tpu.memory_space<vmem>>, vector<16xf32>,
        tpu.vector_store %arg10[%swap3A_1527, %swap3A_1528], %max3A_1526 {strides = array<i32>} : memref<64x128xf32, #tpu.memory_space<vmem>>, vector<16xf32>,
        %min3A_1530 = arith.minimumf %get3A_1479, %get3A_1455 : vector<16xf32>
        %swap3A_1531 = arith.index_cast %squeeze3A_1445 : i32 to index
        %swap3A_1532 = arith.constant 16 : index
        %swap3A_1533 = tpu.vector_load %arg9[%swap3A_1531, %swap3A_1532] {strides = array<i32>} : memref<64x128xf32, #tpu.memory_space<vmem>>, vector<16xf32>,
        tpu.vector_store %arg9[%swap3A_1531, %swap3A_1532], %min3A_1530 {strides = array<i32>} : memref<64x128xf32, #tpu.memory_space<vmem>>, vector<16xf32>,
        %max3A_1534 = arith.maximumf %get3A_1503, %get3A_1455 : vector<16xf32>
        %swap3A_1535 = arith.index_cast %squeeze3A_1445 : i32 to index
        %swap3A_1536 = arith.constant 16 : index
        %swap3A_1537 = tpu.vector_load %arg10[%swap3A_1535, %swap3A_1536] {strides = array<i32>} : memref<64x128xf32, #tpu.memory_space<vmem>>, vector<16xf32>,
        tpu.vector_store %arg10[%swap3A_1535, %swap3A_1536], %max3A_1534 {strides = array<i32>} : memref<64x128xf32, #tpu.memory_space<vmem>>, vector<16xf32>,
        %min3A_1538 = arith.minimumf %get3A_1482, %get3A_1458 : vector<16xf32>
        %swap3A_1539 = arith.index_cast %squeeze3A_1445 : i32 to index
        %swap3A_1540 = arith.constant 32 : index
        %swap3A_1541 = tpu.vector_load %arg9[%swap3A_1539, %swap3A_1540] {strides = array<i32>} : memref<64x128xf32, #tpu.memory_space<vmem>>, vector<16xf32>,
        tpu.vector_store %arg9[%swap3A_1539, %swap3A_1540], %min3A_1538 {strides = array<i32>} : memref<64x128xf32, #tpu.memory_space<vmem>>, vector<16xf32>,
        %max3A_1542 = arith.maximumf %get3A_1506, %get3A_1458 : vector<16xf32>
        %swap3A_1543 = arith.index_cast %squeeze3A_1445 : i32 to index
        %swap3A_1544 = arith.constant 32 : index
        %swap3A_1545 = tpu.vector_load %arg10[%swap3A_1543, %swap3A_1544] {strides = array<i32>} : memref<64x128xf32, #tpu.memory_space<vmem>>, vector<16xf32>,
        tpu.vector_store %arg10[%swap3A_1543, %swap3A_1544], %max3A_1542 {strides = array<i32>} : memref<64x128xf32, #tpu.memory_space<vmem>>, vector<16xf32>,
        %min3A_1546 = arith.minimumf %get3A_1485, %get3A_1461 : vector<16xf32>
        %swap3A_1547 = arith.index_cast %squeeze3A_1445 : i32 to index
        %swap3A_1548 = arith.constant 48 : index
        %swap3A_1549 = tpu.vector_load %arg9[%swap3A_1547, %swap3A_1548] {strides = array<i32>} : memref<64x128xf32, #tpu.memory_space<vmem>>, vector<16xf32>,
        tpu.vector_store %arg9[%swap3A_1547, %swap3A_1548], %min3A_1546 {strides = array<i32>} : memref<64x128xf32, #tpu.memory_space<vmem>>, vector<16xf32>,
        %max3A_1550 = arith.maximumf %get3A_1509, %get3A_1461 : vector<16xf32>
        %swap3A_1551 = arith.index_cast %squeeze3A_1445 : i32 to index
        %swap3A_1552 = arith.constant 48 : index
        %swap3A_1553 = tpu.vector_load %arg10[%swap3A_1551, %swap3A_1552] {strides = array<i32>} : memref<64x128xf32, #tpu.memory_space<vmem>>, vector<16xf32>,
        tpu.vector_store %arg10[%swap3A_1551, %swap3A_1552], %max3A_1550 {strides = array<i32>} : memref<64x128xf32, #tpu.memory_space<vmem>>, vector<16xf32>,
        %min3A_1554 = arith.minimumf %get3A_1488, %get3A_1464 : vector<16xf32>
        %swap3A_1555 = arith.index_cast %squeeze3A_1445 : i32 to index
        %swap3A_1556 = arith.constant 64 : index
        %swap3A_1557 = tpu.vector_load %arg9[%swap3A_1555, %swap3A_1556] {strides = array<i32>} : memref<64x128xf32, #tpu.memory_space<vmem>>, vector<16xf32>,
        tpu.vector_store %arg9[%swap3A_1555, %swap3A_1556], %min3A_1554 {strides = array<i32>} : memref<64x128xf32, #tpu.memory_space<vmem>>, vector<16xf32>,
        %max3A_1558 = arith.maximumf %get3A_1512, %get3A_1464 : vector<16xf32>
        %swap3A_1559 = arith.index_cast %squeeze3A_1445 : i32 to index
        %swap3A_1560 = arith.constant 64 : index
        %swap3A_1561 = tpu.vector_load %arg10[%swap3A_1559, %swap3A_1560] {strides = array<i32>} : memref<64x128xf32, #tpu.memory_space<vmem>>, vector<16xf32>,
        tpu.vector_store %arg10[%swap3A_1559, %swap3A_1560], %max3A_1558 {strides = array<i32>} : memref<64x128xf32, #tpu.memory_space<vmem>>, vector<16xf32>,
        %min3A_1562 = arith.minimumf %get3A_1491, %get3A_1467 : vector<16xf32>
        %swap3A_1563 = arith.index_cast %squeeze3A_1445 : i32 to index
        %swap3A_1564 = arith.constant 80 : index
        %swap3A_1565 = tpu.vector_load %arg9[%swap3A_1563, %swap3A_1564] {strides = array<i32>} : memref<64x128xf32, #tpu.memory_space<vmem>>, vector<16xf32>,
        tpu.vector_store %arg9[%swap3A_1563, %swap3A_1564], %min3A_1562 {strides = array<i32>} : memref<64x128xf32, #tpu.memory_space<vmem>>, vector<16xf32>,
        %max3A_1566 = arith.maximumf %get3A_1515, %get3A_1467 : vector<16xf32>
        %swap3A_1567 = arith.index_cast %squeeze3A_1445 : i32 to index
        %swap3A_1568 = arith.constant 80 : index
        %swap3A_1569 = tpu.vector_load %arg10[%swap3A_1567, %swap3A_1568] {strides = array<i32>} : memref<64x128xf32, #tpu.memory_space<vmem>>, vector<16xf32>,
        tpu.vector_store %arg10[%swap3A_1567, %swap3A_1568], %max3A_1566 {strides = array<i32>} : memref<64x128xf32, #tpu.memory_space<vmem>>, vector<16xf32>,
        %min3A_1570 = arith.minimumf %get3A_1494, %get3A_1470 : vector<16xf32>
        %swap3A_1571 = arith.index_cast %squeeze3A_1445 : i32 to index
        %swap3A_1572 = arith.constant 96 : index
        %swap3A_1573 = tpu.vector_load %arg9[%swap3A_1571, %swap3A_1572] {strides = array<i32>} : memref<64x128xf32, #tpu.memory_space<vmem>>, vector<16xf32>,
        tpu.vector_store %arg9[%swap3A_1571, %swap3A_1572], %min3A_1570 {strides = array<i32>} : memref<64x128xf32, #tpu.memory_space<vmem>>, vector<16xf32>,
        %max3A_1574 = arith.maximumf %get3A_1518, %get3A_1470 : vector<16xf32>
        %swap3A_1575 = arith.index_cast %squeeze3A_1445 : i32 to index
        %swap3A_1576 = arith.constant 96 : index
        %swap3A_1577 = tpu.vector_load %arg10[%swap3A_1575, %swap3A_1576] {strides = array<i32>} : memref<64x128xf32, #tpu.memory_space<vmem>>, vector<16xf32>,
        tpu.vector_store %arg10[%swap3A_1575, %swap3A_1576], %max3A_1574 {strides = array<i32>} : memref<64x128xf32, #tpu.memory_space<vmem>>, vector<16xf32>,
        %min3A_1578 = arith.minimumf %get3A_1497, %get3A_1473 : vector<16xf32>
        %swap3A_1579 = arith.index_cast %squeeze3A_1445 : i32 to index
        %swap3A_1580 = arith.constant 112 : index
        %swap3A_1581 = tpu.vector_load %arg9[%swap3A_1579, %swap3A_1580] {strides = array<i32>} : memref<64x128xf32, #tpu.memory_space<vmem>>, vector<16xf32>,
        tpu.vector_store %arg9[%swap3A_1579, %swap3A_1580], %min3A_1578 {strides = array<i32>} : memref<64x128xf32, #tpu.memory_space<vmem>>, vector<16xf32>,
        %max3A_1582 = arith.maximumf %get3A_1521, %get3A_1473 : vector<16xf32>
        %swap3A_1583 = arith.index_cast %squeeze3A_1445 : i32 to index
        %swap3A_1584 = arith.constant 112 : index
        %swap3A_1585 = tpu.vector_load %arg10[%swap3A_1583, %swap3A_1584] {strides = array<i32>} : memref<64x128xf32, #tpu.memory_space<vmem>>, vector<16xf32>,
        tpu.vector_store %arg10[%swap3A_1583, %swap3A_1584], %max3A_1582 {strides = array<i32>} : memref<64x128xf32, #tpu.memory_space<vmem>>, vector<16xf32>,
        %slice3A_1586 = vector.extract_strided_slice %gather3A {offsets = [11], sizes = [1], strides = [1]} : vector<16xi32> to vector<1xi32>
        %squeeze3A_1587 = vector.extract %slice3A_1586[0] : i32 from vector<1xi32>
        %mul3A_1588 = arith.constant 16 : i32
        %mul3A_1589 = arith.muli %scan3A_25, %mul3A_1588 : i32
        %add3A_1590 = arith.constant 11 : i32
        %add3A_1591 = arith.addi %mul3A_1589, %add3A_1590 : i32
        %get3A_1592 = arith.index_cast %add3A_1591 : i32 to index
        %get3A_1593 = arith.constant 0 : index
        %get3A_1594 = tpu.vector_load %arg8[%get3A_1592, %get3A_1593] {strides = array<i32>} : memref<400x128xf32, #tpu.memory_space<vmem>>, vector<16xf32>,
        %get3A_1595 = arith.index_cast %add3A_1591 : i32 to index
        %get3A_1596 = arith.constant 16 : index
        %get3A_1597 = tpu.vector_load %arg8[%get3A_1595, %get3A_1596] {strides = array<i32>} : memref<400x128xf32, #tpu.memory_space<vmem>>, vector<16xf32>,
        %get3A_1598 = arith.index_cast %add3A_1591 : i32 to index
        %get3A_1599 = arith.constant 32 : index
        %get3A_1600 = tpu.vector_load %arg8[%get3A_1598, %get3A_1599] {strides = array<i32>} : memref<400x128xf32, #tpu.memory_space<vmem>>, vector<16xf32>,
        %get3A_1601 = arith.index_cast %add3A_1591 : i32 to index
        %get3A_1602 = arith.constant 48 : index
        %get3A_1603 = tpu.vector_load %arg8[%get3A_1601, %get3A_1602] {strides = array<i32>} : memref<400x128xf32, #tpu.memory_space<vmem>>, vector<16xf32>,
        %get3A_1604 = arith.index_cast %add3A_1591 : i32 to index
        %get3A_1605 = arith.constant 64 : index
        %get3A_1606 = tpu.vector_load %arg8[%get3A_1604, %get3A_1605] {strides = array<i32>} : memref<400x128xf32, #tpu.memory_space<vmem>>, vector<16xf32>,
        %get3A_1607 = arith.index_cast %add3A_1591 : i32 to index
        %get3A_1608 = arith.constant 80 : index
        %get3A_1609 = tpu.vector_load %arg8[%get3A_1607, %get3A_1608] {strides = array<i32>} : memref<400x128xf32, #tpu.memory_space<vmem>>, vector<16xf32>,
        %get3A_1610 = arith.index_cast %add3A_1591 : i32 to index
        %get3A_1611 = arith.constant 96 : index
        %get3A_1612 = tpu.vector_load %arg8[%get3A_1610, %get3A_1611] {strides = array<i32>} : memref<400x128xf32, #tpu.memory_space<vmem>>, vector<16xf32>,
        %get3A_1613 = arith.index_cast %add3A_1591 : i32 to index
        %get3A_1614 = arith.constant 112 : index
        %get3A_1615 = tpu.vector_load %arg8[%get3A_1613, %get3A_1614] {strides = array<i32>} : memref<400x128xf32, #tpu.memory_space<vmem>>, vector<16xf32>,
        %get3A_1616 = arith.index_cast %squeeze3A_1587 : i32 to index
        %get3A_1617 = arith.constant 0 : index
        %get3A_1618 = tpu.vector_load %arg9[%get3A_1616, %get3A_1617] {strides = array<i32>} : memref<64x128xf32, #tpu.memory_space<vmem>>, vector<16xf32>,
        %get3A_1619 = arith.index_cast %squeeze3A_1587 : i32 to index
        %get3A_1620 = arith.constant 16 : index
        %get3A_1621 = tpu.vector_load %arg9[%get3A_1619, %get3A_1620] {strides = array<i32>} : memref<64x128xf32, #tpu.memory_space<vmem>>, vector<16xf32>,
        %get3A_1622 = arith.index_cast %squeeze3A_1587 : i32 to index
        %get3A_1623 = arith.constant 32 : index
        %get3A_1624 = tpu.vector_load %arg9[%get3A_1622, %get3A_1623] {strides = array<i32>} : memref<64x128xf32, #tpu.memory_space<vmem>>, vector<16xf32>,
        %get3A_1625 = arith.index_cast %squeeze3A_1587 : i32 to index
        %get3A_1626 = arith.constant 48 : index
        %get3A_1627 = tpu.vector_load %arg9[%get3A_1625, %get3A_1626] {strides = array<i32>} : memref<64x128xf32, #tpu.memory_space<vmem>>, vector<16xf32>,
        %get3A_1628 = arith.index_cast %squeeze3A_1587 : i32 to index
        %get3A_1629 = arith.constant 64 : index
        %get3A_1630 = tpu.vector_load %arg9[%get3A_1628, %get3A_1629] {strides = array<i32>} : memref<64x128xf32, #tpu.memory_space<vmem>>, vector<16xf32>,
        %get3A_1631 = arith.index_cast %squeeze3A_1587 : i32 to index
        %get3A_1632 = arith.constant 80 : index
        %get3A_1633 = tpu.vector_load %arg9[%get3A_1631, %get3A_1632] {strides = array<i32>} : memref<64x128xf32, #tpu.memory_space<vmem>>, vector<16xf32>,
        %get3A_1634 = arith.index_cast %squeeze3A_1587 : i32 to index
        %get3A_1635 = arith.constant 96 : index
        %get3A_1636 = tpu.vector_load %arg9[%get3A_1634, %get3A_1635] {strides = array<i32>} : memref<64x128xf32, #tpu.memory_space<vmem>>, vector<16xf32>,
        %get3A_1637 = arith.index_cast %squeeze3A_1587 : i32 to index
        %get3A_1638 = arith.constant 112 : index
        %get3A_1639 = tpu.vector_load %arg9[%get3A_1637, %get3A_1638] {strides = array<i32>} : memref<64x128xf32, #tpu.memory_space<vmem>>, vector<16xf32>,
        %get3A_1640 = arith.index_cast %squeeze3A_1587 : i32 to index
        %get3A_1641 = arith.constant 0 : index
        %get3A_1642 = tpu.vector_load %arg10[%get3A_1640, %get3A_1641] {strides = array<i32>} : memref<64x128xf32, #tpu.memory_space<vmem>>, vector<16xf32>,
        %get3A_1643 = arith.index_cast %squeeze3A_1587 : i32 to index
        %get3A_1644 = arith.constant 16 : index
        %get3A_1645 = tpu.vector_load %arg10[%get3A_1643, %get3A_1644] {strides = array<i32>} : memref<64x128xf32, #tpu.memory_space<vmem>>, vector<16xf32>,
        %get3A_1646 = arith.index_cast %squeeze3A_1587 : i32 to index
        %get3A_1647 = arith.constant 32 : index
        %get3A_1648 = tpu.vector_load %arg10[%get3A_1646, %get3A_1647] {strides = array<i32>} : memref<64x128xf32, #tpu.memory_space<vmem>>, vector<16xf32>,
        %get3A_1649 = arith.index_cast %squeeze3A_1587 : i32 to index
        %get3A_1650 = arith.constant 48 : index
        %get3A_1651 = tpu.vector_load %arg10[%get3A_1649, %get3A_1650] {strides = array<i32>} : memref<64x128xf32, #tpu.memory_space<vmem>>, vector<16xf32>,
        %get3A_1652 = arith.index_cast %squeeze3A_1587 : i32 to index
        %get3A_1653 = arith.constant 64 : index
        %get3A_1654 = tpu.vector_load %arg10[%get3A_1652, %get3A_1653] {strides = array<i32>} : memref<64x128xf32, #tpu.memory_space<vmem>>, vector<16xf32>,
        %get3A_1655 = arith.index_cast %squeeze3A_1587 : i32 to index
        %get3A_1656 = arith.constant 80 : index
        %get3A_1657 = tpu.vector_load %arg10[%get3A_1655, %get3A_1656] {strides = array<i32>} : memref<64x128xf32, #tpu.memory_space<vmem>>, vector<16xf32>,
        %get3A_1658 = arith.index_cast %squeeze3A_1587 : i32 to index
        %get3A_1659 = arith.constant 96 : index
        %get3A_1660 = tpu.vector_load %arg10[%get3A_1658, %get3A_1659] {strides = array<i32>} : memref<64x128xf32, #tpu.memory_space<vmem>>, vector<16xf32>,
        %get3A_1661 = arith.index_cast %squeeze3A_1587 : i32 to index
        %get3A_1662 = arith.constant 112 : index
        %get3A_1663 = tpu.vector_load %arg10[%get3A_1661, %get3A_1662] {strides = array<i32>} : memref<64x128xf32, #tpu.memory_space<vmem>>, vector<16xf32>,
        %min3A_1664 = arith.minimumf %get3A_1618, %get3A_1594 : vector<16xf32>
        %swap3A_1665 = arith.index_cast %squeeze3A_1587 : i32 to index
        %swap3A_1666 = arith.constant 0 : index
        %swap3A_1667 = tpu.vector_load %arg9[%swap3A_1665, %swap3A_1666] {strides = array<i32>} : memref<64x128xf32, #tpu.memory_space<vmem>>, vector<16xf32>,
        tpu.vector_store %arg9[%swap3A_1665, %swap3A_1666], %min3A_1664 {strides = array<i32>} : memref<64x128xf32, #tpu.memory_space<vmem>>, vector<16xf32>,
        %max3A_1668 = arith.maximumf %get3A_1642, %get3A_1594 : vector<16xf32>
        %swap3A_1669 = arith.index_cast %squeeze3A_1587 : i32 to index
        %swap3A_1670 = arith.constant 0 : index
        %swap3A_1671 = tpu.vector_load %arg10[%swap3A_1669, %swap3A_1670] {strides = array<i32>} : memref<64x128xf32, #tpu.memory_space<vmem>>, vector<16xf32>,
        tpu.vector_store %arg10[%swap3A_1669, %swap3A_1670], %max3A_1668 {strides = array<i32>} : memref<64x128xf32, #tpu.memory_space<vmem>>, vector<16xf32>,
        %min3A_1672 = arith.minimumf %get3A_1621, %get3A_1597 : vector<16xf32>
        %swap3A_1673 = arith.index_cast %squeeze3A_1587 : i32 to index
        %swap3A_1674 = arith.constant 16 : index
        %swap3A_1675 = tpu.vector_load %arg9[%swap3A_1673, %swap3A_1674] {strides = array<i32>} : memref<64x128xf32, #tpu.memory_space<vmem>>, vector<16xf32>,
        tpu.vector_store %arg9[%swap3A_1673, %swap3A_1674], %min3A_1672 {strides = array<i32>} : memref<64x128xf32, #tpu.memory_space<vmem>>, vector<16xf32>,
        %max3A_1676 = arith.maximumf %get3A_1645, %get3A_1597 : vector<16xf32>
        %swap3A_1677 = arith.index_cast %squeeze3A_1587 : i32 to index
        %swap3A_1678 = arith.constant 16 : index
        %swap3A_1679 = tpu.vector_load %arg10[%swap3A_1677, %swap3A_1678] {strides = array<i32>} : memref<64x128xf32, #tpu.memory_space<vmem>>, vector<16xf32>,
        tpu.vector_store %arg10[%swap3A_1677, %swap3A_1678], %max3A_1676 {strides = array<i32>} : memref<64x128xf32, #tpu.memory_space<vmem>>, vector<16xf32>,
        %min3A_1680 = arith.minimumf %get3A_1624, %get3A_1600 : vector<16xf32>
        %swap3A_1681 = arith.index_cast %squeeze3A_1587 : i32 to index
        %swap3A_1682 = arith.constant 32 : index
        %swap3A_1683 = tpu.vector_load %arg9[%swap3A_1681, %swap3A_1682] {strides = array<i32>} : memref<64x128xf32, #tpu.memory_space<vmem>>, vector<16xf32>,
        tpu.vector_store %arg9[%swap3A_1681, %swap3A_1682], %min3A_1680 {strides = array<i32>} : memref<64x128xf32, #tpu.memory_space<vmem>>, vector<16xf32>,
        %max3A_1684 = arith.maximumf %get3A_1648, %get3A_1600 : vector<16xf32>
        %swap3A_1685 = arith.index_cast %squeeze3A_1587 : i32 to index
        %swap3A_1686 = arith.constant 32 : index
        %swap3A_1687 = tpu.vector_load %arg10[%swap3A_1685, %swap3A_1686] {strides = array<i32>} : memref<64x128xf32, #tpu.memory_space<vmem>>, vector<16xf32>,
        tpu.vector_store %arg10[%swap3A_1685, %swap3A_1686], %max3A_1684 {strides = array<i32>} : memref<64x128xf32, #tpu.memory_space<vmem>>, vector<16xf32>,
        %min3A_1688 = arith.minimumf %get3A_1627, %get3A_1603 : vector<16xf32>
        %swap3A_1689 = arith.index_cast %squeeze3A_1587 : i32 to index
        %swap3A_1690 = arith.constant 48 : index
        %swap3A_1691 = tpu.vector_load %arg9[%swap3A_1689, %swap3A_1690] {strides = array<i32>} : memref<64x128xf32, #tpu.memory_space<vmem>>, vector<16xf32>,
        tpu.vector_store %arg9[%swap3A_1689, %swap3A_1690], %min3A_1688 {strides = array<i32>} : memref<64x128xf32, #tpu.memory_space<vmem>>, vector<16xf32>,
        %max3A_1692 = arith.maximumf %get3A_1651, %get3A_1603 : vector<16xf32>
        %swap3A_1693 = arith.index_cast %squeeze3A_1587 : i32 to index
        %swap3A_1694 = arith.constant 48 : index
        %swap3A_1695 = tpu.vector_load %arg10[%swap3A_1693, %swap3A_1694] {strides = array<i32>} : memref<64x128xf32, #tpu.memory_space<vmem>>, vector<16xf32>,
        tpu.vector_store %arg10[%swap3A_1693, %swap3A_1694], %max3A_1692 {strides = array<i32>} : memref<64x128xf32, #tpu.memory_space<vmem>>, vector<16xf32>,
        %min3A_1696 = arith.minimumf %get3A_1630, %get3A_1606 : vector<16xf32>
        %swap3A_1697 = arith.index_cast %squeeze3A_1587 : i32 to index
        %swap3A_1698 = arith.constant 64 : index
        %swap3A_1699 = tpu.vector_load %arg9[%swap3A_1697, %swap3A_1698] {strides = array<i32>} : memref<64x128xf32, #tpu.memory_space<vmem>>, vector<16xf32>,
        tpu.vector_store %arg9[%swap3A_1697, %swap3A_1698], %min3A_1696 {strides = array<i32>} : memref<64x128xf32, #tpu.memory_space<vmem>>, vector<16xf32>,
        %max3A_1700 = arith.maximumf %get3A_1654, %get3A_1606 : vector<16xf32>
        %swap3A_1701 = arith.index_cast %squeeze3A_1587 : i32 to index
        %swap3A_1702 = arith.constant 64 : index
        %swap3A_1703 = tpu.vector_load %arg10[%swap3A_1701, %swap3A_1702] {strides = array<i32>} : memref<64x128xf32, #tpu.memory_space<vmem>>, vector<16xf32>,
        tpu.vector_store %arg10[%swap3A_1701, %swap3A_1702], %max3A_1700 {strides = array<i32>} : memref<64x128xf32, #tpu.memory_space<vmem>>, vector<16xf32>,
        %min3A_1704 = arith.minimumf %get3A_1633, %get3A_1609 : vector<16xf32>
        %swap3A_1705 = arith.index_cast %squeeze3A_1587 : i32 to index
        %swap3A_1706 = arith.constant 80 : index
        %swap3A_1707 = tpu.vector_load %arg9[%swap3A_1705, %swap3A_1706] {strides = array<i32>} : memref<64x128xf32, #tpu.memory_space<vmem>>, vector<16xf32>,
        tpu.vector_store %arg9[%swap3A_1705, %swap3A_1706], %min3A_1704 {strides = array<i32>} : memref<64x128xf32, #tpu.memory_space<vmem>>, vector<16xf32>,
        %max3A_1708 = arith.maximumf %get3A_1657, %get3A_1609 : vector<16xf32>
        %swap3A_1709 = arith.index_cast %squeeze3A_1587 : i32 to index
        %swap3A_1710 = arith.constant 80 : index
        %swap3A_1711 = tpu.vector_load %arg10[%swap3A_1709, %swap3A_1710] {strides = array<i32>} : memref<64x128xf32, #tpu.memory_space<vmem>>, vector<16xf32>,
        tpu.vector_store %arg10[%swap3A_1709, %swap3A_1710], %max3A_1708 {strides = array<i32>} : memref<64x128xf32, #tpu.memory_space<vmem>>, vector<16xf32>,
        %min3A_1712 = arith.minimumf %get3A_1636, %get3A_1612 : vector<16xf32>
        %swap3A_1713 = arith.index_cast %squeeze3A_1587 : i32 to index
        %swap3A_1714 = arith.constant 96 : index
        %swap3A_1715 = tpu.vector_load %arg9[%swap3A_1713, %swap3A_1714] {strides = array<i32>} : memref<64x128xf32, #tpu.memory_space<vmem>>, vector<16xf32>,
        tpu.vector_store %arg9[%swap3A_1713, %swap3A_1714], %min3A_1712 {strides = array<i32>} : memref<64x128xf32, #tpu.memory_space<vmem>>, vector<16xf32>,
        %max3A_1716 = arith.maximumf %get3A_1660, %get3A_1612 : vector<16xf32>
        %swap3A_1717 = arith.index_cast %squeeze3A_1587 : i32 to index
        %swap3A_1718 = arith.constant 96 : index
        %swap3A_1719 = tpu.vector_load %arg10[%swap3A_1717, %swap3A_1718] {strides = array<i32>} : memref<64x128xf32, #tpu.memory_space<vmem>>, vector<16xf32>,
        tpu.vector_store %arg10[%swap3A_1717, %swap3A_1718], %max3A_1716 {strides = array<i32>} : memref<64x128xf32, #tpu.memory_space<vmem>>, vector<16xf32>,
        %min3A_1720 = arith.minimumf %get3A_1639, %get3A_1615 : vector<16xf32>
        %swap3A_1721 = arith.index_cast %squeeze3A_1587 : i32 to index
        %swap3A_1722 = arith.constant 112 : index
        %swap3A_1723 = tpu.vector_load %arg9[%swap3A_1721, %swap3A_1722] {strides = array<i32>} : memref<64x128xf32, #tpu.memory_space<vmem>>, vector<16xf32>,
        tpu.vector_store %arg9[%swap3A_1721, %swap3A_1722], %min3A_1720 {strides = array<i32>} : memref<64x128xf32, #tpu.memory_space<vmem>>, vector<16xf32>,
        %max3A_1724 = arith.maximumf %get3A_1663, %get3A_1615 : vector<16xf32>
        %swap3A_1725 = arith.index_cast %squeeze3A_1587 : i32 to index
        %swap3A_1726 = arith.constant 112 : index
        %swap3A_1727 = tpu.vector_load %arg10[%swap3A_1725, %swap3A_1726] {strides = array<i32>} : memref<64x128xf32, #tpu.memory_space<vmem>>, vector<16xf32>,
        tpu.vector_store %arg10[%swap3A_1725, %swap3A_1726], %max3A_1724 {strides = array<i32>} : memref<64x128xf32, #tpu.memory_space<vmem>>, vector<16xf32>,
        %slice3A_1728 = vector.extract_strided_slice %gather3A {offsets = [12], sizes = [1], strides = [1]} : vector<16xi32> to vector<1xi32>
        %squeeze3A_1729 = vector.extract %slice3A_1728[0] : i32 from vector<1xi32>
        %mul3A_1730 = arith.constant 16 : i32
        %mul3A_1731 = arith.muli %scan3A_25, %mul3A_1730 : i32
        %add3A_1732 = arith.constant 12 : i32
        %add3A_1733 = arith.addi %mul3A_1731, %add3A_1732 : i32
        %get3A_1734 = arith.index_cast %add3A_1733 : i32 to index
        %get3A_1735 = arith.constant 0 : index
        %get3A_1736 = tpu.vector_load %arg8[%get3A_1734, %get3A_1735] {strides = array<i32>} : memref<400x128xf32, #tpu.memory_space<vmem>>, vector<16xf32>,
        %get3A_1737 = arith.index_cast %add3A_1733 : i32 to index
        %get3A_1738 = arith.constant 16 : index
        %get3A_1739 = tpu.vector_load %arg8[%get3A_1737, %get3A_1738] {strides = array<i32>} : memref<400x128xf32, #tpu.memory_space<vmem>>, vector<16xf32>,
        %get3A_1740 = arith.index_cast %add3A_1733 : i32 to index
        %get3A_1741 = arith.constant 32 : index
        %get3A_1742 = tpu.vector_load %arg8[%get3A_1740, %get3A_1741] {strides = array<i32>} : memref<400x128xf32, #tpu.memory_space<vmem>>, vector<16xf32>,
        %get3A_1743 = arith.index_cast %add3A_1733 : i32 to index
        %get3A_1744 = arith.constant 48 : index
        %get3A_1745 = tpu.vector_load %arg8[%get3A_1743, %get3A_1744] {strides = array<i32>} : memref<400x128xf32, #tpu.memory_space<vmem>>, vector<16xf32>,
        %get3A_1746 = arith.index_cast %add3A_1733 : i32 to index
        %get3A_1747 = arith.constant 64 : index
        %get3A_1748 = tpu.vector_load %arg8[%get3A_1746, %get3A_1747] {strides = array<i32>} : memref<400x128xf32, #tpu.memory_space<vmem>>, vector<16xf32>,
        %get3A_1749 = arith.index_cast %add3A_1733 : i32 to index
        %get3A_1750 = arith.constant 80 : index
        %get3A_1751 = tpu.vector_load %arg8[%get3A_1749, %get3A_1750] {strides = array<i32>} : memref<400x128xf32, #tpu.memory_space<vmem>>, vector<16xf32>,
        %get3A_1752 = arith.index_cast %add3A_1733 : i32 to index
        %get3A_1753 = arith.constant 96 : index
        %get3A_1754 = tpu.vector_load %arg8[%get3A_1752, %get3A_1753] {strides = array<i32>} : memref<400x128xf32, #tpu.memory_space<vmem>>, vector<16xf32>,
        %get3A_1755 = arith.index_cast %add3A_1733 : i32 to index
        %get3A_1756 = arith.constant 112 : index
        %get3A_1757 = tpu.vector_load %arg8[%get3A_1755, %get3A_1756] {strides = array<i32>} : memref<400x128xf32, #tpu.memory_space<vmem>>, vector<16xf32>,
        %get3A_1758 = arith.index_cast %squeeze3A_1729 : i32 to index
        %get3A_1759 = arith.constant 0 : index
        %get3A_1760 = tpu.vector_load %arg9[%get3A_1758, %get3A_1759] {strides = array<i32>} : memref<64x128xf32, #tpu.memory_space<vmem>>, vector<16xf32>,
        %get3A_1761 = arith.index_cast %squeeze3A_1729 : i32 to index
        %get3A_1762 = arith.constant 16 : index
        %get3A_1763 = tpu.vector_load %arg9[%get3A_1761, %get3A_1762] {strides = array<i32>} : memref<64x128xf32, #tpu.memory_space<vmem>>, vector<16xf32>,
        %get3A_1764 = arith.index_cast %squeeze3A_1729 : i32 to index
        %get3A_1765 = arith.constant 32 : index
        %get3A_1766 = tpu.vector_load %arg9[%get3A_1764, %get3A_1765] {strides = array<i32>} : memref<64x128xf32, #tpu.memory_space<vmem>>, vector<16xf32>,
        %get3A_1767 = arith.index_cast %squeeze3A_1729 : i32 to index
        %get3A_1768 = arith.constant 48 : index
        %get3A_1769 = tpu.vector_load %arg9[%get3A_1767, %get3A_1768] {strides = array<i32>} : memref<64x128xf32, #tpu.memory_space<vmem>>, vector<16xf32>,
        %get3A_1770 = arith.index_cast %squeeze3A_1729 : i32 to index
        %get3A_1771 = arith.constant 64 : index
        %get3A_1772 = tpu.vector_load %arg9[%get3A_1770, %get3A_1771] {strides = array<i32>} : memref<64x128xf32, #tpu.memory_space<vmem>>, vector<16xf32>,
        %get3A_1773 = arith.index_cast %squeeze3A_1729 : i32 to index
        %get3A_1774 = arith.constant 80 : index
        %get3A_1775 = tpu.vector_load %arg9[%get3A_1773, %get3A_1774] {strides = array<i32>} : memref<64x128xf32, #tpu.memory_space<vmem>>, vector<16xf32>,
        %get3A_1776 = arith.index_cast %squeeze3A_1729 : i32 to index
        %get3A_1777 = arith.constant 96 : index
        %get3A_1778 = tpu.vector_load %arg9[%get3A_1776, %get3A_1777] {strides = array<i32>} : memref<64x128xf32, #tpu.memory_space<vmem>>, vector<16xf32>,
        %get3A_1779 = arith.index_cast %squeeze3A_1729 : i32 to index
        %get3A_1780 = arith.constant 112 : index
        %get3A_1781 = tpu.vector_load %arg9[%get3A_1779, %get3A_1780] {strides = array<i32>} : memref<64x128xf32, #tpu.memory_space<vmem>>, vector<16xf32>,
        %get3A_1782 = arith.index_cast %squeeze3A_1729 : i32 to index
        %get3A_1783 = arith.constant 0 : index
        %get3A_1784 = tpu.vector_load %arg10[%get3A_1782, %get3A_1783] {strides = array<i32>} : memref<64x128xf32, #tpu.memory_space<vmem>>, vector<16xf32>,
        %get3A_1785 = arith.index_cast %squeeze3A_1729 : i32 to index
        %get3A_1786 = arith.constant 16 : index
        %get3A_1787 = tpu.vector_load %arg10[%get3A_1785, %get3A_1786] {strides = array<i32>} : memref<64x128xf32, #tpu.memory_space<vmem>>, vector<16xf32>,
        %get3A_1788 = arith.index_cast %squeeze3A_1729 : i32 to index
        %get3A_1789 = arith.constant 32 : index
        %get3A_1790 = tpu.vector_load %arg10[%get3A_1788, %get3A_1789] {strides = array<i32>} : memref<64x128xf32, #tpu.memory_space<vmem>>, vector<16xf32>,
        %get3A_1791 = arith.index_cast %squeeze3A_1729 : i32 to index
        %get3A_1792 = arith.constant 48 : index
        %get3A_1793 = tpu.vector_load %arg10[%get3A_1791, %get3A_1792] {strides = array<i32>} : memref<64x128xf32, #tpu.memory_space<vmem>>, vector<16xf32>,
        %get3A_1794 = arith.index_cast %squeeze3A_1729 : i32 to index
        %get3A_1795 = arith.constant 64 : index
        %get3A_1796 = tpu.vector_load %arg10[%get3A_1794, %get3A_1795] {strides = array<i32>} : memref<64x128xf32, #tpu.memory_space<vmem>>, vector<16xf32>,
        %get3A_1797 = arith.index_cast %squeeze3A_1729 : i32 to index
        %get3A_1798 = arith.constant 80 : index
        %get3A_1799 = tpu.vector_load %arg10[%get3A_1797, %get3A_1798] {strides = array<i32>} : memref<64x128xf32, #tpu.memory_space<vmem>>, vector<16xf32>,
        %get3A_1800 = arith.index_cast %squeeze3A_1729 : i32 to index
        %get3A_1801 = arith.constant 96 : index
        %get3A_1802 = tpu.vector_load %arg10[%get3A_1800, %get3A_1801] {strides = array<i32>} : memref<64x128xf32, #tpu.memory_space<vmem>>, vector<16xf32>,
        %get3A_1803 = arith.index_cast %squeeze3A_1729 : i32 to index
        %get3A_1804 = arith.constant 112 : index
        %get3A_1805 = tpu.vector_load %arg10[%get3A_1803, %get3A_1804] {strides = array<i32>} : memref<64x128xf32, #tpu.memory_space<vmem>>, vector<16xf32>,
        %min3A_1806 = arith.minimumf %get3A_1760, %get3A_1736 : vector<16xf32>
        %swap3A_1807 = arith.index_cast %squeeze3A_1729 : i32 to index
        %swap3A_1808 = arith.constant 0 : index
        %swap3A_1809 = tpu.vector_load %arg9[%swap3A_1807, %swap3A_1808] {strides = array<i32>} : memref<64x128xf32, #tpu.memory_space<vmem>>, vector<16xf32>,
        tpu.vector_store %arg9[%swap3A_1807, %swap3A_1808], %min3A_1806 {strides = array<i32>} : memref<64x128xf32, #tpu.memory_space<vmem>>, vector<16xf32>,
        %max3A_1810 = arith.maximumf %get3A_1784, %get3A_1736 : vector<16xf32>
        %swap3A_1811 = arith.index_cast %squeeze3A_1729 : i32 to index
        %swap3A_1812 = arith.constant 0 : index
        %swap3A_1813 = tpu.vector_load %arg10[%swap3A_1811, %swap3A_1812] {strides = array<i32>} : memref<64x128xf32, #tpu.memory_space<vmem>>, vector<16xf32>,
        tpu.vector_store %arg10[%swap3A_1811, %swap3A_1812], %max3A_1810 {strides = array<i32>} : memref<64x128xf32, #tpu.memory_space<vmem>>, vector<16xf32>,
        %min3A_1814 = arith.minimumf %get3A_1763, %get3A_1739 : vector<16xf32>
        %swap3A_1815 = arith.index_cast %squeeze3A_1729 : i32 to index
        %swap3A_1816 = arith.constant 16 : index
        %swap3A_1817 = tpu.vector_load %arg9[%swap3A_1815, %swap3A_1816] {strides = array<i32>} : memref<64x128xf32, #tpu.memory_space<vmem>>, vector<16xf32>,
        tpu.vector_store %arg9[%swap3A_1815, %swap3A_1816], %min3A_1814 {strides = array<i32>} : memref<64x128xf32, #tpu.memory_space<vmem>>, vector<16xf32>,
        %max3A_1818 = arith.maximumf %get3A_1787, %get3A_1739 : vector<16xf32>
        %swap3A_1819 = arith.index_cast %squeeze3A_1729 : i32 to index
        %swap3A_1820 = arith.constant 16 : index
        %swap3A_1821 = tpu.vector_load %arg10[%swap3A_1819, %swap3A_1820] {strides = array<i32>} : memref<64x128xf32, #tpu.memory_space<vmem>>, vector<16xf32>,
        tpu.vector_store %arg10[%swap3A_1819, %swap3A_1820], %max3A_1818 {strides = array<i32>} : memref<64x128xf32, #tpu.memory_space<vmem>>, vector<16xf32>,
        %min3A_1822 = arith.minimumf %get3A_1766, %get3A_1742 : vector<16xf32>
        %swap3A_1823 = arith.index_cast %squeeze3A_1729 : i32 to index
        %swap3A_1824 = arith.constant 32 : index
        %swap3A_1825 = tpu.vector_load %arg9[%swap3A_1823, %swap3A_1824] {strides = array<i32>} : memref<64x128xf32, #tpu.memory_space<vmem>>, vector<16xf32>,
        tpu.vector_store %arg9[%swap3A_1823, %swap3A_1824], %min3A_1822 {strides = array<i32>} : memref<64x128xf32, #tpu.memory_space<vmem>>, vector<16xf32>,
        %max3A_1826 = arith.maximumf %get3A_1790, %get3A_1742 : vector<16xf32>
        %swap3A_1827 = arith.index_cast %squeeze3A_1729 : i32 to index
        %swap3A_1828 = arith.constant 32 : index
        %swap3A_1829 = tpu.vector_load %arg10[%swap3A_1827, %swap3A_1828] {strides = array<i32>} : memref<64x128xf32, #tpu.memory_space<vmem>>, vector<16xf32>,
        tpu.vector_store %arg10[%swap3A_1827, %swap3A_1828], %max3A_1826 {strides = array<i32>} : memref<64x128xf32, #tpu.memory_space<vmem>>, vector<16xf32>,
        %min3A_1830 = arith.minimumf %get3A_1769, %get3A_1745 : vector<16xf32>
        %swap3A_1831 = arith.index_cast %squeeze3A_1729 : i32 to index
        %swap3A_1832 = arith.constant 48 : index
        %swap3A_1833 = tpu.vector_load %arg9[%swap3A_1831, %swap3A_1832] {strides = array<i32>} : memref<64x128xf32, #tpu.memory_space<vmem>>, vector<16xf32>,
        tpu.vector_store %arg9[%swap3A_1831, %swap3A_1832], %min3A_1830 {strides = array<i32>} : memref<64x128xf32, #tpu.memory_space<vmem>>, vector<16xf32>,
        %max3A_1834 = arith.maximumf %get3A_1793, %get3A_1745 : vector<16xf32>
        %swap3A_1835 = arith.index_cast %squeeze3A_1729 : i32 to index
        %swap3A_1836 = arith.constant 48 : index
        %swap3A_1837 = tpu.vector_load %arg10[%swap3A_1835, %swap3A_1836] {strides = array<i32>} : memref<64x128xf32, #tpu.memory_space<vmem>>, vector<16xf32>,
        tpu.vector_store %arg10[%swap3A_1835, %swap3A_1836], %max3A_1834 {strides = array<i32>} : memref<64x128xf32, #tpu.memory_space<vmem>>, vector<16xf32>,
        %min3A_1838 = arith.minimumf %get3A_1772, %get3A_1748 : vector<16xf32>
        %swap3A_1839 = arith.index_cast %squeeze3A_1729 : i32 to index
        %swap3A_1840 = arith.constant 64 : index
        %swap3A_1841 = tpu.vector_load %arg9[%swap3A_1839, %swap3A_1840] {strides = array<i32>} : memref<64x128xf32, #tpu.memory_space<vmem>>, vector<16xf32>,
        tpu.vector_store %arg9[%swap3A_1839, %swap3A_1840], %min3A_1838 {strides = array<i32>} : memref<64x128xf32, #tpu.memory_space<vmem>>, vector<16xf32>,
        %max3A_1842 = arith.maximumf %get3A_1796, %get3A_1748 : vector<16xf32>
        %swap3A_1843 = arith.index_cast %squeeze3A_1729 : i32 to index
        %swap3A_1844 = arith.constant 64 : index
        %swap3A_1845 = tpu.vector_load %arg10[%swap3A_1843, %swap3A_1844] {strides = array<i32>} : memref<64x128xf32, #tpu.memory_space<vmem>>, vector<16xf32>,
        tpu.vector_store %arg10[%swap3A_1843, %swap3A_1844], %max3A_1842 {strides = array<i32>} : memref<64x128xf32, #tpu.memory_space<vmem>>, vector<16xf32>,
        %min3A_1846 = arith.minimumf %get3A_1775, %get3A_1751 : vector<16xf32>
        %swap3A_1847 = arith.index_cast %squeeze3A_1729 : i32 to index
        %swap3A_1848 = arith.constant 80 : index
        %swap3A_1849 = tpu.vector_load %arg9[%swap3A_1847, %swap3A_1848] {strides = array<i32>} : memref<64x128xf32, #tpu.memory_space<vmem>>, vector<16xf32>,
        tpu.vector_store %arg9[%swap3A_1847, %swap3A_1848], %min3A_1846 {strides = array<i32>} : memref<64x128xf32, #tpu.memory_space<vmem>>, vector<16xf32>,
        %max3A_1850 = arith.maximumf %get3A_1799, %get3A_1751 : vector<16xf32>
        %swap3A_1851 = arith.index_cast %squeeze3A_1729 : i32 to index
        %swap3A_1852 = arith.constant 80 : index
        %swap3A_1853 = tpu.vector_load %arg10[%swap3A_1851, %swap3A_1852] {strides = array<i32>} : memref<64x128xf32, #tpu.memory_space<vmem>>, vector<16xf32>,
        tpu.vector_store %arg10[%swap3A_1851, %swap3A_1852], %max3A_1850 {strides = array<i32>} : memref<64x128xf32, #tpu.memory_space<vmem>>, vector<16xf32>,
        %min3A_1854 = arith.minimumf %get3A_1778, %get3A_1754 : vector<16xf32>
        %swap3A_1855 = arith.index_cast %squeeze3A_1729 : i32 to index
        %swap3A_1856 = arith.constant 96 : index
        %swap3A_1857 = tpu.vector_load %arg9[%swap3A_1855, %swap3A_1856] {strides = array<i32>} : memref<64x128xf32, #tpu.memory_space<vmem>>, vector<16xf32>,
        tpu.vector_store %arg9[%swap3A_1855, %swap3A_1856], %min3A_1854 {strides = array<i32>} : memref<64x128xf32, #tpu.memory_space<vmem>>, vector<16xf32>,
        %max3A_1858 = arith.maximumf %get3A_1802, %get3A_1754 : vector<16xf32>
        %swap3A_1859 = arith.index_cast %squeeze3A_1729 : i32 to index
        %swap3A_1860 = arith.constant 96 : index
        %swap3A_1861 = tpu.vector_load %arg10[%swap3A_1859, %swap3A_1860] {strides = array<i32>} : memref<64x128xf32, #tpu.memory_space<vmem>>, vector<16xf32>,
        tpu.vector_store %arg10[%swap3A_1859, %swap3A_1860], %max3A_1858 {strides = array<i32>} : memref<64x128xf32, #tpu.memory_space<vmem>>, vector<16xf32>,
        %min3A_1862 = arith.minimumf %get3A_1781, %get3A_1757 : vector<16xf32>
        %swap3A_1863 = arith.index_cast %squeeze3A_1729 : i32 to index
        %swap3A_1864 = arith.constant 112 : index
        %swap3A_1865 = tpu.vector_load %arg9[%swap3A_1863, %swap3A_1864] {strides = array<i32>} : memref<64x128xf32, #tpu.memory_space<vmem>>, vector<16xf32>,
        tpu.vector_store %arg9[%swap3A_1863, %swap3A_1864], %min3A_1862 {strides = array<i32>} : memref<64x128xf32, #tpu.memory_space<vmem>>, vector<16xf32>,
        %max3A_1866 = arith.maximumf %get3A_1805, %get3A_1757 : vector<16xf32>
        %swap3A_1867 = arith.index_cast %squeeze3A_1729 : i32 to index
        %swap3A_1868 = arith.constant 112 : index
        %swap3A_1869 = tpu.vector_load %arg10[%swap3A_1867, %swap3A_1868] {strides = array<i32>} : memref<64x128xf32, #tpu.memory_space<vmem>>, vector<16xf32>,
        tpu.vector_store %arg10[%swap3A_1867, %swap3A_1868], %max3A_1866 {strides = array<i32>} : memref<64x128xf32, #tpu.memory_space<vmem>>, vector<16xf32>,
        %slice3A_1870 = vector.extract_strided_slice %gather3A {offsets = [13], sizes = [1], strides = [1]} : vector<16xi32> to vector<1xi32>
        %squeeze3A_1871 = vector.extract %slice3A_1870[0] : i32 from vector<1xi32>
        %mul3A_1872 = arith.constant 16 : i32
        %mul3A_1873 = arith.muli %scan3A_25, %mul3A_1872 : i32
        %add3A_1874 = arith.constant 13 : i32
        %add3A_1875 = arith.addi %mul3A_1873, %add3A_1874 : i32
        %get3A_1876 = arith.index_cast %add3A_1875 : i32 to index
        %get3A_1877 = arith.constant 0 : index
        %get3A_1878 = tpu.vector_load %arg8[%get3A_1876, %get3A_1877] {strides = array<i32>} : memref<400x128xf32, #tpu.memory_space<vmem>>, vector<16xf32>,
        %get3A_1879 = arith.index_cast %add3A_1875 : i32 to index
        %get3A_1880 = arith.constant 16 : index
        %get3A_1881 = tpu.vector_load %arg8[%get3A_1879, %get3A_1880] {strides = array<i32>} : memref<400x128xf32, #tpu.memory_space<vmem>>, vector<16xf32>,
        %get3A_1882 = arith.index_cast %add3A_1875 : i32 to index
        %get3A_1883 = arith.constant 32 : index
        %get3A_1884 = tpu.vector_load %arg8[%get3A_1882, %get3A_1883] {strides = array<i32>} : memref<400x128xf32, #tpu.memory_space<vmem>>, vector<16xf32>,
        %get3A_1885 = arith.index_cast %add3A_1875 : i32 to index
        %get3A_1886 = arith.constant 48 : index
        %get3A_1887 = tpu.vector_load %arg8[%get3A_1885, %get3A_1886] {strides = array<i32>} : memref<400x128xf32, #tpu.memory_space<vmem>>, vector<16xf32>,
        %get3A_1888 = arith.index_cast %add3A_1875 : i32 to index
        %get3A_1889 = arith.constant 64 : index
        %get3A_1890 = tpu.vector_load %arg8[%get3A_1888, %get3A_1889] {strides = array<i32>} : memref<400x128xf32, #tpu.memory_space<vmem>>, vector<16xf32>,
        %get3A_1891 = arith.index_cast %add3A_1875 : i32 to index
        %get3A_1892 = arith.constant 80 : index
        %get3A_1893 = tpu.vector_load %arg8[%get3A_1891, %get3A_1892] {strides = array<i32>} : memref<400x128xf32, #tpu.memory_space<vmem>>, vector<16xf32>,
        %get3A_1894 = arith.index_cast %add3A_1875 : i32 to index
        %get3A_1895 = arith.constant 96 : index
        %get3A_1896 = tpu.vector_load %arg8[%get3A_1894, %get3A_1895] {strides = array<i32>} : memref<400x128xf32, #tpu.memory_space<vmem>>, vector<16xf32>,
        %get3A_1897 = arith.index_cast %add3A_1875 : i32 to index
        %get3A_1898 = arith.constant 112 : index
        %get3A_1899 = tpu.vector_load %arg8[%get3A_1897, %get3A_1898] {strides = array<i32>} : memref<400x128xf32, #tpu.memory_space<vmem>>, vector<16xf32>,
        %get3A_1900 = arith.index_cast %squeeze3A_1871 : i32 to index
        %get3A_1901 = arith.constant 0 : index
        %get3A_1902 = tpu.vector_load %arg9[%get3A_1900, %get3A_1901] {strides = array<i32>} : memref<64x128xf32, #tpu.memory_space<vmem>>, vector<16xf32>,
        %get3A_1903 = arith.index_cast %squeeze3A_1871 : i32 to index
        %get3A_1904 = arith.constant 16 : index
        %get3A_1905 = tpu.vector_load %arg9[%get3A_1903, %get3A_1904] {strides = array<i32>} : memref<64x128xf32, #tpu.memory_space<vmem>>, vector<16xf32>,
        %get3A_1906 = arith.index_cast %squeeze3A_1871 : i32 to index
        %get3A_1907 = arith.constant 32 : index
        %get3A_1908 = tpu.vector_load %arg9[%get3A_1906, %get3A_1907] {strides = array<i32>} : memref<64x128xf32, #tpu.memory_space<vmem>>, vector<16xf32>,
        %get3A_1909 = arith.index_cast %squeeze3A_1871 : i32 to index
        %get3A_1910 = arith.constant 48 : index
        %get3A_1911 = tpu.vector_load %arg9[%get3A_1909, %get3A_1910] {strides = array<i32>} : memref<64x128xf32, #tpu.memory_space<vmem>>, vector<16xf32>,
        %get3A_1912 = arith.index_cast %squeeze3A_1871 : i32 to index
        %get3A_1913 = arith.constant 64 : index
        %get3A_1914 = tpu.vector_load %arg9[%get3A_1912, %get3A_1913] {strides = array<i32>} : memref<64x128xf32, #tpu.memory_space<vmem>>, vector<16xf32>,
        %get3A_1915 = arith.index_cast %squeeze3A_1871 : i32 to index
        %get3A_1916 = arith.constant 80 : index
        %get3A_1917 = tpu.vector_load %arg9[%get3A_1915, %get3A_1916] {strides = array<i32>} : memref<64x128xf32, #tpu.memory_space<vmem>>, vector<16xf32>,
        %get3A_1918 = arith.index_cast %squeeze3A_1871 : i32 to index
        %get3A_1919 = arith.constant 96 : index
        %get3A_1920 = tpu.vector_load %arg9[%get3A_1918, %get3A_1919] {strides = array<i32>} : memref<64x128xf32, #tpu.memory_space<vmem>>, vector<16xf32>,
        %get3A_1921 = arith.index_cast %squeeze3A_1871 : i32 to index
        %get3A_1922 = arith.constant 112 : index
        %get3A_1923 = tpu.vector_load %arg9[%get3A_1921, %get3A_1922] {strides = array<i32>} : memref<64x128xf32, #tpu.memory_space<vmem>>, vector<16xf32>,
        %get3A_1924 = arith.index_cast %squeeze3A_1871 : i32 to index
        %get3A_1925 = arith.constant 0 : index
        %get3A_1926 = tpu.vector_load %arg10[%get3A_1924, %get3A_1925] {strides = array<i32>} : memref<64x128xf32, #tpu.memory_space<vmem>>, vector<16xf32>,
        %get3A_1927 = arith.index_cast %squeeze3A_1871 : i32 to index
        %get3A_1928 = arith.constant 16 : index
        %get3A_1929 = tpu.vector_load %arg10[%get3A_1927, %get3A_1928] {strides = array<i32>} : memref<64x128xf32, #tpu.memory_space<vmem>>, vector<16xf32>,
        %get3A_1930 = arith.index_cast %squeeze3A_1871 : i32 to index
        %get3A_1931 = arith.constant 32 : index
        %get3A_1932 = tpu.vector_load %arg10[%get3A_1930, %get3A_1931] {strides = array<i32>} : memref<64x128xf32, #tpu.memory_space<vmem>>, vector<16xf32>,
        %get3A_1933 = arith.index_cast %squeeze3A_1871 : i32 to index
        %get3A_1934 = arith.constant 48 : index
        %get3A_1935 = tpu.vector_load %arg10[%get3A_1933, %get3A_1934] {strides = array<i32>} : memref<64x128xf32, #tpu.memory_space<vmem>>, vector<16xf32>,
        %get3A_1936 = arith.index_cast %squeeze3A_1871 : i32 to index
        %get3A_1937 = arith.constant 64 : index
        %get3A_1938 = tpu.vector_load %arg10[%get3A_1936, %get3A_1937] {strides = array<i32>} : memref<64x128xf32, #tpu.memory_space<vmem>>, vector<16xf32>,
        %get3A_1939 = arith.index_cast %squeeze3A_1871 : i32 to index
        %get3A_1940 = arith.constant 80 : index
        %get3A_1941 = tpu.vector_load %arg10[%get3A_1939, %get3A_1940] {strides = array<i32>} : memref<64x128xf32, #tpu.memory_space<vmem>>, vector<16xf32>,
        %get3A_1942 = arith.index_cast %squeeze3A_1871 : i32 to index
        %get3A_1943 = arith.constant 96 : index
        %get3A_1944 = tpu.vector_load %arg10[%get3A_1942, %get3A_1943] {strides = array<i32>} : memref<64x128xf32, #tpu.memory_space<vmem>>, vector<16xf32>,
        %get3A_1945 = arith.index_cast %squeeze3A_1871 : i32 to index
        %get3A_1946 = arith.constant 112 : index
        %get3A_1947 = tpu.vector_load %arg10[%get3A_1945, %get3A_1946] {strides = array<i32>} : memref<64x128xf32, #tpu.memory_space<vmem>>, vector<16xf32>,
        %min3A_1948 = arith.minimumf %get3A_1902, %get3A_1878 : vector<16xf32>
        %swap3A_1949 = arith.index_cast %squeeze3A_1871 : i32 to index
        %swap3A_1950 = arith.constant 0 : index
        %swap3A_1951 = tpu.vector_load %arg9[%swap3A_1949, %swap3A_1950] {strides = array<i32>} : memref<64x128xf32, #tpu.memory_space<vmem>>, vector<16xf32>,
        tpu.vector_store %arg9[%swap3A_1949, %swap3A_1950], %min3A_1948 {strides = array<i32>} : memref<64x128xf32, #tpu.memory_space<vmem>>, vector<16xf32>,
        %max3A_1952 = arith.maximumf %get3A_1926, %get3A_1878 : vector<16xf32>
        %swap3A_1953 = arith.index_cast %squeeze3A_1871 : i32 to index
        %swap3A_1954 = arith.constant 0 : index
        %swap3A_1955 = tpu.vector_load %arg10[%swap3A_1953, %swap3A_1954] {strides = array<i32>} : memref<64x128xf32, #tpu.memory_space<vmem>>, vector<16xf32>,
        tpu.vector_store %arg10[%swap3A_1953, %swap3A_1954], %max3A_1952 {strides = array<i32>} : memref<64x128xf32, #tpu.memory_space<vmem>>, vector<16xf32>,
        %min3A_1956 = arith.minimumf %get3A_1905, %get3A_1881 : vector<16xf32>
        %swap3A_1957 = arith.index_cast %squeeze3A_1871 : i32 to index
        %swap3A_1958 = arith.constant 16 : index
        %swap3A_1959 = tpu.vector_load %arg9[%swap3A_1957, %swap3A_1958] {strides = array<i32>} : memref<64x128xf32, #tpu.memory_space<vmem>>, vector<16xf32>,
        tpu.vector_store %arg9[%swap3A_1957, %swap3A_1958], %min3A_1956 {strides = array<i32>} : memref<64x128xf32, #tpu.memory_space<vmem>>, vector<16xf32>,
        %max3A_1960 = arith.maximumf %get3A_1929, %get3A_1881 : vector<16xf32>
        %swap3A_1961 = arith.index_cast %squeeze3A_1871 : i32 to index
        %swap3A_1962 = arith.constant 16 : index
        %swap3A_1963 = tpu.vector_load %arg10[%swap3A_1961, %swap3A_1962] {strides = array<i32>} : memref<64x128xf32, #tpu.memory_space<vmem>>, vector<16xf32>,
        tpu.vector_store %arg10[%swap3A_1961, %swap3A_1962], %max3A_1960 {strides = array<i32>} : memref<64x128xf32, #tpu.memory_space<vmem>>, vector<16xf32>,
        %min3A_1964 = arith.minimumf %get3A_1908, %get3A_1884 : vector<16xf32>
        %swap3A_1965 = arith.index_cast %squeeze3A_1871 : i32 to index
        %swap3A_1966 = arith.constant 32 : index
        %swap3A_1967 = tpu.vector_load %arg9[%swap3A_1965, %swap3A_1966] {strides = array<i32>} : memref<64x128xf32, #tpu.memory_space<vmem>>, vector<16xf32>,
        tpu.vector_store %arg9[%swap3A_1965, %swap3A_1966], %min3A_1964 {strides = array<i32>} : memref<64x128xf32, #tpu.memory_space<vmem>>, vector<16xf32>,
        %max3A_1968 = arith.maximumf %get3A_1932, %get3A_1884 : vector<16xf32>
        %swap3A_1969 = arith.index_cast %squeeze3A_1871 : i32 to index
        %swap3A_1970 = arith.constant 32 : index
        %swap3A_1971 = tpu.vector_load %arg10[%swap3A_1969, %swap3A_1970] {strides = array<i32>} : memref<64x128xf32, #tpu.memory_space<vmem>>, vector<16xf32>,
        tpu.vector_store %arg10[%swap3A_1969, %swap3A_1970], %max3A_1968 {strides = array<i32>} : memref<64x128xf32, #tpu.memory_space<vmem>>, vector<16xf32>,
        %min3A_1972 = arith.minimumf %get3A_1911, %get3A_1887 : vector<16xf32>
        %swap3A_1973 = arith.index_cast %squeeze3A_1871 : i32 to index
        %swap3A_1974 = arith.constant 48 : index
        %swap3A_1975 = tpu.vector_load %arg9[%swap3A_1973, %swap3A_1974] {strides = array<i32>} : memref<64x128xf32, #tpu.memory_space<vmem>>, vector<16xf32>,
        tpu.vector_store %arg9[%swap3A_1973, %swap3A_1974], %min3A_1972 {strides = array<i32>} : memref<64x128xf32, #tpu.memory_space<vmem>>, vector<16xf32>,
        %max3A_1976 = arith.maximumf %get3A_1935, %get3A_1887 : vector<16xf32>
        %swap3A_1977 = arith.index_cast %squeeze3A_1871 : i32 to index
        %swap3A_1978 = arith.constant 48 : index
        %swap3A_1979 = tpu.vector_load %arg10[%swap3A_1977, %swap3A_1978] {strides = array<i32>} : memref<64x128xf32, #tpu.memory_space<vmem>>, vector<16xf32>,
        tpu.vector_store %arg10[%swap3A_1977, %swap3A_1978], %max3A_1976 {strides = array<i32>} : memref<64x128xf32, #tpu.memory_space<vmem>>, vector<16xf32>,
        %min3A_1980 = arith.minimumf %get3A_1914, %get3A_1890 : vector<16xf32>
        %swap3A_1981 = arith.index_cast %squeeze3A_1871 : i32 to index
        %swap3A_1982 = arith.constant 64 : index
        %swap3A_1983 = tpu.vector_load %arg9[%swap3A_1981, %swap3A_1982] {strides = array<i32>} : memref<64x128xf32, #tpu.memory_space<vmem>>, vector<16xf32>,
        tpu.vector_store %arg9[%swap3A_1981, %swap3A_1982], %min3A_1980 {strides = array<i32>} : memref<64x128xf32, #tpu.memory_space<vmem>>, vector<16xf32>,
        %max3A_1984 = arith.maximumf %get3A_1938, %get3A_1890 : vector<16xf32>
        %swap3A_1985 = arith.index_cast %squeeze3A_1871 : i32 to index
        %swap3A_1986 = arith.constant 64 : index
        %swap3A_1987 = tpu.vector_load %arg10[%swap3A_1985, %swap3A_1986] {strides = array<i32>} : memref<64x128xf32, #tpu.memory_space<vmem>>, vector<16xf32>,
        tpu.vector_store %arg10[%swap3A_1985, %swap3A_1986], %max3A_1984 {strides = array<i32>} : memref<64x128xf32, #tpu.memory_space<vmem>>, vector<16xf32>,
        %min3A_1988 = arith.minimumf %get3A_1917, %get3A_1893 : vector<16xf32>
        %swap3A_1989 = arith.index_cast %squeeze3A_1871 : i32 to index
        %swap3A_1990 = arith.constant 80 : index
        %swap3A_1991 = tpu.vector_load %arg9[%swap3A_1989, %swap3A_1990] {strides = array<i32>} : memref<64x128xf32, #tpu.memory_space<vmem>>, vector<16xf32>,
        tpu.vector_store %arg9[%swap3A_1989, %swap3A_1990], %min3A_1988 {strides = array<i32>} : memref<64x128xf32, #tpu.memory_space<vmem>>, vector<16xf32>,
        %max3A_1992 = arith.maximumf %get3A_1941, %get3A_1893 : vector<16xf32>
        %swap3A_1993 = arith.index_cast %squeeze3A_1871 : i32 to index
        %swap3A_1994 = arith.constant 80 : index
        %swap3A_1995 = tpu.vector_load %arg10[%swap3A_1993, %swap3A_1994] {strides = array<i32>} : memref<64x128xf32, #tpu.memory_space<vmem>>, vector<16xf32>,
        tpu.vector_store %arg10[%swap3A_1993, %swap3A_1994], %max3A_1992 {strides = array<i32>} : memref<64x128xf32, #tpu.memory_space<vmem>>, vector<16xf32>,
        %min3A_1996 = arith.minimumf %get3A_1920, %get3A_1896 : vector<16xf32>
        %swap3A_1997 = arith.index_cast %squeeze3A_1871 : i32 to index
        %swap3A_1998 = arith.constant 96 : index
        %swap3A_1999 = tpu.vector_load %arg9[%swap3A_1997, %swap3A_1998] {strides = array<i32>} : memref<64x128xf32, #tpu.memory_space<vmem>>, vector<16xf32>,
        tpu.vector_store %arg9[%swap3A_1997, %swap3A_1998], %min3A_1996 {strides = array<i32>} : memref<64x128xf32, #tpu.memory_space<vmem>>, vector<16xf32>,
        %max3A_2000 = arith.maximumf %get3A_1944, %get3A_1896 : vector<16xf32>
        %swap3A_2001 = arith.index_cast %squeeze3A_1871 : i32 to index
        %swap3A_2002 = arith.constant 96 : index
        %swap3A_2003 = tpu.vector_load %arg10[%swap3A_2001, %swap3A_2002] {strides = array<i32>} : memref<64x128xf32, #tpu.memory_space<vmem>>, vector<16xf32>,
        tpu.vector_store %arg10[%swap3A_2001, %swap3A_2002], %max3A_2000 {strides = array<i32>} : memref<64x128xf32, #tpu.memory_space<vmem>>, vector<16xf32>,
        %min3A_2004 = arith.minimumf %get3A_1923, %get3A_1899 : vector<16xf32>
        %swap3A_2005 = arith.index_cast %squeeze3A_1871 : i32 to index
        %swap3A_2006 = arith.constant 112 : index
        %swap3A_2007 = tpu.vector_load %arg9[%swap3A_2005, %swap3A_2006] {strides = array<i32>} : memref<64x128xf32, #tpu.memory_space<vmem>>, vector<16xf32>,
        tpu.vector_store %arg9[%swap3A_2005, %swap3A_2006], %min3A_2004 {strides = array<i32>} : memref<64x128xf32, #tpu.memory_space<vmem>>, vector<16xf32>,
        %max3A_2008 = arith.maximumf %get3A_1947, %get3A_1899 : vector<16xf32>
        %swap3A_2009 = arith.index_cast %squeeze3A_1871 : i32 to index
        %swap3A_2010 = arith.constant 112 : index
        %swap3A_2011 = tpu.vector_load %arg10[%swap3A_2009, %swap3A_2010] {strides = array<i32>} : memref<64x128xf32, #tpu.memory_space<vmem>>, vector<16xf32>,
        tpu.vector_store %arg10[%swap3A_2009, %swap3A_2010], %max3A_2008 {strides = array<i32>} : memref<64x128xf32, #tpu.memory_space<vmem>>, vector<16xf32>,
        %slice3A_2012 = vector.extract_strided_slice %gather3A {offsets = [14], sizes = [1], strides = [1]} : vector<16xi32> to vector<1xi32>
        %squeeze3A_2013 = vector.extract %slice3A_2012[0] : i32 from vector<1xi32>
        %mul3A_2014 = arith.constant 16 : i32
        %mul3A_2015 = arith.muli %scan3A_25, %mul3A_2014 : i32
        %add3A_2016 = arith.constant 14 : i32
        %add3A_2017 = arith.addi %mul3A_2015, %add3A_2016 : i32
        %get3A_2018 = arith.index_cast %add3A_2017 : i32 to index
        %get3A_2019 = arith.constant 0 : index
        %get3A_2020 = tpu.vector_load %arg8[%get3A_2018, %get3A_2019] {strides = array<i32>} : memref<400x128xf32, #tpu.memory_space<vmem>>, vector<16xf32>,
        %get3A_2021 = arith.index_cast %add3A_2017 : i32 to index
        %get3A_2022 = arith.constant 16 : index
        %get3A_2023 = tpu.vector_load %arg8[%get3A_2021, %get3A_2022] {strides = array<i32>} : memref<400x128xf32, #tpu.memory_space<vmem>>, vector<16xf32>,
        %get3A_2024 = arith.index_cast %add3A_2017 : i32 to index
        %get3A_2025 = arith.constant 32 : index
        %get3A_2026 = tpu.vector_load %arg8[%get3A_2024, %get3A_2025] {strides = array<i32>} : memref<400x128xf32, #tpu.memory_space<vmem>>, vector<16xf32>,
        %get3A_2027 = arith.index_cast %add3A_2017 : i32 to index
        %get3A_2028 = arith.constant 48 : index
        %get3A_2029 = tpu.vector_load %arg8[%get3A_2027, %get3A_2028] {strides = array<i32>} : memref<400x128xf32, #tpu.memory_space<vmem>>, vector<16xf32>,
        %get3A_2030 = arith.index_cast %add3A_2017 : i32 to index
        %get3A_2031 = arith.constant 64 : index
        %get3A_2032 = tpu.vector_load %arg8[%get3A_2030, %get3A_2031] {strides = array<i32>} : memref<400x128xf32, #tpu.memory_space<vmem>>, vector<16xf32>,
        %get3A_2033 = arith.index_cast %add3A_2017 : i32 to index
        %get3A_2034 = arith.constant 80 : index
        %get3A_2035 = tpu.vector_load %arg8[%get3A_2033, %get3A_2034] {strides = array<i32>} : memref<400x128xf32, #tpu.memory_space<vmem>>, vector<16xf32>,
        %get3A_2036 = arith.index_cast %add3A_2017 : i32 to index
        %get3A_2037 = arith.constant 96 : index
        %get3A_2038 = tpu.vector_load %arg8[%get3A_2036, %get3A_2037] {strides = array<i32>} : memref<400x128xf32, #tpu.memory_space<vmem>>, vector<16xf32>,
        %get3A_2039 = arith.index_cast %add3A_2017 : i32 to index
        %get3A_2040 = arith.constant 112 : index
        %get3A_2041 = tpu.vector_load %arg8[%get3A_2039, %get3A_2040] {strides = array<i32>} : memref<400x128xf32, #tpu.memory_space<vmem>>, vector<16xf32>,
        %get3A_2042 = arith.index_cast %squeeze3A_2013 : i32 to index
        %get3A_2043 = arith.constant 0 : index
        %get3A_2044 = tpu.vector_load %arg9[%get3A_2042, %get3A_2043] {strides = array<i32>} : memref<64x128xf32, #tpu.memory_space<vmem>>, vector<16xf32>,
        %get3A_2045 = arith.index_cast %squeeze3A_2013 : i32 to index
        %get3A_2046 = arith.constant 16 : index
        %get3A_2047 = tpu.vector_load %arg9[%get3A_2045, %get3A_2046] {strides = array<i32>} : memref<64x128xf32, #tpu.memory_space<vmem>>, vector<16xf32>,
        %get3A_2048 = arith.index_cast %squeeze3A_2013 : i32 to index
        %get3A_2049 = arith.constant 32 : index
        %get3A_2050 = tpu.vector_load %arg9[%get3A_2048, %get3A_2049] {strides = array<i32>} : memref<64x128xf32, #tpu.memory_space<vmem>>, vector<16xf32>,
        %get3A_2051 = arith.index_cast %squeeze3A_2013 : i32 to index
        %get3A_2052 = arith.constant 48 : index
        %get3A_2053 = tpu.vector_load %arg9[%get3A_2051, %get3A_2052] {strides = array<i32>} : memref<64x128xf32, #tpu.memory_space<vmem>>, vector<16xf32>,
        %get3A_2054 = arith.index_cast %squeeze3A_2013 : i32 to index
        %get3A_2055 = arith.constant 64 : index
        %get3A_2056 = tpu.vector_load %arg9[%get3A_2054, %get3A_2055] {strides = array<i32>} : memref<64x128xf32, #tpu.memory_space<vmem>>, vector<16xf32>,
        %get3A_2057 = arith.index_cast %squeeze3A_2013 : i32 to index
        %get3A_2058 = arith.constant 80 : index
        %get3A_2059 = tpu.vector_load %arg9[%get3A_2057, %get3A_2058] {strides = array<i32>} : memref<64x128xf32, #tpu.memory_space<vmem>>, vector<16xf32>,
        %get3A_2060 = arith.index_cast %squeeze3A_2013 : i32 to index
        %get3A_2061 = arith.constant 96 : index
        %get3A_2062 = tpu.vector_load %arg9[%get3A_2060, %get3A_2061] {strides = array<i32>} : memref<64x128xf32, #tpu.memory_space<vmem>>, vector<16xf32>,
        %get3A_2063 = arith.index_cast %squeeze3A_2013 : i32 to index
        %get3A_2064 = arith.constant 112 : index
        %get3A_2065 = tpu.vector_load %arg9[%get3A_2063, %get3A_2064] {strides = array<i32>} : memref<64x128xf32, #tpu.memory_space<vmem>>, vector<16xf32>,
        %get3A_2066 = arith.index_cast %squeeze3A_2013 : i32 to index
        %get3A_2067 = arith.constant 0 : index
        %get3A_2068 = tpu.vector_load %arg10[%get3A_2066, %get3A_2067] {strides = array<i32>} : memref<64x128xf32, #tpu.memory_space<vmem>>, vector<16xf32>,
        %get3A_2069 = arith.index_cast %squeeze3A_2013 : i32 to index
        %get3A_2070 = arith.constant 16 : index
        %get3A_2071 = tpu.vector_load %arg10[%get3A_2069, %get3A_2070] {strides = array<i32>} : memref<64x128xf32, #tpu.memory_space<vmem>>, vector<16xf32>,
        %get3A_2072 = arith.index_cast %squeeze3A_2013 : i32 to index
        %get3A_2073 = arith.constant 32 : index
        %get3A_2074 = tpu.vector_load %arg10[%get3A_2072, %get3A_2073] {strides = array<i32>} : memref<64x128xf32, #tpu.memory_space<vmem>>, vector<16xf32>,
        %get3A_2075 = arith.index_cast %squeeze3A_2013 : i32 to index
        %get3A_2076 = arith.constant 48 : index
        %get3A_2077 = tpu.vector_load %arg10[%get3A_2075, %get3A_2076] {strides = array<i32>} : memref<64x128xf32, #tpu.memory_space<vmem>>, vector<16xf32>,
        %get3A_2078 = arith.index_cast %squeeze3A_2013 : i32 to index
        %get3A_2079 = arith.constant 64 : index
        %get3A_2080 = tpu.vector_load %arg10[%get3A_2078, %get3A_2079] {strides = array<i32>} : memref<64x128xf32, #tpu.memory_space<vmem>>, vector<16xf32>,
        %get3A_2081 = arith.index_cast %squeeze3A_2013 : i32 to index
        %get3A_2082 = arith.constant 80 : index
        %get3A_2083 = tpu.vector_load %arg10[%get3A_2081, %get3A_2082] {strides = array<i32>} : memref<64x128xf32, #tpu.memory_space<vmem>>, vector<16xf32>,
        %get3A_2084 = arith.index_cast %squeeze3A_2013 : i32 to index
        %get3A_2085 = arith.constant 96 : index
        %get3A_2086 = tpu.vector_load %arg10[%get3A_2084, %get3A_2085] {strides = array<i32>} : memref<64x128xf32, #tpu.memory_space<vmem>>, vector<16xf32>,
        %get3A_2087 = arith.index_cast %squeeze3A_2013 : i32 to index
        %get3A_2088 = arith.constant 112 : index
        %get3A_2089 = tpu.vector_load %arg10[%get3A_2087, %get3A_2088] {strides = array<i32>} : memref<64x128xf32, #tpu.memory_space<vmem>>, vector<16xf32>,
        %min3A_2090 = arith.minimumf %get3A_2044, %get3A_2020 : vector<16xf32>
        %swap3A_2091 = arith.index_cast %squeeze3A_2013 : i32 to index
        %swap3A_2092 = arith.constant 0 : index
        %swap3A_2093 = tpu.vector_load %arg9[%swap3A_2091, %swap3A_2092] {strides = array<i32>} : memref<64x128xf32, #tpu.memory_space<vmem>>, vector<16xf32>,
        tpu.vector_store %arg9[%swap3A_2091, %swap3A_2092], %min3A_2090 {strides = array<i32>} : memref<64x128xf32, #tpu.memory_space<vmem>>, vector<16xf32>,
        %max3A_2094 = arith.maximumf %get3A_2068, %get3A_2020 : vector<16xf32>
        %swap3A_2095 = arith.index_cast %squeeze3A_2013 : i32 to index
        %swap3A_2096 = arith.constant 0 : index
        %swap3A_2097 = tpu.vector_load %arg10[%swap3A_2095, %swap3A_2096] {strides = array<i32>} : memref<64x128xf32, #tpu.memory_space<vmem>>, vector<16xf32>,
        tpu.vector_store %arg10[%swap3A_2095, %swap3A_2096], %max3A_2094 {strides = array<i32>} : memref<64x128xf32, #tpu.memory_space<vmem>>, vector<16xf32>,
        %min3A_2098 = arith.minimumf %get3A_2047, %get3A_2023 : vector<16xf32>
        %swap3A_2099 = arith.index_cast %squeeze3A_2013 : i32 to index
        %swap3A_2100 = arith.constant 16 : index
        %swap3A_2101 = tpu.vector_load %arg9[%swap3A_2099, %swap3A_2100] {strides = array<i32>} : memref<64x128xf32, #tpu.memory_space<vmem>>, vector<16xf32>,
        tpu.vector_store %arg9[%swap3A_2099, %swap3A_2100], %min3A_2098 {strides = array<i32>} : memref<64x128xf32, #tpu.memory_space<vmem>>, vector<16xf32>,
        %max3A_2102 = arith.maximumf %get3A_2071, %get3A_2023 : vector<16xf32>
        %swap3A_2103 = arith.index_cast %squeeze3A_2013 : i32 to index
        %swap3A_2104 = arith.constant 16 : index
        %swap3A_2105 = tpu.vector_load %arg10[%swap3A_2103, %swap3A_2104] {strides = array<i32>} : memref<64x128xf32, #tpu.memory_space<vmem>>, vector<16xf32>,
        tpu.vector_store %arg10[%swap3A_2103, %swap3A_2104], %max3A_2102 {strides = array<i32>} : memref<64x128xf32, #tpu.memory_space<vmem>>, vector<16xf32>,
        %min3A_2106 = arith.minimumf %get3A_2050, %get3A_2026 : vector<16xf32>
        %swap3A_2107 = arith.index_cast %squeeze3A_2013 : i32 to index
        %swap3A_2108 = arith.constant 32 : index
        %swap3A_2109 = tpu.vector_load %arg9[%swap3A_2107, %swap3A_2108] {strides = array<i32>} : memref<64x128xf32, #tpu.memory_space<vmem>>, vector<16xf32>,
        tpu.vector_store %arg9[%swap3A_2107, %swap3A_2108], %min3A_2106 {strides = array<i32>} : memref<64x128xf32, #tpu.memory_space<vmem>>, vector<16xf32>,
        %max3A_2110 = arith.maximumf %get3A_2074, %get3A_2026 : vector<16xf32>
        %swap3A_2111 = arith.index_cast %squeeze3A_2013 : i32 to index
        %swap3A_2112 = arith.constant 32 : index
        %swap3A_2113 = tpu.vector_load %arg10[%swap3A_2111, %swap3A_2112] {strides = array<i32>} : memref<64x128xf32, #tpu.memory_space<vmem>>, vector<16xf32>,
        tpu.vector_store %arg10[%swap3A_2111, %swap3A_2112], %max3A_2110 {strides = array<i32>} : memref<64x128xf32, #tpu.memory_space<vmem>>, vector<16xf32>,
        %min3A_2114 = arith.minimumf %get3A_2053, %get3A_2029 : vector<16xf32>
        %swap3A_2115 = arith.index_cast %squeeze3A_2013 : i32 to index
        %swap3A_2116 = arith.constant 48 : index
        %swap3A_2117 = tpu.vector_load %arg9[%swap3A_2115, %swap3A_2116] {strides = array<i32>} : memref<64x128xf32, #tpu.memory_space<vmem>>, vector<16xf32>,
        tpu.vector_store %arg9[%swap3A_2115, %swap3A_2116], %min3A_2114 {strides = array<i32>} : memref<64x128xf32, #tpu.memory_space<vmem>>, vector<16xf32>,
        %max3A_2118 = arith.maximumf %get3A_2077, %get3A_2029 : vector<16xf32>
        %swap3A_2119 = arith.index_cast %squeeze3A_2013 : i32 to index
        %swap3A_2120 = arith.constant 48 : index
        %swap3A_2121 = tpu.vector_load %arg10[%swap3A_2119, %swap3A_2120] {strides = array<i32>} : memref<64x128xf32, #tpu.memory_space<vmem>>, vector<16xf32>,
        tpu.vector_store %arg10[%swap3A_2119, %swap3A_2120], %max3A_2118 {strides = array<i32>} : memref<64x128xf32, #tpu.memory_space<vmem>>, vector<16xf32>,
        %min3A_2122 = arith.minimumf %get3A_2056, %get3A_2032 : vector<16xf32>
        %swap3A_2123 = arith.index_cast %squeeze3A_2013 : i32 to index
        %swap3A_2124 = arith.constant 64 : index
        %swap3A_2125 = tpu.vector_load %arg9[%swap3A_2123, %swap3A_2124] {strides = array<i32>} : memref<64x128xf32, #tpu.memory_space<vmem>>, vector<16xf32>,
        tpu.vector_store %arg9[%swap3A_2123, %swap3A_2124], %min3A_2122 {strides = array<i32>} : memref<64x128xf32, #tpu.memory_space<vmem>>, vector<16xf32>,
        %max3A_2126 = arith.maximumf %get3A_2080, %get3A_2032 : vector<16xf32>
        %swap3A_2127 = arith.index_cast %squeeze3A_2013 : i32 to index
        %swap3A_2128 = arith.constant 64 : index
        %swap3A_2129 = tpu.vector_load %arg10[%swap3A_2127, %swap3A_2128] {strides = array<i32>} : memref<64x128xf32, #tpu.memory_space<vmem>>, vector<16xf32>,
        tpu.vector_store %arg10[%swap3A_2127, %swap3A_2128], %max3A_2126 {strides = array<i32>} : memref<64x128xf32, #tpu.memory_space<vmem>>, vector<16xf32>,
        %min3A_2130 = arith.minimumf %get3A_2059, %get3A_2035 : vector<16xf32>
        %swap3A_2131 = arith.index_cast %squeeze3A_2013 : i32 to index
        %swap3A_2132 = arith.constant 80 : index
        %swap3A_2133 = tpu.vector_load %arg9[%swap3A_2131, %swap3A_2132] {strides = array<i32>} : memref<64x128xf32, #tpu.memory_space<vmem>>, vector<16xf32>,
        tpu.vector_store %arg9[%swap3A_2131, %swap3A_2132], %min3A_2130 {strides = array<i32>} : memref<64x128xf32, #tpu.memory_space<vmem>>, vector<16xf32>,
        %max3A_2134 = arith.maximumf %get3A_2083, %get3A_2035 : vector<16xf32>
        %swap3A_2135 = arith.index_cast %squeeze3A_2013 : i32 to index
        %swap3A_2136 = arith.constant 80 : index
        %swap3A_2137 = tpu.vector_load %arg10[%swap3A_2135, %swap3A_2136] {strides = array<i32>} : memref<64x128xf32, #tpu.memory_space<vmem>>, vector<16xf32>,
        tpu.vector_store %arg10[%swap3A_2135, %swap3A_2136], %max3A_2134 {strides = array<i32>} : memref<64x128xf32, #tpu.memory_space<vmem>>, vector<16xf32>,
        %min3A_2138 = arith.minimumf %get3A_2062, %get3A_2038 : vector<16xf32>
        %swap3A_2139 = arith.index_cast %squeeze3A_2013 : i32 to index
        %swap3A_2140 = arith.constant 96 : index
        %swap3A_2141 = tpu.vector_load %arg9[%swap3A_2139, %swap3A_2140] {strides = array<i32>} : memref<64x128xf32, #tpu.memory_space<vmem>>, vector<16xf32>,
        tpu.vector_store %arg9[%swap3A_2139, %swap3A_2140], %min3A_2138 {strides = array<i32>} : memref<64x128xf32, #tpu.memory_space<vmem>>, vector<16xf32>,
        %max3A_2142 = arith.maximumf %get3A_2086, %get3A_2038 : vector<16xf32>
        %swap3A_2143 = arith.index_cast %squeeze3A_2013 : i32 to index
        %swap3A_2144 = arith.constant 96 : index
        %swap3A_2145 = tpu.vector_load %arg10[%swap3A_2143, %swap3A_2144] {strides = array<i32>} : memref<64x128xf32, #tpu.memory_space<vmem>>, vector<16xf32>,
        tpu.vector_store %arg10[%swap3A_2143, %swap3A_2144], %max3A_2142 {strides = array<i32>} : memref<64x128xf32, #tpu.memory_space<vmem>>, vector<16xf32>,
        %min3A_2146 = arith.minimumf %get3A_2065, %get3A_2041 : vector<16xf32>
        %swap3A_2147 = arith.index_cast %squeeze3A_2013 : i32 to index
        %swap3A_2148 = arith.constant 112 : index
        %swap3A_2149 = tpu.vector_load %arg9[%swap3A_2147, %swap3A_2148] {strides = array<i32>} : memref<64x128xf32, #tpu.memory_space<vmem>>, vector<16xf32>,
        tpu.vector_store %arg9[%swap3A_2147, %swap3A_2148], %min3A_2146 {strides = array<i32>} : memref<64x128xf32, #tpu.memory_space<vmem>>, vector<16xf32>,
        %max3A_2150 = arith.maximumf %get3A_2089, %get3A_2041 : vector<16xf32>
        %swap3A_2151 = arith.index_cast %squeeze3A_2013 : i32 to index
        %swap3A_2152 = arith.constant 112 : index
        %swap3A_2153 = tpu.vector_load %arg10[%swap3A_2151, %swap3A_2152] {strides = array<i32>} : memref<64x128xf32, #tpu.memory_space<vmem>>, vector<16xf32>,
        tpu.vector_store %arg10[%swap3A_2151, %swap3A_2152], %max3A_2150 {strides = array<i32>} : memref<64x128xf32, #tpu.memory_space<vmem>>, vector<16xf32>,
        %slice3A_2154 = vector.extract_strided_slice %gather3A {offsets = [15], sizes = [1], strides = [1]} : vector<16xi32> to vector<1xi32>
        %squeeze3A_2155 = vector.extract %slice3A_2154[0] : i32 from vector<1xi32>
        %mul3A_2156 = arith.constant 16 : i32
        %mul3A_2157 = arith.muli %scan3A_25, %mul3A_2156 : i32
        %add3A_2158 = arith.constant 15 : i32
        %add3A_2159 = arith.addi %mul3A_2157, %add3A_2158 : i32
        %get3A_2160 = arith.index_cast %add3A_2159 : i32 to index
        %get3A_2161 = arith.constant 0 : index
        %get3A_2162 = tpu.vector_load %arg8[%get3A_2160, %get3A_2161] {strides = array<i32>} : memref<400x128xf32, #tpu.memory_space<vmem>>, vector<16xf32>,
        %get3A_2163 = arith.index_cast %add3A_2159 : i32 to index
        %get3A_2164 = arith.constant 16 : index
        %get3A_2165 = tpu.vector_load %arg8[%get3A_2163, %get3A_2164] {strides = array<i32>} : memref<400x128xf32, #tpu.memory_space<vmem>>, vector<16xf32>,
        %get3A_2166 = arith.index_cast %add3A_2159 : i32 to index
        %get3A_2167 = arith.constant 32 : index
        %get3A_2168 = tpu.vector_load %arg8[%get3A_2166, %get3A_2167] {strides = array<i32>} : memref<400x128xf32, #tpu.memory_space<vmem>>, vector<16xf32>,
        %get3A_2169 = arith.index_cast %add3A_2159 : i32 to index
        %get3A_2170 = arith.constant 48 : index
        %get3A_2171 = tpu.vector_load %arg8[%get3A_2169, %get3A_2170] {strides = array<i32>} : memref<400x128xf32, #tpu.memory_space<vmem>>, vector<16xf32>,
        %get3A_2172 = arith.index_cast %add3A_2159 : i32 to index
        %get3A_2173 = arith.constant 64 : index
        %get3A_2174 = tpu.vector_load %arg8[%get3A_2172, %get3A_2173] {strides = array<i32>} : memref<400x128xf32, #tpu.memory_space<vmem>>, vector<16xf32>,
        %get3A_2175 = arith.index_cast %add3A_2159 : i32 to index
        %get3A_2176 = arith.constant 80 : index
        %get3A_2177 = tpu.vector_load %arg8[%get3A_2175, %get3A_2176] {strides = array<i32>} : memref<400x128xf32, #tpu.memory_space<vmem>>, vector<16xf32>,
        %get3A_2178 = arith.index_cast %add3A_2159 : i32 to index
        %get3A_2179 = arith.constant 96 : index
        %get3A_2180 = tpu.vector_load %arg8[%get3A_2178, %get3A_2179] {strides = array<i32>} : memref<400x128xf32, #tpu.memory_space<vmem>>, vector<16xf32>,
        %get3A_2181 = arith.index_cast %add3A_2159 : i32 to index
        %get3A_2182 = arith.constant 112 : index
        %get3A_2183 = tpu.vector_load %arg8[%get3A_2181, %get3A_2182] {strides = array<i32>} : memref<400x128xf32, #tpu.memory_space<vmem>>, vector<16xf32>,
        %get3A_2184 = arith.index_cast %squeeze3A_2155 : i32 to index
        %get3A_2185 = arith.constant 0 : index
        %get3A_2186 = tpu.vector_load %arg9[%get3A_2184, %get3A_2185] {strides = array<i32>} : memref<64x128xf32, #tpu.memory_space<vmem>>, vector<16xf32>,
        %get3A_2187 = arith.index_cast %squeeze3A_2155 : i32 to index
        %get3A_2188 = arith.constant 16 : index
        %get3A_2189 = tpu.vector_load %arg9[%get3A_2187, %get3A_2188] {strides = array<i32>} : memref<64x128xf32, #tpu.memory_space<vmem>>, vector<16xf32>,
        %get3A_2190 = arith.index_cast %squeeze3A_2155 : i32 to index
        %get3A_2191 = arith.constant 32 : index
        %get3A_2192 = tpu.vector_load %arg9[%get3A_2190, %get3A_2191] {strides = array<i32>} : memref<64x128xf32, #tpu.memory_space<vmem>>, vector<16xf32>,
        %get3A_2193 = arith.index_cast %squeeze3A_2155 : i32 to index
        %get3A_2194 = arith.constant 48 : index
        %get3A_2195 = tpu.vector_load %arg9[%get3A_2193, %get3A_2194] {strides = array<i32>} : memref<64x128xf32, #tpu.memory_space<vmem>>, vector<16xf32>,
        %get3A_2196 = arith.index_cast %squeeze3A_2155 : i32 to index
        %get3A_2197 = arith.constant 64 : index
        %get3A_2198 = tpu.vector_load %arg9[%get3A_2196, %get3A_2197] {strides = array<i32>} : memref<64x128xf32, #tpu.memory_space<vmem>>, vector<16xf32>,
        %get3A_2199 = arith.index_cast %squeeze3A_2155 : i32 to index
        %get3A_2200 = arith.constant 80 : index
        %get3A_2201 = tpu.vector_load %arg9[%get3A_2199, %get3A_2200] {strides = array<i32>} : memref<64x128xf32, #tpu.memory_space<vmem>>, vector<16xf32>,
        %get3A_2202 = arith.index_cast %squeeze3A_2155 : i32 to index
        %get3A_2203 = arith.constant 96 : index
        %get3A_2204 = tpu.vector_load %arg9[%get3A_2202, %get3A_2203] {strides = array<i32>} : memref<64x128xf32, #tpu.memory_space<vmem>>, vector<16xf32>,
        %get3A_2205 = arith.index_cast %squeeze3A_2155 : i32 to index
        %get3A_2206 = arith.constant 112 : index
        %get3A_2207 = tpu.vector_load %arg9[%get3A_2205, %get3A_2206] {strides = array<i32>} : memref<64x128xf32, #tpu.memory_space<vmem>>, vector<16xf32>,
        %get3A_2208 = arith.index_cast %squeeze3A_2155 : i32 to index
        %get3A_2209 = arith.constant 0 : index
        %get3A_2210 = tpu.vector_load %arg10[%get3A_2208, %get3A_2209] {strides = array<i32>} : memref<64x128xf32, #tpu.memory_space<vmem>>, vector<16xf32>,
        %get3A_2211 = arith.index_cast %squeeze3A_2155 : i32 to index
        %get3A_2212 = arith.constant 16 : index
        %get3A_2213 = tpu.vector_load %arg10[%get3A_2211, %get3A_2212] {strides = array<i32>} : memref<64x128xf32, #tpu.memory_space<vmem>>, vector<16xf32>,
        %get3A_2214 = arith.index_cast %squeeze3A_2155 : i32 to index
        %get3A_2215 = arith.constant 32 : index
        %get3A_2216 = tpu.vector_load %arg10[%get3A_2214, %get3A_2215] {strides = array<i32>} : memref<64x128xf32, #tpu.memory_space<vmem>>, vector<16xf32>,
        %get3A_2217 = arith.index_cast %squeeze3A_2155 : i32 to index
        %get3A_2218 = arith.constant 48 : index
        %get3A_2219 = tpu.vector_load %arg10[%get3A_2217, %get3A_2218] {strides = array<i32>} : memref<64x128xf32, #tpu.memory_space<vmem>>, vector<16xf32>,
        %get3A_2220 = arith.index_cast %squeeze3A_2155 : i32 to index
        %get3A_2221 = arith.constant 64 : index
        %get3A_2222 = tpu.vector_load %arg10[%get3A_2220, %get3A_2221] {strides = array<i32>} : memref<64x128xf32, #tpu.memory_space<vmem>>, vector<16xf32>,
        %get3A_2223 = arith.index_cast %squeeze3A_2155 : i32 to index
        %get3A_2224 = arith.constant 80 : index
        %get3A_2225 = tpu.vector_load %arg10[%get3A_2223, %get3A_2224] {strides = array<i32>} : memref<64x128xf32, #tpu.memory_space<vmem>>, vector<16xf32>,
        %get3A_2226 = arith.index_cast %squeeze3A_2155 : i32 to index
        %get3A_2227 = arith.constant 96 : index
        %get3A_2228 = tpu.vector_load %arg10[%get3A_2226, %get3A_2227] {strides = array<i32>} : memref<64x128xf32, #tpu.memory_space<vmem>>, vector<16xf32>,
        %get3A_2229 = arith.index_cast %squeeze3A_2155 : i32 to index
        %get3A_2230 = arith.constant 112 : index
        %get3A_2231 = tpu.vector_load %arg10[%get3A_2229, %get3A_2230] {strides = array<i32>} : memref<64x128xf32, #tpu.memory_space<vmem>>, vector<16xf32>,
        %min3A_2232 = arith.minimumf %get3A_2186, %get3A_2162 : vector<16xf32>
        %swap3A_2233 = arith.index_cast %squeeze3A_2155 : i32 to index
        %swap3A_2234 = arith.constant 0 : index
        %swap3A_2235 = tpu.vector_load %arg9[%swap3A_2233, %swap3A_2234] {strides = array<i32>} : memref<64x128xf32, #tpu.memory_space<vmem>>, vector<16xf32>,
        tpu.vector_store %arg9[%swap3A_2233, %swap3A_2234], %min3A_2232 {strides = array<i32>} : memref<64x128xf32, #tpu.memory_space<vmem>>, vector<16xf32>,
        %max3A_2236 = arith.maximumf %get3A_2210, %get3A_2162 : vector<16xf32>
        %swap3A_2237 = arith.index_cast %squeeze3A_2155 : i32 to index
        %swap3A_2238 = arith.constant 0 : index
        %swap3A_2239 = tpu.vector_load %arg10[%swap3A_2237, %swap3A_2238] {strides = array<i32>} : memref<64x128xf32, #tpu.memory_space<vmem>>, vector<16xf32>,
        tpu.vector_store %arg10[%swap3A_2237, %swap3A_2238], %max3A_2236 {strides = array<i32>} : memref<64x128xf32, #tpu.memory_space<vmem>>, vector<16xf32>,
        %min3A_2240 = arith.minimumf %get3A_2189, %get3A_2165 : vector<16xf32>
        %swap3A_2241 = arith.index_cast %squeeze3A_2155 : i32 to index
        %swap3A_2242 = arith.constant 16 : index
        %swap3A_2243 = tpu.vector_load %arg9[%swap3A_2241, %swap3A_2242] {strides = array<i32>} : memref<64x128xf32, #tpu.memory_space<vmem>>, vector<16xf32>,
        tpu.vector_store %arg9[%swap3A_2241, %swap3A_2242], %min3A_2240 {strides = array<i32>} : memref<64x128xf32, #tpu.memory_space<vmem>>, vector<16xf32>,
        %max3A_2244 = arith.maximumf %get3A_2213, %get3A_2165 : vector<16xf32>
        %swap3A_2245 = arith.index_cast %squeeze3A_2155 : i32 to index
        %swap3A_2246 = arith.constant 16 : index
        %swap3A_2247 = tpu.vector_load %arg10[%swap3A_2245, %swap3A_2246] {strides = array<i32>} : memref<64x128xf32, #tpu.memory_space<vmem>>, vector<16xf32>,
        tpu.vector_store %arg10[%swap3A_2245, %swap3A_2246], %max3A_2244 {strides = array<i32>} : memref<64x128xf32, #tpu.memory_space<vmem>>, vector<16xf32>,
        %min3A_2248 = arith.minimumf %get3A_2192, %get3A_2168 : vector<16xf32>
        %swap3A_2249 = arith.index_cast %squeeze3A_2155 : i32 to index
        %swap3A_2250 = arith.constant 32 : index
        %swap3A_2251 = tpu.vector_load %arg9[%swap3A_2249, %swap3A_2250] {strides = array<i32>} : memref<64x128xf32, #tpu.memory_space<vmem>>, vector<16xf32>,
        tpu.vector_store %arg9[%swap3A_2249, %swap3A_2250], %min3A_2248 {strides = array<i32>} : memref<64x128xf32, #tpu.memory_space<vmem>>, vector<16xf32>,
        %max3A_2252 = arith.maximumf %get3A_2216, %get3A_2168 : vector<16xf32>
        %swap3A_2253 = arith.index_cast %squeeze3A_2155 : i32 to index
        %swap3A_2254 = arith.constant 32 : index
        %swap3A_2255 = tpu.vector_load %arg10[%swap3A_2253, %swap3A_2254] {strides = array<i32>} : memref<64x128xf32, #tpu.memory_space<vmem>>, vector<16xf32>,
        tpu.vector_store %arg10[%swap3A_2253, %swap3A_2254], %max3A_2252 {strides = array<i32>} : memref<64x128xf32, #tpu.memory_space<vmem>>, vector<16xf32>,
        %min3A_2256 = arith.minimumf %get3A_2195, %get3A_2171 : vector<16xf32>
        %swap3A_2257 = arith.index_cast %squeeze3A_2155 : i32 to index
        %swap3A_2258 = arith.constant 48 : index
        %swap3A_2259 = tpu.vector_load %arg9[%swap3A_2257, %swap3A_2258] {strides = array<i32>} : memref<64x128xf32, #tpu.memory_space<vmem>>, vector<16xf32>,
        tpu.vector_store %arg9[%swap3A_2257, %swap3A_2258], %min3A_2256 {strides = array<i32>} : memref<64x128xf32, #tpu.memory_space<vmem>>, vector<16xf32>,
        %max3A_2260 = arith.maximumf %get3A_2219, %get3A_2171 : vector<16xf32>
        %swap3A_2261 = arith.index_cast %squeeze3A_2155 : i32 to index
        %swap3A_2262 = arith.constant 48 : index
        %swap3A_2263 = tpu.vector_load %arg10[%swap3A_2261, %swap3A_2262] {strides = array<i32>} : memref<64x128xf32, #tpu.memory_space<vmem>>, vector<16xf32>,
        tpu.vector_store %arg10[%swap3A_2261, %swap3A_2262], %max3A_2260 {strides = array<i32>} : memref<64x128xf32, #tpu.memory_space<vmem>>, vector<16xf32>,
        %min3A_2264 = arith.minimumf %get3A_2198, %get3A_2174 : vector<16xf32>
        %swap3A_2265 = arith.index_cast %squeeze3A_2155 : i32 to index
        %swap3A_2266 = arith.constant 64 : index
        %swap3A_2267 = tpu.vector_load %arg9[%swap3A_2265, %swap3A_2266] {strides = array<i32>} : memref<64x128xf32, #tpu.memory_space<vmem>>, vector<16xf32>,
        tpu.vector_store %arg9[%swap3A_2265, %swap3A_2266], %min3A_2264 {strides = array<i32>} : memref<64x128xf32, #tpu.memory_space<vmem>>, vector<16xf32>,
        %max3A_2268 = arith.maximumf %get3A_2222, %get3A_2174 : vector<16xf32>
        %swap3A_2269 = arith.index_cast %squeeze3A_2155 : i32 to index
        %swap3A_2270 = arith.constant 64 : index
        %swap3A_2271 = tpu.vector_load %arg10[%swap3A_2269, %swap3A_2270] {strides = array<i32>} : memref<64x128xf32, #tpu.memory_space<vmem>>, vector<16xf32>,
        tpu.vector_store %arg10[%swap3A_2269, %swap3A_2270], %max3A_2268 {strides = array<i32>} : memref<64x128xf32, #tpu.memory_space<vmem>>, vector<16xf32>,
        %min3A_2272 = arith.minimumf %get3A_2201, %get3A_2177 : vector<16xf32>
        %swap3A_2273 = arith.index_cast %squeeze3A_2155 : i32 to index
        %swap3A_2274 = arith.constant 80 : index
        %swap3A_2275 = tpu.vector_load %arg9[%swap3A_2273, %swap3A_2274] {strides = array<i32>} : memref<64x128xf32, #tpu.memory_space<vmem>>, vector<16xf32>,
        tpu.vector_store %arg9[%swap3A_2273, %swap3A_2274], %min3A_2272 {strides = array<i32>} : memref<64x128xf32, #tpu.memory_space<vmem>>, vector<16xf32>,
        %max3A_2276 = arith.maximumf %get3A_2225, %get3A_2177 : vector<16xf32>
        %swap3A_2277 = arith.index_cast %squeeze3A_2155 : i32 to index
        %swap3A_2278 = arith.constant 80 : index
        %swap3A_2279 = tpu.vector_load %arg10[%swap3A_2277, %swap3A_2278] {strides = array<i32>} : memref<64x128xf32, #tpu.memory_space<vmem>>, vector<16xf32>,
        tpu.vector_store %arg10[%swap3A_2277, %swap3A_2278], %max3A_2276 {strides = array<i32>} : memref<64x128xf32, #tpu.memory_space<vmem>>, vector<16xf32>,
        %min3A_2280 = arith.minimumf %get3A_2204, %get3A_2180 : vector<16xf32>
        %swap3A_2281 = arith.index_cast %squeeze3A_2155 : i32 to index
        %swap3A_2282 = arith.constant 96 : index
        %swap3A_2283 = tpu.vector_load %arg9[%swap3A_2281, %swap3A_2282] {strides = array<i32>} : memref<64x128xf32, #tpu.memory_space<vmem>>, vector<16xf32>,
        tpu.vector_store %arg9[%swap3A_2281, %swap3A_2282], %min3A_2280 {strides = array<i32>} : memref<64x128xf32, #tpu.memory_space<vmem>>, vector<16xf32>,
        %max3A_2284 = arith.maximumf %get3A_2228, %get3A_2180 : vector<16xf32>
        %swap3A_2285 = arith.index_cast %squeeze3A_2155 : i32 to index
        %swap3A_2286 = arith.constant 96 : index
        %swap3A_2287 = tpu.vector_load %arg10[%swap3A_2285, %swap3A_2286] {strides = array<i32>} : memref<64x128xf32, #tpu.memory_space<vmem>>, vector<16xf32>,
        tpu.vector_store %arg10[%swap3A_2285, %swap3A_2286], %max3A_2284 {strides = array<i32>} : memref<64x128xf32, #tpu.memory_space<vmem>>, vector<16xf32>,
        %min3A_2288 = arith.minimumf %get3A_2207, %get3A_2183 : vector<16xf32>
        %swap3A_2289 = arith.index_cast %squeeze3A_2155 : i32 to index
        %swap3A_2290 = arith.constant 112 : index
        %swap3A_2291 = tpu.vector_load %arg9[%swap3A_2289, %swap3A_2290] {strides = array<i32>} : memref<64x128xf32, #tpu.memory_space<vmem>>, vector<16xf32>,
        tpu.vector_store %arg9[%swap3A_2289, %swap3A_2290], %min3A_2288 {strides = array<i32>} : memref<64x128xf32, #tpu.memory_space<vmem>>, vector<16xf32>,
        %max3A_2292 = arith.maximumf %get3A_2231, %get3A_2183 : vector<16xf32>
        %swap3A_2293 = arith.index_cast %squeeze3A_2155 : i32 to index
        %swap3A_2294 = arith.constant 112 : index
        %swap3A_2295 = tpu.vector_load %arg10[%swap3A_2293, %swap3A_2294] {strides = array<i32>} : memref<64x128xf32, #tpu.memory_space<vmem>>, vector<16xf32>,
        tpu.vector_store %arg10[%swap3A_2293, %swap3A_2294], %max3A_2292 {strides = array<i32>} : memref<64x128xf32, #tpu.memory_space<vmem>>, vector<16xf32>,
      }
      %scan3A_24 = arith.constant 25 : i32
    }
    %scan3A_14 = arith.constant 25 : i32
    %run_scoped3A = arith.constant 0 : i32
    "tpu.region"() ({
      %run_scoped3A_16 = tpu.sem_alloc : memref<!tpu.dma_semaphore, #tpu.memory_space<semaphore_mem>>
      %dma_start3A = arith.constant 0 : i32
      %dma_start3A_17 = arith.constant 0 : i32
      %dma_start3A_18 = tpu.memref_slice %arg5[%add3A, %run_scoped3A, %dma_start3A, %dma_start3A_17] : memref<32x2x64x128xf32, #tpu.memory_space<hbm>> -> memref<1x1x64x128xf32, #tpu.memory_space<hbm>>
      %dma_start3A_19 = tpu.memref_squeeze %dma_start3A_18 : memref<1x1x64x128xf32, #tpu.memory_space<hbm>> -> memref<64x128xf32, #tpu.memory_space<hbm>>
      %dma_start3A_20 = arith.constant 0 : i32
      %dma_start3A_21 = arith.constant 0 : i32
      %dma_start3A_22 = tpu.memref_slice %arg5[%add3A, %run_scoped3A, %dma_start3A_20, %dma_start3A_21] : memref<32x2x64x128xf32, #tpu.memory_space<hbm>> -> memref<1x1x64x128xf32, #tpu.memory_space<hbm>>
      %dma_start3A_23 = tpu.memref_squeeze %dma_start3A_22 : memref<1x1x64x128xf32, #tpu.memory_space<hbm>> -> memref<64x128xf32, #tpu.memory_space<hbm>>
      tpu.enqueue_dma source(%arg9 : memref<64x128xf32, #tpu.memory_space<vmem>>) target(%dma_start3A_23 : memref<64x128xf32, #tpu.memory_space<hbm>>) target_semaphore(%run_scoped3A_16 : memref<!tpu.dma_semaphore, #tpu.memory_space<semaphore_mem>>)
      %dma_wait3A = arith.constant 0 : i32
      %dma_wait3A_24 = arith.constant 0 : i32
      %dma_wait3A_25 = tpu.memref_slice %arg5[%add3A, %run_scoped3A, %dma_wait3A, %dma_wait3A_24] : memref<32x2x64x128xf32, #tpu.memory_space<hbm>> -> memref<1x1x64x128xf32, #tpu.memory_space<hbm>>
      %dma_wait3A_26 = tpu.memref_squeeze %dma_wait3A_25 : memref<1x1x64x128xf32, #tpu.memory_space<hbm>> -> memref<64x128xf32, #tpu.memory_space<hbm>>
      %dma_wait3A_27 = arith.constant 0 : i32
      %dma_wait3A_28 = arith.constant 0 : i32
      %dma_wait3A_29 = tpu.memref_slice %arg5[%add3A, %run_scoped3A, %dma_wait3A_27, %dma_wait3A_28] : memref<32x2x64x128xf32, #tpu.memory_space<hbm>> -> memref<1x1x64x128xf32, #tpu.memory_space<hbm>>
      %dma_wait3A_30 = tpu.memref_squeeze %dma_wait3A_29 : memref<1x1x64x128xf32, #tpu.memory_space<hbm>> -> memref<64x128xf32, #tpu.memory_space<hbm>>
      tpu.wait_dma2 semaphore(%run_scoped3A_16 : memref<!tpu.dma_semaphore, #tpu.memory_space<semaphore_mem>>) src(%arg9 : memref<64x128xf32, #tpu.memory_space<vmem>>) dst(%dma_wait3A_30 : memref<64x128xf32, #tpu.memory_space<hbm>>)
      tpu.yield
    }) : () -> ()
    %run_scoped3A_15 = arith.constant 1 : i32
    "tpu.region"() ({
      %run_scoped3A_16 = tpu.sem_alloc : memref<!tpu.dma_semaphore, #tpu.memory_space<semaphore_mem>>
      %dma_start3A = arith.constant 0 : i32
      %dma_start3A_17 = arith.constant 0 : i32
      %dma_start3A_18 = tpu.memref_slice %arg5[%add3A, %run_scoped3A_15, %dma_start3A, %dma_start3A_17] : memref<32x2x64x128xf32, #tpu.memory_space<hbm>> -> memref<1x1x64x128xf32, #tpu.memory_space<hbm>>
      %dma_start3A_19 = tpu.memref_squeeze %dma_start3A_18 : memref<1x1x64x128xf32, #tpu.memory_space<hbm>> -> memref<64x128xf32, #tpu.memory_space<hbm>>
      %dma_start3A_20 = arith.constant 0 : i32
      %dma_start3A_21 = arith.constant 0 : i32
      %dma_start3A_22 = tpu.memref_slice %arg5[%add3A, %run_scoped3A_15, %dma_start3A_20, %dma_start3A_21] : memref<32x2x64x128xf32, #tpu.memory_space<hbm>> -> memref<1x1x64x128xf32, #tpu.memory_space<hbm>>
      %dma_start3A_23 = tpu.memref_squeeze %dma_start3A_22 : memref<1x1x64x128xf32, #tpu.memory_space<hbm>> -> memref<64x128xf32, #tpu.memory_space<hbm>>
      tpu.enqueue_dma source(%arg10 : memref<64x128xf32, #tpu.memory_space<vmem>>) target(%dma_start3A_23 : memref<64x128xf32, #tpu.memory_space<hbm>>) target_semaphore(%run_scoped3A_16 : memref<!tpu.dma_semaphore, #tpu.memory_space<semaphore_mem>>)
      %dma_wait3A = arith.constant 0 : i32
      %dma_wait3A_24 = arith.constant 0 : i32
      %dma_wait3A_25 = tpu.memref_slice %arg5[%add3A, %run_scoped3A_15, %dma_wait3A, %dma_wait3A_24] : memref<32x2x64x128xf32, #tpu.memory_space<hbm>> -> memref<1x1x64x128xf32, #tpu.memory_space<hbm>>
      %dma_wait3A_26 = tpu.memref_squeeze %dma_wait3A_25 : memref<1x1x64x128xf32, #tpu.memory_space<hbm>> -> memref<64x128xf32, #tpu.memory_space<hbm>>
      %dma_wait3A_27 = arith.constant 0 : i32
      %dma_wait3A_28 = arith.constant 0 : i32
      %dma_wait3A_29 = tpu.memref_slice %arg5[%add3A, %run_scoped3A_15, %dma_wait3A_27, %dma_wait3A_28] : memref<32x2x64x128xf32, #tpu.memory_space<hbm>> -> memref<1x1x64x128xf32, #tpu.memory_space<hbm>>
      %dma_wait3A_30 = tpu.memref_squeeze %dma_wait3A_29 : memref<1x1x64x128xf32, #tpu.memory_space<hbm>> -> memref<64x128xf32, #tpu.memory_space<hbm>>
      tpu.wait_dma2 semaphore(%run_scoped3A_16 : memref<!tpu.dma_semaphore, #tpu.memory_space<semaphore_mem>>) src(%arg10 : memref<64x128xf32, #tpu.memory_space<vmem>>) dst(%dma_wait3A_30 : memref<64x128xf32, #tpu.memory_space<hbm>>)
      tpu.yield
    }) : () -> ()
    return
  }
}

#map = affine_map<(d0, d1) -> (0)>
module attributes {stable_mosaic.version = 14 : i64} {
  func.func @_eb_body(%arg0: i32, %arg1: i32, %arg2: memref<320000xi32, #tpu.memory_space<hbm>>, %arg3: memref<10000xi32, #tpu.memory_space<hbm>>, %arg4: memref<320000xi32, #tpu.memory_space<hbm>>, %arg5: memref<10000xi32, #tpu.memory_space<vmem>>, %arg6: memref<10000xi32, #tpu.memory_space<vmem>>, %arg7: memref<10000xi32, #tpu.memory_space<vmem>>) attributes {dimension_semantics = [#tpu.dimension_semantics<core_parallel>, #tpu.dimension_semantics<subcore_parallel>], iteration_bounds = array<i64: 2, 16>, scalar_prefetch = 0 : i64, scratch_operands = 3 : i64, tpu.core_type = #tpu.core_type<sc_vector_subcore>, window_params = [{transform_indices = #map}, {transform_indices = #map}, {transform_indices = #map}]} {
    %mul3A = arith.constant 2 : i32
    %mul3A_0 = arith.muli %arg1, %mul3A : i32
    %add3A = arith.addi %mul3A_0, %arg0 : i32
    %mul3A_1 = arith.constant 10000 : i32
    %mul3A_2 = arith.muli %add3A, %mul3A_1 : i32
    "tpu.region"() ({
      %run_scoped3A = tpu.sem_alloc : memref<!tpu.dma_semaphore, #tpu.memory_space<semaphore_mem>>
      tpu.enqueue_dma source(%arg3 : memref<10000xi32, #tpu.memory_space<hbm>>) target(%arg5 : memref<10000xi32, #tpu.memory_space<vmem>>) target_semaphore(%run_scoped3A : memref<!tpu.dma_semaphore, #tpu.memory_space<semaphore_mem>>)
      tpu.wait_dma2 semaphore(%run_scoped3A : memref<!tpu.dma_semaphore, #tpu.memory_space<semaphore_mem>>) src(%arg3 : memref<10000xi32, #tpu.memory_space<hbm>>) dst(%arg5 : memref<10000xi32, #tpu.memory_space<vmem>>)
      tpu.yield
    }) : () -> ()
    "tpu.region"() ({
      %run_scoped3A = tpu.sem_alloc : memref<!tpu.dma_semaphore, #tpu.memory_space<semaphore_mem>>
      %dma_start3A = tpu.memref_slice %arg2[%mul3A_2] : memref<320000xi32, #tpu.memory_space<hbm>> -> memref<10000xi32, #tpu.memory_space<hbm>>
      %dma_start3A_7 = tpu.memref_slice %arg2[%mul3A_2] : memref<320000xi32, #tpu.memory_space<hbm>> -> memref<10000xi32, #tpu.memory_space<hbm>>
      tpu.enqueue_dma source(%dma_start3A_7 : memref<10000xi32, #tpu.memory_space<hbm>>) target(%arg6 : memref<10000xi32, #tpu.memory_space<vmem>>) target_semaphore(%run_scoped3A : memref<!tpu.dma_semaphore, #tpu.memory_space<semaphore_mem>>)
      %dma_wait3A = tpu.memref_slice %arg2[%mul3A_2] : memref<320000xi32, #tpu.memory_space<hbm>> -> memref<10000xi32, #tpu.memory_space<hbm>>
      %dma_wait3A_8 = tpu.memref_slice %arg2[%mul3A_2] : memref<320000xi32, #tpu.memory_space<hbm>> -> memref<10000xi32, #tpu.memory_space<hbm>>
      tpu.wait_dma2 semaphore(%run_scoped3A : memref<!tpu.dma_semaphore, #tpu.memory_space<semaphore_mem>>) src(%dma_wait3A_8 : memref<10000xi32, #tpu.memory_space<hbm>>) dst(%arg6 : memref<10000xi32, #tpu.memory_space<vmem>>)
      tpu.yield
    }) : () -> ()
    %scan3A = arith.constant 0 : i32
    %scan3A_3 = arith.constant 625 : i32
    %scan3A_4 = arith.addi %scan3A, %scan3A_3 : i32
    %scan3A_5 = arith.constant 1 : i32
    scf.for %scan3A_7 = %scan3A to %scan3A_4 step %scan3A_5  : i32 {
      %mul3A_8 = arith.constant 16 : i32
      %mul3A_9 = arith.muli %scan3A_7, %mul3A_8 : i32
      %get3A = arith.index_cast %mul3A_9 : i32 to index
      %get3A_10 = tpu.vector_load %arg6[%get3A] {strides = array<i32>} : memref<10000xi32, #tpu.memory_space<vmem>>, vector<16xi32>,
      %gather3A = tpu.vector_load_idx %arg5[%get3A_10] : memref<10000xi32, #tpu.memory_space<vmem>>[vector<16xi32>], vector<16xi32>,
      %mul3A_11 = arith.constant 16 : i32
      %mul3A_12 = arith.muli %scan3A_7, %mul3A_11 : i32
      %swap3A = arith.index_cast %mul3A_12 : i32 to index
      %swap3A_13 = tpu.vector_load %arg7[%swap3A] {strides = array<i32>} : memref<10000xi32, #tpu.memory_space<vmem>>, vector<16xi32>,
      tpu.vector_store %arg7[%swap3A], %gather3A {strides = array<i32>} : memref<10000xi32, #tpu.memory_space<vmem>>, vector<16xi32>,
    }
    %scan3A_6 = arith.constant 625 : i32
    "tpu.region"() ({
      %run_scoped3A = tpu.sem_alloc : memref<!tpu.dma_semaphore, #tpu.memory_space<semaphore_mem>>
      %dma_start3A = tpu.memref_slice %arg4[%mul3A_2] : memref<320000xi32, #tpu.memory_space<hbm>> -> memref<10000xi32, #tpu.memory_space<hbm>>
      %dma_start3A_7 = tpu.memref_slice %arg4[%mul3A_2] : memref<320000xi32, #tpu.memory_space<hbm>> -> memref<10000xi32, #tpu.memory_space<hbm>>
      tpu.enqueue_dma source(%arg7 : memref<10000xi32, #tpu.memory_space<vmem>>) target(%dma_start3A_7 : memref<10000xi32, #tpu.memory_space<hbm>>) target_semaphore(%run_scoped3A : memref<!tpu.dma_semaphore, #tpu.memory_space<semaphore_mem>>)
      %dma_wait3A = tpu.memref_slice %arg4[%mul3A_2] : memref<320000xi32, #tpu.memory_space<hbm>> -> memref<10000xi32, #tpu.memory_space<hbm>>
      %dma_wait3A_8 = tpu.memref_slice %arg4[%mul3A_2] : memref<320000xi32, #tpu.memory_space<hbm>> -> memref<10000xi32, #tpu.memory_space<hbm>>
      tpu.wait_dma2 semaphore(%run_scoped3A : memref<!tpu.dma_semaphore, #tpu.memory_space<semaphore_mem>>) src(%arg7 : memref<10000xi32, #tpu.memory_space<vmem>>) dst(%dma_wait3A_8 : memref<10000xi32, #tpu.memory_space<hbm>>)
      tpu.yield
    }) : () -> ()
    return
  }
}

module attributes {stable_mosaic.version = 14 : i64} {
  func.func @_fin_body(%arg0: memref<32x2x64x128xf32, #tpu.memory_space<vmem>>, %arg1: memref<64x256xf32, #tpu.memory_space<vmem>>, %arg2: memref<64x1xf32, #tpu.memory_space<vmem>>, %arg3: memref<128x512xf32, #tpu.memory_space<vmem>>, %arg4: memref<128xf32, #tpu.memory_space<vmem>>, %arg5: memref<64x128xf32, #tpu.memory_space<vmem>>) attributes {dimension_semantics = [], scalar_prefetch = 0 : i64, scratch_operands = 0 : i64, tpu.core_type = #tpu.core_type<tc>} {
    %get3A = arith.constant 0 : index
    %get3A_0 = arith.constant 0 : index
    %get3A_1 = arith.constant 0 : index
    %get3A_2 = arith.constant 0 : index
    %get3A_3 = vector.load %arg0[%get3A, %get3A_0, %get3A_1, %get3A_2] : memref<32x2x64x128xf32, #tpu.memory_space<vmem>>, vector<32x2x64x128xf32>
    %get3A_4 = arith.constant 0 : index
    %get3A_5 = arith.constant 0 : index
    %get3A_6 = vector.load %arg2[%get3A_4, %get3A_5] : memref<64x1xf32, #tpu.memory_space<vmem>>, vector<64x1xf32>
    %get3A_7 = arith.constant 0 : index
    %get3A_8 = arith.constant 0 : index
    %get3A_9 = vector.load %arg1[%get3A_7, %get3A_8] : memref<64x256xf32, #tpu.memory_space<vmem>>, vector<64x256xf32>
    %slice3A = vector.extract_strided_slice %get3A_9 {offsets = [0, 0], sizes = [64, 128], strides = [1, 1]} : vector<64x256xf32> to vector<64x128xf32>
    %get3A_10 = arith.constant 0 : index
    %get3A_11 = arith.constant 0 : index
    %get3A_12 = vector.load %arg1[%get3A_10, %get3A_11] : memref<64x256xf32, #tpu.memory_space<vmem>>, vector<64x256xf32>
    %slice3A_13 = vector.extract_strided_slice %get3A_12 {offsets = [0, 128], sizes = [64, 128], strides = [1, 1]} : vector<64x256xf32> to vector<64x128xf32>
    %slice3A_14 = vector.extract_strided_slice %get3A_3 {offsets = [0, 0, 0, 0], sizes = [32, 1, 64, 128], strides = [1, 1, 1, 1]} : vector<32x2x64x128xf32> to vector<32x1x64x128xf32>
    %squeeze3A = vector.shape_cast %slice3A_14 : vector<32x1x64x128xf32> to vector<32x64x128xf32>
    %reduce_min3A = arith.constant dense<0x7F800000> : vector<64x128xf32>
    %reduce_min3A_15 = vector.multi_reduction <minimumf>, %squeeze3A, %reduce_min3A [0] : vector<32x64x128xf32> to vector<64x128xf32>
    %slice3A_16 = vector.extract_strided_slice %get3A_3 {offsets = [0, 1, 0, 0], sizes = [32, 1, 64, 128], strides = [1, 1, 1, 1]} : vector<32x2x64x128xf32> to vector<32x1x64x128xf32>
    %squeeze3A_17 = vector.shape_cast %slice3A_16 : vector<32x1x64x128xf32> to vector<32x64x128xf32>
    %reduce_max3A = arith.constant dense<0xFF800000> : vector<64x128xf32>
    %reduce_max3A_18 = vector.multi_reduction <maximumf>, %squeeze3A_17, %reduce_max3A [0] : vector<32x64x128xf32> to vector<64x128xf32>
    %max3A = arith.constant 1.000000e+00 : f32
    %max3A_19 = vector.broadcast %max3A : f32 to vector<64x1xf32>
    %max3A_20 = arith.maximumf %get3A_6, %max3A_19 : vector<64x1xf32>
    %div3A = vector.broadcast %max3A_20 : vector<64x1xf32> to vector<64x128xf32>
    %div3A_21 = arith.divf %slice3A, %div3A : vector<64x128xf32>
    %gt3A = arith.constant 0.000000e+00 : f32
    %gt3A_22 = vector.broadcast %gt3A : f32 to vector<64x1xf32>
    %gt3A_23 = arith.cmpf ogt, %get3A_6, %gt3A_22 : vector<64x1xf32>
    %jit3A = arith.constant 0.000000e+00 : f32
    %broadcast_in_dim3A = vector.shape_cast %gt3A_23 : vector<64x1xi1> to vector<64x1xi1>
    %broadcast_in_dim3A_24 = vector.broadcast %broadcast_in_dim3A : vector<64x1xi1> to vector<64x128xi1>
    %broadcast_in_dim3A_25 = vector.broadcast %jit3A : f32 to vector<64x128xf32>
    %select_n3A = arith.select %broadcast_in_dim3A_24, %reduce_min3A_15, %broadcast_in_dim3A_25 : vector<64x128xi1>, vector<64x128xf32>
    %jit3A_26 = arith.constant 0.000000e+00 : f32
    %broadcast_in_dim3A_27 = vector.shape_cast %gt3A_23 : vector<64x1xi1> to vector<64x1xi1>
    %broadcast_in_dim3A_28 = vector.broadcast %broadcast_in_dim3A_27 : vector<64x1xi1> to vector<64x128xi1>
    %broadcast_in_dim3A_29 = vector.broadcast %jit3A_26 : f32 to vector<64x128xf32>
    %select_n3A_30 = arith.select %broadcast_in_dim3A_28, %reduce_max3A_18, %broadcast_in_dim3A_29 : vector<64x128xi1>, vector<64x128xf32>
    %mul3A = vector.broadcast %get3A_6 : vector<64x1xf32> to vector<64x128xf32>
    %mul3A_31 = arith.mulf %mul3A, %div3A_21 : vector<64x128xf32>
    %mul3A_32 = arith.mulf %mul3A_31, %div3A_21 : vector<64x128xf32>
    %sub3A = arith.subf %slice3A_13, %mul3A_32 : vector<64x128xf32>
    %max3A_33 = arith.constant 0.000000e+00 : f32
    %max3A_34 = vector.broadcast %max3A_33 : f32 to vector<64x128xf32>
    %max3A_35 = arith.maximumf %sub3A, %max3A_34 : vector<64x128xf32>
    %sub3A_36 = arith.constant 1.000000e+00 : f32
    %sub3A_37 = vector.broadcast %sub3A_36 : f32 to vector<64x1xf32>
    %sub3A_38 = arith.subf %get3A_6, %sub3A_37 : vector<64x1xf32>
    %max3A_39 = arith.constant 1.000000e+00 : f32
    %max3A_40 = vector.broadcast %max3A_39 : f32 to vector<64x1xf32>
    %max3A_41 = arith.maximumf %sub3A_38, %max3A_40 : vector<64x1xf32>
    %div3A_42 = vector.broadcast %max3A_41 : vector<64x1xf32> to vector<64x128xf32>
    %div3A_43 = arith.divf %max3A_35, %div3A_42 : vector<64x128xf32>
    %sqrt3A = math.sqrt %div3A_43 : vector<64x128xf32>
    %concatenate3A = tpu.concatenate %div3A_21, %select_n3A, %select_n3A_30, %sqrt3A in 1 : vector<64x128xf32>, vector<64x128xf32>, vector<64x128xf32>, vector<64x128xf32> -> vector<64x512xf32>
    %get3A_44 = arith.constant 0 : index
    %get3A_45 = arith.constant 0 : index
    %get3A_46 = vector.load %arg3[%get3A_44, %get3A_45] : memref<128x512xf32, #tpu.memory_space<vmem>>, vector<128x512xf32>
    %dot_general3A = arith.constant dense<0.000000e+00> : vector<64x128xf32>
    %dot_general3A_47 = tpu.matmul %concatenate3A, %get3A_46, %dot_general3A {dimension_numbers = #tpu.dot_dimension_numbers<[1], [1], [0], [0], [0, 0, 1, 0], [], []>, transpose_lhs_hint = false} : vector<64x512xf32>, vector<128x512xf32>, vector<64x128xf32> -> vector<64x128xf32>
    %get3A_48 = arith.constant 0 : index
    %get3A_49 = vector.load %arg4[%get3A_48] : memref<128xf32, #tpu.memory_space<vmem>>, vector<128xf32>
    %broadcast_in_dim3A_50 = vector.shape_cast %get3A_49 : vector<128xf32> to vector<1x128xf32>
    %add3A = vector.broadcast %broadcast_in_dim3A_50 : vector<1x128xf32> to vector<64x128xf32>
    %add3A_51 = arith.addf %dot_general3A_47, %add3A : vector<64x128xf32>
    %swap3A = arith.constant 0 : index
    %swap3A_52 = arith.constant 0 : index
    %swap3A_53 = vector.load %arg5[%swap3A, %swap3A_52] : memref<64x128xf32, #tpu.memory_space<vmem>>, vector<64x128xf32>
    tpu.vector_store %arg5[%swap3A, %swap3A_52], %add3A_51 {strides = array<i32>} : memref<64x128xf32, #tpu.memory_space<vmem>>, vector<64x128xf32>,
    return
  }
}

module attributes {stable_mosaic.version = 14 : i64} {
  func.func @_lin_body(%arg0: i32, %arg1: memref<1x1x2000xi32, #tpu.memory_space<vmem>>, %arg2: memref<2000x128xf32, #tpu.memory_space<vmem>>, %arg3: memref<64x256xf32, #tpu.memory_space<vmem>>, %arg4: memref<64x1xf32, #tpu.memory_space<vmem>>) attributes {dimension_semantics = [#tpu.dimension_semantics<arbitrary>], iteration_bounds = array<i64: 160>, scalar_prefetch = 0 : i64, scratch_operands = 0 : i64, tpu.core_type = #tpu.core_type<tc>, window_params = [{transform_indices = @transform_0, window_bounds = array<i64: 1, 1, 2000>}, {transform_indices = @transform_1, window_bounds = array<i64: 2000, 128>}, {pipeline_mode = #tpu.pipeline_mode<synchronous>, transform_indices = @transform_2, window_bounds = array<i64: 64, 256>}, {pipeline_mode = #tpu.pipeline_mode<synchronous>, transform_indices = @transform_3, window_bounds = array<i64: 64, 1>}]} {
    %eq3A = arith.constant 0 : i32
    %eq3A_0 = arith.cmpi eq, %arg0, %eq3A : i32
    %convert_element_type3A = arith.extui %eq3A_0 : i1 to i32
    %cond3A = arith.constant 0 : i32
    %cond3A_1 = arith.cmpi ne, %convert_element_type3A, %cond3A : i32
    scf.if %cond3A_1 {
      %broadcast_in_dim3A_27 = arith.constant 0.000000e+00 : f32
      %broadcast_in_dim3A_28 = vector.broadcast %broadcast_in_dim3A_27 : f32 to vector<64x256xf32>
      %swap3A_29 = arith.constant 0 : index
      %swap3A_30 = arith.constant 0 : index
      %swap3A_31 = vector.load %arg3[%swap3A_29, %swap3A_30] : memref<64x256xf32, #tpu.memory_space<vmem>>, vector<64x256xf32>
      tpu.vector_store %arg3[%swap3A_29, %swap3A_30], %broadcast_in_dim3A_28 {strides = array<i32>} : memref<64x256xf32, #tpu.memory_space<vmem>>, vector<64x256xf32>,
      %broadcast_in_dim3A_32 = arith.constant 0.000000e+00 : f32
      %broadcast_in_dim3A_33 = vector.broadcast %broadcast_in_dim3A_32 : f32 to vector<64x1xf32>
      %swap3A_34 = arith.constant 0 : index
      %swap3A_35 = arith.constant 0 : index
      %swap3A_36 = vector.load %arg4[%swap3A_34, %swap3A_35] : memref<64x1xf32, #tpu.memory_space<vmem>>, vector<64x1xf32>
      tpu.vector_store %arg4[%swap3A_34, %swap3A_35], %broadcast_in_dim3A_33 {strides = array<i32>} : memref<64x1xf32, #tpu.memory_space<vmem>>, vector<64x1xf32>,
    } else {
    }
    %get3A = arith.constant 0 : index
    %get3A_2 = arith.constant 0 : index
    %get3A_3 = arith.constant 0 : index
    %get3A_4 = vector.load %arg1[%get3A, %get3A_2, %get3A_3] : memref<1x1x2000xi32, #tpu.memory_space<vmem>>, vector<1x1x2000xi32>
    %reshape3A = vector.shape_cast %get3A_4 : vector<1x1x2000xi32> to vector<1x2000xi32>
    %iota3A = tpu.iota {dimensions = array<i32: 0>} : vector<64x1xi32>
    %eq3A_5 = vector.broadcast %reshape3A : vector<1x2000xi32> to vector<64x2000xi32>
    %eq3A_6 = vector.broadcast %iota3A : vector<64x1xi32> to vector<64x2000xi32>
    %eq3A_7 = arith.cmpi eq, %eq3A_5, %eq3A_6 : vector<64x2000xi32>
    %convert_element_type3A_8 = arith.extui %eq3A_7 : vector<64x2000xi1> to vector<64x2000xi32>
    %convert_element_type3A_9 = arith.sitofp %convert_element_type3A_8 : vector<64x2000xi32> to vector<64x2000xf32>
    %get3A_10 = arith.constant 0 : index
    %get3A_11 = arith.constant 0 : index
    %get3A_12 = vector.load %arg2[%get3A_10, %get3A_11] : memref<2000x128xf32, #tpu.memory_space<vmem>>, vector<2000x128xf32>
    %mul3A = arith.mulf %get3A_12, %get3A_12 : vector<2000x128xf32>
    %concatenate3A = tpu.concatenate %get3A_12, %mul3A in 1 : vector<2000x128xf32>, vector<2000x128xf32> -> vector<2000x256xf32>
    %dot_general3A = arith.constant dense<0.000000e+00> : vector<64x256xf32>
    %dot_general3A_13 = tpu.matmul %convert_element_type3A_9, %concatenate3A, %dot_general3A {dimension_numbers = #tpu.dot_dimension_numbers<[1], [0], [0], [1], [0, 0, 1, 1], [], []>, transpose_lhs_hint = false} : vector<64x2000xf32>, vector<2000x256xf32>, vector<64x256xf32> -> vector<64x256xf32>
    %get3A_14 = arith.constant 0 : index
    %get3A_15 = arith.constant 0 : index
    %get3A_16 = vector.load %arg3[%get3A_14, %get3A_15] : memref<64x256xf32, #tpu.memory_space<vmem>>, vector<64x256xf32>
    %add3A = arith.addf %get3A_16, %dot_general3A_13 : vector<64x256xf32>
    %swap3A = arith.constant 0 : index
    %swap3A_17 = arith.constant 0 : index
    %swap3A_18 = vector.load %arg3[%swap3A, %swap3A_17] : memref<64x256xf32, #tpu.memory_space<vmem>>, vector<64x256xf32>
    tpu.vector_store %arg3[%swap3A, %swap3A_17], %add3A {strides = array<i32>} : memref<64x256xf32, #tpu.memory_space<vmem>>, vector<64x256xf32>,
    %get3A_19 = arith.constant 0 : index
    %get3A_20 = arith.constant 0 : index
    %get3A_21 = vector.load %arg4[%get3A_19, %get3A_20] : memref<64x1xf32, #tpu.memory_space<vmem>>, vector<64x1xf32>
    %reduce_sum3A = arith.constant dense<0.000000e+00> : vector<64xf32>
    %reduce_sum3A_22 = vector.multi_reduction <add>, %convert_element_type3A_9, %reduce_sum3A [1] : vector<64x2000xf32> to vector<64xf32>
    %broadcast_in_dim3A = vector.shape_cast %reduce_sum3A_22 : vector<64xf32> to vector<64x1xf32>
    %add3A_23 = arith.addf %get3A_21, %broadcast_in_dim3A : vector<64x1xf32>
    %swap3A_24 = arith.constant 0 : index
    %swap3A_25 = arith.constant 0 : index
    %swap3A_26 = vector.load %arg4[%swap3A_24, %swap3A_25] : memref<64x1xf32, #tpu.memory_space<vmem>>, vector<64x1xf32>
    tpu.vector_store %arg4[%swap3A_24, %swap3A_25], %add3A_23 {strides = array<i32>} : memref<64x1xf32, #tpu.memory_space<vmem>>, vector<64x1xf32>,
    return
  }
  func.func @transform_0(%arg0: i32) -> (i32, i32, i32) {
    %c0_i32 = arith.constant 0 : i32
    %c0_i32_0 = arith.constant 0 : i32
    %c0_i32_1 = arith.constant 0 : i32
    return %arg0, %c0_i32, %c0_i32_0 : i32, i32, i32
  }
  func.func @transform_1(%arg0: i32) -> (i32, i32) {
    %c0_i32 = arith.constant 0 : i32
    %c0_i32_0 = arith.constant 0 : i32
    return %arg0, %c0_i32 : i32, i32
  }
  func.func @transform_2(%arg0: i32) -> (i32, i32) {
    %c0_i32 = arith.constant 0 : i32
    %c0_i32_0 = arith.constant 0 : i32
    %c0_i32_1 = arith.constant 0 : i32
    return %c0_i32, %c0_i32_0 : i32, i32
  }
  func.func @transform_3(%arg0: i32) -> (i32, i32) {
    %c0_i32 = arith.constant 0 : i32
    %c0_i32_0 = arith.constant 0 : i32
    %c0_i32_1 = arith.constant 0 : i32
    return %c0_i32, %c0_i32_0 : i32, i32
  }
}

</mosaic_0001>

<sc_bundles>
// kernel: kernel.6.cloned.1.call-start
scs
__scs_entry_jumppad:
0x0: {  	(pc) =	sbr.rel $0x88, $3  }
0x1: {  	(tag) =	ssettag $0x0;
	lr =	simm.s32 $0x1  }
0x2: {  	[smem:$0x3F9C] =	sst lr;
	_ =	strace $0xD0000000  }
0x3: {  	_ = 	snop  }
0x4: {  	_ = 	snop  }
0x5: {  	_ = 	snop  }
0x6: {  	_ = 	snop  }
0x7: {  	_ = 	snop  }
__scs_overlays_trampoline_lowered:
0x8: {  	[smem:$0x3FAB] =	sst s0  }
0x9: {  	[smem:$0x3FAC] =	sst s1  }
0xa: {  	[smem:$0x3FAD] =	sst s2  }
0xb: {  	[smem:$0x3FAE] =	sst s3  }
0xc: {  	[smem:$0x3FAF] =	sst s4  }
0xd: {  	[smem:$0x3FB0] =	sst s5  }
0xe: {  	[smem:$0x3FB1] =	sst s6  }
0xf: {  	[smem:$0x3FB2] =	sst s7  }
0x10: {  	[smem:$0x3FB3] =	sst s8  }
0x11: {  	[smem:$0x3FB4] =	sst s9;
	s0 =	simm.s32 @!p0 $0x0  }
0x12: {  	s1 =	sld [smem:$0x3F9A];
	s0 =	simm.s32 @p0 $0x1  }
0x13: {  	[smem:$0x3FB5] =	sst s0;
	s0 =	simm.s32 @!p1 $0x0  }
0x14: {  	s2 =	sld [smem:$0x3F99];
	s0 =	simm.s32 @p1 $0x1  }
0x15: {  	[smem:$0x3FB6] =	sst s0;
	s0 =	simm.s32 @!p2 $0x0  }
0x16: {  	s3 =	sld [smem:$0x3FDB];
	s0 =	simm.s32 @p2 $0x1  }
0x17: {  	s4 =	simm.s32 $0x1BF5;
	[smem:$0x3FB8] =	sst s0  }
0x18: {  	s0 =	sld [smem:$0x3F9B];
	_ =	swait.ge [sflag:s4], $0x0  }
0x19: {  	s7 =	sld [smem:$0x3F9C]  }
0x1a: {  	s8 =	sadd.s32 $0xFFFFE003, lr  }
0x1b: {  	s9 =	sadd.s32 $0xFFFFFEF7, lr;
	s5 =	simm.s32 $0xFFFFFFFF;
	p2 =	slt.u32 s8, $0xFFFFF086  }
0x1c: {  	p1 =	slt.u32 s9, $0xF7A;
	s5 =	simm.s32 @!p2 $0x0  }
0x1d: {  	s5 =	simm.s32 @p1 $0x1;
	p0 =	seq.s32 s7, s2  }
0x1e: {  	s7 =	smul.u32 @!p0 $0xF7A, s2;
	p2 =	seq.s32 @!p0 s5, $0x0  }
0x1f: {  	s9 =	smul.u32 $0xF7A, s1;
	s8 =	simm.s32 @!p0 $0x1BF5;
	p2 =	por !p2, p0  }
0x20: {  	[sflag:s8] =	ssyncset.s32 @!p0 $0xFFFFF086;
	s6 =	sadd.s32 @!p0 s3, s7;
	s7 =	simm.s32 @!p0 $0x108  }
0x21: {  	s3 =	sadd.s32 s3, s9;
	s6 =	sadd.s32 @!p0 $0x88, s6;
	s7 =	simm.s32 @p2 $0x1082  }
0x22: {  	[simem:s7], [sflag:s8] =	dma.local @!p0 [hbm:s6], $0xF7A  }
0x23: {  	s9 =	sor.u32 $0xD0000000, s2;
	s6 =	simm.s32 $0x108;
	_ =	swait.ge @!p0 [sflag:s8], $0x0  }
0x24: {  	s3 =	sadd.s32 $0x88, s3;
	s6 =	simm.s32 @!p1 $0x1082;
	[sflag:s4] =	ssyncset.s32 $0xFFFFF086  }
0x25: {  	[simem:s6], [sflag:s4] =	dma.local [hbm:s3], $0xF7A  }
0x26: {  	[smem:$0x3F9C] =	sst s1;
	(tag) =	ssettag s2;
	_ =	strace s9  }
0x27: {  	s1 =	sld [smem:$0x3FAC]  }
0x28: {  	s2 =	sld [smem:$0x3FAD]  }
0x29: {  	s4 =	sld [smem:$0x3FAF]  }
0x2a: {  	p0 =	seq.s32 s5, $0x0;
	s5 =	sld [smem:$0x3FB0]  }
0x2b: {  	s6 =	sld [smem:$0x3FB1]  }
0x2c: {  	s7 =	sld [smem:$0x3FB2]  }
0x2d: {  	s3 =	simm.s32 $0x108;
	s8 =	sld [smem:$0x3FB3]  }
0x2e: {  	s3 =	simm.s32 @!p0 $0x1082;
	s9 =	sld [smem:$0x3FB4]  }
0x2f: {  	lr =	sadd.s32 s0, s3;
	s0 =	sld [smem:$0x3FAB]  }
0x30: {  	s3 =	sld [smem:$0x3FAE]  }
0x31: {  	[smem:$0x3FB7] =	sst s10  }
0x32: {  	s10 =	sld [smem:$0x3FB5];
	_ =	sdelay $0x3  }
0x33: {  	p0 =	seq.s32 s10, $0x1;
	s10 =	sld [smem:$0x3FB7];
	_ =	sdelay $0x3  }
0x34: {  	[smem:$0x3FB7] =	sst s10  }
0x35: {  	s10 =	sld [smem:$0x3FB6];
	_ =	sdelay $0x3  }
0x36: {  	p1 =	seq.s32 s10, $0x1;
	s10 =	sld [smem:$0x3FB7];
	_ =	sdelay $0x3  }
0x37: {  	[smem:$0x3FB7] =	sst s10  }
0x38: {  	s10 =	sld [smem:$0x3FB8]  }
0x39: {  	_ = 	snop;
	(pc) =	sbr.ind lr, $3  }
0x3a: {  	_ = 	snop  }
0x3b: {  	_ = 	snop  }
0x3c: {  	p2 =	seq.s32 s10, $0x1;
	s10 =	sld [smem:$0x3FB7]  }
0x3d: {  	_ =	shalt  }
0x3e: {  	_ =	shalt  }
0x3f: {  	_ =	shalt  }
0x40: {  	_ =	shalt  }
0x41: {  	_ =	shalt  }
0x42: {  	_ =	shalt  }
0x43: {  	_ =	shalt  }
0x44: {  	_ =	shalt  }
0x45: {  	_ =	shalt  }
0x46: {  	_ =	shalt  }
0x47: {  	_ =	shalt  }
0x48: {  	_ =	shalt  }
0x49: {  	_ =	shalt  }
0x4a: {  	_ =	shalt  }
0x4b: {  	_ =	shalt  }
0x4c: {  	_ =	shalt  }
0x4d: {  	_ =	shalt  }
0x4e: {  	_ =	shalt  }
0x4f: {  	_ =	shalt  }
0x50: {  	_ =	shalt  }
0x51: {  	_ =	shalt  }
0x52: {  	_ =	shalt  }
0x53: {  	_ =	shalt  }
0x54: {  	_ =	shalt  }
0x55: {  	_ =	shalt  }
0x56: {  	_ =	shalt  }
0x57: {  	_ =	shalt  }
0x58: {  	_ =	shalt  }
0x59: {  	_ =	shalt  }
0x5a: {  	_ =	shalt  }
0x5b: {  	_ =	shalt  }
0x5c: {  	_ =	shalt  }
0x5d: {  	_ =	shalt  }
0x5e: {  	_ =	shalt  }
0x5f: {  	_ =	shalt  }
0x60: {  	_ =	shalt  }
0x61: {  	_ =	shalt  }
0x62: {  	_ =	shalt  }
0x63: {  	_ =	shalt  }
0x64: {  	_ =	shalt  }
0x65: {  	_ =	shalt  }
0x66: {  	_ =	shalt  }
0x67: {  	_ =	shalt  }
0x68: {  	_ =	shalt  }
0x69: {  	_ =	shalt  }
0x6a: {  	_ =	shalt  }
0x6b: {  	_ =	shalt  }
0x6c: {  	_ =	shalt  }
0x6d: {  	_ =	shalt  }
0x6e: {  	_ =	shalt  }
0x6f: {  	_ =	shalt  }
0x70: {  	_ =	shalt  }
0x71: {  	_ =	shalt  }
0x72: {  	_ =	shalt  }
0x73: {  	_ =	shalt  }
0x74: {  	_ =	shalt  }
0x75: {  	_ =	shalt  }
0x76: {  	_ =	shalt  }
0x77: {  	_ =	shalt  }
0x78: {  	_ =	shalt  }
0x79: {  	_ =	shalt  }
0x7a: {  	_ =	shalt  }
0x7b: {  	_ =	shalt  }
0x7c: {  	_ =	shalt  }
0x7d: {  	_ =	shalt  }
0x7e: {  	_ =	shalt  }
0x7f: {  	_ =	shalt  }
0x80: {  	_ =	shalt  }
0x81: {  	_ =	shalt  }
0x82: {  	_ =	shalt  }
0x83: {  	_ =	shalt  }
0x84: {  	_ =	shalt  }
0x85: {  	_ =	shalt  }
0x86: {  	_ =	shalt  }
0x87: {  	_ =	shalt  }
.Lfunc_end0:
.L_simem_size_0:
called_computation_lowered:
.L_overlay_start_0:
0x88: {  	s2 =	sld [smem:$0x3FD9]  }
0x89: {  	s3 =	sld [smem:$0x3FFE];
	_ =	sdelay $0x1  }
0x8a: {  	s1 =	srdreg.scid  }
0x8b: {  	s0 =	sand.u32 $0x1, s1  }
0x8c: {  	s17 =	sshll.u32 s0, $0xA;
	s2 =	sadd.s32 s3, s2  }
0x8d: {  	s2 =	sadd.s32 s2, s17  }
0x8e: {  	[smem:$0x3FC3] =	sst s2  }
0x8f: {  	_ = 	snop  }
0x90: {  	s18 =	sld [smem:$0x3FC8]  }
0x91: {  	s4 =	sld [smem:$0x3FC7];
	(tm) =	ssettm $0x1  }
0x92: {  	s19 =	sld [smem:$0x3FFB];
	_ =	sdelay $0x3  }
0x93: {  	_ =	strace s19  }
0x94: {  	s2 =	sld [smem:$0x3FFC];
	_ =	sdelay $0x3  }
0x95: {  	_ =	strace s2  }
0x96: {  	s2 =	sld [smem:$0x3FFD];
	_ =	sdelay $0x3  }
0x97: {  	_ =	strace s2  }
0x98: {  	_ =	strace $0x8FFFFFFF  }
0x99: {  	s20 =	sld [smem:$0x3FDB];
	_ =	sdelay $0x1  }
0x9a: {  	s5 =	simm.s32 $_scs_section_size  }
0x9b: {  	s6 =	simm.s32 $_size__tile_overlayer_lowered;
	s7 =	simm.s32 $_tile_overlayer_lowered  }
0x9c: {  	s8 =	simm.s32 $0x1BFF;
	s21 =	sshll.u32 s7, $0x1;
	s5 =	sadd.s32 s5, s20  }
0x9d: {  	s22 =	simm.s32 $0x0;
	s6 =	sshll.u32 s6, $0x1;
	s7 =	sadd.s32 s21, s5  }
0x9e: {  	[timem:s22], [sflag:s8] =	dma.local [hbm:s7], s6  }
0x9f: {  	_ =	swait.ge [sflag:s8], s6  }
0xa0: {  	s6 =	ssub.s32 $0x0, s6;
	[sflag:s8] =	ssyncset.done $0x0  }
0xa1: {  	[sflag:s8] =	ssyncadd.s32 s6;
	_ =	sdelay $0x1  }
0xa2: {  	s23 =	simm.s32 $0x1B8B  }
0xa3: {  	_ =	swait.ge [sflag:s23], $0x1  }
0xa4: {  	[sflag:s23] =	ssyncset.done $0x0  }
0xa5: {  	[sflag:s23] =	ssyncadd.s32 $0xFFFFFFFF  }
0xa6: {  	s6 =	sld [smem:$0x0]  }
0xa7: {  	s7 =	sand.u32 $0xFFFFFFFE, s1  }
0xa8: {  	p0 =	sne.s32 s1, s7  }
0xa9: {  	s7 =	sshll.u32 @p0 s7, $0xE  }
0xaa: {  	s7 =	sadd.s32 @p0 $0x11B8D, s7;
	s8 =	sshll.u32 @p0 s6, $0x11  }
0xab: {  	s7 =	sor.u32 @p0 s8, s7  }
0xac: {  	[sflag:s7] =	ssyncadd.remote.s32 @p0 $0x1;
	_ =	sdelay $0x1  }
0xad: {  	s7 =	simm.s32 @p0 $0x1B8D  }
0xae: {  	_ =	swait.eq @p0 [sflag:s7], $0x1  }
0xaf: {  	[sflag:s7] =	ssyncadd.s32 @p0 $0xFFFFFFFF  }
0xb0: {  	s8 =	sshll.u32 @!p0 s1, $0xE  }
0xb1: {  	s8 =	sor.u32 @!p0 $0x4000, s8;
	s7 =	simm.s32 @!p0 $0x1B8D  }
0xb2: {  	s6 =	sshll.u32 @!p0 s6, $0x11;
	s8 =	sadd.s32 @!p0 $0x11B8D, s8;
	_ =	swait.eq @!p0 [sflag:s7], $0x1  }
0xb3: {  	s6 =	sor.u32 @!p0 s6, s8;
	[sflag:s7] =	ssyncadd.s32 @!p0 $0xFFFFFFFF  }
0xb4: {  	s25 =	simm.s32 $0x1B8E;
	s24 =	sld [smem:$0x3FFE];
	[sflag:s6] =	ssyncadd.remote.s32 @!p0 $0x1  }
0xb5: {  	s26 =	simm.s32 $execute0_lowered;
	[smem:$0x3FD2] =	sst s25  }
0xb6: {  	s7 =	sshll.u32 s26, $0x1;
	_ =	strace $0x80000049;
	[dreg:$0x1] =	wrdreg $0xFFFFFFFF  }
0xb7: {  	s28 =	simm.s32 $_size_execute0_lowered;
	s5 =	sadd.s32 s5, s7;
	[dreg:$0x0] =	wrdreg $0x0  }
0xb8: {  	s7 =	sshll.u32 s28, $0x1;
	[dreg:$0x2] =	wrdreg s5  }
0xb9: {  	[dreg:$0x3] =	wrdreg s7  }
0xba: {  	[dreg:$0x4] =	wrdreg $0xC0  }
0xbb: {  	_ =	task [dreg:s22], $0x5FFFF  }
0xbc: {  	[dreg:$0x1] =	wrdreg $0xFFFFFFFF  }
0xbd: {  	[dreg:$0x0] =	wrdreg $0x60  }
0xbe: {  	[dreg:$0x2] =	wrdreg s24  }
0xbf: {  	[dreg:$0x3] =	wrdreg s18  }
0xc0: {  	[dreg:$0x4] =	wrdreg s4  }
0xc1: {  	[dreg:$0x5] =	wrdreg $0x9  }
0xc2: {  	_ =	task.clear_ibuf [dreg:s22], $0x6FFFF;
	_ =	strace $0x90000049  }
0xc3: {  	s29 =	simm.s32 $0x9;
	_ =	strace $0x8000004B  }
0xc4: {  	_ =	swait.ge [sflag:s29], $0x1  }
0xc5: {  	[sflag:s29] =	ssyncadd.s32 $0xFFFFFFFF  }
0xc6: {  	_ =	strace $0x9000004B  }
0xc7: {  	_ =	sfence  }
0xc8: {  	s30 =	sld [smem:$0x0];
	_ =	sdelay $0x2  }
0xc9: {  	s31 =	sshll.u32 s1, $0xD;
	s1 =	sshrl.u32 s1, $0x2  }
0xca: {  	s4 =	sand.u32 $0x4000, s31;
	s1 =	sadd.s32 s1, s30  }
0xcb: {  	s0 =	sor.u32 s4, s0;
	s1 =	sshll.u32 s1, $0x11  }
0xcc: {  	s0 =	sor.u32 s1, s0  }
0xcd: {  	s0 =	sadd.s32 $0x8F2B, s0  }
0xce: {  	[sflag:s0] =	ssyncadd.remote.s32 $0x1  }
0xcf: {  	_ =	sfence.sel $0xFFFF  }
0xd0: {  	[dreg:$0x0] =	wrdreg $0xFFFFFFFF;
	(pc) =	sbr.abs _section_cstart, $3  }
0xd1: {  	[dreg:$0x1] =	wrdreg $0xFFFFFFFF  }
0xd2: {  	_ =	task.clear_ibuf [dreg:s22], $0x2FFFF;
	_ =	strace $0x9FFFFFFF  }
0xd3: {  	(tm) =	ssettm $0x7FFFFFFF  }
tec
execute0_lowered:
.L_overlay_start_1:
0x0: {  	(tag) =	ssettag $0x1  }
0x1: {  	s6 =	rddreg [dreg:$0x0]  }
0x2: {  	s1 =	rddreg [dreg:$0x1]  }
0x3: {  	s3 =	rddreg [dreg:$0x2]  }
0x4: {  	s0 =	rddreg [dreg:$0x3]  }
0x5: {  	s4 =	simm.s32 $0x0;
	s5 =	srdreg.scid;
	s2 =	stileid.u32  }
0x6: {  	s11 =	simm.s32 $0x2780;
	s12 =	simm.s32 $0x2980;
	s13 =	simm.s32 $0xF180  }
0x7: {  	s14 =	simm.s32 $0x11180;
	s5 =	sand.u32 $0x1, s5;
	s7 =	sshll.u32 s2, $0x1  }
0x8: {  	s15 =	simm.s32 $0x0;
	[smem:$0x7FF] =	sst s4;
	s7 =	sor.u32 s5, s7  }
0x9: {  	_ =	strace $0x8000004A;
	s8 =	ssub.s32 $0x2, s5;
	s9 =	sshll.u32 s7, $0xB  }
0xa: {  	s5 =	sadd.s32 $0xC00, s6;
	s10 =	sshrl.u32 s8, $0x1;
	s9 =	sadd.s32 s9, s6  }
0xb: {  	s10 =	ssub.s32 s8, s10;
	s6 =	smul.u32 $0x2710, s7;
	s7 =	sadd.s32 $0x14800, s9  }
0xc: {  	v0 =	vimm.f32 $+Inf;
	v1 =	vimm.f32 $-Inf;
	s8 =	sadd.s32 $0x14C00, s9;
	s9 =	smax.u32 s10, $0x1;
	s10 =	simm.s32 $0x1  }
.LBB2_1:
0xd: {  	s16 =	simm.s32 $0x0;
	s17 =	simm.s32 $0x200  }
.LBB2_2:
0xe: {  	p0 =	sne.s32 s17, $0x7E00;
	[tilespmem:s16+$0x111F0] =	vst v1  }
0xf: {  	[tilespmem:s16+$0xF180] =	vst v0  }
0x10: {  	[tilespmem:s16+$0x11180] =	vst v1  }
0x11: {  	[tilespmem:s16+$0xF190] =	vst v0  }
0x12: {  	[tilespmem:s16+$0x11190] =	vst v1  }
0x13: {  	[tilespmem:s16+$0xF1A0] =	vst v0  }
0x14: {  	[tilespmem:s16+$0x111A0] =	vst v1  }
0x15: {  	[tilespmem:s16+$0xF1B0] =	vst v0  }
0x16: {  	[tilespmem:s16+$0x111B0] =	vst v1  }
0x17: {  	[tilespmem:s16+$0xF1C0] =	vst v0  }
0x18: {  	[tilespmem:s16+$0x111C0] =	vst v1  }
.Ltmp0:
0x19: {  	[tilespmem:s16+$0xF1D0] =	vst v0;
	(pc) =	sbr.rel @p0 .LBB2_2-.Ltmp0, $4  }
0x1a: {  	[tilespmem:s16+$0x111D0] =	vst v1  }
0x1b: {  	[tilespmem:s16+$0xF1E0] =	vst v0  }
0x1c: {  	[tilespmem:s16+$0x111E0] =	vst v1  }
0x1d: {  	[tilespmem:s16+$0xF1F0] =	vst v0;
	s16 =	sshra.s32 s17, $0x2;
	s17 =	sadd.s32 $0x200, s17  }
0x1e: {  	[tilespmem:s16+$0x111F0] =	vst v1  }
0x1f: {  	[tilespmem:s16+$0xF180] =	vst v0  }
0x20: {  	[tilespmem:s16+$0x11180] =	vst v1  }
0x21: {  	[tilespmem:s16+$0xF190] =	vst v0  }
0x22: {  	[tilespmem:s16+$0x11190] =	vst v1  }
0x23: {  	[tilespmem:s16+$0xF1A0] =	vst v0  }
0x24: {  	[tilespmem:s16+$0x111A0] =	vst v1  }
0x25: {  	[tilespmem:s16+$0xF1B0] =	vst v0  }
0x26: {  	[tilespmem:s16+$0x111B0] =	vst v1  }
0x27: {  	[tilespmem:s16+$0xF1C0] =	vst v0  }
0x28: {  	[tilespmem:s16+$0x111C0] =	vst v1  }
0x29: {  	[tilespmem:s16+$0xF1D0] =	vst v0  }
0x2a: {  	[tilespmem:s16+$0x111D0] =	vst v1  }
0x2b: {  	[tilespmem:s16+$0xF1E0] =	vst v0  }
0x2c: {  	[tilespmem:s16+$0x111E0] =	vst v1  }
0x2d: {  	[tilespmem:s16+$0xF1F0] =	vst v0;
	s16 =	simm.s32 $0x0  }
0x2e: {  	[tilespmem:s16], [sflag:$0x1] =	stream.linear.gather [hbm4b:s3+s16], $0x2780, $0x38;
	[tilespmem:$0x13180] =	vst v63  }
0x2f: {  	_ =	swait.ge [sflag:s10], $0x2780  }
0x30: {  	[sflag:s10] =	ssyncset.done $0x0  }
0x31: {  	s17 =	simm.s32 $0x0;
	[sflag:s10] =	ssyncadd.s32 $0xFFFFD880  }
.LBB2_4:
0x32: {  	s18 =	smul.u32 $0x190, s17;
	_ =	sdelay $0x1  }
0x33: {  	s18 =	sadd.s32 s6, s18  }
0x34: {  	s19 =	sshrl.u32 s18, $0x3  }
0x35: {  	s19 =	sadd.s32 s5, s19  }
0x36: {  	[tilespmem:s11], [sflag:$0x1] =	stream.linear.gather [hbm4b:s19+s16], $0x190, $0x38;
	[tilespmem:$0x13180] =	vst v63  }
0x37: {  	_ =	swait.ge [sflag:s10], $0x190  }
0x38: {  	s18 =	sshll.u32 s18, $0x4;
	[sflag:s10] =	ssyncset.done $0x0  }
0x39: {  	s18 =	sadd.s32 s1, s18;
	[sflag:s10] =	ssyncadd.s32 $0xFFFFFE70  }
0x3a: {  	[tilespmem:s12], [sflag:$0x1] =	stream.linear.gather [hbm4b:s18+s16], $0xC800, $0x38;
	[tilespmem:$0x13180] =	vst v63  }
0x3b: {  	_ =	swait.ge [sflag:s10], $0xC800  }
0x3c: {  	[sflag:s10] =	ssyncset.done $0x0  }
0x3d: {  	s19 =	simm.s32 $0x0;
	s18 =	simm.s32 $0x2D80;
	[sflag:s10] =	ssyncadd.s32 $0xFFFF3800  }
.LBB2_5:
0x3e: {  	s20 =	sshra.s32 s19, $0x2  }
0x3f: {  	v2 =	vld [tilespmem:s20+$0x2780];
	_ =	sdelay $0x7  }
0x40: {  	v2 =	vld.idx.msk [tilespmem:v2+s4+$0x0], $0xffff;
	_ =	sdelay $0x4  }
0x41: {  	v2 =	vshll.u32 v2, $0x7  }
0x42: {  	(v2sf) =	vpush v2, $0x0;
	_ =	sdelay $0x7  }
0x43: {  	v3 =	vld [tilespmem:s18+$0xFFFFFC00]  }
0x44: {  	v4 =	vld [tilespmem:s18+$0xFFFFFC10]  }
0x45: {  	v5 =	vld [tilespmem:s18+$0xFFFFFC20]  }
0x46: {  	v6 =	vld [tilespmem:s18+$0xFFFFFC30]  }
0x47: {  	v7 =	vld [tilespmem:s18+$0xFFFFFC40]  }
0x48: {  	v8 =	vld [tilespmem:s18+$0xFFFFFC50]  }
0x49: {  	v9 =	vld [tilespmem:s18+$0xFFFFFC60]  }
0x4a: {  	v10 =	vld [tilespmem:s18+$0xFFFFFC70];
	s25 =	spop (v2sf)  }
0x4b: {  	v11 =	vld [tilespmem:s25+$0xF180]  }
0x4c: {  	v12 =	vld [tilespmem:s25+$0x11180]  }
0x4d: {  	v13 =	vld [tilespmem:s25+$0xF190]  }
0x4e: {  	v14 =	vld [tilespmem:s25+$0x11190]  }
0x4f: {  	v15 =	vld [tilespmem:s25+$0xF1A0]  }
0x50: {  	v16 =	vld [tilespmem:s25+$0x111A0];
	v11 =	vmin.f32 v11, v3  }
0x51: {  	v17 =	vld [tilespmem:s25+$0xF1B0];
	v3 =	vmax.f32 v12, v3;
	[tilespmem:s25+$0xF180] =	vst v11  }
0x52: {  	v37 =	vld [tilespmem:s25+$0x111B0];
	[tilespmem:s25+$0x11180] =	vst v3;
	v3 =	vmin.f32 v13, v4  }
0x53: {  	v38 =	vld [tilespmem:s25+$0xF1C0];
	[tilespmem:s25+$0xF190] =	vst v3;
	v3 =	vmax.f32 v14, v4  }
0x54: {  	v39 =	vld [tilespmem:s25+$0x111C0];
	[tilespmem:s25+$0x11190] =	vst v3;
	v3 =	vmin.f32 v15, v5  }
0x55: {  	v40 =	vld [tilespmem:s25+$0xF1D0];
	[tilespmem:s25+$0xF1A0] =	vst v3;
	v3 =	vmax.f32 v16, v5  }
0x56: {  	v41 =	vld [tilespmem:s25+$0x111D0];
	[tilespmem:s25+$0x111A0] =	vst v3;
	v3 =	vmin.f32 v17, v6  }
0x57: {  	v42 =	vld [tilespmem:s25+$0xF1E0];
	[tilespmem:s25+$0xF1B0] =	vst v3;
	v3 =	vmax.f32 v37, v6  }
0x58: {  	v43 =	vld [tilespmem:s25+$0x111E0];
	[tilespmem:s25+$0x111B0] =	vst v3;
	v3 =	vmin.f32 v38, v7  }
0x59: {  	(v2sf) =	vpush v2, $0x1;
	v44 =	vld [tilespmem:s25+$0xF1F0];
	[tilespmem:s25+$0xF1C0] =	vst v3;
	v3 =	vmax.f32 v39, v7  }
0x5a: {  	v45 =	vld [tilespmem:s25+$0x111F0];
	[tilespmem:s25+$0x111C0] =	vst v3;
	v3 =	vmin.f32 v40, v8  }
0x5b: {  	[tilespmem:s25+$0xF1D0] =	vst v3;
	v3 =	vmax.f32 v41, v8  }
0x5c: {  	[tilespmem:s25+$0x111D0] =	vst v3;
	v3 =	vmin.f32 v42, v9  }
0x5d: {  	[tilespmem:s25+$0xF1E0] =	vst v3;
	v3 =	vmax.f32 v43, v9  }
0x5e: {  	[tilespmem:s25+$0x111E0] =	vst v3;
	v3 =	vmin.f32 v44, v10  }
0x5f: {  	[tilespmem:s25+$0xF1F0] =	vst v3;
	v3 =	vmax.f32 v45, v10  }
0x60: {  	[tilespmem:s25+$0x111F0] =	vst v3  }
0x61: {  	v3 =	vld [tilespmem:s18+$0xFFFFFC80]  }
0x62: {  	v46 =	vld [tilespmem:s18+$0xFFFFFC90]  }
0x63: {  	v47 =	vld [tilespmem:s18+$0xFFFFFCA0]  }
0x64: {  	v48 =	vld [tilespmem:s18+$0xFFFFFCB0]  }
0x65: {  	v49 =	vld [tilespmem:s18+$0xFFFFFCC0]  }
0x66: {  	v50 =	vld [tilespmem:s18+$0xFFFFFCD0]  }
0x67: {  	v51 =	vld [tilespmem:s18+$0xFFFFFCE0]  }
0x68: {  	s26 =	spop (v2sf);
	v52 =	vld [tilespmem:s18+$0xFFFFFCF0]  }
0x69: {  	v53 =	vld [tilespmem:s26+$0xF180]  }
0x6a: {  	v54 =	vld [tilespmem:s26+$0x11180]  }
0x6b: {  	v55 =	vld [tilespmem:s26+$0xF190]  }
0x6c: {  	v56 =	vld [tilespmem:s26+$0x11190]  }
0x6d: {  	v57 =	vld [tilespmem:s26+$0xF1A0]  }
0x6e: {  	v58 =	vld [tilespmem:s26+$0x111A0];
	v11 =	vmin.f32 v53, v3  }
0x6f: {  	v59 =	vld [tilespmem:s26+$0xF1B0];
	v3 =	vmax.f32 v54, v3;
	[tilespmem:s26+$0xF180] =	vst v11  }
0x70: {  	v60 =	vld [tilespmem:s26+$0x111B0];
	[tilespmem:s26+$0x11180] =	vst v3;
	v3 =	vmin.f32 v55, v46  }
0x71: {  	v61 =	vld [tilespmem:s26+$0xF1C0];
	[tilespmem:s26+$0xF190] =	vst v3;
	v3 =	vmax.f32 v56, v46  }
0x72: {  	v62 =	vld [tilespmem:s26+$0x111C0];
	[tilespmem:s26+$0x11190] =	vst v3;
	v3 =	vmin.f32 v57, v47  }
0x73: {  	v63 =	vld [tilespmem:s26+$0xF1D0];
	[tilespmem:s26+$0xF1A0] =	vst v3;
	v3 =	vmax.f32 v58, v47  }
0x74: {  	v18 =	vld [tilespmem:s26+$0x111D0];
	[tilespmem:s26+$0x111A0] =	vst v3;
	v3 =	vmin.f32 v59, v48  }
0x75: {  	v19 =	vld [tilespmem:s26+$0xF1E0];
	[tilespmem:s26+$0xF1B0] =	vst v3;
	v3 =	vmax.f32 v60, v48  }
0x76: {  	v20 =	vld [tilespmem:s26+$0x111E0];
	[tilespmem:s26+$0x111B0] =	vst v3;
	v3 =	vmin.f32 v61, v49  }
0x77: {  	(v2sf) =	vpush v2, $0x2;
	v21 =	vld [tilespmem:s26+$0xF1F0];
	[tilespmem:s26+$0xF1C0] =	vst v3;
	v3 =	vmax.f32 v62, v49  }
0x78: {  	v22 =	vld [tilespmem:s26+$0x111F0];
	[tilespmem:s26+$0x111C0] =	vst v3;
	v3 =	vmin.f32 v63, v50  }
0x79: {  	[tilespmem:s26+$0xF1D0] =	vst v3;
	v3 =	vmax.f32 v18, v50  }
0x7a: {  	[tilespmem:s26+$0x111D0] =	vst v3;
	v3 =	vmin.f32 v19, v51  }
0x7b: {  	[tilespmem:s26+$0xF1E0] =	vst v3;
	v3 =	vmax.f32 v20, v51  }
0x7c: {  	[tilespmem:s26+$0x111E0] =	vst v3;
	v3 =	vmin.f32 v21, v52  }
0x7d: {  	[tilespmem:s26+$0xF1F0] =	vst v3;
	v3 =	vmax.f32 v22, v52  }
0x7e: {  	[tilespmem:s26+$0x111F0] =	vst v3  }
0x7f: {  	v3 =	vld [tilespmem:s18+$0xFFFFFD00]  }
0x80: {  	v23 =	vld [tilespmem:s18+$0xFFFFFD10]  }
0x81: {  	v24 =	vld [tilespmem:s18+$0xFFFFFD20]  }
0x82: {  	v25 =	vld [tilespmem:s18+$0xFFFFFD30]  }
0x83: {  	v26 =	vld [tilespmem:s18+$0xFFFFFD40]  }
0x84: {  	v27 =	vld [tilespmem:s18+$0xFFFFFD50]  }
0x85: {  	v28 =	vld [tilespmem:s18+$0xFFFFFD60]  }
0x86: {  	s28 =	spop (v2sf);
	v29 =	vld [tilespmem:s18+$0xFFFFFD70]  }
0x87: {  	v30 =	vld [tilespmem:s28+$0xF180]  }
0x88: {  	v31 =	vld [tilespmem:s28+$0x11180]  }
0x89: {  	v32 =	vld [tilespmem:s28+$0xF190]  }
0x8a: {  	v33 =	vld [tilespmem:s28+$0x11190]  }
0x8b: {  	v34 =	vld [tilespmem:s28+$0xF1A0]  }
0x8c: {  	v35 =	vld [tilespmem:s28+$0x111A0];
	v11 =	vmin.f32 v30, v3  }
0x8d: {  	v36 =	vld [tilespmem:s28+$0xF1B0];
	v3 =	vmax.f32 v31, v3;
	[tilespmem:s28+$0xF180] =	vst v11  }
0x8e: {  	v37 =	vld [tilespmem:s28+$0x111B0];
	[tilespmem:s28+$0x11180] =	vst v3;
	v3 =	vmin.f32 v32, v23  }
0x8f: {  	v38 =	vld [tilespmem:s28+$0xF1C0];
	[tilespmem:s28+$0xF190] =	vst v3;
	v3 =	vmax.f32 v33, v23  }
0x90: {  	v39 =	vld [tilespmem:s28+$0x111C0];
	[tilespmem:s28+$0x11190] =	vst v3;
	v3 =	vmin.f32 v34, v24  }
0x91: {  	v40 =	vld [tilespmem:s28+$0xF1D0];
	[tilespmem:s28+$0xF1A0] =	vst v3;
	v3 =	vmax.f32 v35, v24  }
0x92: {  	v41 =	vld [tilespmem:s28+$0x111D0];
	[tilespmem:s28+$0x111A0] =	vst v3;
	v3 =	vmin.f32 v36, v25  }
0x93: {  	v42 =	vld [tilespmem:s28+$0xF1E0];
	[tilespmem:s28+$0xF1B0] =	vst v3;
	v3 =	vmax.f32 v37, v25  }
0x94: {  	v43 =	vld [tilespmem:s28+$0x111E0];
	[tilespmem:s28+$0x111B0] =	vst v3;
	v3 =	vmin.f32 v38, v26  }
0x95: {  	(v2sf) =	vpush v2, $0x3;
	v44 =	vld [tilespmem:s28+$0xF1F0];
	[tilespmem:s28+$0xF1C0] =	vst v3;
	v3 =	vmax.f32 v39, v26  }
0x96: {  	v45 =	vld [tilespmem:s28+$0x111F0];
	[tilespmem:s28+$0x111C0] =	vst v3;
	v3 =	vmin.f32 v40, v27  }
0x97: {  	[tilespmem:s28+$0xF1D0] =	vst v3;
	v3 =	vmax.f32 v41, v27  }
0x98: {  	[tilespmem:s28+$0x111D0] =	vst v3;
	v3 =	vmin.f32 v42, v28  }
0x99: {  	[tilespmem:s28+$0xF1E0] =	vst v3;
	v3 =	vmax.f32 v43, v28  }
0x9a: {  	[tilespmem:s28+$0x111E0] =	vst v3;
	v3 =	vmin.f32 v44, v29  }
0x9b: {  	[tilespmem:s28+$0xF1F0] =	vst v3;
	v3 =	vmax.f32 v45, v29  }
0x9c: {  	[tilespmem:s28+$0x111F0] =	vst v3  }
0x9d: {  	v3 =	vld [tilespmem:s18+$0xFFFFFD80]  }
0x9e: {  	v46 =	vld [tilespmem:s18+$0xFFFFFD90]  }
0x9f: {  	v47 =	vld [tilespmem:s18+$0xFFFFFDA0]  }
0xa0: {  	v48 =	vld [tilespmem:s18+$0xFFFFFDB0]  }
0xa1: {  	v49 =	vld [tilespmem:s18+$0xFFFFFDC0]  }
0xa2: {  	v50 =	vld [tilespmem:s18+$0xFFFFFDD0]  }
0xa3: {  	v51 =	vld [tilespmem:s18+$0xFFFFFDE0]  }
0xa4: {  	s29 =	spop (v2sf);
	v52 =	vld [tilespmem:s18+$0xFFFFFDF0]  }
0xa5: {  	v53 =	vld [tilespmem:s29+$0xF180]  }
0xa6: {  	v54 =	vld [tilespmem:s29+$0x11180]  }
0xa7: {  	v55 =	vld [tilespmem:s29+$0xF190]  }
0xa8: {  	v56 =	vld [tilespmem:s29+$0x11190]  }
0xa9: {  	v57 =	vld [tilespmem:s29+$0xF1A0]  }
0xaa: {  	v58 =	vld [tilespmem:s29+$0x111A0];
	v11 =	vmin.f32 v53, v3  }
0xab: {  	v59 =	vld [tilespmem:s29+$0xF1B0];
	v3 =	vmax.f32 v54, v3;
	[tilespmem:s29+$0xF180] =	vst v11  }
0xac: {  	v60 =	vld [tilespmem:s29+$0x111B0];
	[tilespmem:s29+$0x11180] =	vst v3;
	v3 =	vmin.f32 v55, v46  }
0xad: {  	v61 =	vld [tilespmem:s29+$0xF1C0];
	[tilespmem:s29+$0xF190] =	vst v3;
	v3 =	vmax.f32 v56, v46  }
0xae: {  	v62 =	vld [tilespmem:s29+$0x111C0];
	[tilespmem:s29+$0x11190] =	vst v3;
	v3 =	vmin.f32 v57, v47  }
0xaf: {  	v63 =	vld [tilespmem:s29+$0xF1D0];
	[tilespmem:s29+$0xF1A0] =	vst v3;
	v3 =	vmax.f32 v58, v47  }
0xb0: {  	v18 =	vld [tilespmem:s29+$0x111D0];
	[tilespmem:s29+$0x111A0] =	vst v3;
	v3 =	vmin.f32 v59, v48  }
0xb1: {  	v19 =	vld [tilespmem:s29+$0xF1E0];
	[tilespmem:s29+$0xF1B0] =	vst v3;
	v3 =	vmax.f32 v60, v48  }
0xb2: {  	v20 =	vld [tilespmem:s29+$0x111E0];
	[tilespmem:s29+$0x111B0] =	vst v3;
	v3 =	vmin.f32 v61, v49  }
0xb3: {  	v21 =	vld [tilespmem:s29+$0xF1F0];
	[tilespmem:s29+$0xF1C0] =	vst v3;
	v3 =	vmax.f32 v62, v49  }
0xb4: {  	v22 =	vld [tilespmem:s29+$0x111F0];
	[tilespmem:s29+$0x111C0] =	vst v3;
	v3 =	vmin.f32 v63, v50  }
0xb5: {  	[tilespmem:s29+$0xF1D0] =	vst v3;
	v3 =	vmax.f32 v18, v50  }
0xb6: {  	[tilespmem:s29+$0x111D0] =	vst v3;
	v3 =	vmin.f32 v19, v51  }
0xb7: {  	[tilespmem:s29+$0xF1E0] =	vst v3;
	v3 =	vmax.f32 v20, v51  }
0xb8: {  	[tilespmem:s29+$0x111E0] =	vst v3;
	v3 =	vmin.f32 v21, v52  }
0xb9: {  	[tilespmem:s29+$0xF1F0] =	vst v3;
	v3 =	vmax.f32 v22, v52  }
0xba: {  	[tilespmem:s29+$0x111F0] =	vst v3  }
0xbb: {  	v3 =	vld [tilespmem:s18+$0xFFFFFE00]  }
0xbc: {  	v23 =	vld [tilespmem:s18+$0xFFFFFE10]  }
0xbd: {  	v24 =	vld [tilespmem:s18+$0xFFFFFE20]  }
0xbe: {  	v25 =	vld [tilespmem:s18+$0xFFFFFE30]  }
0xbf: {  	v26 =	vld [tilespmem:s18+$0xFFFFFE40];
	(v2sf) =	vpush v2, $0x4;
	_ =	sdelay $0xc  }
0xc0: {  	v27 =	vld [tilespmem:s18+$0xFFFFFE50]  }
0xc1: {  	v28 =	vld [tilespmem:s18+$0xFFFFFE60]  }
0xc2: {  	v29 =	vld [tilespmem:s18+$0xFFFFFE70];
	s30 =	spop (v2sf)  }
0xc3: {  	v30 =	vld [tilespmem:s30+$0xF180]  }
0xc4: {  	v31 =	vld [tilespmem:s30+$0x11180]  }
0xc5: {  	v32 =	vld [tilespmem:s30+$0xF190]  }
0xc6: {  	v33 =	vld [tilespmem:s30+$0x11190]  }
0xc7: {  	v34 =	vld [tilespmem:s30+$0xF1A0]  }
0xc8: {  	v35 =	vld [tilespmem:s30+$0x111A0];
	v11 =	vmin.f32 v30, v3  }
0xc9: {  	v36 =	vld [tilespmem:s30+$0xF1B0];
	v3 =	vmax.f32 v31, v3;
	[tilespmem:s30+$0xF180] =	vst v11  }
0xca: {  	v37 =	vld [tilespmem:s30+$0x111B0];
	[tilespmem:s30+$0x11180] =	vst v3;
	v3 =	vmin.f32 v32, v23  }
0xcb: {  	v38 =	vld [tilespmem:s30+$0xF1C0];
	[tilespmem:s30+$0xF190] =	vst v3;
	v3 =	vmax.f32 v33, v23  }
0xcc: {  	v39 =	vld [tilespmem:s30+$0x111C0];
	[tilespmem:s30+$0x11190] =	vst v3;
	v3 =	vmin.f32 v34, v24  }
0xcd: {  	v40 =	vld [tilespmem:s30+$0xF1D0];
	[tilespmem:s30+$0xF1A0] =	vst v3;
	v3 =	vmax.f32 v35, v24  }
0xce: {  	v41 =	vld [tilespmem:s30+$0x111D0];
	[tilespmem:s30+$0x111A0] =	vst v3;
	v3 =	vmin.f32 v36, v25  }
0xcf: {  	v42 =	vld [tilespmem:s30+$0xF1E0];
	[tilespmem:s30+$0xF1B0] =	vst v3;
	v3 =	vmax.f32 v37, v25  }
0xd0: {  	v43 =	vld [tilespmem:s30+$0x111E0];
	[tilespmem:s30+$0x111B0] =	vst v3;
	v3 =	vmin.f32 v38, v26  }
0xd1: {  	(v2sf) =	vpush v2, $0x5;
	v44 =	vld [tilespmem:s30+$0xF1F0];
	[tilespmem:s30+$0xF1C0] =	vst v3;
	v3 =	vmax.f32 v39, v26  }
0xd2: {  	v45 =	vld [tilespmem:s30+$0x111F0];
	[tilespmem:s30+$0x111C0] =	vst v3;
	v3 =	vmin.f32 v40, v27  }
0xd3: {  	[tilespmem:s30+$0xF1D0] =	vst v3;
	v3 =	vmax.f32 v41, v27  }
0xd4: {  	[tilespmem:s30+$0x111D0] =	vst v3;
	v3 =	vmin.f32 v42, v28  }
0xd5: {  	[tilespmem:s30+$0xF1E0] =	vst v3;
	v3 =	vmax.f32 v43, v28  }
0xd6: {  	[tilespmem:s30+$0x111E0] =	vst v3;
	v3 =	vmin.f32 v44, v29  }
0xd7: {  	[tilespmem:s30+$0xF1F0] =	vst v3;
	v3 =	vmax.f32 v45, v29  }
0xd8: {  	[tilespmem:s30+$0x111F0] =	vst v3  }
0xd9: {  	v3 =	vld [tilespmem:s18+$0xFFFFFE80]  }
0xda: {  	v46 =	vld [tilespmem:s18+$0xFFFFFE90]  }
0xdb: {  	v47 =	vld [tilespmem:s18+$0xFFFFFEA0]  }
0xdc: {  	v48 =	vld [tilespmem:s18+$0xFFFFFEB0]  }
0xdd: {  	v49 =	vld [tilespmem:s18+$0xFFFFFEC0]  }
0xde: {  	v50 =	vld [tilespmem:s18+$0xFFFFFED0]  }
0xdf: {  	v51 =	vld [tilespmem:s18+$0xFFFFFEE0]  }
0xe0: {  	s31 =	spop (v2sf);
	v52 =	vld [tilespmem:s18+$0xFFFFFEF0]  }
0xe1: {  	v53 =	vld [tilespmem:s31+$0xF180]  }
0xe2: {  	v54 =	vld [tilespmem:s31+$0x11180]  }
0xe3: {  	v55 =	vld [tilespmem:s31+$0xF190]  }
0xe4: {  	v56 =	vld [tilespmem:s31+$0x11190]  }
0xe5: {  	v57 =	vld [tilespmem:s31+$0xF1A0]  }
0xe6: {  	v58 =	vld [tilespmem:s31+$0x111A0];
	v11 =	vmin.f32 v53, v3  }
0xe7: {  	v59 =	vld [tilespmem:s31+$0xF1B0];
	v3 =	vmax.f32 v54, v3;
	[tilespmem:s31+$0xF180] =	vst v11  }
0xe8: {  	v60 =	vld [tilespmem:s31+$0x111B0];
	[tilespmem:s31+$0x11180] =	vst v3;
	v3 =	vmin.f32 v55, v46  }
0xe9: {  	v61 =	vld [tilespmem:s31+$0xF1C0];
	[tilespmem:s31+$0xF190] =	vst v3;
	v3 =	vmax.f32 v56, v46  }
0xea: {  	v62 =	vld [tilespmem:s31+$0x111C0];
	[tilespmem:s31+$0x11190] =	vst v3;
	v3 =	vmin.f32 v57, v47  }
0xeb: {  	v63 =	vld [tilespmem:s31+$0xF1D0];
	[tilespmem:s31+$0xF1A0] =	vst v3;
	v3 =	vmax.f32 v58, v47  }
0xec: {  	v18 =	vld [tilespmem:s31+$0x111D0];
	[tilespmem:s31+$0x111A0] =	vst v3;
	v3 =	vmin.f32 v59, v48  }
0xed: {  	v19 =	vld [tilespmem:s31+$0xF1E0];
	[tilespmem:s31+$0xF1B0] =	vst v3;
	v3 =	vmax.f32 v60, v48  }
0xee: {  	v20 =	vld [tilespmem:s31+$0x111E0];
	[tilespmem:s31+$0x111B0] =	vst v3;
	v3 =	vmin.f32 v61, v49  }
0xef: {  	(v2sf) =	vpush v2, $0x6;
	v21 =	vld [tilespmem:s31+$0xF1F0];
	[tilespmem:s31+$0xF1C0] =	vst v3;
	v3 =	vmax.f32 v62, v49  }
0xf0: {  	v22 =	vld [tilespmem:s31+$0x111F0];
	[tilespmem:s31+$0x111C0] =	vst v3;
	v3 =	vmin.f32 v63, v50  }
0xf1: {  	[tilespmem:s31+$0xF1D0] =	vst v3;
	v3 =	vmax.f32 v18, v50  }
0xf2: {  	[tilespmem:s31+$0x111D0] =	vst v3;
	v3 =	vmin.f32 v19, v51  }
0xf3: {  	[tilespmem:s31+$0xF1E0] =	vst v3;
	v3 =	vmax.f32 v20, v51  }
0xf4: {  	[tilespmem:s31+$0x111E0] =	vst v3;
	v3 =	vmin.f32 v21, v52  }
0xf5: {  	[tilespmem:s31+$0xF1F0] =	vst v3;
	v3 =	vmax.f32 v22, v52  }
0xf6: {  	[tilespmem:s31+$0x111F0] =	vst v3  }
0xf7: {  	v3 =	vld [tilespmem:s18+$0xFFFFFF00]  }
0xf8: {  	v23 =	vld [tilespmem:s18+$0xFFFFFF10]  }
0xf9: {  	v24 =	vld [tilespmem:s18+$0xFFFFFF20]  }
0xfa: {  	v25 =	vld [tilespmem:s18+$0xFFFFFF30]  }
0xfb: {  	v26 =	vld [tilespmem:s18+$0xFFFFFF40]  }
0xfc: {  	v27 =	vld [tilespmem:s18+$0xFFFFFF50]  }
0xfd: {  	v28 =	vld [tilespmem:s18+$0xFFFFFF60]  }
0xfe: {  	s21 =	spop (v2sf);
	v29 =	vld [tilespmem:s18+$0xFFFFFF70]  }
0xff: {  	v30 =	vld [tilespmem:s21+$0xF180]  }
0x100: {  	v31 =	vld [tilespmem:s21+$0x11180]  }
0x101: {  	v32 =	vld [tilespmem:s21+$0xF190]  }
0x102: {  	v33 =	vld [tilespmem:s21+$0x11190]  }
0x103: {  	v34 =	vld [tilespmem:s21+$0xF1A0]  }
0x104: {  	v35 =	vld [tilespmem:s21+$0x111A0];
	v11 =	vmin.f32 v30, v3  }
0x105: {  	v36 =	vld [tilespmem:s21+$0xF1B0];
	v3 =	vmax.f32 v31, v3;
	[tilespmem:s21+$0xF180] =	vst v11  }
0x106: {  	v37 =	vld [tilespmem:s21+$0x111B0];
	[tilespmem:s21+$0x11180] =	vst v3;
	v3 =	vmin.f32 v32, v23  }
0x107: {  	v38 =	vld [tilespmem:s21+$0xF1C0];
	[tilespmem:s21+$0xF190] =	vst v3;
	v3 =	vmax.f32 v33, v23  }
0x108: {  	v39 =	vld [tilespmem:s21+$0x111C0];
	[tilespmem:s21+$0x11190] =	vst v3;
	v3 =	vmin.f32 v34, v24  }
0x109: {  	v40 =	vld [tilespmem:s21+$0xF1D0];
	[tilespmem:s21+$0xF1A0] =	vst v3;
	v3 =	vmax.f32 v35, v24  }
0x10a: {  	v41 =	vld [tilespmem:s21+$0x111D0];
	[tilespmem:s21+$0x111A0] =	vst v3;
	v3 =	vmin.f32 v36, v25  }
0x10b: {  	v42 =	vld [tilespmem:s21+$0xF1E0];
	[tilespmem:s21+$0xF1B0] =	vst v3;
	v3 =	vmax.f32 v37, v25  }
0x10c: {  	v43 =	vld [tilespmem:s21+$0x111E0];
	[tilespmem:s21+$0x111B0] =	vst v3;
	v3 =	vmin.f32 v38, v26  }
0x10d: {  	(v2sf) =	vpush v2, $0x7;
	v44 =	vld [tilespmem:s21+$0xF1F0];
	[tilespmem:s21+$0xF1C0] =	vst v3;
	v3 =	vmax.f32 v39, v26  }
0x10e: {  	v45 =	vld [tilespmem:s21+$0x111F0];
	[tilespmem:s21+$0x111C0] =	vst v3;
	v3 =	vmin.f32 v40, v27  }
0x10f: {  	[tilespmem:s21+$0xF1D0] =	vst v3;
	v3 =	vmax.f32 v41, v27  }
0x110: {  	[tilespmem:s21+$0x111D0] =	vst v3;
	v3 =	vmin.f32 v42, v28  }
0x111: {  	[tilespmem:s21+$0xF1E0] =	vst v3;
	v3 =	vmax.f32 v43, v28  }
0x112: {  	[tilespmem:s21+$0x111E0] =	vst v3;
	v3 =	vmin.f32 v44, v29  }
0x113: {  	[tilespmem:s21+$0xF1F0] =	vst v3;
	v3 =	vmax.f32 v45, v29  }
0x114: {  	[tilespmem:s21+$0x111F0] =	vst v3  }
0x115: {  	v3 =	vld [tilespmem:s18+$0xFFFFFF80]  }
0x116: {  	v46 =	vld [tilespmem:s18+$0xFFFFFF90]  }
0x117: {  	v47 =	vld [tilespmem:s18+$0xFFFFFFA0]  }
0x118: {  	v48 =	vld [tilespmem:s18+$0xFFFFFFB0]  }
0x119: {  	v49 =	vld [tilespmem:s18+$0xFFFFFFC0]  }
0x11a: {  	v50 =	vld [tilespmem:s18+$0xFFFFFFD0]  }
0x11b: {  	v51 =	vld [tilespmem:s18+$0xFFFFFFE0]  }
0x11c: {  	s22 =	spop (v2sf);
	v52 =	vld [tilespmem:s18+$0xFFFFFFF0]  }
0x11d: {  	v53 =	vld [tilespmem:s22+$0xF180]  }
0x11e: {  	v54 =	vld [tilespmem:s22+$0x11180]  }
0x11f: {  	v55 =	vld [tilespmem:s22+$0xF190]  }
0x120: {  	v56 =	vld [tilespmem:s22+$0x11190]  }
0x121: {  	v57 =	vld [tilespmem:s22+$0xF1A0]  }
0x122: {  	v58 =	vld [tilespmem:s22+$0x111A0];
	v11 =	vmin.f32 v53, v3  }
0x123: {  	v59 =	vld [tilespmem:s22+$0xF1B0];
	v3 =	vmax.f32 v54, v3;
	[tilespmem:s22+$0xF180] =	vst v11  }
0x124: {  	v60 =	vld [tilespmem:s22+$0x111B0];
	[tilespmem:s22+$0x11180] =	vst v3;
	v3 =	vmin.f32 v55, v46  }
0x125: {  	v61 =	vld [tilespmem:s22+$0xF1C0];
	[tilespmem:s22+$0xF190] =	vst v3;
	v3 =	vmax.f32 v56, v46  }
0x126: {  	v62 =	vld [tilespmem:s22+$0x111C0];
	[tilespmem:s22+$0x11190] =	vst v3;
	v3 =	vmin.f32 v57, v47  }
0x127: {  	v63 =	vld [tilespmem:s22+$0xF1D0];
	[tilespmem:s22+$0xF1A0] =	vst v3;
	v3 =	vmax.f32 v58, v47  }
0x128: {  	v18 =	vld [tilespmem:s22+$0x111D0];
	[tilespmem:s22+$0x111A0] =	vst v3;
	v3 =	vmin.f32 v59, v48  }
0x129: {  	v19 =	vld [tilespmem:s22+$0xF1E0];
	[tilespmem:s22+$0xF1B0] =	vst v3;
	v3 =	vmax.f32 v60, v48  }
0x12a: {  	v20 =	vld [tilespmem:s22+$0x111E0];
	[tilespmem:s22+$0x111B0] =	vst v3;
	v3 =	vmin.f32 v61, v49  }
0x12b: {  	(v2sf) =	vpush v2, $0x8;
	v21 =	vld [tilespmem:s22+$0xF1F0];
	[tilespmem:s22+$0xF1C0] =	vst v3;
	v3 =	vmax.f32 v62, v49  }
0x12c: {  	v22 =	vld [tilespmem:s22+$0x111F0];
	[tilespmem:s22+$0x111C0] =	vst v3;
	v3 =	vmin.f32 v63, v50  }
0x12d: {  	[tilespmem:s22+$0xF1D0] =	vst v3;
	v3 =	vmax.f32 v18, v50  }
0x12e: {  	[tilespmem:s22+$0x111D0] =	vst v3;
	v3 =	vmin.f32 v19, v51  }
0x12f: {  	[tilespmem:s22+$0xF1E0] =	vst v3;
	v3 =	vmax.f32 v20, v51  }
0x130: {  	[tilespmem:s22+$0x111E0] =	vst v3;
	v3 =	vmin.f32 v21, v52  }
0x131: {  	[tilespmem:s22+$0xF1F0] =	vst v3;
	v3 =	vmax.f32 v22, v52  }
0x132: {  	[tilespmem:s22+$0x111F0] =	vst v3  }
0x133: {  	v3 =	vld [tilespmem:s18+$0x0]  }
0x134: {  	v23 =	vld [tilespmem:s18+$0x10]  }
0x135: {  	v24 =	vld [tilespmem:s18+$0x20]  }
0x136: {  	v25 =	vld [tilespmem:s18+$0x30]  }
0x137: {  	v26 =	vld [tilespmem:s18+$0x40]  }
0x138: {  	v27 =	vld [tilespmem:s18+$0x50]  }
0x139: {  	v28 =	vld [tilespmem:s18+$0x60]  }
0x13a: {  	s23 =	spop (v2sf);
	v29 =	vld [tilespmem:s18+$0x70]  }
0x13b: {  	v30 =	vld [tilespmem:s23+$0xF180]  }
0x13c: {  	v31 =	vld [tilespmem:s23+$0x11180]  }
0x13d: {  	v32 =	vld [tilespmem:s23+$0xF190]  }
0x13e: {  	v33 =	vld [tilespmem:s23+$0x11190]  }
0x13f: {  	v34 =	vld [tilespmem:s23+$0xF1A0]  }
0x140: {  	v35 =	vld [tilespmem:s23+$0x111A0];
	v11 =	vmin.f32 v30, v3  }
0x141: {  	v36 =	vld [tilespmem:s23+$0xF1B0];
	v3 =	vmax.f32 v31, v3;
	[tilespmem:s23+$0xF180] =	vst v11  }
0x142: {  	v37 =	vld [tilespmem:s23+$0x111B0];
	[tilespmem:s23+$0x11180] =	vst v3;
	v3 =	vmin.f32 v32, v23  }
0x143: {  	v38 =	vld [tilespmem:s23+$0xF1C0];
	[tilespmem:s23+$0xF190] =	vst v3;
	v3 =	vmax.f32 v33, v23  }
0x144: {  	v39 =	vld [tilespmem:s23+$0x111C0];
	[tilespmem:s23+$0x11190] =	vst v3;
	v3 =	vmin.f32 v34, v24  }
0x145: {  	v40 =	vld [tilespmem:s23+$0xF1D0];
	[tilespmem:s23+$0xF1A0] =	vst v3;
	v3 =	vmax.f32 v35, v24  }
0x146: {  	v41 =	vld [tilespmem:s23+$0x111D0];
	[tilespmem:s23+$0x111A0] =	vst v3;
	v3 =	vmin.f32 v36, v25  }
0x147: {  	v42 =	vld [tilespmem:s23+$0xF1E0];
	[tilespmem:s23+$0xF1B0] =	vst v3;
	v3 =	vmax.f32 v37, v25  }
0x148: {  	v43 =	vld [tilespmem:s23+$0x111E0];
	[tilespmem:s23+$0x111B0] =	vst v3;
	v3 =	vmin.f32 v38, v26  }
0x149: {  	(v2sf) =	vpush v2, $0x9;
	v44 =	vld [tilespmem:s23+$0xF1F0];
	[tilespmem:s23+$0xF1C0] =	vst v3;
	v3 =	vmax.f32 v39, v26  }
0x14a: {  	v45 =	vld [tilespmem:s23+$0x111F0];
	[tilespmem:s23+$0x111C0] =	vst v3;
	v3 =	vmin.f32 v40, v27  }
0x14b: {  	[tilespmem:s23+$0xF1D0] =	vst v3;
	v3 =	vmax.f32 v41, v27  }
0x14c: {  	[tilespmem:s23+$0x111D0] =	vst v3;
	v3 =	vmin.f32 v42, v28  }
0x14d: {  	[tilespmem:s23+$0xF1E0] =	vst v3;
	v3 =	vmax.f32 v43, v28  }
0x14e: {  	[tilespmem:s23+$0x111E0] =	vst v3;
	v3 =	vmin.f32 v44, v29  }
0x14f: {  	[tilespmem:s23+$0xF1F0] =	vst v3;
	v3 =	vmax.f32 v45, v29  }
0x150: {  	[tilespmem:s23+$0x111F0] =	vst v3  }
0x151: {  	v3 =	vld [tilespmem:s18+$0x80]  }
0x152: {  	v46 =	vld [tilespmem:s18+$0x90]  }
0x153: {  	v47 =	vld [tilespmem:s18+$0xA0]  }
0x154: {  	v48 =	vld [tilespmem:s18+$0xB0]  }
0x155: {  	v49 =	vld [tilespmem:s18+$0xC0]  }
0x156: {  	v50 =	vld [tilespmem:s18+$0xD0]  }
0x157: {  	v51 =	vld [tilespmem:s18+$0xE0]  }
0x158: {  	s24 =	spop (v2sf);
	v52 =	vld [tilespmem:s18+$0xF0]  }
0x159: {  	v53 =	vld [tilespmem:s24+$0xF180]  }
0x15a: {  	v54 =	vld [tilespmem:s24+$0x11180]  }
0x15b: {  	v55 =	vld [tilespmem:s24+$0xF190]  }
0x15c: {  	v56 =	vld [tilespmem:s24+$0x11190]  }
0x15d: {  	v57 =	vld [tilespmem:s24+$0xF1A0]  }
0x15e: {  	v58 =	vld [tilespmem:s24+$0x111A0];
	v11 =	vmin.f32 v53, v3  }
0x15f: {  	v59 =	vld [tilespmem:s24+$0xF1B0];
	v3 =	vmax.f32 v54, v3;
	[tilespmem:s24+$0xF180] =	vst v11  }
0x160: {  	v60 =	vld [tilespmem:s24+$0x111B0];
	[tilespmem:s24+$0x11180] =	vst v3;
	v3 =	vmin.f32 v55, v46  }
0x161: {  	v61 =	vld [tilespmem:s24+$0xF1C0];
	[tilespmem:s24+$0xF190] =	vst v3;
	v3 =	vmax.f32 v56, v46  }
0x162: {  	v62 =	vld [tilespmem:s24+$0x111C0];
	[tilespmem:s24+$0x11190] =	vst v3;
	v3 =	vmin.f32 v57, v47  }
0x163: {  	v63 =	vld [tilespmem:s24+$0xF1D0];
	[tilespmem:s24+$0xF1A0] =	vst v3;
	v3 =	vmax.f32 v58, v47  }
0x164: {  	v18 =	vld [tilespmem:s24+$0x111D0];
	[tilespmem:s24+$0x111A0] =	vst v3;
	v3 =	vmin.f32 v59, v48  }
0x165: {  	v19 =	vld [tilespmem:s24+$0xF1E0];
	[tilespmem:s24+$0xF1B0] =	vst v3;
	v3 =	vmax.f32 v60, v48  }
0x166: {  	v20 =	vld [tilespmem:s24+$0x111E0];
	[tilespmem:s24+$0x111B0] =	vst v3;
	v3 =	vmin.f32 v61, v49  }
0x167: {  	(v2sf) =	vpush v2, $0xA;
	v21 =	vld [tilespmem:s24+$0xF1F0];
	[tilespmem:s24+$0xF1C0] =	vst v3;
	v3 =	vmax.f32 v62, v49  }
0x168: {  	v22 =	vld [tilespmem:s24+$0x111F0];
	[tilespmem:s24+$0x111C0] =	vst v3;
	v3 =	vmin.f32 v63, v50  }
0x169: {  	[tilespmem:s24+$0xF1D0] =	vst v3;
	v3 =	vmax.f32 v18, v50  }
0x16a: {  	[tilespmem:s24+$0x111D0] =	vst v3;
	v3 =	vmin.f32 v19, v51  }
0x16b: {  	[tilespmem:s24+$0xF1E0] =	vst v3;
	v3 =	vmax.f32 v20, v51  }
0x16c: {  	[tilespmem:s24+$0x111E0] =	vst v3;
	v3 =	vmin.f32 v21, v52  }
0x16d: {  	[tilespmem:s24+$0xF1F0] =	vst v3;
	v3 =	vmax.f32 v22, v52  }
0x16e: {  	[tilespmem:s24+$0x111F0] =	vst v3  }
0x16f: {  	v3 =	vld [tilespmem:s18+$0x100]  }
0x170: {  	v23 =	vld [tilespmem:s18+$0x110]  }
0x171: {  	v24 =	vld [tilespmem:s18+$0x120]  }
0x172: {  	v25 =	vld [tilespmem:s18+$0x130]  }
0x173: {  	v26 =	vld [tilespmem:s18+$0x140]  }
0x174: {  	v27 =	vld [tilespmem:s18+$0x150]  }
0x175: {  	v28 =	vld [tilespmem:s18+$0x160]  }
0x176: {  	s25 =	spop (v2sf);
	v29 =	vld [tilespmem:s18+$0x170]  }
0x177: {  	v30 =	vld [tilespmem:s25+$0xF180]  }
0x178: {  	v31 =	vld [tilespmem:s25+$0x11180]  }
0x179: {  	v32 =	vld [tilespmem:s25+$0xF190]  }
0x17a: {  	v33 =	vld [tilespmem:s25+$0x11190]  }
0x17b: {  	v34 =	vld [tilespmem:s25+$0xF1A0]  }
0x17c: {  	v35 =	vld [tilespmem:s25+$0x111A0];
	v11 =	vmin.f32 v30, v3  }
0x17d: {  	v36 =	vld [tilespmem:s25+$0xF1B0];
	v3 =	vmax.f32 v31, v3;
	[tilespmem:s25+$0xF180] =	vst v11  }
0x17e: {  	v37 =	vld [tilespmem:s25+$0x111B0];
	[tilespmem:s25+$0x11180] =	vst v3;
	v3 =	vmin.f32 v32, v23  }
0x17f: {  	v38 =	vld [tilespmem:s25+$0xF1C0];
	[tilespmem:s25+$0xF190] =	vst v3;
	v3 =	vmax.f32 v33, v23  }
0x180: {  	v39 =	vld [tilespmem:s25+$0x111C0];
	[tilespmem:s25+$0x11190] =	vst v3;
	v3 =	vmin.f32 v34, v24  }
0x181: {  	v40 =	vld [tilespmem:s25+$0xF1D0];
	[tilespmem:s25+$0xF1A0] =	vst v3;
	v3 =	vmax.f32 v35, v24  }
0x182: {  	v41 =	vld [tilespmem:s25+$0x111D0];
	[tilespmem:s25+$0x111A0] =	vst v3;
	v3 =	vmin.f32 v36, v25  }
0x183: {  	v42 =	vld [tilespmem:s25+$0xF1E0];
	[tilespmem:s25+$0xF1B0] =	vst v3;
	v3 =	vmax.f32 v37, v25  }
0x184: {  	v43 =	vld [tilespmem:s25+$0x111E0];
	[tilespmem:s25+$0x111B0] =	vst v3;
	v3 =	vmin.f32 v38, v26  }
0x185: {  	(v2sf) =	vpush v2, $0xB;
	v44 =	vld [tilespmem:s25+$0xF1F0];
	[tilespmem:s25+$0xF1C0] =	vst v3;
	v3 =	vmax.f32 v39, v26  }
0x186: {  	v45 =	vld [tilespmem:s25+$0x111F0];
	[tilespmem:s25+$0x111C0] =	vst v3;
	v3 =	vmin.f32 v40, v27  }
0x187: {  	[tilespmem:s25+$0xF1D0] =	vst v3;
	v3 =	vmax.f32 v41, v27  }
0x188: {  	[tilespmem:s25+$0x111D0] =	vst v3;
	v3 =	vmin.f32 v42, v28  }
0x189: {  	[tilespmem:s25+$0xF1E0] =	vst v3;
	v3 =	vmax.f32 v43, v28  }
0x18a: {  	[tilespmem:s25+$0x111E0] =	vst v3;
	v3 =	vmin.f32 v44, v29  }
0x18b: {  	[tilespmem:s25+$0xF1F0] =	vst v3;
	v3 =	vmax.f32 v45, v29  }
0x18c: {  	[tilespmem:s25+$0x111F0] =	vst v3  }
0x18d: {  	v3 =	vld [tilespmem:s18+$0x180]  }
0x18e: {  	v46 =	vld [tilespmem:s18+$0x190]  }
0x18f: {  	v47 =	vld [tilespmem:s18+$0x1A0]  }
0x190: {  	v48 =	vld [tilespmem:s18+$0x1B0]  }
0x191: {  	v49 =	vld [tilespmem:s18+$0x1C0]  }
0x192: {  	v50 =	vld [tilespmem:s18+$0x1D0]  }
0x193: {  	v51 =	vld [tilespmem:s18+$0x1E0]  }
0x194: {  	s26 =	spop (v2sf);
	v52 =	vld [tilespmem:s18+$0x1F0]  }
0x195: {  	v53 =	vld [tilespmem:s26+$0xF180]  }
0x196: {  	v54 =	vld [tilespmem:s26+$0x11180]  }
0x197: {  	v55 =	vld [tilespmem:s26+$0xF190]  }
0x198: {  	v56 =	vld [tilespmem:s26+$0x11190]  }
0x199: {  	v57 =	vld [tilespmem:s26+$0xF1A0]  }
0x19a: {  	v58 =	vld [tilespmem:s26+$0x111A0];
	v11 =	vmin.f32 v53, v3  }
0x19b: {  	v59 =	vld [tilespmem:s26+$0xF1B0];
	v3 =	vmax.f32 v54, v3;
	[tilespmem:s26+$0xF180] =	vst v11  }
0x19c: {  	v60 =	vld [tilespmem:s26+$0x111B0];
	[tilespmem:s26+$0x11180] =	vst v3;
	v3 =	vmin.f32 v55, v46  }
0x19d: {  	v61 =	vld [tilespmem:s26+$0xF1C0];
	[tilespmem:s26+$0xF190] =	vst v3;
	v3 =	vmax.f32 v56, v46  }
0x19e: {  	v62 =	vld [tilespmem:s26+$0x111C0];
	[tilespmem:s26+$0x11190] =	vst v3;
	v3 =	vmin.f32 v57, v47  }
0x19f: {  	v63 =	vld [tilespmem:s26+$0xF1D0];
	[tilespmem:s26+$0xF1A0] =	vst v3;
	v3 =	vmax.f32 v58, v47  }
0x1a0: {  	v18 =	vld [tilespmem:s26+$0x111D0];
	[tilespmem:s26+$0x111A0] =	vst v3;
	v3 =	vmin.f32 v59, v48  }
0x1a1: {  	v19 =	vld [tilespmem:s26+$0xF1E0];
	[tilespmem:s26+$0xF1B0] =	vst v3;
	v3 =	vmax.f32 v60, v48  }
0x1a2: {  	v20 =	vld [tilespmem:s26+$0x111E0];
	[tilespmem:s26+$0x111B0] =	vst v3;
	v3 =	vmin.f32 v61, v49  }
0x1a3: {  	(v2sf) =	vpush v2, $0xC;
	v21 =	vld [tilespmem:s26+$0xF1F0];
	[tilespmem:s26+$0xF1C0] =	vst v3;
	v3 =	vmax.f32 v62, v49  }
0x1a4: {  	v22 =	vld [tilespmem:s26+$0x111F0];
	[tilespmem:s26+$0x111C0] =	vst v3;
	v3 =	vmin.f32 v63, v50  }
0x1a5: {  	[tilespmem:s26+$0xF1D0] =	vst v3;
	v3 =	vmax.f32 v18, v50  }
0x1a6: {  	[tilespmem:s26+$0x111D0] =	vst v3;
	v3 =	vmin.f32 v19, v51  }
0x1a7: {  	[tilespmem:s26+$0xF1E0] =	vst v3;
	v3 =	vmax.f32 v20, v51  }
0x1a8: {  	[tilespmem:s26+$0x111E0] =	vst v3;
	v3 =	vmin.f32 v21, v52  }
0x1a9: {  	[tilespmem:s26+$0xF1F0] =	vst v3;
	v3 =	vmax.f32 v22, v52  }
0x1aa: {  	[tilespmem:s26+$0x111F0] =	vst v3  }
0x1ab: {  	v3 =	vld [tilespmem:s18+$0x200]  }
0x1ac: {  	v23 =	vld [tilespmem:s18+$0x210]  }
0x1ad: {  	v24 =	vld [tilespmem:s18+$0x220]  }
0x1ae: {  	v25 =	vld [tilespmem:s18+$0x230]  }
0x1af: {  	v26 =	vld [tilespmem:s18+$0x240]  }
0x1b0: {  	v27 =	vld [tilespmem:s18+$0x250]  }
0x1b1: {  	v28 =	vld [tilespmem:s18+$0x260]  }
0x1b2: {  	s28 =	spop (v2sf);
	v29 =	vld [tilespmem:s18+$0x270]  }
0x1b3: {  	v30 =	vld [tilespmem:s28+$0xF180]  }
0x1b4: {  	v31 =	vld [tilespmem:s28+$0x11180]  }
0x1b5: {  	v32 =	vld [tilespmem:s28+$0xF190]  }
0x1b6: {  	v33 =	vld [tilespmem:s28+$0x11190]  }
0x1b7: {  	v34 =	vld [tilespmem:s28+$0xF1A0]  }
0x1b8: {  	v35 =	vld [tilespmem:s28+$0x111A0];
	v11 =	vmin.f32 v30, v3  }
0x1b9: {  	v36 =	vld [tilespmem:s28+$0xF1B0];
	v3 =	vmax.f32 v31, v3;
	[tilespmem:s28+$0xF180] =	vst v11  }
0x1ba: {  	v37 =	vld [tilespmem:s28+$0x111B0];
	[tilespmem:s28+$0x11180] =	vst v3;
	v3 =	vmin.f32 v32, v23  }
0x1bb: {  	v38 =	vld [tilespmem:s28+$0xF1C0];
	[tilespmem:s28+$0xF190] =	vst v3;
	v3 =	vmax.f32 v33, v23  }
0x1bc: {  	v39 =	vld [tilespmem:s28+$0x111C0];
	[tilespmem:s28+$0x11190] =	vst v3;
	v3 =	vmin.f32 v34, v24  }
0x1bd: {  	v40 =	vld [tilespmem:s28+$0xF1D0];
	[tilespmem:s28+$0xF1A0] =	vst v3;
	v3 =	vmax.f32 v35, v24  }
0x1be: {  	v41 =	vld [tilespmem:s28+$0x111D0];
	[tilespmem:s28+$0x111A0] =	vst v3;
	v3 =	vmin.f32 v36, v25  }
0x1bf: {  	v42 =	vld [tilespmem:s28+$0xF1E0];
	[tilespmem:s28+$0xF1B0] =	vst v3;
	v3 =	vmax.f32 v37, v25  }
0x1c0: {  	v43 =	vld [tilespmem:s28+$0x111E0];
	[tilespmem:s28+$0x111B0] =	vst v3;
	v3 =	vmin.f32 v38, v26  }
0x1c1: {  	(v2sf) =	vpush v2, $0xD;
	v44 =	vld [tilespmem:s28+$0xF1F0];
	[tilespmem:s28+$0xF1C0] =	vst v3;
	v3 =	vmax.f32 v39, v26  }
0x1c2: {  	v45 =	vld [tilespmem:s28+$0x111F0];
	[tilespmem:s28+$0x111C0] =	vst v3;
	v3 =	vmin.f32 v40, v27  }
0x1c3: {  	[tilespmem:s28+$0xF1D0] =	vst v3;
	v3 =	vmax.f32 v41, v27  }
0x1c4: {  	[tilespmem:s28+$0x111D0] =	vst v3;
	v3 =	vmin.f32 v42, v28  }
0x1c5: {  	[tilespmem:s28+$0xF1E0] =	vst v3;
	v3 =	vmax.f32 v43, v28  }
0x1c6: {  	[tilespmem:s28+$0x111E0] =	vst v3;
	v3 =	vmin.f32 v44, v29  }
0x1c7: {  	[tilespmem:s28+$0xF1F0] =	vst v3;
	v3 =	vmax.f32 v45, v29  }
0x1c8: {  	[tilespmem:s28+$0x111F0] =	vst v3  }
0x1c9: {  	v3 =	vld [tilespmem:s18+$0x280]  }
0x1ca: {  	v46 =	vld [tilespmem:s18+$0x290]  }
0x1cb: {  	v47 =	vld [tilespmem:s18+$0x2A0]  }
0x1cc: {  	v48 =	vld [tilespmem:s18+$0x2B0]  }
0x1cd: {  	v49 =	vld [tilespmem:s18+$0x2C0]  }
0x1ce: {  	v50 =	vld [tilespmem:s18+$0x2D0]  }
0x1cf: {  	v51 =	vld [tilespmem:s18+$0x2E0]  }
0x1d0: {  	s29 =	spop (v2sf);
	v52 =	vld [tilespmem:s18+$0x2F0]  }
0x1d1: {  	v53 =	vld [tilespmem:s29+$0xF180]  }
0x1d2: {  	v54 =	vld [tilespmem:s29+$0x11180]  }
0x1d3: {  	v55 =	vld [tilespmem:s29+$0xF190]  }
0x1d4: {  	v56 =	vld [tilespmem:s29+$0x11190]  }
0x1d5: {  	v57 =	vld [tilespmem:s29+$0xF1A0]  }
0x1d6: {  	v58 =	vld [tilespmem:s29+$0x111A0];
	v11 =	vmin.f32 v53, v3  }
0x1d7: {  	v59 =	vld [tilespmem:s29+$0xF1B0];
	v3 =	vmax.f32 v54, v3;
	[tilespmem:s29+$0xF180] =	vst v11  }
0x1d8: {  	v60 =	vld [tilespmem:s29+$0x111B0];
	[tilespmem:s29+$0x11180] =	vst v3;
	v3 =	vmin.f32 v55, v46  }
0x1d9: {  	v61 =	vld [tilespmem:s29+$0xF1C0];
	[tilespmem:s29+$0xF190] =	vst v3;
	v3 =	vmax.f32 v56, v46  }
0x1da: {  	v62 =	vld [tilespmem:s29+$0x111C0];
	[tilespmem:s29+$0x11190] =	vst v3;
	v3 =	vmin.f32 v57, v47  }
0x1db: {  	v63 =	vld [tilespmem:s29+$0xF1D0];
	[tilespmem:s29+$0xF1A0] =	vst v3;
	v3 =	vmax.f32 v58, v47  }
0x1dc: {  	v16 =	vld [tilespmem:s29+$0x111D0];
	[tilespmem:s29+$0x111A0] =	vst v3;
	v3 =	vmin.f32 v59, v48  }
0x1dd: {  	v18 =	vld [tilespmem:s29+$0xF1E0];
	[tilespmem:s29+$0xF1B0] =	vst v3;
	v3 =	vmax.f32 v60, v48  }
0x1de: {  	v19 =	vld [tilespmem:s29+$0x111E0];
	[tilespmem:s29+$0x111B0] =	vst v3;
	v3 =	vmin.f32 v61, v49  }
0x1df: {  	(v2sf) =	vpush v2, $0xE;
	v20 =	vld [tilespmem:s29+$0xF1F0];
	[tilespmem:s29+$0xF1C0] =	vst v3;
	v3 =	vmax.f32 v62, v49  }
0x1e0: {  	v21 =	vld [tilespmem:s29+$0x111F0];
	[tilespmem:s29+$0x111C0] =	vst v3;
	v3 =	vmin.f32 v63, v50  }
0x1e1: {  	[tilespmem:s29+$0xF1D0] =	vst v3;
	v3 =	vmax.f32 v16, v50  }
0x1e2: {  	[tilespmem:s29+$0x111D0] =	vst v3;
	v3 =	vmin.f32 v18, v51  }
0x1e3: {  	[tilespmem:s29+$0xF1E0] =	vst v3;
	v3 =	vmax.f32 v19, v51  }
0x1e4: {  	[tilespmem:s29+$0x111E0] =	vst v3;
	v3 =	vmin.f32 v20, v52  }
0x1e5: {  	[tilespmem:s29+$0xF1F0] =	vst v3;
	v3 =	vmax.f32 v21, v52  }
0x1e6: {  	[tilespmem:s29+$0x111F0] =	vst v3  }
0x1e7: {  	v3 =	vld [tilespmem:s18+$0x300]  }
0x1e8: {  	v22 =	vld [tilespmem:s18+$0x310]  }
0x1e9: {  	v23 =	vld [tilespmem:s18+$0x320]  }
0x1ea: {  	v24 =	vld [tilespmem:s18+$0x330]  }
0x1eb: {  	v25 =	vld [tilespmem:s18+$0x340]  }
0x1ec: {  	v26 =	vld [tilespmem:s18+$0x350]  }
0x1ed: {  	v27 =	vld [tilespmem:s18+$0x360]  }
0x1ee: {  	s30 =	spop (v2sf);
	v28 =	vld [tilespmem:s18+$0x370]  }
0x1ef: {  	v29 =	vld [tilespmem:s30+$0xF180]  }
0x1f0: {  	v30 =	vld [tilespmem:s30+$0x11180]  }
0x1f1: {  	(v2sf) =	vpush v2, $0xF;
	v2 =	vld [tilespmem:s30+$0x111F0]  }
0x1f2: {  	v31 =	vld [tilespmem:s30+$0xF190]  }
0x1f3: {  	v32 =	vld [tilespmem:s30+$0x11190]  }
0x1f4: {  	v33 =	vld [tilespmem:s30+$0xF1A0];
	v11 =	vmin.f32 v29, v3  }
0x1f5: {  	v34 =	vld [tilespmem:s30+$0x111A0];
	v3 =	vmax.f32 v30, v3;
	[tilespmem:s30+$0xF180] =	vst v11  }
0x1f6: {  	v35 =	vld [tilespmem:s30+$0xF1B0];
	v2 =	vmax.f32 v2, v28;
	[tilespmem:s30+$0x11180] =	vst v3  }
0x1f7: {  	v36 =	vld [tilespmem:s30+$0x111B0];
	v3 =	vmin.f32 v31, v22;
	[tilespmem:s30+$0x111F0] =	vst v2  }
0x1f8: {  	v37 =	vld [tilespmem:s30+$0xF1C0];
	[tilespmem:s30+$0xF190] =	vst v3;
	v3 =	vmax.f32 v32, v22  }
0x1f9: {  	v38 =	vld [tilespmem:s30+$0x111C0];
	[tilespmem:s30+$0x11190] =	vst v3;
	v3 =	vmin.f32 v33, v23  }
0x1fa: {  	v39 =	vld [tilespmem:s30+$0xF1D0];
	[tilespmem:s30+$0xF1A0] =	vst v3;
	v3 =	vmax.f32 v34, v23  }
0x1fb: {  	v40 =	vld [tilespmem:s30+$0x111D0];
	[tilespmem:s30+$0x111A0] =	vst v3;
	v3 =	vmin.f32 v35, v24  }
0x1fc: {  	v41 =	vld [tilespmem:s30+$0xF1E0];
	[tilespmem:s30+$0xF1B0] =	vst v3;
	v3 =	vmax.f32 v36, v24  }
0x1fd: {  	v42 =	vld [tilespmem:s30+$0x111E0];
	[tilespmem:s30+$0x111B0] =	vst v3;
	v3 =	vmin.f32 v37, v25  }
0x1fe: {  	v43 =	vld [tilespmem:s30+$0xF1F0];
	[tilespmem:s30+$0xF1C0] =	vst v3;
	v3 =	vmax.f32 v38, v25  }
0x1ff: {  	[tilespmem:s30+$0x111C0] =	vst v3;
	v3 =	vmin.f32 v39, v26  }
0x200: {  	[tilespmem:s30+$0xF1D0] =	vst v3;
	v3 =	vmax.f32 v40, v26  }
0x201: {  	[tilespmem:s30+$0x111D0] =	vst v3;
	v3 =	vmin.f32 v41, v27  }
0x202: {  	[tilespmem:s30+$0xF1E0] =	vst v3;
	v3 =	vmax.f32 v42, v27  }
0x203: {  	s31 =	spop (v2sf);
	[tilespmem:s30+$0x111E0] =	vst v3;
	v3 =	vmin.f32 v43, v28  }
0x204: {  	[tilespmem:s30+$0xF1F0] =	vst v3;
	v56 =	vld [tilespmem:s31+$0xF1B0]  }
0x205: {  	v2 =	vld [tilespmem:s18+$0x380]  }
0x206: {  	v3 =	vld [tilespmem:s18+$0x390]  }
0x207: {  	v44 =	vld [tilespmem:s18+$0x3A0]  }
0x208: {  	v45 =	vld [tilespmem:s18+$0x3B0]  }
0x209: {  	v46 =	vld [tilespmem:s18+$0x3C0]  }
0x20a: {  	v47 =	vld [tilespmem:s18+$0x3D0]  }
0x20b: {  	v48 =	vld [tilespmem:s18+$0x3E0]  }
0x20c: {  	v50 =	vld [tilespmem:s31+$0xF180]  }
0x20d: {  	v51 =	vld [tilespmem:s31+$0x11180]  }
0x20e: {  	v52 =	vld [tilespmem:s31+$0xF190]  }
0x20f: {  	v53 =	vld [tilespmem:s31+$0x11190]  }
0x210: {  	v54 =	vld [tilespmem:s31+$0xF1A0]  }
0x211: {  	v55 =	vld [tilespmem:s31+$0x111A0];
	v10 =	vmin.f32 v50, v2  }
0x212: {  	v49 =	vld [tilespmem:s18+$0x3F0];
	v2 =	vmax.f32 v51, v2;
	[tilespmem:s31+$0xF180] =	vst v10  }
0x213: {  	v57 =	vld [tilespmem:s31+$0x111B0];
	[tilespmem:s31+$0x11180] =	vst v2;
	v2 =	vmin.f32 v52, v3  }
0x214: {  	v58 =	vld [tilespmem:s31+$0xF1C0];
	[tilespmem:s31+$0xF190] =	vst v2;
	v2 =	vmax.f32 v53, v3  }
0x215: {  	v3 =	vld [tilespmem:s31+$0x111C0];
	[tilespmem:s31+$0x11190] =	vst v2;
	v2 =	vmin.f32 v54, v44  }
0x216: {  	v59 =	vld [tilespmem:s31+$0xF1D0];
	[tilespmem:s31+$0xF1A0] =	vst v2;
	v2 =	vmax.f32 v55, v44  }
0x217: {  	v60 =	vld [tilespmem:s31+$0x111D0];
	[tilespmem:s31+$0x111A0] =	vst v2;
	v2 =	vmin.f32 v56, v45  }
0x218: {  	v61 =	vld [tilespmem:s31+$0xF1E0];
	[tilespmem:s31+$0xF1B0] =	vst v2;
	v2 =	vmax.f32 v57, v45  }
0x219: {  	v62 =	vld [tilespmem:s31+$0x111E0];
	[tilespmem:s31+$0x111B0] =	vst v2;
	v2 =	vmin.f32 v58, v46  }
0x21a: {  	v63 =	vld [tilespmem:s31+$0xF1F0];
	[tilespmem:s31+$0xF1C0] =	vst v2;
	v2 =	vmax.f32 v3, v46  }
0x21b: {  	v3 =	vld [tilespmem:s31+$0x111F0];
	[tilespmem:s31+$0x111C0] =	vst v2;
	v2 =	vmin.f32 v59, v47  }
0x21c: {  	p0 =	sne.s32 s19, $0x600;
	[tilespmem:s31+$0xF1D0] =	vst v2;
	v2 =	vmax.f32 v60, v47  }
.Ltmp1:
0x21d: {  	[tilespmem:s31+$0x111D0] =	vst v2;
	v2 =	vmin.f32 v61, v48;
	(pc) =	sbr.rel @p0 .LBB2_5-.Ltmp1, $4  }
0x21e: {  	[tilespmem:s31+$0xF1E0] =	vst v2;
	v2 =	vmax.f32 v62, v48  }
0x21f: {  	[tilespmem:s31+$0x111E0] =	vst v2;
	v2 =	vmin.f32 v63, v49  }
0x220: {  	[tilespmem:s31+$0xF1F0] =	vst v2;
	v2 =	vmax.f32 v3, v49  }
0x221: {  	s19 =	sadd.s32 $0x40, s19;
	s18 =	sadd.s32 $0x800, s18;
	[tilespmem:s31+$0x111F0] =	vst v2  }
0x222: {  	s17 =	sadd.s32 $0x1, s17  }
0x223: {  	p0 =	sne.s32 s17, $0x19  }
.Ltmp2:
0x224: {  	_ = 	snop;
	(pc) =	sbr.rel @p0 .LBB2_4-.Ltmp2, $1  }
0x225: {  	_ =	sdelay $0x3  }
0x226: {  	[hbm4b:s7+s4] =	stream.linear.scatter [tilespmem:s13], [sflag:$0x1], $0x2000, $0x38;
	[tilespmem:$0x13180] =	vst v63  }
0x227: {  	s15 =	sadd.s32 $0x1, s15;
	_ =	swait.ge [sflag:s10], $0x2000  }
0x228: {  	p0 =	sne.s32 s15, s9;
	[sflag:s10] =	ssyncset.done $0x0  }
.Ltmp3:
0x229: {  	[sflag:s10] =	ssyncadd.s32 $0xFFFFE000;
	(pc) =	sbr.rel @p0 .LBB2_1-.Ltmp3, $4  }
0x22a: {  	[hbm4b:s8+s4] =	stream.linear.scatter [tilespmem:s14], [sflag:$0x1], $0x2000, $0x38;
	[tilespmem:$0x13180] =	vst v63  }
0x22b: {  	_ =	swait.ge [sflag:s10], $0x2000  }
0x22c: {  	[sflag:s10] =	ssyncset.done $0x0  }
0x22d: {  	[sflag:s10] =	ssyncadd.s32 $0xFFFFE000  }
0x22e: {  	_ =	sfence.sel $0x180000  }
0x22f: {  	[bflag:$0x0] =	sbarrier.arrive $0xFFFF  }
0x230: {  	p0 =	sne.s32 s2, $0x0;
	_ =	strace $0x9000004A  }
0x231: {  	s0 =	sadd.s32 @!p0 $0x100000, s0;
	[bflag:$0x2] =	sbarrier.arrive $0xFFFF  }
0x232: {  	[sflag:s0] =	ssyncadd.tile.s32 @!p0 $0x1;
	_ =	shalt  }
.Lfunc_end2:
_tile_overlayer_lowered:
.L_overlay_start_2:
0x233: {  	(tag) =	ssettag $0x2  }
0x234: {  	s0 =	rddreg [dreg:$0x0];
	s2 =	stileid.u32  }
0x235: {  	s1 =	rddreg [dreg:$0x1];
	p0 =	sne.s32 s2, $0x0  }
0x236: {  	s3 =	rddreg [dreg:$0x2];
	[bflag:$0x3] =	sbarrier.arrive $0xFFFF;
	s2 =	simm.s32 @!p0 $0x1C01  }
0x237: {  	[timem:s3], [sflag:s2] =	dma.local @!p0 [hbm:s0], s1  }
0x238: {  	s0 =	simm.s32 @!p0 $0x1  }
0x239: {  	_ =	swait.ge @!p0 [sflag:s0], s1  }
0x23a: {  	s1 =	ssub.s32 @!p0 $0x0, s1;
	[sflag:s0] =	ssyncset.done @!p0 $0x0  }
0x23b: {  	[sflag:s0] =	ssyncadd.s32 @!p0 s1  }
0x23c: {  	[bflag:$0x3] =	sbarrier.arrive $0xFFFF  }
0x23d: {  	_ =	shalt  }

// kernel: kernel.9.cloned.1.call-start
scs
__scs_entry_jumppad:
0x0: {  	(pc) =	sbr.rel $0x88, $3  }
0x1: {  	(tag) =	ssettag $0x0;
	lr =	simm.s32 $0x1  }
0x2: {  	[smem:$0x3F9C] =	sst lr;
	_ =	strace $0xD0000000  }
0x3: {  	_ = 	snop  }
0x4: {  	_ = 	snop  }
0x5: {  	_ = 	snop  }
0x6: {  	_ = 	snop  }
0x7: {  	_ = 	snop  }
__scs_overlays_trampoline_lowered:
0x8: {  	[smem:$0x3FAB] =	sst s0  }
0x9: {  	[smem:$0x3FAC] =	sst s1  }
0xa: {  	[smem:$0x3FAD] =	sst s2  }
0xb: {  	[smem:$0x3FAE] =	sst s3  }
0xc: {  	[smem:$0x3FAF] =	sst s4  }
0xd: {  	[smem:$0x3FB0] =	sst s5  }
0xe: {  	[smem:$0x3FB1] =	sst s6  }
0xf: {  	[smem:$0x3FB2] =	sst s7  }
0x10: {  	[smem:$0x3FB3] =	sst s8  }
0x11: {  	[smem:$0x3FB4] =	sst s9;
	s0 =	simm.s32 @!p0 $0x0  }
0x12: {  	s1 =	sld [smem:$0x3F9A];
	s0 =	simm.s32 @p0 $0x1  }
0x13: {  	[smem:$0x3FB5] =	sst s0;
	s0 =	simm.s32 @!p1 $0x0  }
0x14: {  	s2 =	sld [smem:$0x3F99];
	s0 =	simm.s32 @p1 $0x1  }
0x15: {  	[smem:$0x3FB6] =	sst s0;
	s0 =	simm.s32 @!p2 $0x0  }
0x16: {  	s3 =	sld [smem:$0x3FDB];
	s0 =	simm.s32 @p2 $0x1  }
0x17: {  	s4 =	simm.s32 $0x1BF5;
	[smem:$0x3FB8] =	sst s0  }
0x18: {  	s0 =	sld [smem:$0x3F9B];
	_ =	swait.ge [sflag:s4], $0x0  }
0x19: {  	s7 =	sld [smem:$0x3F9C]  }
0x1a: {  	s8 =	sadd.s32 $0xFFFFE003, lr  }
0x1b: {  	s9 =	sadd.s32 $0xFFFFFEF7, lr;
	s5 =	simm.s32 $0xFFFFFFFF;
	p2 =	slt.u32 s8, $0xFFFFF086  }
0x1c: {  	p1 =	slt.u32 s9, $0xF7A;
	s5 =	simm.s32 @!p2 $0x0  }
0x1d: {  	s5 =	simm.s32 @p1 $0x1;
	p0 =	seq.s32 s7, s2  }
0x1e: {  	s7 =	smul.u32 @!p0 $0xF7A, s2;
	p2 =	seq.s32 @!p0 s5, $0x0  }
0x1f: {  	s9 =	smul.u32 $0xF7A, s1;
	s8 =	simm.s32 @!p0 $0x1BF5;
	p2 =	por !p2, p0  }
0x20: {  	[sflag:s8] =	ssyncset.s32 @!p0 $0xFFFFF086;
	s6 =	sadd.s32 @!p0 s3, s7;
	s7 =	simm.s32 @!p0 $0x108  }
0x21: {  	s3 =	sadd.s32 s3, s9;
	s6 =	sadd.s32 @!p0 $0x88, s6;
	s7 =	simm.s32 @p2 $0x1082  }
0x22: {  	[simem:s7], [sflag:s8] =	dma.local @!p0 [hbm:s6], $0xF7A  }
0x23: {  	s9 =	sor.u32 $0xD0000000, s2;
	s6 =	simm.s32 $0x108;
	_ =	swait.ge @!p0 [sflag:s8], $0x0  }
0x24: {  	s3 =	sadd.s32 $0x88, s3;
	s6 =	simm.s32 @!p1 $0x1082;
	[sflag:s4] =	ssyncset.s32 $0xFFFFF086  }
0x25: {  	[simem:s6], [sflag:s4] =	dma.local [hbm:s3], $0xF7A  }
0x26: {  	[smem:$0x3F9C] =	sst s1;
	(tag) =	ssettag s2;
	_ =	strace s9  }
0x27: {  	s1 =	sld [smem:$0x3FAC]  }
0x28: {  	s2 =	sld [smem:$0x3FAD]  }
0x29: {  	s4 =	sld [smem:$0x3FAF]  }
0x2a: {  	p0 =	seq.s32 s5, $0x0;
	s5 =	sld [smem:$0x3FB0]  }
0x2b: {  	s6 =	sld [smem:$0x3FB1]  }
0x2c: {  	s7 =	sld [smem:$0x3FB2]  }
0x2d: {  	s3 =	simm.s32 $0x108;
	s8 =	sld [smem:$0x3FB3]  }
0x2e: {  	s3 =	simm.s32 @!p0 $0x1082;
	s9 =	sld [smem:$0x3FB4]  }
0x2f: {  	lr =	sadd.s32 s0, s3;
	s0 =	sld [smem:$0x3FAB]  }
0x30: {  	s3 =	sld [smem:$0x3FAE]  }
0x31: {  	[smem:$0x3FB7] =	sst s10  }
0x32: {  	s10 =	sld [smem:$0x3FB5];
	_ =	sdelay $0x3  }
0x33: {  	p0 =	seq.s32 s10, $0x1;
	s10 =	sld [smem:$0x3FB7];
	_ =	sdelay $0x3  }
0x34: {  	[smem:$0x3FB7] =	sst s10  }
0x35: {  	s10 =	sld [smem:$0x3FB6];
	_ =	sdelay $0x3  }
0x36: {  	p1 =	seq.s32 s10, $0x1;
	s10 =	sld [smem:$0x3FB7];
	_ =	sdelay $0x3  }
0x37: {  	[smem:$0x3FB7] =	sst s10  }
0x38: {  	s10 =	sld [smem:$0x3FB8]  }
0x39: {  	_ = 	snop;
	(pc) =	sbr.ind lr, $3  }
0x3a: {  	_ = 	snop  }
0x3b: {  	_ = 	snop  }
0x3c: {  	p2 =	seq.s32 s10, $0x1;
	s10 =	sld [smem:$0x3FB7]  }
0x3d: {  	_ =	shalt  }
0x3e: {  	_ =	shalt  }
0x3f: {  	_ =	shalt  }
0x40: {  	_ =	shalt  }
0x41: {  	_ =	shalt  }
0x42: {  	_ =	shalt  }
0x43: {  	_ =	shalt  }
0x44: {  	_ =	shalt  }
0x45: {  	_ =	shalt  }
0x46: {  	_ =	shalt  }
0x47: {  	_ =	shalt  }
0x48: {  	_ =	shalt  }
0x49: {  	_ =	shalt  }
0x4a: {  	_ =	shalt  }
0x4b: {  	_ =	shalt  }
0x4c: {  	_ =	shalt  }
0x4d: {  	_ =	shalt  }
0x4e: {  	_ =	shalt  }
0x4f: {  	_ =	shalt  }
0x50: {  	_ =	shalt  }
0x51: {  	_ =	shalt  }
0x52: {  	_ =	shalt  }
0x53: {  	_ =	shalt  }
0x54: {  	_ =	shalt  }
0x55: {  	_ =	shalt  }
0x56: {  	_ =	shalt  }
0x57: {  	_ =	shalt  }
0x58: {  	_ =	shalt  }
0x59: {  	_ =	shalt  }
0x5a: {  	_ =	shalt  }
0x5b: {  	_ =	shalt  }
0x5c: {  	_ =	shalt  }
0x5d: {  	_ =	shalt  }
0x5e: {  	_ =	shalt  }
0x5f: {  	_ =	shalt  }
0x60: {  	_ =	shalt  }
0x61: {  	_ =	shalt  }
0x62: {  	_ =	shalt  }
0x63: {  	_ =	shalt  }
0x64: {  	_ =	shalt  }
0x65: {  	_ =	shalt  }
0x66: {  	_ =	shalt  }
0x67: {  	_ =	shalt  }
0x68: {  	_ =	shalt  }
0x69: {  	_ =	shalt  }
0x6a: {  	_ =	shalt  }
0x6b: {  	_ =	shalt  }
0x6c: {  	_ =	shalt  }
0x6d: {  	_ =	shalt  }
0x6e: {  	_ =	shalt  }
0x6f: {  	_ =	shalt  }
0x70: {  	_ =	shalt  }
0x71: {  	_ =	shalt  }
0x72: {  	_ =	shalt  }
0x73: {  	_ =	shalt  }
0x74: {  	_ =	shalt  }
0x75: {  	_ =	shalt  }
0x76: {  	_ =	shalt  }
0x77: {  	_ =	shalt  }
0x78: {  	_ =	shalt  }
0x79: {  	_ =	shalt  }
0x7a: {  	_ =	shalt  }
0x7b: {  	_ =	shalt  }
0x7c: {  	_ =	shalt  }
0x7d: {  	_ =	shalt  }
0x7e: {  	_ =	shalt  }
0x7f: {  	_ =	shalt  }
0x80: {  	_ =	shalt  }
0x81: {  	_ =	shalt  }
0x82: {  	_ =	shalt  }
0x83: {  	_ =	shalt  }
0x84: {  	_ =	shalt  }
0x85: {  	_ =	shalt  }
0x86: {  	_ =	shalt  }
0x87: {  	_ =	shalt  }
.Lfunc_end0:
.L_simem_size_0:
called_computation.1_lowered:
.L_overlay_start_0:
0x88: {  	s2 =	sld [smem:$0x3FD9]  }
0x89: {  	s3 =	sld [smem:$0x3FFE];
	_ =	sdelay $0x1  }
0x8a: {  	s1 =	srdreg.scid  }
0x8b: {  	s0 =	sand.u32 $0x1, s1  }
0x8c: {  	s17 =	sshll.u32 s0, $0xA;
	s2 =	sadd.s32 s3, s2  }
0x8d: {  	s2 =	sadd.s32 s2, s17  }
0x8e: {  	[smem:$0x3FC3] =	sst s2  }
0x8f: {  	_ = 	snop  }
0x90: {  	s2 =	sld [smem:$0x3FC7];
	(tm) =	ssettm $0x1  }
0x91: {  	s18 =	sld [smem:$0x3FFB];
	_ =	sdelay $0x3  }
0x92: {  	_ =	strace s18  }
0x93: {  	s3 =	sld [smem:$0x3FFC];
	_ =	sdelay $0x3  }
0x94: {  	_ =	strace s3  }
0x95: {  	s3 =	sld [smem:$0x3FFD];
	_ =	sdelay $0x3  }
0x96: {  	_ =	strace s3  }
0x97: {  	_ =	strace $0x8FFFFFFF  }
0x98: {  	s19 =	sld [smem:$0x3FDB];
	_ =	sdelay $0x1  }
0x99: {  	s4 =	simm.s32 $_scs_section_size  }
0x9a: {  	s5 =	simm.s32 $_size__tile_overlayer_lowered;
	s6 =	simm.s32 $_tile_overlayer_lowered  }
0x9b: {  	s22 =	simm.s32 $0x1BFF;
	s21 =	sshll.u32 s6, $0x1;
	s3 =	sadd.s32 s4, s19  }
0x9c: {  	s7 =	simm.s32 $0x0;
	s20 =	sshll.u32 s5, $0x1;
	s5 =	sadd.s32 s21, s3  }
0x9d: {  	[timem:s7], [sflag:s22] =	dma.local [hbm:s5], s20  }
0x9e: {  	_ =	swait.ge [sflag:s22], s20  }
0x9f: {  	s4 =	ssub.s32 $0x0, s20;
	[sflag:s22] =	ssyncset.done $0x0  }
0xa0: {  	[sflag:s22] =	ssyncadd.s32 s4;
	_ =	sdelay $0x1  }
0xa1: {  	s23 =	simm.s32 $0x1B8B  }
0xa2: {  	_ =	swait.ge [sflag:s23], $0x1  }
0xa3: {  	[sflag:s23] =	ssyncset.done $0x0  }
0xa4: {  	s25 =	simm.s32 $0x1B8E;
	s24 =	sld [smem:$0x3FFE];
	[sflag:s23] =	ssyncadd.s32 $0xFFFFFFFF  }
0xa5: {  	s26 =	simm.s32 $execute0_lowered;
	[smem:$0x3FD2] =	sst s25  }
0xa6: {  	s5 =	sshll.u32 s26, $0x1;
	_ =	strace $0x80000046;
	[dreg:$0x1] =	wrdreg $0xFFFFFFFF  }
0xa7: {  	s28 =	simm.s32 $_size_execute0_lowered;
	s3 =	sadd.s32 s3, s5;
	[dreg:$0x0] =	wrdreg $0x0  }
0xa8: {  	s5 =	sshll.u32 s28, $0x1;
	[dreg:$0x2] =	wrdreg s3  }
0xa9: {  	[dreg:$0x3] =	wrdreg s5  }
0xaa: {  	[dreg:$0x4] =	wrdreg $0xC0  }
0xab: {  	_ =	task [dreg:s7], $0x5FFFF  }
0xac: {  	[dreg:$0x1] =	wrdreg $0xFFFFFFFF  }
0xad: {  	[dreg:$0x0] =	wrdreg $0x60  }
0xae: {  	[dreg:$0x2] =	wrdreg s24  }
0xaf: {  	[dreg:$0x3] =	wrdreg s2  }
0xb0: {  	[dreg:$0x4] =	wrdreg $0xA  }
0xb1: {  	_ =	task.clear_ibuf [dreg:s7], $0x5FFFF;
	_ =	strace $0x90000046  }
0xb2: {  	s29 =	simm.s32 $0xA;
	_ =	strace $0x80000048  }
0xb3: {  	_ =	swait.ge [sflag:s29], $0x1  }
0xb4: {  	[sflag:s29] =	ssyncadd.s32 $0xFFFFFFFF  }
0xb5: {  	_ =	strace $0x90000048  }
0xb6: {  	_ =	sfence  }
0xb7: {  	s30 =	sld [smem:$0x0];
	_ =	sdelay $0x2  }
0xb8: {  	s31 =	sshll.u32 s1, $0xD;
	s1 =	sshrl.u32 s1, $0x2  }
0xb9: {  	s3 =	sand.u32 $0x4000, s31;
	s1 =	sadd.s32 s1, s30  }
0xba: {  	s0 =	sor.u32 s3, s0;
	s1 =	sshll.u32 s1, $0x11  }
0xbb: {  	s0 =	sor.u32 s1, s0  }
0xbc: {  	s0 =	sadd.s32 $0x8F2B, s0  }
0xbd: {  	[sflag:s0] =	ssyncadd.remote.s32 $0x1  }
0xbe: {  	_ =	sfence.sel $0xFFFF  }
0xbf: {  	[dreg:$0x0] =	wrdreg $0xFFFFFFFF;
	(pc) =	sbr.abs _section_cstart, $3  }
0xc0: {  	[dreg:$0x1] =	wrdreg $0xFFFFFFFF  }
0xc1: {  	_ =	task.clear_ibuf [dreg:s7], $0x2FFFF;
	_ =	strace $0x9FFFFFFF  }
0xc2: {  	(tm) =	ssettm $0x7FFFFFFF  }
0xc3: {  	_ =	shalt  }
tec
execute0_lowered:
.L_overlay_start_1:
0x0: {  	(tag) =	ssettag $0x1  }
0x1: {  	s1 =	srdreg.scid;
	s5 =	rddreg [dreg:$0x0]  }
0x2: {  	s0 =	stileid.u32;
	s2 =	rddreg [dreg:$0x1];
	s3 =	simm.s32 $0x0  }
0x3: {  	s7 =	simm.s32 $0x1;
	s4 =	sand.u32 $0x1, s1;
	s30 =	sshll.u32 s0, $0x1  }
0x4: {  	s8 =	simm.s32 $0x2780;
	s9 =	simm.s32 $0x4F00;
	s1 =	sor.u32 s4, s30  }
0x5: {  	[smem:$0x7FF] =	sst s3;
	s4 =	ssub.s32 $0x2, s4;
	s6 =	smul.u32 $0x4E2, s1  }
0x6: {  	s10 =	simm.s32 $0x0;
	s1 =	rddreg [dreg:$0x2];
	s31 =	sshrl.u32 s4, $0x1  }
0x7: {  	_ =	strace $0x80000047;
	s5 =	sadd.s32 s6, s5;
	s6 =	ssub.s32 s4, s31  }
0x8: {  	s4 =	sadd.s32 $0xC00, s5;
	s5 =	sadd.s32 $0xAA00, s5;
	s6 =	smax.u32 s6, $0x1  }
.LBB2_1:
0x9: {  	[tilespmem:s3], [sflag:$0x1] =	stream.linear.gather [hbm4b:s2+s3], $0x2780, $0x38;
	[tilespmem:$0x7680] =	vst v63  }
0xa: {  	_ =	swait.ge [sflag:s7], $0x2780  }
0xb: {  	[sflag:s7] =	ssyncset.done $0x0  }
0xc: {  	[sflag:s7] =	ssyncadd.s32 $0xFFFFD880  }
0xd: {  	[tilespmem:s8], [sflag:$0x1] =	stream.linear.gather [hbm4b:s4+s3], $0x2710, $0x38;
	[tilespmem:$0x7680] =	vst v63  }
0xe: {  	_ =	swait.ge [sflag:s7], $0x2710  }
0xf: {  	[sflag:s7] =	ssyncset.done $0x0  }
0x10: {  	s11 =	simm.s32 $0x0;
	[sflag:s7] =	ssyncadd.s32 $0xFFFFD8F0  }
0x11: {  	v0 =	vld [tilespmem:s11+$0x2780];
	_ =	sdelay $0x7  }
0x12: {  	s12 =	simm.s32 $0x10;
	s13 =	simm.s32 $0x80;
	v0 =	vld.idx.msk [tilespmem:v0+s3+$0x0], $0xffff  }
.LBB2_2:
0x13: {  	p0 =	sne.s32 s13, $0x9C00;
	v1 =	vld [tilespmem:s12+$0x2780];
	_ =	sdelay $0x3  }
.Ltmp0:
0x14: {  	(pc) =	sbr.rel @p0 .LBB2_2-.Ltmp0, $2  }
0x15: {  	[tilespmem:s11+$0x4F00] =	vst v0;
	s11 =	smov.u32 s12;
	_ =	sdelay $0x2  }
0x16: {  	s12 =	sshra.s32 s13, $0x2;
	s13 =	sadd.s32 $0x40, s13;
	v0 =	vld.idx.msk [tilespmem:v1+s3+$0x0], $0xffff  }
0x17: {  	v1 =	vld [tilespmem:s12+$0x2780];
	_ =	sdelay $0x6  }
0x18: {  	[tilespmem:s11+$0x4F00] =	vst v0  }
0x19: {  	v0 =	vld.idx.msk [tilespmem:v1+s3+$0x0], $0xffff;
	_ =	sdelay $0x2  }
0x1a: {  	s10 =	sadd.s32 $0x1, s10  }
0x1b: {  	p0 =	sne.s32 s10, s6  }
.Ltmp1:
0x1c: {  	[tilespmem:s12+$0x4F00] =	vst v0;
	(pc) =	sbr.rel @p0 .LBB2_1-.Ltmp1, $4  }
0x1d: {  	[hbm4b:s5+s3] =	stream.linear.scatter [tilespmem:s9], [sflag:$0x1], $0x2710, $0x38;
	[tilespmem:$0x7680] =	vst v63  }
0x1e: {  	_ =	swait.ge [sflag:s7], $0x2710  }
0x1f: {  	[sflag:s7] =	ssyncset.done $0x0  }
0x20: {  	[sflag:s7] =	ssyncadd.s32 $0xFFFFD8F0  }
0x21: {  	_ =	sfence.sel $0x180000  }
0x22: {  	[bflag:$0x0] =	sbarrier.arrive $0xFFFF  }
0x23: {  	p0 =	sne.s32 s0, $0x0;
	_ =	strace $0x90000047  }
0x24: {  	s0 =	sadd.s32 @!p0 $0x100000, s1;
	[bflag:$0x2] =	sbarrier.arrive $0xFFFF  }
0x25: {  	[sflag:s0] =	ssyncadd.tile.s32 @!p0 $0x1;
	_ =	shalt  }
.Lfunc_end2:
_tile_overlayer_lowered:
.L_overlay_start_2:
0x26: {  	(tag) =	ssettag $0x2  }
0x27: {  	s0 =	rddreg [dreg:$0x0];
	s2 =	stileid.u32  }
0x28: {  	s1 =	rddreg [dreg:$0x1];
	p0 =	sne.s32 s2, $0x0  }
0x29: {  	s3 =	rddreg [dreg:$0x2];
	[bflag:$0x3] =	sbarrier.arrive $0xFFFF;
	s2 =	simm.s32 @!p0 $0x1C01  }
0x2a: {  	[timem:s3], [sflag:s2] =	dma.local @!p0 [hbm:s0], s1  }
0x2b: {  	s0 =	simm.s32 @!p0 $0x1  }
0x2c: {  	_ =	swait.ge @!p0 [sflag:s0], s1  }
0x2d: {  	s1 =	ssub.s32 @!p0 $0x0, s1;
	[sflag:s0] =	ssyncset.done @!p0 $0x0  }
0x2e: {  	[sflag:s0] =	ssyncadd.s32 @!p0 s1  }
0x2f: {  	[bflag:$0x3] =	sbarrier.arrive $0xFFFF  }
0x30: {  	_ =	shalt  }

</sc_bundles>
